<compile_context>
chip_gen: v7x
topology: tpu7x:2x2x1
jax: 0.10.2.dev20260603
libtpu: 0.0.44.dev20260713+nightly
codegen_flags: <defaults>
</compile_context>

<pallas_src>
import functools

import jax
import jax.numpy as jnp
from jax.experimental import pallas as pl
from jax.experimental.pallas import tpu as pltpu
from jax.experimental.pallas import tpu_sc as plsc

ALPHA = 0.1
K = 10
NS = 16
EB = 128
NCH = 160
RSUB = 128
NPAD = 10240
CH = 32

_SC_PARAMS = pltpu.CompilerParams(use_tc_tiling_on_sc=False,
                                  needs_layout_passes=False)
_MESH = dict(core_axis_name="c", subcore_axis_name="s")


def _tc_mlp(x, W1, b1, W2, b2):
    n = x.shape[0]
    c = W2.shape[1]
    blk = 1280
    nb = n // blk

    def body(x_ref, w1_ref, b1_ref, w2_ref, b2_ref, hs_ref, ah_ref):
        j = pl.program_id(0)
        h1 = jnp.maximum(
            jnp.dot(x_ref[...], w1_ref[...], preferred_element_type=jnp.float32)
            + b1_ref[...], 0.0)
        h = jnp.dot(h1, w2_ref[...], preferred_element_type=jnp.float32) + b2_ref[...]
        hs_ref[...] = jnp.where(j == 0, h[:, :CH], h[:, CH:])
        ah_ref[...] = ALPHA * h

    f = jnp.float32
    return pl.pallas_call(
        body,
        grid=(2, nb),
        in_specs=[
            pl.BlockSpec((blk, x.shape[1]), lambda j, i: (i, 0)),
            pl.BlockSpec(W1.shape, lambda j, i: (0, 0)),
            pl.BlockSpec((1, b1.shape[0]), lambda j, i: (0, 0)),
            pl.BlockSpec(W2.shape, lambda j, i: (0, 0)),
            pl.BlockSpec((1, b2.shape[0]), lambda j, i: (0, 0)),
        ],
        out_specs=[pl.BlockSpec((blk, CH), lambda j, i: (j * nb + i, 0)),
                   pl.BlockSpec((blk, c), lambda j, i: (i, 0))],
        out_shape=(jax.ShapeDtypeStruct((2 * n, CH), f),
                   jax.ShapeDtypeStruct((n, c), f)),
    )(x, W1, b1.reshape(1, -1), W2, b2.reshape(1, -1))


def _rsqrt16(d):
    i = plsc.bitcast(d, jnp.int32)
    i = jnp.int32(0x5F3759DF) - jnp.right_shift(i, jnp.int32(1))
    y = plsc.bitcast(i, jnp.float32)
    for _ in range(3):
        y = y * (1.5 - 0.5 * d * y * y)
    return y


def _sc_fused(hs, src_flat, dst_flat):
    rpt = NPAD // NS
    nsub = rpt // RSUB
    ept = NCH * EB
    fo = jax.ShapeDtypeStruct((2 * NPAD, CH), jnp.float32)

    @functools.partial(
        pl.kernel,
        out_type=(fo, fo, fo, fo),
        mesh=plsc.VectorSubcoreMesh(**_MESH),
        compiler_params=_SC_PARAMS,
        scratch_types=[
            pltpu.VMEM_SHARED((NPAD, CH), jnp.float32),
            pltpu.VMEM_SHARED((NPAD, CH), jnp.float32),
            pltpu.VMEM((NCH * EB,), jnp.int32),
            pltpu.VMEM((NCH * EB,), jnp.int32),
            pltpu.VMEM((RSUB, CH), jnp.float32),
            pltpu.VMEM((RSUB, CH), jnp.float32),
            pltpu.VMEM((RSUB, CH), jnp.float32),
            pltpu.VMEM((RSUB, CH), jnp.float32),
            pltpu.VMEM((2 * EB, CH), jnp.float32),
            pltpu.VMEM((2 * EB, CH), jnp.float32),
            pltpu.VMEM((RSUB, CH), jnp.float32),
            pltpu.VMEM((RSUB, CH), jnp.float32),
            pltpu.SemaphoreType.DMA,
            pltpu.SemaphoreType.DMA,
            pltpu.SemaphoreType.DMA,
            pltpu.SemaphoreType.DMA,
            pltpu.SemaphoreType.DMA,
            pltpu.SemaphoreType.DMA,
        ],
    )
    def fused_kernel(hs_hbm, src_hbm, dst_hbm,
                     sout_hbm, u_hbm, ht_hbm, df_hbm,
                     zt, agg, sidx, didx, ubuf_a, hbuf_a, ubuf_b, hbuf_b,
                     rows_a, rows_b, abuf_a, abuf_b,
                     gsa, gsb, ssa, ssb, lsa, lsb):
        core = jax.lax.axis_index("c")
        tile = jax.lax.axis_index("s")
        r0 = tile * rpt
        h0 = core * NPAD + r0
        GB = 2 * EB

        pltpu.async_copy(src_hbm.at[pl.ds(tile * ept, ept)], sidx, lsa)
        pltpu.async_copy(dst_hbm.at[pl.ds(tile * ept, ept)], didx, lsb)

        zeros16 = jnp.zeros((16,), jnp.float32)
        ones16 = jnp.ones((16,), jnp.float32)

        @pl.loop(0, RSUB)
        def _(j):
            for cc in range(CH // 16):
                abuf_a[j, pl.ds(cc * 16, 16)] = zeros16

        @pl.loop(0, GB)
        def _(j):
            for cc in range(CH // 16):
                rows_a[j, pl.ds(cc * 16, 16)] = ones16

        for sub in range(nsub):
            pltpu.sync_copy(abuf_a, agg.at[pl.ds(r0 + sub * RSUB, RSUB)])
        pltpu.make_async_copy(src_hbm.at[pl.ds(tile * ept, ept)], sidx,
                              lsa).wait()
        pltpu.make_async_copy(dst_hbm.at[pl.ds(tile * ept, ept)], didx,
                              lsb).wait()
        plsc.subcore_barrier()

        @pl.loop(0, ept // GB)
        def _(i):
            pltpu.async_copy(rows_a, agg.at[didx.at[pl.ds(i * GB, GB)]], ssa,
                             add=True)

        @pl.loop(0, ept // GB)
        def _(i):
            pltpu.make_async_copy(rows_a, agg.at[didx.at[pl.ds(0, GB)]],
                                  ssa).wait()

        plsc.subcore_barrier()

        for sub in range(nsub):
            ssp = pl.ds(r0 + sub * RSUB, RSUB)
            shb = pl.ds(h0 + sub * RSUB, RSUB)
            pltpu.sync_copy(agg.at[ssp], abuf_a)
            pltpu.sync_copy(hs_hbm.at[shb], hbuf_a)

            @pl.loop(0, RSUB)
            def _(j):
                d = abuf_a[j, pl.ds(0, 16)] + 1.0
                y = _rsqrt16(d)
                u = (1.0 - ALPHA) * y * y
                dd = (1.0 - ALPHA) * y
                for cc in range(CH // 16):
                    csl = pl.ds(cc * 16, 16)
                    ubuf_a[j, csl] = u
                    abuf_b[j, csl] = dd
                    hv = hbuf_a[j, csl]
                    hbuf_b[j, csl] = ALPHA * y * hv
                    hbuf_a[j, csl] = y * hv

            pltpu.sync_copy(ubuf_a, u_hbm.at[shb])
            pltpu.sync_copy(abuf_b, df_hbm.at[shb])
            pltpu.sync_copy(hbuf_b, ht_hbm.at[shb])
            pltpu.sync_copy(hbuf_a, zt.at[ssp])
            pltpu.sync_copy(hbuf_a, agg.at[ssp])
        plsc.subcore_barrier()

        def g_start(i, buf, sem):
            pltpu.async_copy(zt.at[sidx.at[pl.ds(i * GB, GB)]], buf, sem)

        def g_wait(buf, sem):
            pltpu.make_async_copy(zt.at[sidx.at[pl.ds(0, GB)]], buf, sem).wait()

        def s_start(i, buf, sem):
            pltpu.async_copy(buf, agg.at[didx.at[pl.ds(i * GB, GB)]], sem,
                             add=True)

        def s_wait(buf, sem):
            pltpu.make_async_copy(buf, agg.at[didx.at[pl.ds(0, GB)]], sem).wait()

        npairs = NCH // 4

        def edge_pass():
            g_start(0, rows_a, gsa)

            @pl.loop(0, npairs)
            def _(p):
                i0 = 2 * p
                g_wait(rows_a, gsa)

                @pl.when(p > 0)
                def _():
                    s_wait(rows_b, ssb)

                g_start(i0 + 1, rows_b, gsb)
                s_start(i0, rows_a, ssa)
                g_wait(rows_b, gsb)
                s_wait(rows_a, ssa)

                @pl.when(p < npairs - 1)
                def _():
                    g_start(i0 + 2, rows_a, gsa)

                s_start(i0 + 1, rows_b, ssb)

            s_wait(rows_b, ssb)

        @pl.loop(0, K - 1)
        def _(k):
            edge_pass()
            plsc.subcore_barrier()
            bufs = ((abuf_a, ubuf_a, hbuf_a, lsa), (abuf_b, ubuf_b, hbuf_b, lsb))

            def ew_load(sub, bs):
                ab, ub, hb, sem = bs
                pltpu.async_copy(u_hbm.at[pl.ds(h0 + sub * RSUB, RSUB)], ub, sem)
                pltpu.async_copy(ht_hbm.at[pl.ds(h0 + sub * RSUB, RSUB)], hb, sem)

            def ew_wait(bs):
                ab, ub, hb, sem = bs
                pltpu.make_async_copy(u_hbm.at[pl.ds(h0, RSUB)], ub, sem).wait()
                pltpu.make_async_copy(ht_hbm.at[pl.ds(h0, RSUB)], hb, sem).wait()

            ew_load(0, bufs[0])
            for sub in range(nsub):
                bs = bufs[sub % 2]
                ab, ub, hb, _ = bs
                pltpu.sync_copy(agg.at[pl.ds(r0 + sub * RSUB, RSUB)], ab)
                ew_wait(bs)
                if sub < nsub - 1:
                    ew_load(sub + 1, bufs[(sub + 1) % 2])

                @pl.loop(0, RSUB)
                def _(j):
                    for cc in range(CH // 16):
                        csl = pl.ds(cc * 16, 16)
                        ab[j, csl] = ub[j, csl] * ab[j, csl] + hb[j, csl]

                ssp = pl.ds(r0 + sub * RSUB, RSUB)
                pltpu.sync_copy(ab, zt.at[ssp])
                pltpu.sync_copy(ab, agg.at[ssp])
            plsc.subcore_barrier()

        edge_pass()
        plsc.subcore_barrier()
        for sub in range(nsub):
            shb = pl.ds(h0 + sub * RSUB, RSUB)
            pltpu.sync_copy(agg.at[pl.ds(r0 + sub * RSUB, RSUB)], abuf_a)
            pltpu.sync_copy(df_hbm.at[shb], ubuf_a)

            @pl.loop(0, RSUB)
            def _(j):
                for cc in range(CH // 16):
                    csl = pl.ds(cc * 16, 16)
                    abuf_a[j, csl] = ubuf_a[j, csl] * abuf_a[j, csl]

            pltpu.sync_copy(abuf_a, sout_hbm.at[shb])

    return fused_kernel(hs, src_flat, dst_flat)[0]


def _tc_finish(sf, ah64, n):
    c = ah64.shape[1]
    blk = 2000
    s3 = sf.reshape(2, NPAD, CH)

    def body(slo_ref, shi_ref, ah_ref, o_ref):
        s = jnp.concatenate([slo_ref[...][0], shi_ref[...][0]], axis=1)
        z = s + ah_ref[...]
        m = jnp.max(z, axis=1, keepdims=True)
        lse = jnp.log(jnp.sum(jnp.exp(z - m), axis=1, keepdims=True)) + m
        o_ref[...] = z - lse

    return pl.pallas_call(
        body,
        grid=(n // blk,),
        in_specs=[pl.BlockSpec((1, blk, CH), lambda i: (0, i, 0)),
                  pl.BlockSpec((1, blk, CH), lambda i: (1, i, 0)),
                  pl.BlockSpec((blk, c), lambda i: (i, 0))],
        out_specs=pl.BlockSpec((blk, c), lambda i: (i, 0)),
        out_shape=jax.ShapeDtypeStruct((n, c), jnp.float32),
    )(s3, s3, ah64)


def kernel(x, edge_index, W1, b1, W2, b2):
    n = x.shape[0]
    e = edge_index.shape[1]
    epad = NS * NCH * EB
    xp = jnp.pad(x, ((0, NPAD - n), (0, 0)))
    pad = jnp.full((epad - e,), NPAD - 1, jnp.int32)
    srcf = jnp.concatenate([edge_index[0], pad])
    dstf = jnp.concatenate([edge_index[1], pad])
    hs, ah64 = _tc_mlp(xp, W1, b1, W2, b2)
    sf = _sc_fused(hs, srcf, dstf)
    return _tc_finish(sf, ah64, n)

# --- scband reference (transcript-rebuilt; emitter-appended) ---
"""Pipeline reference for scband-appnp-net-78030965834312 (READ-ONLY COPY).

The authoritative reference and input builder live on the scoring server;
editing this copy changes nothing except your own understanding.
"""

import jax, jax.numpy as jnp
import numpy as np

N = 10000
E = 320000
F_IN = 128
HID = 128
C = 64
K = 10
ALPHA = 0.1


def setup_inputs(seed: int = 0) -> dict:
    key = jax.random.key(seed)
    ks = jax.random.split(key, 6)
    x = jax.random.normal(ks[0], (N, F_IN), dtype=jnp.float32)
    edge_index = jax.random.randint(ks[1], (2, E), 0, N, dtype=jnp.int32)
    W1 = jax.random.normal(ks[2], (F_IN, HID), dtype=jnp.float32) * (1.0 / np.sqrt(F_IN))
    b1 = jnp.zeros((HID,), dtype=jnp.float32)
    W2 = jax.random.normal(ks[3], (HID, C), dtype=jnp.float32) * (1.0 / np.sqrt(HID))
    b2 = jnp.zeros((C,), dtype=jnp.float32)
    return {"x": x, "edge_index": edge_index, "W1": W1, "b1": b1, "W2": W2, "b2": b2}


def reference(x, edge_index, W1, b1, W2, b2):
    # MLP part (dropout is identity in eval mode)
    h = jnp.maximum(x @ W1 + b1, 0.0)
    h = h @ W2 + b2
    n = x.shape[0]
    # GCN normalization with self-loops (PyG APPNP default gcn_norm)
    loop = jnp.arange(n, dtype=edge_index.dtype)
    src = jnp.concatenate([edge_index[0], loop])
    dst = jnp.concatenate([edge_index[1], loop])
    ones = jnp.ones(src.shape[0], dtype=h.dtype)
    deg = jax.ops.segment_sum(ones, dst, num_segments=n)
    dinv = jnp.where(deg > 0, deg ** -0.5, 0.0)
    norm = dinv[src] * dinv[dst]
    # APPNP propagation: z_{k+1} = (1-alpha) * A_hat z_k + alpha * h
    z = h
    for _ in range(K):
        msg = z[src] * norm[:, None]
        agg = jax.ops.segment_sum(msg, dst, num_segments=n)
        z = (1.0 - ALPHA) * agg + ALPHA * h
    return jax.nn.log_softmax(z, axis=1)

if __name__ == "__main__":
    import jax
    _d = setup_inputs()
    print(jax.jit(kernel)(*tuple(_d.values())))

</pallas_src>

<mosaic_0001>
#map = affine_map<(d0, d1) -> (0, 0)>
#map1 = affine_map<(d0, d1) -> (0)>
module attributes {stable_mosaic.version = 14 : i64} {
  func.func @fused_kernel(%arg0: i32, %arg1: i32, %arg2: memref<20480x32xf32, #tpu.memory_space<hbm>>, %arg3: memref<327680xi32, #tpu.memory_space<hbm>>, %arg4: memref<327680xi32, #tpu.memory_space<hbm>>, %arg5: memref<20480x32xf32, #tpu.memory_space<hbm>>, %arg6: memref<20480x32xf32, #tpu.memory_space<hbm>>, %arg7: memref<20480x32xf32, #tpu.memory_space<hbm>>, %arg8: memref<20480x32xf32, #tpu.memory_space<hbm>>, %arg9: memref<10240x32xf32, #tpu.memory_space<vmem_shared>>, %arg10: memref<10240x32xf32, #tpu.memory_space<vmem_shared>>, %arg11: memref<20480xi32, #tpu.memory_space<vmem>>, %arg12: memref<20480xi32, #tpu.memory_space<vmem>>, %arg13: memref<128x32xf32, #tpu.memory_space<vmem>>, %arg14: memref<128x32xf32, #tpu.memory_space<vmem>>, %arg15: memref<128x32xf32, #tpu.memory_space<vmem>>, %arg16: memref<128x32xf32, #tpu.memory_space<vmem>>, %arg17: memref<256x32xf32, #tpu.memory_space<vmem>>, %arg18: memref<256x32xf32, #tpu.memory_space<vmem>>, %arg19: memref<128x32xf32, #tpu.memory_space<vmem>>, %arg20: memref<128x32xf32, #tpu.memory_space<vmem>>, %arg21: memref<!tpu.dma_semaphore, #tpu.memory_space<semaphore_mem>>, %arg22: memref<!tpu.dma_semaphore, #tpu.memory_space<semaphore_mem>>, %arg23: memref<!tpu.dma_semaphore, #tpu.memory_space<semaphore_mem>>, %arg24: memref<!tpu.dma_semaphore, #tpu.memory_space<semaphore_mem>>, %arg25: memref<!tpu.dma_semaphore, #tpu.memory_space<semaphore_mem>>, %arg26: memref<!tpu.dma_semaphore, #tpu.memory_space<semaphore_mem>>) attributes {dimension_semantics = [#tpu.dimension_semantics<core_parallel>, #tpu.dimension_semantics<subcore_parallel>], iteration_bounds = array<i64: 2, 16>, scalar_prefetch = 0 : i64, scratch_operands = 18 : i64, tpu.core_type = #tpu.core_type<sc_vector_subcore>, window_params = [{transform_indices = #map}, {transform_indices = #map1}, {transform_indices = #map1}, {transform_indices = #map}, {transform_indices = #map}, {transform_indices = #map}, {transform_indices = #map}]} {
    %mul3A = arith.constant 640 : i32
    %mul3A_0 = arith.muli %arg1, %mul3A : i32
    %mul3A_1 = arith.constant 10240 : i32
    %mul3A_2 = arith.muli %arg0, %mul3A_1 : i32
    %add3A = arith.addi %mul3A_2, %mul3A_0 : i32
    %mul3A_3 = arith.constant 20480 : i32
    %mul3A_4 = arith.muli %arg1, %mul3A_3 : i32
    %dma_start3A = tpu.memref_slice %arg3[%mul3A_4] : memref<327680xi32, #tpu.memory_space<hbm>> -> memref<20480xi32, #tpu.memory_space<hbm>>
    %dma_start3A_5 = tpu.memref_slice %arg3[%mul3A_4] : memref<327680xi32, #tpu.memory_space<hbm>> -> memref<20480xi32, #tpu.memory_space<hbm>>
    tpu.enqueue_dma source(%dma_start3A_5 : memref<20480xi32, #tpu.memory_space<hbm>>) target(%arg11 : memref<20480xi32, #tpu.memory_space<vmem>>) target_semaphore(%arg25 : memref<!tpu.dma_semaphore, #tpu.memory_space<semaphore_mem>>)
    %mul3A_6 = arith.constant 20480 : i32
    %mul3A_7 = arith.muli %arg1, %mul3A_6 : i32
    %dma_start3A_8 = tpu.memref_slice %arg4[%mul3A_7] : memref<327680xi32, #tpu.memory_space<hbm>> -> memref<20480xi32, #tpu.memory_space<hbm>>
    %dma_start3A_9 = tpu.memref_slice %arg4[%mul3A_7] : memref<327680xi32, #tpu.memory_space<hbm>> -> memref<20480xi32, #tpu.memory_space<hbm>>
    tpu.enqueue_dma source(%dma_start3A_9 : memref<20480xi32, #tpu.memory_space<hbm>>) target(%arg12 : memref<20480xi32, #tpu.memory_space<vmem>>) target_semaphore(%arg26 : memref<!tpu.dma_semaphore, #tpu.memory_space<semaphore_mem>>)
    %broadcast_in_dim3A = arith.constant 0.000000e+00 : f32
    %broadcast_in_dim3A_10 = vector.broadcast %broadcast_in_dim3A : f32 to vector<16xf32>
    %broadcast_in_dim3A_11 = arith.constant 1.000000e+00 : f32
    %broadcast_in_dim3A_12 = vector.broadcast %broadcast_in_dim3A_11 : f32 to vector<16xf32>
    %scan3A = arith.constant 0 : i32
    %scan3A_13 = arith.constant 128 : i32
    %scan3A_14 = arith.addi %scan3A, %scan3A_13 : i32
    %scan3A_15 = arith.constant 1 : i32
    scf.for %scan3A_162 = %scan3A to %scan3A_14 step %scan3A_15  : i32 {
      %mul3A_163 = arith.constant 1 : i32
      %mul3A_164 = arith.muli %scan3A_162, %mul3A_163 : i32
      %add3A_165 = arith.constant 0 : i32
      %add3A_166 = arith.addi %add3A_165, %mul3A_164 : i32
      %swap3A = arith.index_cast %add3A_166 : i32 to index
      %swap3A_167 = arith.constant 0 : index
      %swap3A_168 = tpu.vector_load %arg19[%swap3A, %swap3A_167] {strides = array<i32>} : memref<128x32xf32, #tpu.memory_space<vmem>>, vector<16xf32>,
      tpu.vector_store %arg19[%swap3A, %swap3A_167], %broadcast_in_dim3A_10 {strides = array<i32>} : memref<128x32xf32, #tpu.memory_space<vmem>>, vector<16xf32>,
      %swap3A_169 = arith.index_cast %add3A_166 : i32 to index
      %swap3A_170 = arith.constant 16 : index
      %swap3A_171 = tpu.vector_load %arg19[%swap3A_169, %swap3A_170] {strides = array<i32>} : memref<128x32xf32, #tpu.memory_space<vmem>>, vector<16xf32>,
      tpu.vector_store %arg19[%swap3A_169, %swap3A_170], %broadcast_in_dim3A_10 {strides = array<i32>} : memref<128x32xf32, #tpu.memory_space<vmem>>, vector<16xf32>,
    }
    %scan3A_16 = arith.constant 128 : i32
    %scan3A_17 = arith.constant 0 : i32
    %scan3A_18 = arith.constant 256 : i32
    %scan3A_19 = arith.addi %scan3A_17, %scan3A_18 : i32
    %scan3A_20 = arith.constant 1 : i32
    scf.for %scan3A_162 = %scan3A_17 to %scan3A_19 step %scan3A_20  : i32 {
      %mul3A_163 = arith.constant 1 : i32
      %mul3A_164 = arith.muli %scan3A_162, %mul3A_163 : i32
      %add3A_165 = arith.constant 0 : i32
      %add3A_166 = arith.addi %add3A_165, %mul3A_164 : i32
      %swap3A = arith.index_cast %add3A_166 : i32 to index
      %swap3A_167 = arith.constant 0 : index
      %swap3A_168 = tpu.vector_load %arg17[%swap3A, %swap3A_167] {strides = array<i32>} : memref<256x32xf32, #tpu.memory_space<vmem>>, vector<16xf32>,
      tpu.vector_store %arg17[%swap3A, %swap3A_167], %broadcast_in_dim3A_12 {strides = array<i32>} : memref<256x32xf32, #tpu.memory_space<vmem>>, vector<16xf32>,
      %swap3A_169 = arith.index_cast %add3A_166 : i32 to index
      %swap3A_170 = arith.constant 16 : index
      %swap3A_171 = tpu.vector_load %arg17[%swap3A_169, %swap3A_170] {strides = array<i32>} : memref<256x32xf32, #tpu.memory_space<vmem>>, vector<16xf32>,
      tpu.vector_store %arg17[%swap3A_169, %swap3A_170], %broadcast_in_dim3A_12 {strides = array<i32>} : memref<256x32xf32, #tpu.memory_space<vmem>>, vector<16xf32>,
    }
    %scan3A_21 = arith.constant 256 : i32
    %add3A_22 = arith.constant 0 : i32
    %add3A_23 = arith.addi %mul3A_0, %add3A_22 : i32
    "tpu.region"() ({
      %run_scoped3A = tpu.sem_alloc : memref<!tpu.dma_semaphore, #tpu.memory_space<semaphore_mem>>
      %dma_start3A_162 = arith.constant 0 : i32
      %dma_start3A_163 = tpu.memref_slice %arg10[%add3A_23, %dma_start3A_162] : memref<10240x32xf32, #tpu.memory_space<vmem_shared>> -> memref<128x32xf32, #tpu.memory_space<vmem_shared>>
      %dma_start3A_164 = arith.constant 0 : i32
      %dma_start3A_165 = tpu.memref_slice %arg10[%add3A_23, %dma_start3A_164] : memref<10240x32xf32, #tpu.memory_space<vmem_shared>> -> memref<128x32xf32, #tpu.memory_space<vmem_shared>>
      tpu.enqueue_dma source(%arg19 : memref<128x32xf32, #tpu.memory_space<vmem>>) target(%dma_start3A_165 : memref<128x32xf32, #tpu.memory_space<vmem_shared>>) target_semaphore(%run_scoped3A : memref<!tpu.dma_semaphore, #tpu.memory_space<semaphore_mem>>)
      %dma_wait3A_166 = arith.constant 0 : i32
      %dma_wait3A_167 = tpu.memref_slice %arg10[%add3A_23, %dma_wait3A_166] : memref<10240x32xf32, #tpu.memory_space<vmem_shared>> -> memref<128x32xf32, #tpu.memory_space<vmem_shared>>
      %dma_wait3A_168 = arith.constant 0 : i32
      %dma_wait3A_169 = tpu.memref_slice %arg10[%add3A_23, %dma_wait3A_168] : memref<10240x32xf32, #tpu.memory_space<vmem_shared>> -> memref<128x32xf32, #tpu.memory_space<vmem_shared>>
      tpu.wait_dma2 semaphore(%run_scoped3A : memref<!tpu.dma_semaphore, #tpu.memory_space<semaphore_mem>>) src(%arg19 : memref<128x32xf32, #tpu.memory_space<vmem>>) dst(%dma_wait3A_169 : memref<128x32xf32, #tpu.memory_space<vmem_shared>>)
      tpu.yield
    }) : () -> ()
    %add3A_24 = arith.constant 128 : i32
    %add3A_25 = arith.addi %mul3A_0, %add3A_24 : i32
    "tpu.region"() ({
      %run_scoped3A = tpu.sem_alloc : memref<!tpu.dma_semaphore, #tpu.memory_space<semaphore_mem>>
      %dma_start3A_162 = arith.constant 0 : i32
      %dma_start3A_163 = tpu.memref_slice %arg10[%add3A_25, %dma_start3A_162] : memref<10240x32xf32, #tpu.memory_space<vmem_shared>> -> memref<128x32xf32, #tpu.memory_space<vmem_shared>>
      %dma_start3A_164 = arith.constant 0 : i32
      %dma_start3A_165 = tpu.memref_slice %arg10[%add3A_25, %dma_start3A_164] : memref<10240x32xf32, #tpu.memory_space<vmem_shared>> -> memref<128x32xf32, #tpu.memory_space<vmem_shared>>
      tpu.enqueue_dma source(%arg19 : memref<128x32xf32, #tpu.memory_space<vmem>>) target(%dma_start3A_165 : memref<128x32xf32, #tpu.memory_space<vmem_shared>>) target_semaphore(%run_scoped3A : memref<!tpu.dma_semaphore, #tpu.memory_space<semaphore_mem>>)
      %dma_wait3A_166 = arith.constant 0 : i32
      %dma_wait3A_167 = tpu.memref_slice %arg10[%add3A_25, %dma_wait3A_166] : memref<10240x32xf32, #tpu.memory_space<vmem_shared>> -> memref<128x32xf32, #tpu.memory_space<vmem_shared>>
      %dma_wait3A_168 = arith.constant 0 : i32
      %dma_wait3A_169 = tpu.memref_slice %arg10[%add3A_25, %dma_wait3A_168] : memref<10240x32xf32, #tpu.memory_space<vmem_shared>> -> memref<128x32xf32, #tpu.memory_space<vmem_shared>>
      tpu.wait_dma2 semaphore(%run_scoped3A : memref<!tpu.dma_semaphore, #tpu.memory_space<semaphore_mem>>) src(%arg19 : memref<128x32xf32, #tpu.memory_space<vmem>>) dst(%dma_wait3A_169 : memref<128x32xf32, #tpu.memory_space<vmem_shared>>)
      tpu.yield
    }) : () -> ()
    %add3A_26 = arith.constant 256 : i32
    %add3A_27 = arith.addi %mul3A_0, %add3A_26 : i32
    "tpu.region"() ({
      %run_scoped3A = tpu.sem_alloc : memref<!tpu.dma_semaphore, #tpu.memory_space<semaphore_mem>>
      %dma_start3A_162 = arith.constant 0 : i32
      %dma_start3A_163 = tpu.memref_slice %arg10[%add3A_27, %dma_start3A_162] : memref<10240x32xf32, #tpu.memory_space<vmem_shared>> -> memref<128x32xf32, #tpu.memory_space<vmem_shared>>
      %dma_start3A_164 = arith.constant 0 : i32
      %dma_start3A_165 = tpu.memref_slice %arg10[%add3A_27, %dma_start3A_164] : memref<10240x32xf32, #tpu.memory_space<vmem_shared>> -> memref<128x32xf32, #tpu.memory_space<vmem_shared>>
      tpu.enqueue_dma source(%arg19 : memref<128x32xf32, #tpu.memory_space<vmem>>) target(%dma_start3A_165 : memref<128x32xf32, #tpu.memory_space<vmem_shared>>) target_semaphore(%run_scoped3A : memref<!tpu.dma_semaphore, #tpu.memory_space<semaphore_mem>>)
      %dma_wait3A_166 = arith.constant 0 : i32
      %dma_wait3A_167 = tpu.memref_slice %arg10[%add3A_27, %dma_wait3A_166] : memref<10240x32xf32, #tpu.memory_space<vmem_shared>> -> memref<128x32xf32, #tpu.memory_space<vmem_shared>>
      %dma_wait3A_168 = arith.constant 0 : i32
      %dma_wait3A_169 = tpu.memref_slice %arg10[%add3A_27, %dma_wait3A_168] : memref<10240x32xf32, #tpu.memory_space<vmem_shared>> -> memref<128x32xf32, #tpu.memory_space<vmem_shared>>
      tpu.wait_dma2 semaphore(%run_scoped3A : memref<!tpu.dma_semaphore, #tpu.memory_space<semaphore_mem>>) src(%arg19 : memref<128x32xf32, #tpu.memory_space<vmem>>) dst(%dma_wait3A_169 : memref<128x32xf32, #tpu.memory_space<vmem_shared>>)
      tpu.yield
    }) : () -> ()
    %add3A_28 = arith.constant 384 : i32
    %add3A_29 = arith.addi %mul3A_0, %add3A_28 : i32
    "tpu.region"() ({
      %run_scoped3A = tpu.sem_alloc : memref<!tpu.dma_semaphore, #tpu.memory_space<semaphore_mem>>
      %dma_start3A_162 = arith.constant 0 : i32
      %dma_start3A_163 = tpu.memref_slice %arg10[%add3A_29, %dma_start3A_162] : memref<10240x32xf32, #tpu.memory_space<vmem_shared>> -> memref<128x32xf32, #tpu.memory_space<vmem_shared>>
      %dma_start3A_164 = arith.constant 0 : i32
      %dma_start3A_165 = tpu.memref_slice %arg10[%add3A_29, %dma_start3A_164] : memref<10240x32xf32, #tpu.memory_space<vmem_shared>> -> memref<128x32xf32, #tpu.memory_space<vmem_shared>>
      tpu.enqueue_dma source(%arg19 : memref<128x32xf32, #tpu.memory_space<vmem>>) target(%dma_start3A_165 : memref<128x32xf32, #tpu.memory_space<vmem_shared>>) target_semaphore(%run_scoped3A : memref<!tpu.dma_semaphore, #tpu.memory_space<semaphore_mem>>)
      %dma_wait3A_166 = arith.constant 0 : i32
      %dma_wait3A_167 = tpu.memref_slice %arg10[%add3A_29, %dma_wait3A_166] : memref<10240x32xf32, #tpu.memory_space<vmem_shared>> -> memref<128x32xf32, #tpu.memory_space<vmem_shared>>
      %dma_wait3A_168 = arith.constant 0 : i32
      %dma_wait3A_169 = tpu.memref_slice %arg10[%add3A_29, %dma_wait3A_168] : memref<10240x32xf32, #tpu.memory_space<vmem_shared>> -> memref<128x32xf32, #tpu.memory_space<vmem_shared>>
      tpu.wait_dma2 semaphore(%run_scoped3A : memref<!tpu.dma_semaphore, #tpu.memory_space<semaphore_mem>>) src(%arg19 : memref<128x32xf32, #tpu.memory_space<vmem>>) dst(%dma_wait3A_169 : memref<128x32xf32, #tpu.memory_space<vmem_shared>>)
      tpu.yield
    }) : () -> ()
    %add3A_30 = arith.constant 512 : i32
    %add3A_31 = arith.addi %mul3A_0, %add3A_30 : i32
    "tpu.region"() ({
      %run_scoped3A = tpu.sem_alloc : memref<!tpu.dma_semaphore, #tpu.memory_space<semaphore_mem>>
      %dma_start3A_162 = arith.constant 0 : i32
      %dma_start3A_163 = tpu.memref_slice %arg10[%add3A_31, %dma_start3A_162] : memref<10240x32xf32, #tpu.memory_space<vmem_shared>> -> memref<128x32xf32, #tpu.memory_space<vmem_shared>>
      %dma_start3A_164 = arith.constant 0 : i32
      %dma_start3A_165 = tpu.memref_slice %arg10[%add3A_31, %dma_start3A_164] : memref<10240x32xf32, #tpu.memory_space<vmem_shared>> -> memref<128x32xf32, #tpu.memory_space<vmem_shared>>
      tpu.enqueue_dma source(%arg19 : memref<128x32xf32, #tpu.memory_space<vmem>>) target(%dma_start3A_165 : memref<128x32xf32, #tpu.memory_space<vmem_shared>>) target_semaphore(%run_scoped3A : memref<!tpu.dma_semaphore, #tpu.memory_space<semaphore_mem>>)
      %dma_wait3A_166 = arith.constant 0 : i32
      %dma_wait3A_167 = tpu.memref_slice %arg10[%add3A_31, %dma_wait3A_166] : memref<10240x32xf32, #tpu.memory_space<vmem_shared>> -> memref<128x32xf32, #tpu.memory_space<vmem_shared>>
      %dma_wait3A_168 = arith.constant 0 : i32
      %dma_wait3A_169 = tpu.memref_slice %arg10[%add3A_31, %dma_wait3A_168] : memref<10240x32xf32, #tpu.memory_space<vmem_shared>> -> memref<128x32xf32, #tpu.memory_space<vmem_shared>>
      tpu.wait_dma2 semaphore(%run_scoped3A : memref<!tpu.dma_semaphore, #tpu.memory_space<semaphore_mem>>) src(%arg19 : memref<128x32xf32, #tpu.memory_space<vmem>>) dst(%dma_wait3A_169 : memref<128x32xf32, #tpu.memory_space<vmem_shared>>)
      tpu.yield
    }) : () -> ()
    %mul3A_32 = arith.constant 20480 : i32
    %mul3A_33 = arith.muli %arg1, %mul3A_32 : i32
    %dma_wait3A = tpu.memref_slice %arg3[%mul3A_33] : memref<327680xi32, #tpu.memory_space<hbm>> -> memref<20480xi32, #tpu.memory_space<hbm>>
    %dma_wait3A_34 = tpu.memref_slice %arg3[%mul3A_33] : memref<327680xi32, #tpu.memory_space<hbm>> -> memref<20480xi32, #tpu.memory_space<hbm>>
    tpu.wait_dma2 semaphore(%arg25 : memref<!tpu.dma_semaphore, #tpu.memory_space<semaphore_mem>>) src(%dma_wait3A_34 : memref<20480xi32, #tpu.memory_space<hbm>>) dst(%arg11 : memref<20480xi32, #tpu.memory_space<vmem>>)
    %mul3A_35 = arith.constant 20480 : i32
    %mul3A_36 = arith.muli %arg1, %mul3A_35 : i32
    %dma_wait3A_37 = tpu.memref_slice %arg4[%mul3A_36] : memref<327680xi32, #tpu.memory_space<hbm>> -> memref<20480xi32, #tpu.memory_space<hbm>>
    %dma_wait3A_38 = tpu.memref_slice %arg4[%mul3A_36] : memref<327680xi32, #tpu.memory_space<hbm>> -> memref<20480xi32, #tpu.memory_space<hbm>>
    tpu.wait_dma2 semaphore(%arg26 : memref<!tpu.dma_semaphore, #tpu.memory_space<semaphore_mem>>) src(%dma_wait3A_38 : memref<20480xi32, #tpu.memory_space<hbm>>) dst(%arg12 : memref<20480xi32, #tpu.memory_space<vmem>>)
    %barrier3A = arith.constant 0 : index
    tpu.barrier barrier_id(%barrier3A)
    %scan3A_39 = arith.constant 0 : i32
    %scan3A_40 = arith.constant 80 : i32
    %scan3A_41 = arith.addi %scan3A_39, %scan3A_40 : i32
    %scan3A_42 = arith.constant 1 : i32
    scf.for %scan3A_162 = %scan3A_39 to %scan3A_41 step %scan3A_42  : i32 {
      %mul3A_163 = arith.constant 1 : i32
      %mul3A_164 = arith.muli %scan3A_162, %mul3A_163 : i32
      %add3A_165 = arith.constant 0 : i32
      %add3A_166 = arith.addi %add3A_165, %mul3A_164 : i32
      %mul3A_167 = arith.constant 256 : i32
      %mul3A_168 = arith.muli %add3A_166, %mul3A_167 : i32
      %dma_start3A_169 = tpu.memref_slice %arg12[%mul3A_168] : memref<20480xi32, #tpu.memory_space<vmem>> -> memref<256xi32, #tpu.memory_space<vmem>>
      %dma_start3A_170 = arith.constant 0 : i32
      %dma_start3A_171 = arith.constant 0 : i32
      %dma_start3A_172 = tpu.memref_slice %arg10[%dma_start3A_170, %dma_start3A_171] : memref<10240x32xf32, #tpu.memory_space<vmem_shared>> -> memref<10240x32xf32, #tpu.memory_space<vmem_shared>>
      tpu.enqueue_indirect_dma source(%arg17 : memref<256x32xf32, #tpu.memory_space<vmem>>) target(%dma_start3A_172 : memref<10240x32xf32, #tpu.memory_space<vmem_shared>>) offsets(%dma_start3A_169 : memref<256xi32, #tpu.memory_space<vmem>>) semaphore(%arg23 : memref<!tpu.dma_semaphore, #tpu.memory_space<semaphore_mem>>) {add = true}
    }
    %scan3A_43 = arith.constant 80 : i32
    %scan3A_44 = arith.constant 0 : i32
    %scan3A_45 = arith.constant 80 : i32
    %scan3A_46 = arith.addi %scan3A_44, %scan3A_45 : i32
    %scan3A_47 = arith.constant 1 : i32
    scf.for %scan3A_162 = %scan3A_44 to %scan3A_46 step %scan3A_47  : i32 {
      %mul3A_163 = arith.constant 1 : i32
      %mul3A_164 = arith.muli %scan3A_162, %mul3A_163 : i32
      %add3A_165 = arith.constant 0 : i32
      %add3A_166 = arith.addi %add3A_165, %mul3A_164 : i32
      %dma_wait3A_167 = arith.constant 0 : i32
      %dma_wait3A_168 = tpu.memref_slice %arg12[%dma_wait3A_167] : memref<20480xi32, #tpu.memory_space<vmem>> -> memref<256xi32, #tpu.memory_space<vmem>>
      %dma_wait3A_169 = arith.constant 0 : i32
      %dma_wait3A_170 = arith.constant 0 : i32
      %dma_wait3A_171 = tpu.memref_slice %arg10[%dma_wait3A_169, %dma_wait3A_170] : memref<10240x32xf32, #tpu.memory_space<vmem_shared>> -> memref<10240x32xf32, #tpu.memory_space<vmem_shared>>
      tpu.wait_indirect_dma semaphore(%arg23 : memref<!tpu.dma_semaphore, #tpu.memory_space<semaphore_mem>>) src(%arg17 : memref<256x32xf32, #tpu.memory_space<vmem>>) dst(%dma_wait3A_171 : memref<10240x32xf32, #tpu.memory_space<vmem_shared>>)
    }
    %scan3A_48 = arith.constant 80 : i32
    %barrier3A_49 = arith.constant 0 : index
    tpu.barrier barrier_id(%barrier3A_49)
    %add3A_50 = arith.constant 0 : i32
    %add3A_51 = arith.addi %mul3A_0, %add3A_50 : i32
    %add3A_52 = arith.constant 0 : i32
    %add3A_53 = arith.addi %add3A, %add3A_52 : i32
    "tpu.region"() ({
      %run_scoped3A = tpu.sem_alloc : memref<!tpu.dma_semaphore, #tpu.memory_space<semaphore_mem>>
      %dma_start3A_162 = arith.constant 0 : i32
      %dma_start3A_163 = tpu.memref_slice %arg10[%add3A_51, %dma_start3A_162] : memref<10240x32xf32, #tpu.memory_space<vmem_shared>> -> memref<128x32xf32, #tpu.memory_space<vmem_shared>>
      %dma_start3A_164 = arith.constant 0 : i32
      %dma_start3A_165 = tpu.memref_slice %arg10[%add3A_51, %dma_start3A_164] : memref<10240x32xf32, #tpu.memory_space<vmem_shared>> -> memref<128x32xf32, #tpu.memory_space<vmem_shared>>
      tpu.enqueue_dma source(%dma_start3A_165 : memref<128x32xf32, #tpu.memory_space<vmem_shared>>) target(%arg19 : memref<128x32xf32, #tpu.memory_space<vmem>>) target_semaphore(%run_scoped3A : memref<!tpu.dma_semaphore, #tpu.memory_space<semaphore_mem>>)
      %dma_wait3A_166 = arith.constant 0 : i32
      %dma_wait3A_167 = tpu.memref_slice %arg10[%add3A_51, %dma_wait3A_166] : memref<10240x32xf32, #tpu.memory_space<vmem_shared>> -> memref<128x32xf32, #tpu.memory_space<vmem_shared>>
      %dma_wait3A_168 = arith.constant 0 : i32
      %dma_wait3A_169 = tpu.memref_slice %arg10[%add3A_51, %dma_wait3A_168] : memref<10240x32xf32, #tpu.memory_space<vmem_shared>> -> memref<128x32xf32, #tpu.memory_space<vmem_shared>>
      tpu.wait_dma2 semaphore(%run_scoped3A : memref<!tpu.dma_semaphore, #tpu.memory_space<semaphore_mem>>) src(%dma_wait3A_169 : memref<128x32xf32, #tpu.memory_space<vmem_shared>>) dst(%arg19 : memref<128x32xf32, #tpu.memory_space<vmem>>)
      tpu.yield
    }) : () -> ()
    "tpu.region"() ({
      %run_scoped3A = tpu.sem_alloc : memref<!tpu.dma_semaphore, #tpu.memory_space<semaphore_mem>>
      %dma_start3A_162 = arith.constant 0 : i32
      %dma_start3A_163 = tpu.memref_slice %arg2[%add3A_53, %dma_start3A_162] : memref<20480x32xf32, #tpu.memory_space<hbm>> -> memref<128x32xf32, #tpu.memory_space<hbm>>
      %dma_start3A_164 = arith.constant 0 : i32
      %dma_start3A_165 = tpu.memref_slice %arg2[%add3A_53, %dma_start3A_164] : memref<20480x32xf32, #tpu.memory_space<hbm>> -> memref<128x32xf32, #tpu.memory_space<hbm>>
      tpu.enqueue_dma source(%dma_start3A_165 : memref<128x32xf32, #tpu.memory_space<hbm>>) target(%arg14 : memref<128x32xf32, #tpu.memory_space<vmem>>) target_semaphore(%run_scoped3A : memref<!tpu.dma_semaphore, #tpu.memory_space<semaphore_mem>>)
      %dma_wait3A_166 = arith.constant 0 : i32
      %dma_wait3A_167 = tpu.memref_slice %arg2[%add3A_53, %dma_wait3A_166] : memref<20480x32xf32, #tpu.memory_space<hbm>> -> memref<128x32xf32, #tpu.memory_space<hbm>>
      %dma_wait3A_168 = arith.constant 0 : i32
      %dma_wait3A_169 = tpu.memref_slice %arg2[%add3A_53, %dma_wait3A_168] : memref<20480x32xf32, #tpu.memory_space<hbm>> -> memref<128x32xf32, #tpu.memory_space<hbm>>
      tpu.wait_dma2 semaphore(%run_scoped3A : memref<!tpu.dma_semaphore, #tpu.memory_space<semaphore_mem>>) src(%dma_wait3A_169 : memref<128x32xf32, #tpu.memory_space<hbm>>) dst(%arg14 : memref<128x32xf32, #tpu.memory_space<vmem>>)
      tpu.yield
    }) : () -> ()
    %scan3A_54 = arith.constant 0 : i32
    %scan3A_55 = arith.constant 128 : i32
    %scan3A_56 = arith.addi %scan3A_54, %scan3A_55 : i32
    %scan3A_57 = arith.constant 1 : i32
    scf.for %scan3A_162 = %scan3A_54 to %scan3A_56 step %scan3A_57  : i32 {
      %mul3A_163 = arith.constant 1 : i32
      %mul3A_164 = arith.muli %scan3A_162, %mul3A_163 : i32
      %add3A_165 = arith.constant 0 : i32
      %add3A_166 = arith.addi %add3A_165, %mul3A_164 : i32
      %get3A = arith.index_cast %add3A_166 : i32 to index
      %get3A_167 = arith.constant 0 : index
      %get3A_168 = tpu.vector_load %arg19[%get3A, %get3A_167] {strides = array<i32>} : memref<128x32xf32, #tpu.memory_space<vmem>>, vector<16xf32>,
      %add3A_169 = arith.constant 1.000000e+00 : f32
      %add3A_170 = vector.broadcast %add3A_169 : f32 to vector<16xf32>
      %add3A_171 = arith.addf %get3A_168, %add3A_170 : vector<16xf32>
      %bitcast3A = vector.bitcast %add3A_171 : vector<16xf32> to vector<16xi32>
      %shift_right_arithmetic3A = arith.constant 1 : i32
      %shift_right_arithmetic3A_172 = vector.broadcast %shift_right_arithmetic3A : i32 to vector<16xi32>
      %shift_right_arithmetic3A_173 = arith.shrsi %bitcast3A, %shift_right_arithmetic3A_172 : vector<16xi32>
      %sub3A = arith.constant 1597463007 : i32
      %sub3A_174 = vector.broadcast %sub3A : i32 to vector<16xi32>
      %sub3A_175 = arith.subi %sub3A_174, %shift_right_arithmetic3A_173 : vector<16xi32>
      %bitcast3A_176 = vector.bitcast %sub3A_175 : vector<16xi32> to vector<16xf32>
      %mul3A_177 = arith.constant 5.000000e-01 : f32
      %mul3A_178 = vector.broadcast %mul3A_177 : f32 to vector<16xf32>
      %mul3A_179 = arith.mulf %mul3A_178, %add3A_171 : vector<16xf32>
      %mul3A_180 = arith.mulf %mul3A_179, %bitcast3A_176 : vector<16xf32>
      %mul3A_181 = arith.mulf %mul3A_180, %bitcast3A_176 : vector<16xf32>
      %sub3A_182 = arith.constant 1.500000e+00 : f32
      %sub3A_183 = vector.broadcast %sub3A_182 : f32 to vector<16xf32>
      %sub3A_184 = arith.subf %sub3A_183, %mul3A_181 : vector<16xf32>
      %mul3A_185 = arith.mulf %bitcast3A_176, %sub3A_184 : vector<16xf32>
      %mul3A_186 = arith.constant 5.000000e-01 : f32
      %mul3A_187 = vector.broadcast %mul3A_186 : f32 to vector<16xf32>
      %mul3A_188 = arith.mulf %mul3A_187, %add3A_171 : vector<16xf32>
      %mul3A_189 = arith.mulf %mul3A_188, %mul3A_185 : vector<16xf32>
      %mul3A_190 = arith.mulf %mul3A_189, %mul3A_185 : vector<16xf32>
      %sub3A_191 = arith.constant 1.500000e+00 : f32
      %sub3A_192 = vector.broadcast %sub3A_191 : f32 to vector<16xf32>
      %sub3A_193 = arith.subf %sub3A_192, %mul3A_190 : vector<16xf32>
      %mul3A_194 = arith.mulf %mul3A_185, %sub3A_193 : vector<16xf32>
      %mul3A_195 = arith.constant 5.000000e-01 : f32
      %mul3A_196 = vector.broadcast %mul3A_195 : f32 to vector<16xf32>
      %mul3A_197 = arith.mulf %mul3A_196, %add3A_171 : vector<16xf32>
      %mul3A_198 = arith.mulf %mul3A_197, %mul3A_194 : vector<16xf32>
      %mul3A_199 = arith.mulf %mul3A_198, %mul3A_194 : vector<16xf32>
      %sub3A_200 = arith.constant 1.500000e+00 : f32
      %sub3A_201 = vector.broadcast %sub3A_200 : f32 to vector<16xf32>
      %sub3A_202 = arith.subf %sub3A_201, %mul3A_199 : vector<16xf32>
      %mul3A_203 = arith.mulf %mul3A_194, %sub3A_202 : vector<16xf32>
      %mul3A_204 = arith.constant 0.899999976 : f32
      %mul3A_205 = vector.broadcast %mul3A_204 : f32 to vector<16xf32>
      %mul3A_206 = arith.mulf %mul3A_205, %mul3A_203 : vector<16xf32>
      %mul3A_207 = arith.mulf %mul3A_206, %mul3A_203 : vector<16xf32>
      %mul3A_208 = arith.constant 0.899999976 : f32
      %mul3A_209 = vector.broadcast %mul3A_208 : f32 to vector<16xf32>
      %mul3A_210 = arith.mulf %mul3A_209, %mul3A_203 : vector<16xf32>
      %swap3A = arith.index_cast %add3A_166 : i32 to index
      %swap3A_211 = arith.constant 0 : index
      %swap3A_212 = tpu.vector_load %arg13[%swap3A, %swap3A_211] {strides = array<i32>} : memref<128x32xf32, #tpu.memory_space<vmem>>, vector<16xf32>,
      tpu.vector_store %arg13[%swap3A, %swap3A_211], %mul3A_207 {strides = array<i32>} : memref<128x32xf32, #tpu.memory_space<vmem>>, vector<16xf32>,
      %swap3A_213 = arith.index_cast %add3A_166 : i32 to index
      %swap3A_214 = arith.constant 0 : index
      %swap3A_215 = tpu.vector_load %arg20[%swap3A_213, %swap3A_214] {strides = array<i32>} : memref<128x32xf32, #tpu.memory_space<vmem>>, vector<16xf32>,
      tpu.vector_store %arg20[%swap3A_213, %swap3A_214], %mul3A_210 {strides = array<i32>} : memref<128x32xf32, #tpu.memory_space<vmem>>, vector<16xf32>,
      %get3A_216 = arith.index_cast %add3A_166 : i32 to index
      %get3A_217 = arith.constant 0 : index
      %get3A_218 = tpu.vector_load %arg14[%get3A_216, %get3A_217] {strides = array<i32>} : memref<128x32xf32, #tpu.memory_space<vmem>>, vector<16xf32>,
      %mul3A_219 = arith.constant 1.000000e-01 : f32
      %mul3A_220 = vector.broadcast %mul3A_219 : f32 to vector<16xf32>
      %mul3A_221 = arith.mulf %mul3A_220, %mul3A_203 : vector<16xf32>
      %mul3A_222 = arith.mulf %mul3A_221, %get3A_218 : vector<16xf32>
      %swap3A_223 = arith.index_cast %add3A_166 : i32 to index
      %swap3A_224 = arith.constant 0 : index
      %swap3A_225 = tpu.vector_load %arg16[%swap3A_223, %swap3A_224] {strides = array<i32>} : memref<128x32xf32, #tpu.memory_space<vmem>>, vector<16xf32>,
      tpu.vector_store %arg16[%swap3A_223, %swap3A_224], %mul3A_222 {strides = array<i32>} : memref<128x32xf32, #tpu.memory_space<vmem>>, vector<16xf32>,
      %mul3A_226 = arith.mulf %mul3A_203, %get3A_218 : vector<16xf32>
      %swap3A_227 = arith.index_cast %add3A_166 : i32 to index
      %swap3A_228 = arith.constant 0 : index
      %swap3A_229 = tpu.vector_load %arg14[%swap3A_227, %swap3A_228] {strides = array<i32>} : memref<128x32xf32, #tpu.memory_space<vmem>>, vector<16xf32>,
      tpu.vector_store %arg14[%swap3A_227, %swap3A_228], %mul3A_226 {strides = array<i32>} : memref<128x32xf32, #tpu.memory_space<vmem>>, vector<16xf32>,
      %swap3A_230 = arith.index_cast %add3A_166 : i32 to index
      %swap3A_231 = arith.constant 16 : index
      %swap3A_232 = tpu.vector_load %arg13[%swap3A_230, %swap3A_231] {strides = array<i32>} : memref<128x32xf32, #tpu.memory_space<vmem>>, vector<16xf32>,
      tpu.vector_store %arg13[%swap3A_230, %swap3A_231], %mul3A_207 {strides = array<i32>} : memref<128x32xf32, #tpu.memory_space<vmem>>, vector<16xf32>,
      %swap3A_233 = arith.index_cast %add3A_166 : i32 to index
      %swap3A_234 = arith.constant 16 : index
      %swap3A_235 = tpu.vector_load %arg20[%swap3A_233, %swap3A_234] {strides = array<i32>} : memref<128x32xf32, #tpu.memory_space<vmem>>, vector<16xf32>,
      tpu.vector_store %arg20[%swap3A_233, %swap3A_234], %mul3A_210 {strides = array<i32>} : memref<128x32xf32, #tpu.memory_space<vmem>>, vector<16xf32>,
      %get3A_236 = arith.index_cast %add3A_166 : i32 to index
      %get3A_237 = arith.constant 16 : index
      %get3A_238 = tpu.vector_load %arg14[%get3A_236, %get3A_237] {strides = array<i32>} : memref<128x32xf32, #tpu.memory_space<vmem>>, vector<16xf32>,
      %mul3A_239 = arith.constant 1.000000e-01 : f32
      %mul3A_240 = vector.broadcast %mul3A_239 : f32 to vector<16xf32>
      %mul3A_241 = arith.mulf %mul3A_240, %mul3A_203 : vector<16xf32>
      %mul3A_242 = arith.mulf %mul3A_241, %get3A_238 : vector<16xf32>
      %swap3A_243 = arith.index_cast %add3A_166 : i32 to index
      %swap3A_244 = arith.constant 16 : index
      %swap3A_245 = tpu.vector_load %arg16[%swap3A_243, %swap3A_244] {strides = array<i32>} : memref<128x32xf32, #tpu.memory_space<vmem>>, vector<16xf32>,
      tpu.vector_store %arg16[%swap3A_243, %swap3A_244], %mul3A_242 {strides = array<i32>} : memref<128x32xf32, #tpu.memory_space<vmem>>, vector<16xf32>,
      %mul3A_246 = arith.mulf %mul3A_203, %get3A_238 : vector<16xf32>
      %swap3A_247 = arith.index_cast %add3A_166 : i32 to index
      %swap3A_248 = arith.constant 16 : index
      %swap3A_249 = tpu.vector_load %arg14[%swap3A_247, %swap3A_248] {strides = array<i32>} : memref<128x32xf32, #tpu.memory_space<vmem>>, vector<16xf32>,
      tpu.vector_store %arg14[%swap3A_247, %swap3A_248], %mul3A_246 {strides = array<i32>} : memref<128x32xf32, #tpu.memory_space<vmem>>, vector<16xf32>,
    }
    %scan3A_58 = arith.constant 128 : i32
    "tpu.region"() ({
      %run_scoped3A = tpu.sem_alloc : memref<!tpu.dma_semaphore, #tpu.memory_space<semaphore_mem>>
      %dma_start3A_162 = arith.constant 0 : i32
      %dma_start3A_163 = tpu.memref_slice %arg6[%add3A_53, %dma_start3A_162] : memref<20480x32xf32, #tpu.memory_space<hbm>> -> memref<128x32xf32, #tpu.memory_space<hbm>>
      %dma_start3A_164 = arith.constant 0 : i32
      %dma_start3A_165 = tpu.memref_slice %arg6[%add3A_53, %dma_start3A_164] : memref<20480x32xf32, #tpu.memory_space<hbm>> -> memref<128x32xf32, #tpu.memory_space<hbm>>
      tpu.enqueue_dma source(%arg13 : memref<128x32xf32, #tpu.memory_space<vmem>>) target(%dma_start3A_165 : memref<128x32xf32, #tpu.memory_space<hbm>>) target_semaphore(%run_scoped3A : memref<!tpu.dma_semaphore, #tpu.memory_space<semaphore_mem>>)
      %dma_wait3A_166 = arith.constant 0 : i32
      %dma_wait3A_167 = tpu.memref_slice %arg6[%add3A_53, %dma_wait3A_166] : memref<20480x32xf32, #tpu.memory_space<hbm>> -> memref<128x32xf32, #tpu.memory_space<hbm>>
      %dma_wait3A_168 = arith.constant 0 : i32
      %dma_wait3A_169 = tpu.memref_slice %arg6[%add3A_53, %dma_wait3A_168] : memref<20480x32xf32, #tpu.memory_space<hbm>> -> memref<128x32xf32, #tpu.memory_space<hbm>>
      tpu.wait_dma2 semaphore(%run_scoped3A : memref<!tpu.dma_semaphore, #tpu.memory_space<semaphore_mem>>) src(%arg13 : memref<128x32xf32, #tpu.memory_space<vmem>>) dst(%dma_wait3A_169 : memref<128x32xf32, #tpu.memory_space<hbm>>)
      tpu.yield
    }) : () -> ()
    "tpu.region"() ({
      %run_scoped3A = tpu.sem_alloc : memref<!tpu.dma_semaphore, #tpu.memory_space<semaphore_mem>>
      %dma_start3A_162 = arith.constant 0 : i32
      %dma_start3A_163 = tpu.memref_slice %arg8[%add3A_53, %dma_start3A_162] : memref<20480x32xf32, #tpu.memory_space<hbm>> -> memref<128x32xf32, #tpu.memory_space<hbm>>
      %dma_start3A_164 = arith.constant 0 : i32
      %dma_start3A_165 = tpu.memref_slice %arg8[%add3A_53, %dma_start3A_164] : memref<20480x32xf32, #tpu.memory_space<hbm>> -> memref<128x32xf32, #tpu.memory_space<hbm>>
      tpu.enqueue_dma source(%arg20 : memref<128x32xf32, #tpu.memory_space<vmem>>) target(%dma_start3A_165 : memref<128x32xf32, #tpu.memory_space<hbm>>) target_semaphore(%run_scoped3A : memref<!tpu.dma_semaphore, #tpu.memory_space<semaphore_mem>>)
      %dma_wait3A_166 = arith.constant 0 : i32
      %dma_wait3A_167 = tpu.memref_slice %arg8[%add3A_53, %dma_wait3A_166] : memref<20480x32xf32, #tpu.memory_space<hbm>> -> memref<128x32xf32, #tpu.memory_space<hbm>>
      %dma_wait3A_168 = arith.constant 0 : i32
      %dma_wait3A_169 = tpu.memref_slice %arg8[%add3A_53, %dma_wait3A_168] : memref<20480x32xf32, #tpu.memory_space<hbm>> -> memref<128x32xf32, #tpu.memory_space<hbm>>
      tpu.wait_dma2 semaphore(%run_scoped3A : memref<!tpu.dma_semaphore, #tpu.memory_space<semaphore_mem>>) src(%arg20 : memref<128x32xf32, #tpu.memory_space<vmem>>) dst(%dma_wait3A_169 : memref<128x32xf32, #tpu.memory_space<hbm>>)
      tpu.yield
    }) : () -> ()
    "tpu.region"() ({
      %run_scoped3A = tpu.sem_alloc : memref<!tpu.dma_semaphore, #tpu.memory_space<semaphore_mem>>
      %dma_start3A_162 = arith.constant 0 : i32
      %dma_start3A_163 = tpu.memref_slice %arg7[%add3A_53, %dma_start3A_162] : memref<20480x32xf32, #tpu.memory_space<hbm>> -> memref<128x32xf32, #tpu.memory_space<hbm>>
      %dma_start3A_164 = arith.constant 0 : i32
      %dma_start3A_165 = tpu.memref_slice %arg7[%add3A_53, %dma_start3A_164] : memref<20480x32xf32, #tpu.memory_space<hbm>> -> memref<128x32xf32, #tpu.memory_space<hbm>>
      tpu.enqueue_dma source(%arg16 : memref<128x32xf32, #tpu.memory_space<vmem>>) target(%dma_start3A_165 : memref<128x32xf32, #tpu.memory_space<hbm>>) target_semaphore(%run_scoped3A : memref<!tpu.dma_semaphore, #tpu.memory_space<semaphore_mem>>)
      %dma_wait3A_166 = arith.constant 0 : i32
      %dma_wait3A_167 = tpu.memref_slice %arg7[%add3A_53, %dma_wait3A_166] : memref<20480x32xf32, #tpu.memory_space<hbm>> -> memref<128x32xf32, #tpu.memory_space<hbm>>
      %dma_wait3A_168 = arith.constant 0 : i32
      %dma_wait3A_169 = tpu.memref_slice %arg7[%add3A_53, %dma_wait3A_168] : memref<20480x32xf32, #tpu.memory_space<hbm>> -> memref<128x32xf32, #tpu.memory_space<hbm>>
      tpu.wait_dma2 semaphore(%run_scoped3A : memref<!tpu.dma_semaphore, #tpu.memory_space<semaphore_mem>>) src(%arg16 : memref<128x32xf32, #tpu.memory_space<vmem>>) dst(%dma_wait3A_169 : memref<128x32xf32, #tpu.memory_space<hbm>>)
      tpu.yield
    }) : () -> ()
    "tpu.region"() ({
      %run_scoped3A = tpu.sem_alloc : memref<!tpu.dma_semaphore, #tpu.memory_space<semaphore_mem>>
      %dma_start3A_162 = arith.constant 0 : i32
      %dma_start3A_163 = tpu.memref_slice %arg9[%add3A_51, %dma_start3A_162] : memref<10240x32xf32, #tpu.memory_space<vmem_shared>> -> memref<128x32xf32, #tpu.memory_space<vmem_shared>>
      %dma_start3A_164 = arith.constant 0 : i32
      %dma_start3A_165 = tpu.memref_slice %arg9[%add3A_51, %dma_start3A_164] : memref<10240x32xf32, #tpu.memory_space<vmem_shared>> -> memref<128x32xf32, #tpu.memory_space<vmem_shared>>
      tpu.enqueue_dma source(%arg14 : memref<128x32xf32, #tpu.memory_space<vmem>>) target(%dma_start3A_165 : memref<128x32xf32, #tpu.memory_space<vmem_shared>>) target_semaphore(%run_scoped3A : memref<!tpu.dma_semaphore, #tpu.memory_space<semaphore_mem>>)
      %dma_wait3A_166 = arith.constant 0 : i32
      %dma_wait3A_167 = tpu.memref_slice %arg9[%add3A_51, %dma_wait3A_166] : memref<10240x32xf32, #tpu.memory_space<vmem_shared>> -> memref<128x32xf32, #tpu.memory_space<vmem_shared>>
      %dma_wait3A_168 = arith.constant 0 : i32
      %dma_wait3A_169 = tpu.memref_slice %arg9[%add3A_51, %dma_wait3A_168] : memref<10240x32xf32, #tpu.memory_space<vmem_shared>> -> memref<128x32xf32, #tpu.memory_space<vmem_shared>>
      tpu.wait_dma2 semaphore(%run_scoped3A : memref<!tpu.dma_semaphore, #tpu.memory_space<semaphore_mem>>) src(%arg14 : memref<128x32xf32, #tpu.memory_space<vmem>>) dst(%dma_wait3A_169 : memref<128x32xf32, #tpu.memory_space<vmem_shared>>)
      tpu.yield
    }) : () -> ()
    "tpu.region"() ({
      %run_scoped3A = tpu.sem_alloc : memref<!tpu.dma_semaphore, #tpu.memory_space<semaphore_mem>>
      %dma_start3A_162 = arith.constant 0 : i32
      %dma_start3A_163 = tpu.memref_slice %arg10[%add3A_51, %dma_start3A_162] : memref<10240x32xf32, #tpu.memory_space<vmem_shared>> -> memref<128x32xf32, #tpu.memory_space<vmem_shared>>
      %dma_start3A_164 = arith.constant 0 : i32
      %dma_start3A_165 = tpu.memref_slice %arg10[%add3A_51, %dma_start3A_164] : memref<10240x32xf32, #tpu.memory_space<vmem_shared>> -> memref<128x32xf32, #tpu.memory_space<vmem_shared>>
      tpu.enqueue_dma source(%arg14 : memref<128x32xf32, #tpu.memory_space<vmem>>) target(%dma_start3A_165 : memref<128x32xf32, #tpu.memory_space<vmem_shared>>) target_semaphore(%run_scoped3A : memref<!tpu.dma_semaphore, #tpu.memory_space<semaphore_mem>>)
      %dma_wait3A_166 = arith.constant 0 : i32
      %dma_wait3A_167 = tpu.memref_slice %arg10[%add3A_51, %dma_wait3A_166] : memref<10240x32xf32, #tpu.memory_space<vmem_shared>> -> memref<128x32xf32, #tpu.memory_space<vmem_shared>>
      %dma_wait3A_168 = arith.constant 0 : i32
      %dma_wait3A_169 = tpu.memref_slice %arg10[%add3A_51, %dma_wait3A_168] : memref<10240x32xf32, #tpu.memory_space<vmem_shared>> -> memref<128x32xf32, #tpu.memory_space<vmem_shared>>
      tpu.wait_dma2 semaphore(%run_scoped3A : memref<!tpu.dma_semaphore, #tpu.memory_space<semaphore_mem>>) src(%arg14 : memref<128x32xf32, #tpu.memory_space<vmem>>) dst(%dma_wait3A_169 : memref<128x32xf32, #tpu.memory_space<vmem_shared>>)
      tpu.yield
    }) : () -> ()
    %add3A_59 = arith.constant 128 : i32
    %add3A_60 = arith.addi %mul3A_0, %add3A_59 : i32
    %add3A_61 = arith.constant 128 : i32
    %add3A_62 = arith.addi %add3A, %add3A_61 : i32
    "tpu.region"() ({
      %run_scoped3A = tpu.sem_alloc : memref<!tpu.dma_semaphore, #tpu.memory_space<semaphore_mem>>
      %dma_start3A_162 = arith.constant 0 : i32
      %dma_start3A_163 = tpu.memref_slice %arg10[%add3A_60, %dma_start3A_162] : memref<10240x32xf32, #tpu.memory_space<vmem_shared>> -> memref<128x32xf32, #tpu.memory_space<vmem_shared>>
      %dma_start3A_164 = arith.constant 0 : i32
      %dma_start3A_165 = tpu.memref_slice %arg10[%add3A_60, %dma_start3A_164] : memref<10240x32xf32, #tpu.memory_space<vmem_shared>> -> memref<128x32xf32, #tpu.memory_space<vmem_shared>>
      tpu.enqueue_dma source(%dma_start3A_165 : memref<128x32xf32, #tpu.memory_space<vmem_shared>>) target(%arg19 : memref<128x32xf32, #tpu.memory_space<vmem>>) target_semaphore(%run_scoped3A : memref<!tpu.dma_semaphore, #tpu.memory_space<semaphore_mem>>)
      %dma_wait3A_166 = arith.constant 0 : i32
      %dma_wait3A_167 = tpu.memref_slice %arg10[%add3A_60, %dma_wait3A_166] : memref<10240x32xf32, #tpu.memory_space<vmem_shared>> -> memref<128x32xf32, #tpu.memory_space<vmem_shared>>
      %dma_wait3A_168 = arith.constant 0 : i32
      %dma_wait3A_169 = tpu.memref_slice %arg10[%add3A_60, %dma_wait3A_168] : memref<10240x32xf32, #tpu.memory_space<vmem_shared>> -> memref<128x32xf32, #tpu.memory_space<vmem_shared>>
      tpu.wait_dma2 semaphore(%run_scoped3A : memref<!tpu.dma_semaphore, #tpu.memory_space<semaphore_mem>>) src(%dma_wait3A_169 : memref<128x32xf32, #tpu.memory_space<vmem_shared>>) dst(%arg19 : memref<128x32xf32, #tpu.memory_space<vmem>>)
      tpu.yield
    }) : () -> ()
    "tpu.region"() ({
      %run_scoped3A = tpu.sem_alloc : memref<!tpu.dma_semaphore, #tpu.memory_space<semaphore_mem>>
      %dma_start3A_162 = arith.constant 0 : i32
      %dma_start3A_163 = tpu.memref_slice %arg2[%add3A_62, %dma_start3A_162] : memref<20480x32xf32, #tpu.memory_space<hbm>> -> memref<128x32xf32, #tpu.memory_space<hbm>>
      %dma_start3A_164 = arith.constant 0 : i32
      %dma_start3A_165 = tpu.memref_slice %arg2[%add3A_62, %dma_start3A_164] : memref<20480x32xf32, #tpu.memory_space<hbm>> -> memref<128x32xf32, #tpu.memory_space<hbm>>
      tpu.enqueue_dma source(%dma_start3A_165 : memref<128x32xf32, #tpu.memory_space<hbm>>) target(%arg14 : memref<128x32xf32, #tpu.memory_space<vmem>>) target_semaphore(%run_scoped3A : memref<!tpu.dma_semaphore, #tpu.memory_space<semaphore_mem>>)
      %dma_wait3A_166 = arith.constant 0 : i32
      %dma_wait3A_167 = tpu.memref_slice %arg2[%add3A_62, %dma_wait3A_166] : memref<20480x32xf32, #tpu.memory_space<hbm>> -> memref<128x32xf32, #tpu.memory_space<hbm>>
      %dma_wait3A_168 = arith.constant 0 : i32
      %dma_wait3A_169 = tpu.memref_slice %arg2[%add3A_62, %dma_wait3A_168] : memref<20480x32xf32, #tpu.memory_space<hbm>> -> memref<128x32xf32, #tpu.memory_space<hbm>>
      tpu.wait_dma2 semaphore(%run_scoped3A : memref<!tpu.dma_semaphore, #tpu.memory_space<semaphore_mem>>) src(%dma_wait3A_169 : memref<128x32xf32, #tpu.memory_space<hbm>>) dst(%arg14 : memref<128x32xf32, #tpu.memory_space<vmem>>)
      tpu.yield
    }) : () -> ()
    %scan3A_63 = arith.constant 0 : i32
    %scan3A_64 = arith.constant 128 : i32
    %scan3A_65 = arith.addi %scan3A_63, %scan3A_64 : i32
    %scan3A_66 = arith.constant 1 : i32
    scf.for %scan3A_162 = %scan3A_63 to %scan3A_65 step %scan3A_66  : i32 {
      %mul3A_163 = arith.constant 1 : i32
      %mul3A_164 = arith.muli %scan3A_162, %mul3A_163 : i32
      %add3A_165 = arith.constant 0 : i32
      %add3A_166 = arith.addi %add3A_165, %mul3A_164 : i32
      %get3A = arith.index_cast %add3A_166 : i32 to index
      %get3A_167 = arith.constant 0 : index
      %get3A_168 = tpu.vector_load %arg19[%get3A, %get3A_167] {strides = array<i32>} : memref<128x32xf32, #tpu.memory_space<vmem>>, vector<16xf32>,
      %add3A_169 = arith.constant 1.000000e+00 : f32
      %add3A_170 = vector.broadcast %add3A_169 : f32 to vector<16xf32>
      %add3A_171 = arith.addf %get3A_168, %add3A_170 : vector<16xf32>
      %bitcast3A = vector.bitcast %add3A_171 : vector<16xf32> to vector<16xi32>
      %shift_right_arithmetic3A = arith.constant 1 : i32
      %shift_right_arithmetic3A_172 = vector.broadcast %shift_right_arithmetic3A : i32 to vector<16xi32>
      %shift_right_arithmetic3A_173 = arith.shrsi %bitcast3A, %shift_right_arithmetic3A_172 : vector<16xi32>
      %sub3A = arith.constant 1597463007 : i32
      %sub3A_174 = vector.broadcast %sub3A : i32 to vector<16xi32>
      %sub3A_175 = arith.subi %sub3A_174, %shift_right_arithmetic3A_173 : vector<16xi32>
      %bitcast3A_176 = vector.bitcast %sub3A_175 : vector<16xi32> to vector<16xf32>
      %mul3A_177 = arith.constant 5.000000e-01 : f32
      %mul3A_178 = vector.broadcast %mul3A_177 : f32 to vector<16xf32>
      %mul3A_179 = arith.mulf %mul3A_178, %add3A_171 : vector<16xf32>
      %mul3A_180 = arith.mulf %mul3A_179, %bitcast3A_176 : vector<16xf32>
      %mul3A_181 = arith.mulf %mul3A_180, %bitcast3A_176 : vector<16xf32>
      %sub3A_182 = arith.constant 1.500000e+00 : f32
      %sub3A_183 = vector.broadcast %sub3A_182 : f32 to vector<16xf32>
      %sub3A_184 = arith.subf %sub3A_183, %mul3A_181 : vector<16xf32>
      %mul3A_185 = arith.mulf %bitcast3A_176, %sub3A_184 : vector<16xf32>
      %mul3A_186 = arith.constant 5.000000e-01 : f32
      %mul3A_187 = vector.broadcast %mul3A_186 : f32 to vector<16xf32>
      %mul3A_188 = arith.mulf %mul3A_187, %add3A_171 : vector<16xf32>
      %mul3A_189 = arith.mulf %mul3A_188, %mul3A_185 : vector<16xf32>
      %mul3A_190 = arith.mulf %mul3A_189, %mul3A_185 : vector<16xf32>
      %sub3A_191 = arith.constant 1.500000e+00 : f32
      %sub3A_192 = vector.broadcast %sub3A_191 : f32 to vector<16xf32>
      %sub3A_193 = arith.subf %sub3A_192, %mul3A_190 : vector<16xf32>
      %mul3A_194 = arith.mulf %mul3A_185, %sub3A_193 : vector<16xf32>
      %mul3A_195 = arith.constant 5.000000e-01 : f32
      %mul3A_196 = vector.broadcast %mul3A_195 : f32 to vector<16xf32>
      %mul3A_197 = arith.mulf %mul3A_196, %add3A_171 : vector<16xf32>
      %mul3A_198 = arith.mulf %mul3A_197, %mul3A_194 : vector<16xf32>
      %mul3A_199 = arith.mulf %mul3A_198, %mul3A_194 : vector<16xf32>
      %sub3A_200 = arith.constant 1.500000e+00 : f32
      %sub3A_201 = vector.broadcast %sub3A_200 : f32 to vector<16xf32>
      %sub3A_202 = arith.subf %sub3A_201, %mul3A_199 : vector<16xf32>
      %mul3A_203 = arith.mulf %mul3A_194, %sub3A_202 : vector<16xf32>
      %mul3A_204 = arith.constant 0.899999976 : f32
      %mul3A_205 = vector.broadcast %mul3A_204 : f32 to vector<16xf32>
      %mul3A_206 = arith.mulf %mul3A_205, %mul3A_203 : vector<16xf32>
      %mul3A_207 = arith.mulf %mul3A_206, %mul3A_203 : vector<16xf32>
      %mul3A_208 = arith.constant 0.899999976 : f32
      %mul3A_209 = vector.broadcast %mul3A_208 : f32 to vector<16xf32>
      %mul3A_210 = arith.mulf %mul3A_209, %mul3A_203 : vector<16xf32>
      %swap3A = arith.index_cast %add3A_166 : i32 to index
      %swap3A_211 = arith.constant 0 : index
      %swap3A_212 = tpu.vector_load %arg13[%swap3A, %swap3A_211] {strides = array<i32>} : memref<128x32xf32, #tpu.memory_space<vmem>>, vector<16xf32>,
      tpu.vector_store %arg13[%swap3A, %swap3A_211], %mul3A_207 {strides = array<i32>} : memref<128x32xf32, #tpu.memory_space<vmem>>, vector<16xf32>,
      %swap3A_213 = arith.index_cast %add3A_166 : i32 to index
      %swap3A_214 = arith.constant 0 : index
      %swap3A_215 = tpu.vector_load %arg20[%swap3A_213, %swap3A_214] {strides = array<i32>} : memref<128x32xf32, #tpu.memory_space<vmem>>, vector<16xf32>,
      tpu.vector_store %arg20[%swap3A_213, %swap3A_214], %mul3A_210 {strides = array<i32>} : memref<128x32xf32, #tpu.memory_space<vmem>>, vector<16xf32>,
      %get3A_216 = arith.index_cast %add3A_166 : i32 to index
      %get3A_217 = arith.constant 0 : index
      %get3A_218 = tpu.vector_load %arg14[%get3A_216, %get3A_217] {strides = array<i32>} : memref<128x32xf32, #tpu.memory_space<vmem>>, vector<16xf32>,
      %mul3A_219 = arith.constant 1.000000e-01 : f32
      %mul3A_220 = vector.broadcast %mul3A_219 : f32 to vector<16xf32>
      %mul3A_221 = arith.mulf %mul3A_220, %mul3A_203 : vector<16xf32>
      %mul3A_222 = arith.mulf %mul3A_221, %get3A_218 : vector<16xf32>
      %swap3A_223 = arith.index_cast %add3A_166 : i32 to index
      %swap3A_224 = arith.constant 0 : index
      %swap3A_225 = tpu.vector_load %arg16[%swap3A_223, %swap3A_224] {strides = array<i32>} : memref<128x32xf32, #tpu.memory_space<vmem>>, vector<16xf32>,
      tpu.vector_store %arg16[%swap3A_223, %swap3A_224], %mul3A_222 {strides = array<i32>} : memref<128x32xf32, #tpu.memory_space<vmem>>, vector<16xf32>,
      %mul3A_226 = arith.mulf %mul3A_203, %get3A_218 : vector<16xf32>
      %swap3A_227 = arith.index_cast %add3A_166 : i32 to index
      %swap3A_228 = arith.constant 0 : index
      %swap3A_229 = tpu.vector_load %arg14[%swap3A_227, %swap3A_228] {strides = array<i32>} : memref<128x32xf32, #tpu.memory_space<vmem>>, vector<16xf32>,
      tpu.vector_store %arg14[%swap3A_227, %swap3A_228], %mul3A_226 {strides = array<i32>} : memref<128x32xf32, #tpu.memory_space<vmem>>, vector<16xf32>,
      %swap3A_230 = arith.index_cast %add3A_166 : i32 to index
      %swap3A_231 = arith.constant 16 : index
      %swap3A_232 = tpu.vector_load %arg13[%swap3A_230, %swap3A_231] {strides = array<i32>} : memref<128x32xf32, #tpu.memory_space<vmem>>, vector<16xf32>,
      tpu.vector_store %arg13[%swap3A_230, %swap3A_231], %mul3A_207 {strides = array<i32>} : memref<128x32xf32, #tpu.memory_space<vmem>>, vector<16xf32>,
      %swap3A_233 = arith.index_cast %add3A_166 : i32 to index
      %swap3A_234 = arith.constant 16 : index
      %swap3A_235 = tpu.vector_load %arg20[%swap3A_233, %swap3A_234] {strides = array<i32>} : memref<128x32xf32, #tpu.memory_space<vmem>>, vector<16xf32>,
      tpu.vector_store %arg20[%swap3A_233, %swap3A_234], %mul3A_210 {strides = array<i32>} : memref<128x32xf32, #tpu.memory_space<vmem>>, vector<16xf32>,
      %get3A_236 = arith.index_cast %add3A_166 : i32 to index
      %get3A_237 = arith.constant 16 : index
      %get3A_238 = tpu.vector_load %arg14[%get3A_236, %get3A_237] {strides = array<i32>} : memref<128x32xf32, #tpu.memory_space<vmem>>, vector<16xf32>,
      %mul3A_239 = arith.constant 1.000000e-01 : f32
      %mul3A_240 = vector.broadcast %mul3A_239 : f32 to vector<16xf32>
      %mul3A_241 = arith.mulf %mul3A_240, %mul3A_203 : vector<16xf32>
      %mul3A_242 = arith.mulf %mul3A_241, %get3A_238 : vector<16xf32>
      %swap3A_243 = arith.index_cast %add3A_166 : i32 to index
      %swap3A_244 = arith.constant 16 : index
      %swap3A_245 = tpu.vector_load %arg16[%swap3A_243, %swap3A_244] {strides = array<i32>} : memref<128x32xf32, #tpu.memory_space<vmem>>, vector<16xf32>,
      tpu.vector_store %arg16[%swap3A_243, %swap3A_244], %mul3A_242 {strides = array<i32>} : memref<128x32xf32, #tpu.memory_space<vmem>>, vector<16xf32>,
      %mul3A_246 = arith.mulf %mul3A_203, %get3A_238 : vector<16xf32>
      %swap3A_247 = arith.index_cast %add3A_166 : i32 to index
      %swap3A_248 = arith.constant 16 : index
      %swap3A_249 = tpu.vector_load %arg14[%swap3A_247, %swap3A_248] {strides = array<i32>} : memref<128x32xf32, #tpu.memory_space<vmem>>, vector<16xf32>,
      tpu.vector_store %arg14[%swap3A_247, %swap3A_248], %mul3A_246 {strides = array<i32>} : memref<128x32xf32, #tpu.memory_space<vmem>>, vector<16xf32>,
    }
    %scan3A_67 = arith.constant 128 : i32
    "tpu.region"() ({
      %run_scoped3A = tpu.sem_alloc : memref<!tpu.dma_semaphore, #tpu.memory_space<semaphore_mem>>
      %dma_start3A_162 = arith.constant 0 : i32
      %dma_start3A_163 = tpu.memref_slice %arg6[%add3A_62, %dma_start3A_162] : memref<20480x32xf32, #tpu.memory_space<hbm>> -> memref<128x32xf32, #tpu.memory_space<hbm>>
      %dma_start3A_164 = arith.constant 0 : i32
      %dma_start3A_165 = tpu.memref_slice %arg6[%add3A_62, %dma_start3A_164] : memref<20480x32xf32, #tpu.memory_space<hbm>> -> memref<128x32xf32, #tpu.memory_space<hbm>>
      tpu.enqueue_dma source(%arg13 : memref<128x32xf32, #tpu.memory_space<vmem>>) target(%dma_start3A_165 : memref<128x32xf32, #tpu.memory_space<hbm>>) target_semaphore(%run_scoped3A : memref<!tpu.dma_semaphore, #tpu.memory_space<semaphore_mem>>)
      %dma_wait3A_166 = arith.constant 0 : i32
      %dma_wait3A_167 = tpu.memref_slice %arg6[%add3A_62, %dma_wait3A_166] : memref<20480x32xf32, #tpu.memory_space<hbm>> -> memref<128x32xf32, #tpu.memory_space<hbm>>
      %dma_wait3A_168 = arith.constant 0 : i32
      %dma_wait3A_169 = tpu.memref_slice %arg6[%add3A_62, %dma_wait3A_168] : memref<20480x32xf32, #tpu.memory_space<hbm>> -> memref<128x32xf32, #tpu.memory_space<hbm>>
      tpu.wait_dma2 semaphore(%run_scoped3A : memref<!tpu.dma_semaphore, #tpu.memory_space<semaphore_mem>>) src(%arg13 : memref<128x32xf32, #tpu.memory_space<vmem>>) dst(%dma_wait3A_169 : memref<128x32xf32, #tpu.memory_space<hbm>>)
      tpu.yield
    }) : () -> ()
    "tpu.region"() ({
      %run_scoped3A = tpu.sem_alloc : memref<!tpu.dma_semaphore, #tpu.memory_space<semaphore_mem>>
      %dma_start3A_162 = arith.constant 0 : i32
      %dma_start3A_163 = tpu.memref_slice %arg8[%add3A_62, %dma_start3A_162] : memref<20480x32xf32, #tpu.memory_space<hbm>> -> memref<128x32xf32, #tpu.memory_space<hbm>>
      %dma_start3A_164 = arith.constant 0 : i32
      %dma_start3A_165 = tpu.memref_slice %arg8[%add3A_62, %dma_start3A_164] : memref<20480x32xf32, #tpu.memory_space<hbm>> -> memref<128x32xf32, #tpu.memory_space<hbm>>
      tpu.enqueue_dma source(%arg20 : memref<128x32xf32, #tpu.memory_space<vmem>>) target(%dma_start3A_165 : memref<128x32xf32, #tpu.memory_space<hbm>>) target_semaphore(%run_scoped3A : memref<!tpu.dma_semaphore, #tpu.memory_space<semaphore_mem>>)
      %dma_wait3A_166 = arith.constant 0 : i32
      %dma_wait3A_167 = tpu.memref_slice %arg8[%add3A_62, %dma_wait3A_166] : memref<20480x32xf32, #tpu.memory_space<hbm>> -> memref<128x32xf32, #tpu.memory_space<hbm>>
      %dma_wait3A_168 = arith.constant 0 : i32
      %dma_wait3A_169 = tpu.memref_slice %arg8[%add3A_62, %dma_wait3A_168] : memref<20480x32xf32, #tpu.memory_space<hbm>> -> memref<128x32xf32, #tpu.memory_space<hbm>>
      tpu.wait_dma2 semaphore(%run_scoped3A : memref<!tpu.dma_semaphore, #tpu.memory_space<semaphore_mem>>) src(%arg20 : memref<128x32xf32, #tpu.memory_space<vmem>>) dst(%dma_wait3A_169 : memref<128x32xf32, #tpu.memory_space<hbm>>)
      tpu.yield
    }) : () -> ()
    "tpu.region"() ({
      %run_scoped3A = tpu.sem_alloc : memref<!tpu.dma_semaphore, #tpu.memory_space<semaphore_mem>>
      %dma_start3A_162 = arith.constant 0 : i32
      %dma_start3A_163 = tpu.memref_slice %arg7[%add3A_62, %dma_start3A_162] : memref<20480x32xf32, #tpu.memory_space<hbm>> -> memref<128x32xf32, #tpu.memory_space<hbm>>
      %dma_start3A_164 = arith.constant 0 : i32
      %dma_start3A_165 = tpu.memref_slice %arg7[%add3A_62, %dma_start3A_164] : memref<20480x32xf32, #tpu.memory_space<hbm>> -> memref<128x32xf32, #tpu.memory_space<hbm>>
      tpu.enqueue_dma source(%arg16 : memref<128x32xf32, #tpu.memory_space<vmem>>) target(%dma_start3A_165 : memref<128x32xf32, #tpu.memory_space<hbm>>) target_semaphore(%run_scoped3A : memref<!tpu.dma_semaphore, #tpu.memory_space<semaphore_mem>>)
      %dma_wait3A_166 = arith.constant 0 : i32
      %dma_wait3A_167 = tpu.memref_slice %arg7[%add3A_62, %dma_wait3A_166] : memref<20480x32xf32, #tpu.memory_space<hbm>> -> memref<128x32xf32, #tpu.memory_space<hbm>>
      %dma_wait3A_168 = arith.constant 0 : i32
      %dma_wait3A_169 = tpu.memref_slice %arg7[%add3A_62, %dma_wait3A_168] : memref<20480x32xf32, #tpu.memory_space<hbm>> -> memref<128x32xf32, #tpu.memory_space<hbm>>
      tpu.wait_dma2 semaphore(%run_scoped3A : memref<!tpu.dma_semaphore, #tpu.memory_space<semaphore_mem>>) src(%arg16 : memref<128x32xf32, #tpu.memory_space<vmem>>) dst(%dma_wait3A_169 : memref<128x32xf32, #tpu.memory_space<hbm>>)
      tpu.yield
    }) : () -> ()
    "tpu.region"() ({
      %run_scoped3A = tpu.sem_alloc : memref<!tpu.dma_semaphore, #tpu.memory_space<semaphore_mem>>
      %dma_start3A_162 = arith.constant 0 : i32
      %dma_start3A_163 = tpu.memref_slice %arg9[%add3A_60, %dma_start3A_162] : memref<10240x32xf32, #tpu.memory_space<vmem_shared>> -> memref<128x32xf32, #tpu.memory_space<vmem_shared>>
      %dma_start3A_164 = arith.constant 0 : i32
      %dma_start3A_165 = tpu.memref_slice %arg9[%add3A_60, %dma_start3A_164] : memref<10240x32xf32, #tpu.memory_space<vmem_shared>> -> memref<128x32xf32, #tpu.memory_space<vmem_shared>>
      tpu.enqueue_dma source(%arg14 : memref<128x32xf32, #tpu.memory_space<vmem>>) target(%dma_start3A_165 : memref<128x32xf32, #tpu.memory_space<vmem_shared>>) target_semaphore(%run_scoped3A : memref<!tpu.dma_semaphore, #tpu.memory_space<semaphore_mem>>)
      %dma_wait3A_166 = arith.constant 0 : i32
      %dma_wait3A_167 = tpu.memref_slice %arg9[%add3A_60, %dma_wait3A_166] : memref<10240x32xf32, #tpu.memory_space<vmem_shared>> -> memref<128x32xf32, #tpu.memory_space<vmem_shared>>
      %dma_wait3A_168 = arith.constant 0 : i32
      %dma_wait3A_169 = tpu.memref_slice %arg9[%add3A_60, %dma_wait3A_168] : memref<10240x32xf32, #tpu.memory_space<vmem_shared>> -> memref<128x32xf32, #tpu.memory_space<vmem_shared>>
      tpu.wait_dma2 semaphore(%run_scoped3A : memref<!tpu.dma_semaphore, #tpu.memory_space<semaphore_mem>>) src(%arg14 : memref<128x32xf32, #tpu.memory_space<vmem>>) dst(%dma_wait3A_169 : memref<128x32xf32, #tpu.memory_space<vmem_shared>>)
      tpu.yield
    }) : () -> ()
    "tpu.region"() ({
      %run_scoped3A = tpu.sem_alloc : memref<!tpu.dma_semaphore, #tpu.memory_space<semaphore_mem>>
      %dma_start3A_162 = arith.constant 0 : i32
      %dma_start3A_163 = tpu.memref_slice %arg10[%add3A_60, %dma_start3A_162] : memref<10240x32xf32, #tpu.memory_space<vmem_shared>> -> memref<128x32xf32, #tpu.memory_space<vmem_shared>>
      %dma_start3A_164 = arith.constant 0 : i32
      %dma_start3A_165 = tpu.memref_slice %arg10[%add3A_60, %dma_start3A_164] : memref<10240x32xf32, #tpu.memory_space<vmem_shared>> -> memref<128x32xf32, #tpu.memory_space<vmem_shared>>
      tpu.enqueue_dma source(%arg14 : memref<128x32xf32, #tpu.memory_space<vmem>>) target(%dma_start3A_165 : memref<128x32xf32, #tpu.memory_space<vmem_shared>>) target_semaphore(%run_scoped3A : memref<!tpu.dma_semaphore, #tpu.memory_space<semaphore_mem>>)
      %dma_wait3A_166 = arith.constant 0 : i32
      %dma_wait3A_167 = tpu.memref_slice %arg10[%add3A_60, %dma_wait3A_166] : memref<10240x32xf32, #tpu.memory_space<vmem_shared>> -> memref<128x32xf32, #tpu.memory_space<vmem_shared>>
      %dma_wait3A_168 = arith.constant 0 : i32
      %dma_wait3A_169 = tpu.memref_slice %arg10[%add3A_60, %dma_wait3A_168] : memref<10240x32xf32, #tpu.memory_space<vmem_shared>> -> memref<128x32xf32, #tpu.memory_space<vmem_shared>>
      tpu.wait_dma2 semaphore(%run_scoped3A : memref<!tpu.dma_semaphore, #tpu.memory_space<semaphore_mem>>) src(%arg14 : memref<128x32xf32, #tpu.memory_space<vmem>>) dst(%dma_wait3A_169 : memref<128x32xf32, #tpu.memory_space<vmem_shared>>)
      tpu.yield
    }) : () -> ()
    %add3A_68 = arith.constant 256 : i32
    %add3A_69 = arith.addi %mul3A_0, %add3A_68 : i32
    %add3A_70 = arith.constant 256 : i32
    %add3A_71 = arith.addi %add3A, %add3A_70 : i32
    "tpu.region"() ({
      %run_scoped3A = tpu.sem_alloc : memref<!tpu.dma_semaphore, #tpu.memory_space<semaphore_mem>>
      %dma_start3A_162 = arith.constant 0 : i32
      %dma_start3A_163 = tpu.memref_slice %arg10[%add3A_69, %dma_start3A_162] : memref<10240x32xf32, #tpu.memory_space<vmem_shared>> -> memref<128x32xf32, #tpu.memory_space<vmem_shared>>
      %dma_start3A_164 = arith.constant 0 : i32
      %dma_start3A_165 = tpu.memref_slice %arg10[%add3A_69, %dma_start3A_164] : memref<10240x32xf32, #tpu.memory_space<vmem_shared>> -> memref<128x32xf32, #tpu.memory_space<vmem_shared>>
      tpu.enqueue_dma source(%dma_start3A_165 : memref<128x32xf32, #tpu.memory_space<vmem_shared>>) target(%arg19 : memref<128x32xf32, #tpu.memory_space<vmem>>) target_semaphore(%run_scoped3A : memref<!tpu.dma_semaphore, #tpu.memory_space<semaphore_mem>>)
      %dma_wait3A_166 = arith.constant 0 : i32
      %dma_wait3A_167 = tpu.memref_slice %arg10[%add3A_69, %dma_wait3A_166] : memref<10240x32xf32, #tpu.memory_space<vmem_shared>> -> memref<128x32xf32, #tpu.memory_space<vmem_shared>>
      %dma_wait3A_168 = arith.constant 0 : i32
      %dma_wait3A_169 = tpu.memref_slice %arg10[%add3A_69, %dma_wait3A_168] : memref<10240x32xf32, #tpu.memory_space<vmem_shared>> -> memref<128x32xf32, #tpu.memory_space<vmem_shared>>
      tpu.wait_dma2 semaphore(%run_scoped3A : memref<!tpu.dma_semaphore, #tpu.memory_space<semaphore_mem>>) src(%dma_wait3A_169 : memref<128x32xf32, #tpu.memory_space<vmem_shared>>) dst(%arg19 : memref<128x32xf32, #tpu.memory_space<vmem>>)
      tpu.yield
    }) : () -> ()
    "tpu.region"() ({
      %run_scoped3A = tpu.sem_alloc : memref<!tpu.dma_semaphore, #tpu.memory_space<semaphore_mem>>
      %dma_start3A_162 = arith.constant 0 : i32
      %dma_start3A_163 = tpu.memref_slice %arg2[%add3A_71, %dma_start3A_162] : memref<20480x32xf32, #tpu.memory_space<hbm>> -> memref<128x32xf32, #tpu.memory_space<hbm>>
      %dma_start3A_164 = arith.constant 0 : i32
      %dma_start3A_165 = tpu.memref_slice %arg2[%add3A_71, %dma_start3A_164] : memref<20480x32xf32, #tpu.memory_space<hbm>> -> memref<128x32xf32, #tpu.memory_space<hbm>>
      tpu.enqueue_dma source(%dma_start3A_165 : memref<128x32xf32, #tpu.memory_space<hbm>>) target(%arg14 : memref<128x32xf32, #tpu.memory_space<vmem>>) target_semaphore(%run_scoped3A : memref<!tpu.dma_semaphore, #tpu.memory_space<semaphore_mem>>)
      %dma_wait3A_166 = arith.constant 0 : i32
      %dma_wait3A_167 = tpu.memref_slice %arg2[%add3A_71, %dma_wait3A_166] : memref<20480x32xf32, #tpu.memory_space<hbm>> -> memref<128x32xf32, #tpu.memory_space<hbm>>
      %dma_wait3A_168 = arith.constant 0 : i32
      %dma_wait3A_169 = tpu.memref_slice %arg2[%add3A_71, %dma_wait3A_168] : memref<20480x32xf32, #tpu.memory_space<hbm>> -> memref<128x32xf32, #tpu.memory_space<hbm>>
      tpu.wait_dma2 semaphore(%run_scoped3A : memref<!tpu.dma_semaphore, #tpu.memory_space<semaphore_mem>>) src(%dma_wait3A_169 : memref<128x32xf32, #tpu.memory_space<hbm>>) dst(%arg14 : memref<128x32xf32, #tpu.memory_space<vmem>>)
      tpu.yield
    }) : () -> ()
    %scan3A_72 = arith.constant 0 : i32
    %scan3A_73 = arith.constant 128 : i32
    %scan3A_74 = arith.addi %scan3A_72, %scan3A_73 : i32
    %scan3A_75 = arith.constant 1 : i32
    scf.for %scan3A_162 = %scan3A_72 to %scan3A_74 step %scan3A_75  : i32 {
      %mul3A_163 = arith.constant 1 : i32
      %mul3A_164 = arith.muli %scan3A_162, %mul3A_163 : i32
      %add3A_165 = arith.constant 0 : i32
      %add3A_166 = arith.addi %add3A_165, %mul3A_164 : i32
      %get3A = arith.index_cast %add3A_166 : i32 to index
      %get3A_167 = arith.constant 0 : index
      %get3A_168 = tpu.vector_load %arg19[%get3A, %get3A_167] {strides = array<i32>} : memref<128x32xf32, #tpu.memory_space<vmem>>, vector<16xf32>,
      %add3A_169 = arith.constant 1.000000e+00 : f32
      %add3A_170 = vector.broadcast %add3A_169 : f32 to vector<16xf32>
      %add3A_171 = arith.addf %get3A_168, %add3A_170 : vector<16xf32>
      %bitcast3A = vector.bitcast %add3A_171 : vector<16xf32> to vector<16xi32>
      %shift_right_arithmetic3A = arith.constant 1 : i32
      %shift_right_arithmetic3A_172 = vector.broadcast %shift_right_arithmetic3A : i32 to vector<16xi32>
      %shift_right_arithmetic3A_173 = arith.shrsi %bitcast3A, %shift_right_arithmetic3A_172 : vector<16xi32>
      %sub3A = arith.constant 1597463007 : i32
      %sub3A_174 = vector.broadcast %sub3A : i32 to vector<16xi32>
      %sub3A_175 = arith.subi %sub3A_174, %shift_right_arithmetic3A_173 : vector<16xi32>
      %bitcast3A_176 = vector.bitcast %sub3A_175 : vector<16xi32> to vector<16xf32>
      %mul3A_177 = arith.constant 5.000000e-01 : f32
      %mul3A_178 = vector.broadcast %mul3A_177 : f32 to vector<16xf32>
      %mul3A_179 = arith.mulf %mul3A_178, %add3A_171 : vector<16xf32>
      %mul3A_180 = arith.mulf %mul3A_179, %bitcast3A_176 : vector<16xf32>
      %mul3A_181 = arith.mulf %mul3A_180, %bitcast3A_176 : vector<16xf32>
      %sub3A_182 = arith.constant 1.500000e+00 : f32
      %sub3A_183 = vector.broadcast %sub3A_182 : f32 to vector<16xf32>
      %sub3A_184 = arith.subf %sub3A_183, %mul3A_181 : vector<16xf32>
      %mul3A_185 = arith.mulf %bitcast3A_176, %sub3A_184 : vector<16xf32>
      %mul3A_186 = arith.constant 5.000000e-01 : f32
      %mul3A_187 = vector.broadcast %mul3A_186 : f32 to vector<16xf32>
      %mul3A_188 = arith.mulf %mul3A_187, %add3A_171 : vector<16xf32>
      %mul3A_189 = arith.mulf %mul3A_188, %mul3A_185 : vector<16xf32>
      %mul3A_190 = arith.mulf %mul3A_189, %mul3A_185 : vector<16xf32>
      %sub3A_191 = arith.constant 1.500000e+00 : f32
      %sub3A_192 = vector.broadcast %sub3A_191 : f32 to vector<16xf32>
      %sub3A_193 = arith.subf %sub3A_192, %mul3A_190 : vector<16xf32>
      %mul3A_194 = arith.mulf %mul3A_185, %sub3A_193 : vector<16xf32>
      %mul3A_195 = arith.constant 5.000000e-01 : f32
      %mul3A_196 = vector.broadcast %mul3A_195 : f32 to vector<16xf32>
      %mul3A_197 = arith.mulf %mul3A_196, %add3A_171 : vector<16xf32>
      %mul3A_198 = arith.mulf %mul3A_197, %mul3A_194 : vector<16xf32>
      %mul3A_199 = arith.mulf %mul3A_198, %mul3A_194 : vector<16xf32>
      %sub3A_200 = arith.constant 1.500000e+00 : f32
      %sub3A_201 = vector.broadcast %sub3A_200 : f32 to vector<16xf32>
      %sub3A_202 = arith.subf %sub3A_201, %mul3A_199 : vector<16xf32>
      %mul3A_203 = arith.mulf %mul3A_194, %sub3A_202 : vector<16xf32>
      %mul3A_204 = arith.constant 0.899999976 : f32
      %mul3A_205 = vector.broadcast %mul3A_204 : f32 to vector<16xf32>
      %mul3A_206 = arith.mulf %mul3A_205, %mul3A_203 : vector<16xf32>
      %mul3A_207 = arith.mulf %mul3A_206, %mul3A_203 : vector<16xf32>
      %mul3A_208 = arith.constant 0.899999976 : f32
      %mul3A_209 = vector.broadcast %mul3A_208 : f32 to vector<16xf32>
      %mul3A_210 = arith.mulf %mul3A_209, %mul3A_203 : vector<16xf32>
      %swap3A = arith.index_cast %add3A_166 : i32 to index
      %swap3A_211 = arith.constant 0 : index
      %swap3A_212 = tpu.vector_load %arg13[%swap3A, %swap3A_211] {strides = array<i32>} : memref<128x32xf32, #tpu.memory_space<vmem>>, vector<16xf32>,
      tpu.vector_store %arg13[%swap3A, %swap3A_211], %mul3A_207 {strides = array<i32>} : memref<128x32xf32, #tpu.memory_space<vmem>>, vector<16xf32>,
      %swap3A_213 = arith.index_cast %add3A_166 : i32 to index
      %swap3A_214 = arith.constant 0 : index
      %swap3A_215 = tpu.vector_load %arg20[%swap3A_213, %swap3A_214] {strides = array<i32>} : memref<128x32xf32, #tpu.memory_space<vmem>>, vector<16xf32>,
      tpu.vector_store %arg20[%swap3A_213, %swap3A_214], %mul3A_210 {strides = array<i32>} : memref<128x32xf32, #tpu.memory_space<vmem>>, vector<16xf32>,
      %get3A_216 = arith.index_cast %add3A_166 : i32 to index
      %get3A_217 = arith.constant 0 : index
      %get3A_218 = tpu.vector_load %arg14[%get3A_216, %get3A_217] {strides = array<i32>} : memref<128x32xf32, #tpu.memory_space<vmem>>, vector<16xf32>,
      %mul3A_219 = arith.constant 1.000000e-01 : f32
      %mul3A_220 = vector.broadcast %mul3A_219 : f32 to vector<16xf32>
      %mul3A_221 = arith.mulf %mul3A_220, %mul3A_203 : vector<16xf32>
      %mul3A_222 = arith.mulf %mul3A_221, %get3A_218 : vector<16xf32>
      %swap3A_223 = arith.index_cast %add3A_166 : i32 to index
      %swap3A_224 = arith.constant 0 : index
      %swap3A_225 = tpu.vector_load %arg16[%swap3A_223, %swap3A_224] {strides = array<i32>} : memref<128x32xf32, #tpu.memory_space<vmem>>, vector<16xf32>,
      tpu.vector_store %arg16[%swap3A_223, %swap3A_224], %mul3A_222 {strides = array<i32>} : memref<128x32xf32, #tpu.memory_space<vmem>>, vector<16xf32>,
      %mul3A_226 = arith.mulf %mul3A_203, %get3A_218 : vector<16xf32>
      %swap3A_227 = arith.index_cast %add3A_166 : i32 to index
      %swap3A_228 = arith.constant 0 : index
      %swap3A_229 = tpu.vector_load %arg14[%swap3A_227, %swap3A_228] {strides = array<i32>} : memref<128x32xf32, #tpu.memory_space<vmem>>, vector<16xf32>,
      tpu.vector_store %arg14[%swap3A_227, %swap3A_228], %mul3A_226 {strides = array<i32>} : memref<128x32xf32, #tpu.memory_space<vmem>>, vector<16xf32>,
      %swap3A_230 = arith.index_cast %add3A_166 : i32 to index
      %swap3A_231 = arith.constant 16 : index
      %swap3A_232 = tpu.vector_load %arg13[%swap3A_230, %swap3A_231] {strides = array<i32>} : memref<128x32xf32, #tpu.memory_space<vmem>>, vector<16xf32>,
      tpu.vector_store %arg13[%swap3A_230, %swap3A_231], %mul3A_207 {strides = array<i32>} : memref<128x32xf32, #tpu.memory_space<vmem>>, vector<16xf32>,
      %swap3A_233 = arith.index_cast %add3A_166 : i32 to index
      %swap3A_234 = arith.constant 16 : index
      %swap3A_235 = tpu.vector_load %arg20[%swap3A_233, %swap3A_234] {strides = array<i32>} : memref<128x32xf32, #tpu.memory_space<vmem>>, vector<16xf32>,
      tpu.vector_store %arg20[%swap3A_233, %swap3A_234], %mul3A_210 {strides = array<i32>} : memref<128x32xf32, #tpu.memory_space<vmem>>, vector<16xf32>,
      %get3A_236 = arith.index_cast %add3A_166 : i32 to index
      %get3A_237 = arith.constant 16 : index
      %get3A_238 = tpu.vector_load %arg14[%get3A_236, %get3A_237] {strides = array<i32>} : memref<128x32xf32, #tpu.memory_space<vmem>>, vector<16xf32>,
      %mul3A_239 = arith.constant 1.000000e-01 : f32
      %mul3A_240 = vector.broadcast %mul3A_239 : f32 to vector<16xf32>
      %mul3A_241 = arith.mulf %mul3A_240, %mul3A_203 : vector<16xf32>
      %mul3A_242 = arith.mulf %mul3A_241, %get3A_238 : vector<16xf32>
      %swap3A_243 = arith.index_cast %add3A_166 : i32 to index
      %swap3A_244 = arith.constant 16 : index
      %swap3A_245 = tpu.vector_load %arg16[%swap3A_243, %swap3A_244] {strides = array<i32>} : memref<128x32xf32, #tpu.memory_space<vmem>>, vector<16xf32>,
      tpu.vector_store %arg16[%swap3A_243, %swap3A_244], %mul3A_242 {strides = array<i32>} : memref<128x32xf32, #tpu.memory_space<vmem>>, vector<16xf32>,
      %mul3A_246 = arith.mulf %mul3A_203, %get3A_238 : vector<16xf32>
      %swap3A_247 = arith.index_cast %add3A_166 : i32 to index
      %swap3A_248 = arith.constant 16 : index
      %swap3A_249 = tpu.vector_load %arg14[%swap3A_247, %swap3A_248] {strides = array<i32>} : memref<128x32xf32, #tpu.memory_space<vmem>>, vector<16xf32>,
      tpu.vector_store %arg14[%swap3A_247, %swap3A_248], %mul3A_246 {strides = array<i32>} : memref<128x32xf32, #tpu.memory_space<vmem>>, vector<16xf32>,
    }
    %scan3A_76 = arith.constant 128 : i32
    "tpu.region"() ({
      %run_scoped3A = tpu.sem_alloc : memref<!tpu.dma_semaphore, #tpu.memory_space<semaphore_mem>>
      %dma_start3A_162 = arith.constant 0 : i32
      %dma_start3A_163 = tpu.memref_slice %arg6[%add3A_71, %dma_start3A_162] : memref<20480x32xf32, #tpu.memory_space<hbm>> -> memref<128x32xf32, #tpu.memory_space<hbm>>
      %dma_start3A_164 = arith.constant 0 : i32
      %dma_start3A_165 = tpu.memref_slice %arg6[%add3A_71, %dma_start3A_164] : memref<20480x32xf32, #tpu.memory_space<hbm>> -> memref<128x32xf32, #tpu.memory_space<hbm>>
      tpu.enqueue_dma source(%arg13 : memref<128x32xf32, #tpu.memory_space<vmem>>) target(%dma_start3A_165 : memref<128x32xf32, #tpu.memory_space<hbm>>) target_semaphore(%run_scoped3A : memref<!tpu.dma_semaphore, #tpu.memory_space<semaphore_mem>>)
      %dma_wait3A_166 = arith.constant 0 : i32
      %dma_wait3A_167 = tpu.memref_slice %arg6[%add3A_71, %dma_wait3A_166] : memref<20480x32xf32, #tpu.memory_space<hbm>> -> memref<128x32xf32, #tpu.memory_space<hbm>>
      %dma_wait3A_168 = arith.constant 0 : i32
      %dma_wait3A_169 = tpu.memref_slice %arg6[%add3A_71, %dma_wait3A_168] : memref<20480x32xf32, #tpu.memory_space<hbm>> -> memref<128x32xf32, #tpu.memory_space<hbm>>
      tpu.wait_dma2 semaphore(%run_scoped3A : memref<!tpu.dma_semaphore, #tpu.memory_space<semaphore_mem>>) src(%arg13 : memref<128x32xf32, #tpu.memory_space<vmem>>) dst(%dma_wait3A_169 : memref<128x32xf32, #tpu.memory_space<hbm>>)
      tpu.yield
    }) : () -> ()
    "tpu.region"() ({
      %run_scoped3A = tpu.sem_alloc : memref<!tpu.dma_semaphore, #tpu.memory_space<semaphore_mem>>
      %dma_start3A_162 = arith.constant 0 : i32
      %dma_start3A_163 = tpu.memref_slice %arg8[%add3A_71, %dma_start3A_162] : memref<20480x32xf32, #tpu.memory_space<hbm>> -> memref<128x32xf32, #tpu.memory_space<hbm>>
      %dma_start3A_164 = arith.constant 0 : i32
      %dma_start3A_165 = tpu.memref_slice %arg8[%add3A_71, %dma_start3A_164] : memref<20480x32xf32, #tpu.memory_space<hbm>> -> memref<128x32xf32, #tpu.memory_space<hbm>>
      tpu.enqueue_dma source(%arg20 : memref<128x32xf32, #tpu.memory_space<vmem>>) target(%dma_start3A_165 : memref<128x32xf32, #tpu.memory_space<hbm>>) target_semaphore(%run_scoped3A : memref<!tpu.dma_semaphore, #tpu.memory_space<semaphore_mem>>)
      %dma_wait3A_166 = arith.constant 0 : i32
      %dma_wait3A_167 = tpu.memref_slice %arg8[%add3A_71, %dma_wait3A_166] : memref<20480x32xf32, #tpu.memory_space<hbm>> -> memref<128x32xf32, #tpu.memory_space<hbm>>
      %dma_wait3A_168 = arith.constant 0 : i32
      %dma_wait3A_169 = tpu.memref_slice %arg8[%add3A_71, %dma_wait3A_168] : memref<20480x32xf32, #tpu.memory_space<hbm>> -> memref<128x32xf32, #tpu.memory_space<hbm>>
      tpu.wait_dma2 semaphore(%run_scoped3A : memref<!tpu.dma_semaphore, #tpu.memory_space<semaphore_mem>>) src(%arg20 : memref<128x32xf32, #tpu.memory_space<vmem>>) dst(%dma_wait3A_169 : memref<128x32xf32, #tpu.memory_space<hbm>>)
      tpu.yield
    }) : () -> ()
    "tpu.region"() ({
      %run_scoped3A = tpu.sem_alloc : memref<!tpu.dma_semaphore, #tpu.memory_space<semaphore_mem>>
      %dma_start3A_162 = arith.constant 0 : i32
      %dma_start3A_163 = tpu.memref_slice %arg7[%add3A_71, %dma_start3A_162] : memref<20480x32xf32, #tpu.memory_space<hbm>> -> memref<128x32xf32, #tpu.memory_space<hbm>>
      %dma_start3A_164 = arith.constant 0 : i32
      %dma_start3A_165 = tpu.memref_slice %arg7[%add3A_71, %dma_start3A_164] : memref<20480x32xf32, #tpu.memory_space<hbm>> -> memref<128x32xf32, #tpu.memory_space<hbm>>
      tpu.enqueue_dma source(%arg16 : memref<128x32xf32, #tpu.memory_space<vmem>>) target(%dma_start3A_165 : memref<128x32xf32, #tpu.memory_space<hbm>>) target_semaphore(%run_scoped3A : memref<!tpu.dma_semaphore, #tpu.memory_space<semaphore_mem>>)
      %dma_wait3A_166 = arith.constant 0 : i32
      %dma_wait3A_167 = tpu.memref_slice %arg7[%add3A_71, %dma_wait3A_166] : memref<20480x32xf32, #tpu.memory_space<hbm>> -> memref<128x32xf32, #tpu.memory_space<hbm>>
      %dma_wait3A_168 = arith.constant 0 : i32
      %dma_wait3A_169 = tpu.memref_slice %arg7[%add3A_71, %dma_wait3A_168] : memref<20480x32xf32, #tpu.memory_space<hbm>> -> memref<128x32xf32, #tpu.memory_space<hbm>>
      tpu.wait_dma2 semaphore(%run_scoped3A : memref<!tpu.dma_semaphore, #tpu.memory_space<semaphore_mem>>) src(%arg16 : memref<128x32xf32, #tpu.memory_space<vmem>>) dst(%dma_wait3A_169 : memref<128x32xf32, #tpu.memory_space<hbm>>)
      tpu.yield
    }) : () -> ()
    "tpu.region"() ({
      %run_scoped3A = tpu.sem_alloc : memref<!tpu.dma_semaphore, #tpu.memory_space<semaphore_mem>>
      %dma_start3A_162 = arith.constant 0 : i32
      %dma_start3A_163 = tpu.memref_slice %arg9[%add3A_69, %dma_start3A_162] : memref<10240x32xf32, #tpu.memory_space<vmem_shared>> -> memref<128x32xf32, #tpu.memory_space<vmem_shared>>
      %dma_start3A_164 = arith.constant 0 : i32
      %dma_start3A_165 = tpu.memref_slice %arg9[%add3A_69, %dma_start3A_164] : memref<10240x32xf32, #tpu.memory_space<vmem_shared>> -> memref<128x32xf32, #tpu.memory_space<vmem_shared>>
      tpu.enqueue_dma source(%arg14 : memref<128x32xf32, #tpu.memory_space<vmem>>) target(%dma_start3A_165 : memref<128x32xf32, #tpu.memory_space<vmem_shared>>) target_semaphore(%run_scoped3A : memref<!tpu.dma_semaphore, #tpu.memory_space<semaphore_mem>>)
      %dma_wait3A_166 = arith.constant 0 : i32
      %dma_wait3A_167 = tpu.memref_slice %arg9[%add3A_69, %dma_wait3A_166] : memref<10240x32xf32, #tpu.memory_space<vmem_shared>> -> memref<128x32xf32, #tpu.memory_space<vmem_shared>>
      %dma_wait3A_168 = arith.constant 0 : i32
      %dma_wait3A_169 = tpu.memref_slice %arg9[%add3A_69, %dma_wait3A_168] : memref<10240x32xf32, #tpu.memory_space<vmem_shared>> -> memref<128x32xf32, #tpu.memory_space<vmem_shared>>
      tpu.wait_dma2 semaphore(%run_scoped3A : memref<!tpu.dma_semaphore, #tpu.memory_space<semaphore_mem>>) src(%arg14 : memref<128x32xf32, #tpu.memory_space<vmem>>) dst(%dma_wait3A_169 : memref<128x32xf32, #tpu.memory_space<vmem_shared>>)
      tpu.yield
    }) : () -> ()
    "tpu.region"() ({
      %run_scoped3A = tpu.sem_alloc : memref<!tpu.dma_semaphore, #tpu.memory_space<semaphore_mem>>
      %dma_start3A_162 = arith.constant 0 : i32
      %dma_start3A_163 = tpu.memref_slice %arg10[%add3A_69, %dma_start3A_162] : memref<10240x32xf32, #tpu.memory_space<vmem_shared>> -> memref<128x32xf32, #tpu.memory_space<vmem_shared>>
      %dma_start3A_164 = arith.constant 0 : i32
      %dma_start3A_165 = tpu.memref_slice %arg10[%add3A_69, %dma_start3A_164] : memref<10240x32xf32, #tpu.memory_space<vmem_shared>> -> memref<128x32xf32, #tpu.memory_space<vmem_shared>>
      tpu.enqueue_dma source(%arg14 : memref<128x32xf32, #tpu.memory_space<vmem>>) target(%dma_start3A_165 : memref<128x32xf32, #tpu.memory_space<vmem_shared>>) target_semaphore(%run_scoped3A : memref<!tpu.dma_semaphore, #tpu.memory_space<semaphore_mem>>)
      %dma_wait3A_166 = arith.constant 0 : i32
      %dma_wait3A_167 = tpu.memref_slice %arg10[%add3A_69, %dma_wait3A_166] : memref<10240x32xf32, #tpu.memory_space<vmem_shared>> -> memref<128x32xf32, #tpu.memory_space<vmem_shared>>
      %dma_wait3A_168 = arith.constant 0 : i32
      %dma_wait3A_169 = tpu.memref_slice %arg10[%add3A_69, %dma_wait3A_168] : memref<10240x32xf32, #tpu.memory_space<vmem_shared>> -> memref<128x32xf32, #tpu.memory_space<vmem_shared>>
      tpu.wait_dma2 semaphore(%run_scoped3A : memref<!tpu.dma_semaphore, #tpu.memory_space<semaphore_mem>>) src(%arg14 : memref<128x32xf32, #tpu.memory_space<vmem>>) dst(%dma_wait3A_169 : memref<128x32xf32, #tpu.memory_space<vmem_shared>>)
      tpu.yield
    }) : () -> ()
    %add3A_77 = arith.constant 384 : i32
    %add3A_78 = arith.addi %mul3A_0, %add3A_77 : i32
    %add3A_79 = arith.constant 384 : i32
    %add3A_80 = arith.addi %add3A, %add3A_79 : i32
    "tpu.region"() ({
      %run_scoped3A = tpu.sem_alloc : memref<!tpu.dma_semaphore, #tpu.memory_space<semaphore_mem>>
      %dma_start3A_162 = arith.constant 0 : i32
      %dma_start3A_163 = tpu.memref_slice %arg10[%add3A_78, %dma_start3A_162] : memref<10240x32xf32, #tpu.memory_space<vmem_shared>> -> memref<128x32xf32, #tpu.memory_space<vmem_shared>>
      %dma_start3A_164 = arith.constant 0 : i32
      %dma_start3A_165 = tpu.memref_slice %arg10[%add3A_78, %dma_start3A_164] : memref<10240x32xf32, #tpu.memory_space<vmem_shared>> -> memref<128x32xf32, #tpu.memory_space<vmem_shared>>
      tpu.enqueue_dma source(%dma_start3A_165 : memref<128x32xf32, #tpu.memory_space<vmem_shared>>) target(%arg19 : memref<128x32xf32, #tpu.memory_space<vmem>>) target_semaphore(%run_scoped3A : memref<!tpu.dma_semaphore, #tpu.memory_space<semaphore_mem>>)
      %dma_wait3A_166 = arith.constant 0 : i32
      %dma_wait3A_167 = tpu.memref_slice %arg10[%add3A_78, %dma_wait3A_166] : memref<10240x32xf32, #tpu.memory_space<vmem_shared>> -> memref<128x32xf32, #tpu.memory_space<vmem_shared>>
      %dma_wait3A_168 = arith.constant 0 : i32
      %dma_wait3A_169 = tpu.memref_slice %arg10[%add3A_78, %dma_wait3A_168] : memref<10240x32xf32, #tpu.memory_space<vmem_shared>> -> memref<128x32xf32, #tpu.memory_space<vmem_shared>>
      tpu.wait_dma2 semaphore(%run_scoped3A : memref<!tpu.dma_semaphore, #tpu.memory_space<semaphore_mem>>) src(%dma_wait3A_169 : memref<128x32xf32, #tpu.memory_space<vmem_shared>>) dst(%arg19 : memref<128x32xf32, #tpu.memory_space<vmem>>)
      tpu.yield
    }) : () -> ()
    "tpu.region"() ({
      %run_scoped3A = tpu.sem_alloc : memref<!tpu.dma_semaphore, #tpu.memory_space<semaphore_mem>>
      %dma_start3A_162 = arith.constant 0 : i32
      %dma_start3A_163 = tpu.memref_slice %arg2[%add3A_80, %dma_start3A_162] : memref<20480x32xf32, #tpu.memory_space<hbm>> -> memref<128x32xf32, #tpu.memory_space<hbm>>
      %dma_start3A_164 = arith.constant 0 : i32
      %dma_start3A_165 = tpu.memref_slice %arg2[%add3A_80, %dma_start3A_164] : memref<20480x32xf32, #tpu.memory_space<hbm>> -> memref<128x32xf32, #tpu.memory_space<hbm>>
      tpu.enqueue_dma source(%dma_start3A_165 : memref<128x32xf32, #tpu.memory_space<hbm>>) target(%arg14 : memref<128x32xf32, #tpu.memory_space<vmem>>) target_semaphore(%run_scoped3A : memref<!tpu.dma_semaphore, #tpu.memory_space<semaphore_mem>>)
      %dma_wait3A_166 = arith.constant 0 : i32
      %dma_wait3A_167 = tpu.memref_slice %arg2[%add3A_80, %dma_wait3A_166] : memref<20480x32xf32, #tpu.memory_space<hbm>> -> memref<128x32xf32, #tpu.memory_space<hbm>>
      %dma_wait3A_168 = arith.constant 0 : i32
      %dma_wait3A_169 = tpu.memref_slice %arg2[%add3A_80, %dma_wait3A_168] : memref<20480x32xf32, #tpu.memory_space<hbm>> -> memref<128x32xf32, #tpu.memory_space<hbm>>
      tpu.wait_dma2 semaphore(%run_scoped3A : memref<!tpu.dma_semaphore, #tpu.memory_space<semaphore_mem>>) src(%dma_wait3A_169 : memref<128x32xf32, #tpu.memory_space<hbm>>) dst(%arg14 : memref<128x32xf32, #tpu.memory_space<vmem>>)
      tpu.yield
    }) : () -> ()
    %scan3A_81 = arith.constant 0 : i32
    %scan3A_82 = arith.constant 128 : i32
    %scan3A_83 = arith.addi %scan3A_81, %scan3A_82 : i32
    %scan3A_84 = arith.constant 1 : i32
    scf.for %scan3A_162 = %scan3A_81 to %scan3A_83 step %scan3A_84  : i32 {
      %mul3A_163 = arith.constant 1 : i32
      %mul3A_164 = arith.muli %scan3A_162, %mul3A_163 : i32
      %add3A_165 = arith.constant 0 : i32
      %add3A_166 = arith.addi %add3A_165, %mul3A_164 : i32
      %get3A = arith.index_cast %add3A_166 : i32 to index
      %get3A_167 = arith.constant 0 : index
      %get3A_168 = tpu.vector_load %arg19[%get3A, %get3A_167] {strides = array<i32>} : memref<128x32xf32, #tpu.memory_space<vmem>>, vector<16xf32>,
      %add3A_169 = arith.constant 1.000000e+00 : f32
      %add3A_170 = vector.broadcast %add3A_169 : f32 to vector<16xf32>
      %add3A_171 = arith.addf %get3A_168, %add3A_170 : vector<16xf32>
      %bitcast3A = vector.bitcast %add3A_171 : vector<16xf32> to vector<16xi32>
      %shift_right_arithmetic3A = arith.constant 1 : i32
      %shift_right_arithmetic3A_172 = vector.broadcast %shift_right_arithmetic3A : i32 to vector<16xi32>
      %shift_right_arithmetic3A_173 = arith.shrsi %bitcast3A, %shift_right_arithmetic3A_172 : vector<16xi32>
      %sub3A = arith.constant 1597463007 : i32
      %sub3A_174 = vector.broadcast %sub3A : i32 to vector<16xi32>
      %sub3A_175 = arith.subi %sub3A_174, %shift_right_arithmetic3A_173 : vector<16xi32>
      %bitcast3A_176 = vector.bitcast %sub3A_175 : vector<16xi32> to vector<16xf32>
      %mul3A_177 = arith.constant 5.000000e-01 : f32
      %mul3A_178 = vector.broadcast %mul3A_177 : f32 to vector<16xf32>
      %mul3A_179 = arith.mulf %mul3A_178, %add3A_171 : vector<16xf32>
      %mul3A_180 = arith.mulf %mul3A_179, %bitcast3A_176 : vector<16xf32>
      %mul3A_181 = arith.mulf %mul3A_180, %bitcast3A_176 : vector<16xf32>
      %sub3A_182 = arith.constant 1.500000e+00 : f32
      %sub3A_183 = vector.broadcast %sub3A_182 : f32 to vector<16xf32>
      %sub3A_184 = arith.subf %sub3A_183, %mul3A_181 : vector<16xf32>
      %mul3A_185 = arith.mulf %bitcast3A_176, %sub3A_184 : vector<16xf32>
      %mul3A_186 = arith.constant 5.000000e-01 : f32
      %mul3A_187 = vector.broadcast %mul3A_186 : f32 to vector<16xf32>
      %mul3A_188 = arith.mulf %mul3A_187, %add3A_171 : vector<16xf32>
      %mul3A_189 = arith.mulf %mul3A_188, %mul3A_185 : vector<16xf32>
      %mul3A_190 = arith.mulf %mul3A_189, %mul3A_185 : vector<16xf32>
      %sub3A_191 = arith.constant 1.500000e+00 : f32
      %sub3A_192 = vector.broadcast %sub3A_191 : f32 to vector<16xf32>
      %sub3A_193 = arith.subf %sub3A_192, %mul3A_190 : vector<16xf32>
      %mul3A_194 = arith.mulf %mul3A_185, %sub3A_193 : vector<16xf32>
      %mul3A_195 = arith.constant 5.000000e-01 : f32
      %mul3A_196 = vector.broadcast %mul3A_195 : f32 to vector<16xf32>
      %mul3A_197 = arith.mulf %mul3A_196, %add3A_171 : vector<16xf32>
      %mul3A_198 = arith.mulf %mul3A_197, %mul3A_194 : vector<16xf32>
      %mul3A_199 = arith.mulf %mul3A_198, %mul3A_194 : vector<16xf32>
      %sub3A_200 = arith.constant 1.500000e+00 : f32
      %sub3A_201 = vector.broadcast %sub3A_200 : f32 to vector<16xf32>
      %sub3A_202 = arith.subf %sub3A_201, %mul3A_199 : vector<16xf32>
      %mul3A_203 = arith.mulf %mul3A_194, %sub3A_202 : vector<16xf32>
      %mul3A_204 = arith.constant 0.899999976 : f32
      %mul3A_205 = vector.broadcast %mul3A_204 : f32 to vector<16xf32>
      %mul3A_206 = arith.mulf %mul3A_205, %mul3A_203 : vector<16xf32>
      %mul3A_207 = arith.mulf %mul3A_206, %mul3A_203 : vector<16xf32>
      %mul3A_208 = arith.constant 0.899999976 : f32
      %mul3A_209 = vector.broadcast %mul3A_208 : f32 to vector<16xf32>
      %mul3A_210 = arith.mulf %mul3A_209, %mul3A_203 : vector<16xf32>
      %swap3A = arith.index_cast %add3A_166 : i32 to index
      %swap3A_211 = arith.constant 0 : index
      %swap3A_212 = tpu.vector_load %arg13[%swap3A, %swap3A_211] {strides = array<i32>} : memref<128x32xf32, #tpu.memory_space<vmem>>, vector<16xf32>,
      tpu.vector_store %arg13[%swap3A, %swap3A_211], %mul3A_207 {strides = array<i32>} : memref<128x32xf32, #tpu.memory_space<vmem>>, vector<16xf32>,
      %swap3A_213 = arith.index_cast %add3A_166 : i32 to index
      %swap3A_214 = arith.constant 0 : index
      %swap3A_215 = tpu.vector_load %arg20[%swap3A_213, %swap3A_214] {strides = array<i32>} : memref<128x32xf32, #tpu.memory_space<vmem>>, vector<16xf32>,
      tpu.vector_store %arg20[%swap3A_213, %swap3A_214], %mul3A_210 {strides = array<i32>} : memref<128x32xf32, #tpu.memory_space<vmem>>, vector<16xf32>,
      %get3A_216 = arith.index_cast %add3A_166 : i32 to index
      %get3A_217 = arith.constant 0 : index
      %get3A_218 = tpu.vector_load %arg14[%get3A_216, %get3A_217] {strides = array<i32>} : memref<128x32xf32, #tpu.memory_space<vmem>>, vector<16xf32>,
      %mul3A_219 = arith.constant 1.000000e-01 : f32
      %mul3A_220 = vector.broadcast %mul3A_219 : f32 to vector<16xf32>
      %mul3A_221 = arith.mulf %mul3A_220, %mul3A_203 : vector<16xf32>
      %mul3A_222 = arith.mulf %mul3A_221, %get3A_218 : vector<16xf32>
      %swap3A_223 = arith.index_cast %add3A_166 : i32 to index
      %swap3A_224 = arith.constant 0 : index
      %swap3A_225 = tpu.vector_load %arg16[%swap3A_223, %swap3A_224] {strides = array<i32>} : memref<128x32xf32, #tpu.memory_space<vmem>>, vector<16xf32>,
      tpu.vector_store %arg16[%swap3A_223, %swap3A_224], %mul3A_222 {strides = array<i32>} : memref<128x32xf32, #tpu.memory_space<vmem>>, vector<16xf32>,
      %mul3A_226 = arith.mulf %mul3A_203, %get3A_218 : vector<16xf32>
      %swap3A_227 = arith.index_cast %add3A_166 : i32 to index
      %swap3A_228 = arith.constant 0 : index
      %swap3A_229 = tpu.vector_load %arg14[%swap3A_227, %swap3A_228] {strides = array<i32>} : memref<128x32xf32, #tpu.memory_space<vmem>>, vector<16xf32>,
      tpu.vector_store %arg14[%swap3A_227, %swap3A_228], %mul3A_226 {strides = array<i32>} : memref<128x32xf32, #tpu.memory_space<vmem>>, vector<16xf32>,
      %swap3A_230 = arith.index_cast %add3A_166 : i32 to index
      %swap3A_231 = arith.constant 16 : index
      %swap3A_232 = tpu.vector_load %arg13[%swap3A_230, %swap3A_231] {strides = array<i32>} : memref<128x32xf32, #tpu.memory_space<vmem>>, vector<16xf32>,
      tpu.vector_store %arg13[%swap3A_230, %swap3A_231], %mul3A_207 {strides = array<i32>} : memref<128x32xf32, #tpu.memory_space<vmem>>, vector<16xf32>,
      %swap3A_233 = arith.index_cast %add3A_166 : i32 to index
      %swap3A_234 = arith.constant 16 : index
      %swap3A_235 = tpu.vector_load %arg20[%swap3A_233, %swap3A_234] {strides = array<i32>} : memref<128x32xf32, #tpu.memory_space<vmem>>, vector<16xf32>,
      tpu.vector_store %arg20[%swap3A_233, %swap3A_234], %mul3A_210 {strides = array<i32>} : memref<128x32xf32, #tpu.memory_space<vmem>>, vector<16xf32>,
      %get3A_236 = arith.index_cast %add3A_166 : i32 to index
      %get3A_237 = arith.constant 16 : index
      %get3A_238 = tpu.vector_load %arg14[%get3A_236, %get3A_237] {strides = array<i32>} : memref<128x32xf32, #tpu.memory_space<vmem>>, vector<16xf32>,
      %mul3A_239 = arith.constant 1.000000e-01 : f32
      %mul3A_240 = vector.broadcast %mul3A_239 : f32 to vector<16xf32>
      %mul3A_241 = arith.mulf %mul3A_240, %mul3A_203 : vector<16xf32>
      %mul3A_242 = arith.mulf %mul3A_241, %get3A_238 : vector<16xf32>
      %swap3A_243 = arith.index_cast %add3A_166 : i32 to index
      %swap3A_244 = arith.constant 16 : index
      %swap3A_245 = tpu.vector_load %arg16[%swap3A_243, %swap3A_244] {strides = array<i32>} : memref<128x32xf32, #tpu.memory_space<vmem>>, vector<16xf32>,
      tpu.vector_store %arg16[%swap3A_243, %swap3A_244], %mul3A_242 {strides = array<i32>} : memref<128x32xf32, #tpu.memory_space<vmem>>, vector<16xf32>,
      %mul3A_246 = arith.mulf %mul3A_203, %get3A_238 : vector<16xf32>
      %swap3A_247 = arith.index_cast %add3A_166 : i32 to index
      %swap3A_248 = arith.constant 16 : index
      %swap3A_249 = tpu.vector_load %arg14[%swap3A_247, %swap3A_248] {strides = array<i32>} : memref<128x32xf32, #tpu.memory_space<vmem>>, vector<16xf32>,
      tpu.vector_store %arg14[%swap3A_247, %swap3A_248], %mul3A_246 {strides = array<i32>} : memref<128x32xf32, #tpu.memory_space<vmem>>, vector<16xf32>,
    }
    %scan3A_85 = arith.constant 128 : i32
    "tpu.region"() ({
      %run_scoped3A = tpu.sem_alloc : memref<!tpu.dma_semaphore, #tpu.memory_space<semaphore_mem>>
      %dma_start3A_162 = arith.constant 0 : i32
      %dma_start3A_163 = tpu.memref_slice %arg6[%add3A_80, %dma_start3A_162] : memref<20480x32xf32, #tpu.memory_space<hbm>> -> memref<128x32xf32, #tpu.memory_space<hbm>>
      %dma_start3A_164 = arith.constant 0 : i32
      %dma_start3A_165 = tpu.memref_slice %arg6[%add3A_80, %dma_start3A_164] : memref<20480x32xf32, #tpu.memory_space<hbm>> -> memref<128x32xf32, #tpu.memory_space<hbm>>
      tpu.enqueue_dma source(%arg13 : memref<128x32xf32, #tpu.memory_space<vmem>>) target(%dma_start3A_165 : memref<128x32xf32, #tpu.memory_space<hbm>>) target_semaphore(%run_scoped3A : memref<!tpu.dma_semaphore, #tpu.memory_space<semaphore_mem>>)
      %dma_wait3A_166 = arith.constant 0 : i32
      %dma_wait3A_167 = tpu.memref_slice %arg6[%add3A_80, %dma_wait3A_166] : memref<20480x32xf32, #tpu.memory_space<hbm>> -> memref<128x32xf32, #tpu.memory_space<hbm>>
      %dma_wait3A_168 = arith.constant 0 : i32
      %dma_wait3A_169 = tpu.memref_slice %arg6[%add3A_80, %dma_wait3A_168] : memref<20480x32xf32, #tpu.memory_space<hbm>> -> memref<128x32xf32, #tpu.memory_space<hbm>>
      tpu.wait_dma2 semaphore(%run_scoped3A : memref<!tpu.dma_semaphore, #tpu.memory_space<semaphore_mem>>) src(%arg13 : memref<128x32xf32, #tpu.memory_space<vmem>>) dst(%dma_wait3A_169 : memref<128x32xf32, #tpu.memory_space<hbm>>)
      tpu.yield
    }) : () -> ()
    "tpu.region"() ({
      %run_scoped3A = tpu.sem_alloc : memref<!tpu.dma_semaphore, #tpu.memory_space<semaphore_mem>>
      %dma_start3A_162 = arith.constant 0 : i32
      %dma_start3A_163 = tpu.memref_slice %arg8[%add3A_80, %dma_start3A_162] : memref<20480x32xf32, #tpu.memory_space<hbm>> -> memref<128x32xf32, #tpu.memory_space<hbm>>
      %dma_start3A_164 = arith.constant 0 : i32
      %dma_start3A_165 = tpu.memref_slice %arg8[%add3A_80, %dma_start3A_164] : memref<20480x32xf32, #tpu.memory_space<hbm>> -> memref<128x32xf32, #tpu.memory_space<hbm>>
      tpu.enqueue_dma source(%arg20 : memref<128x32xf32, #tpu.memory_space<vmem>>) target(%dma_start3A_165 : memref<128x32xf32, #tpu.memory_space<hbm>>) target_semaphore(%run_scoped3A : memref<!tpu.dma_semaphore, #tpu.memory_space<semaphore_mem>>)
      %dma_wait3A_166 = arith.constant 0 : i32
      %dma_wait3A_167 = tpu.memref_slice %arg8[%add3A_80, %dma_wait3A_166] : memref<20480x32xf32, #tpu.memory_space<hbm>> -> memref<128x32xf32, #tpu.memory_space<hbm>>
      %dma_wait3A_168 = arith.constant 0 : i32
      %dma_wait3A_169 = tpu.memref_slice %arg8[%add3A_80, %dma_wait3A_168] : memref<20480x32xf32, #tpu.memory_space<hbm>> -> memref<128x32xf32, #tpu.memory_space<hbm>>
      tpu.wait_dma2 semaphore(%run_scoped3A : memref<!tpu.dma_semaphore, #tpu.memory_space<semaphore_mem>>) src(%arg20 : memref<128x32xf32, #tpu.memory_space<vmem>>) dst(%dma_wait3A_169 : memref<128x32xf32, #tpu.memory_space<hbm>>)
      tpu.yield
    }) : () -> ()
    "tpu.region"() ({
      %run_scoped3A = tpu.sem_alloc : memref<!tpu.dma_semaphore, #tpu.memory_space<semaphore_mem>>
      %dma_start3A_162 = arith.constant 0 : i32
      %dma_start3A_163 = tpu.memref_slice %arg7[%add3A_80, %dma_start3A_162] : memref<20480x32xf32, #tpu.memory_space<hbm>> -> memref<128x32xf32, #tpu.memory_space<hbm>>
      %dma_start3A_164 = arith.constant 0 : i32
      %dma_start3A_165 = tpu.memref_slice %arg7[%add3A_80, %dma_start3A_164] : memref<20480x32xf32, #tpu.memory_space<hbm>> -> memref<128x32xf32, #tpu.memory_space<hbm>>
      tpu.enqueue_dma source(%arg16 : memref<128x32xf32, #tpu.memory_space<vmem>>) target(%dma_start3A_165 : memref<128x32xf32, #tpu.memory_space<hbm>>) target_semaphore(%run_scoped3A : memref<!tpu.dma_semaphore, #tpu.memory_space<semaphore_mem>>)
      %dma_wait3A_166 = arith.constant 0 : i32
      %dma_wait3A_167 = tpu.memref_slice %arg7[%add3A_80, %dma_wait3A_166] : memref<20480x32xf32, #tpu.memory_space<hbm>> -> memref<128x32xf32, #tpu.memory_space<hbm>>
      %dma_wait3A_168 = arith.constant 0 : i32
      %dma_wait3A_169 = tpu.memref_slice %arg7[%add3A_80, %dma_wait3A_168] : memref<20480x32xf32, #tpu.memory_space<hbm>> -> memref<128x32xf32, #tpu.memory_space<hbm>>
      tpu.wait_dma2 semaphore(%run_scoped3A : memref<!tpu.dma_semaphore, #tpu.memory_space<semaphore_mem>>) src(%arg16 : memref<128x32xf32, #tpu.memory_space<vmem>>) dst(%dma_wait3A_169 : memref<128x32xf32, #tpu.memory_space<hbm>>)
      tpu.yield
    }) : () -> ()
    "tpu.region"() ({
      %run_scoped3A = tpu.sem_alloc : memref<!tpu.dma_semaphore, #tpu.memory_space<semaphore_mem>>
      %dma_start3A_162 = arith.constant 0 : i32
      %dma_start3A_163 = tpu.memref_slice %arg9[%add3A_78, %dma_start3A_162] : memref<10240x32xf32, #tpu.memory_space<vmem_shared>> -> memref<128x32xf32, #tpu.memory_space<vmem_shared>>
      %dma_start3A_164 = arith.constant 0 : i32
      %dma_start3A_165 = tpu.memref_slice %arg9[%add3A_78, %dma_start3A_164] : memref<10240x32xf32, #tpu.memory_space<vmem_shared>> -> memref<128x32xf32, #tpu.memory_space<vmem_shared>>
      tpu.enqueue_dma source(%arg14 : memref<128x32xf32, #tpu.memory_space<vmem>>) target(%dma_start3A_165 : memref<128x32xf32, #tpu.memory_space<vmem_shared>>) target_semaphore(%run_scoped3A : memref<!tpu.dma_semaphore, #tpu.memory_space<semaphore_mem>>)
      %dma_wait3A_166 = arith.constant 0 : i32
      %dma_wait3A_167 = tpu.memref_slice %arg9[%add3A_78, %dma_wait3A_166] : memref<10240x32xf32, #tpu.memory_space<vmem_shared>> -> memref<128x32xf32, #tpu.memory_space<vmem_shared>>
      %dma_wait3A_168 = arith.constant 0 : i32
      %dma_wait3A_169 = tpu.memref_slice %arg9[%add3A_78, %dma_wait3A_168] : memref<10240x32xf32, #tpu.memory_space<vmem_shared>> -> memref<128x32xf32, #tpu.memory_space<vmem_shared>>
      tpu.wait_dma2 semaphore(%run_scoped3A : memref<!tpu.dma_semaphore, #tpu.memory_space<semaphore_mem>>) src(%arg14 : memref<128x32xf32, #tpu.memory_space<vmem>>) dst(%dma_wait3A_169 : memref<128x32xf32, #tpu.memory_space<vmem_shared>>)
      tpu.yield
    }) : () -> ()
    "tpu.region"() ({
      %run_scoped3A = tpu.sem_alloc : memref<!tpu.dma_semaphore, #tpu.memory_space<semaphore_mem>>
      %dma_start3A_162 = arith.constant 0 : i32
      %dma_start3A_163 = tpu.memref_slice %arg10[%add3A_78, %dma_start3A_162] : memref<10240x32xf32, #tpu.memory_space<vmem_shared>> -> memref<128x32xf32, #tpu.memory_space<vmem_shared>>
      %dma_start3A_164 = arith.constant 0 : i32
      %dma_start3A_165 = tpu.memref_slice %arg10[%add3A_78, %dma_start3A_164] : memref<10240x32xf32, #tpu.memory_space<vmem_shared>> -> memref<128x32xf32, #tpu.memory_space<vmem_shared>>
      tpu.enqueue_dma source(%arg14 : memref<128x32xf32, #tpu.memory_space<vmem>>) target(%dma_start3A_165 : memref<128x32xf32, #tpu.memory_space<vmem_shared>>) target_semaphore(%run_scoped3A : memref<!tpu.dma_semaphore, #tpu.memory_space<semaphore_mem>>)
      %dma_wait3A_166 = arith.constant 0 : i32
      %dma_wait3A_167 = tpu.memref_slice %arg10[%add3A_78, %dma_wait3A_166] : memref<10240x32xf32, #tpu.memory_space<vmem_shared>> -> memref<128x32xf32, #tpu.memory_space<vmem_shared>>
      %dma_wait3A_168 = arith.constant 0 : i32
      %dma_wait3A_169 = tpu.memref_slice %arg10[%add3A_78, %dma_wait3A_168] : memref<10240x32xf32, #tpu.memory_space<vmem_shared>> -> memref<128x32xf32, #tpu.memory_space<vmem_shared>>
      tpu.wait_dma2 semaphore(%run_scoped3A : memref<!tpu.dma_semaphore, #tpu.memory_space<semaphore_mem>>) src(%arg14 : memref<128x32xf32, #tpu.memory_space<vmem>>) dst(%dma_wait3A_169 : memref<128x32xf32, #tpu.memory_space<vmem_shared>>)
      tpu.yield
    }) : () -> ()
    %add3A_86 = arith.constant 512 : i32
    %add3A_87 = arith.addi %mul3A_0, %add3A_86 : i32
    %add3A_88 = arith.constant 512 : i32
    %add3A_89 = arith.addi %add3A, %add3A_88 : i32
    "tpu.region"() ({
      %run_scoped3A = tpu.sem_alloc : memref<!tpu.dma_semaphore, #tpu.memory_space<semaphore_mem>>
      %dma_start3A_162 = arith.constant 0 : i32
      %dma_start3A_163 = tpu.memref_slice %arg10[%add3A_87, %dma_start3A_162] : memref<10240x32xf32, #tpu.memory_space<vmem_shared>> -> memref<128x32xf32, #tpu.memory_space<vmem_shared>>
      %dma_start3A_164 = arith.constant 0 : i32
      %dma_start3A_165 = tpu.memref_slice %arg10[%add3A_87, %dma_start3A_164] : memref<10240x32xf32, #tpu.memory_space<vmem_shared>> -> memref<128x32xf32, #tpu.memory_space<vmem_shared>>
      tpu.enqueue_dma source(%dma_start3A_165 : memref<128x32xf32, #tpu.memory_space<vmem_shared>>) target(%arg19 : memref<128x32xf32, #tpu.memory_space<vmem>>) target_semaphore(%run_scoped3A : memref<!tpu.dma_semaphore, #tpu.memory_space<semaphore_mem>>)
      %dma_wait3A_166 = arith.constant 0 : i32
      %dma_wait3A_167 = tpu.memref_slice %arg10[%add3A_87, %dma_wait3A_166] : memref<10240x32xf32, #tpu.memory_space<vmem_shared>> -> memref<128x32xf32, #tpu.memory_space<vmem_shared>>
      %dma_wait3A_168 = arith.constant 0 : i32
      %dma_wait3A_169 = tpu.memref_slice %arg10[%add3A_87, %dma_wait3A_168] : memref<10240x32xf32, #tpu.memory_space<vmem_shared>> -> memref<128x32xf32, #tpu.memory_space<vmem_shared>>
      tpu.wait_dma2 semaphore(%run_scoped3A : memref<!tpu.dma_semaphore, #tpu.memory_space<semaphore_mem>>) src(%dma_wait3A_169 : memref<128x32xf32, #tpu.memory_space<vmem_shared>>) dst(%arg19 : memref<128x32xf32, #tpu.memory_space<vmem>>)
      tpu.yield
    }) : () -> ()
    "tpu.region"() ({
      %run_scoped3A = tpu.sem_alloc : memref<!tpu.dma_semaphore, #tpu.memory_space<semaphore_mem>>
      %dma_start3A_162 = arith.constant 0 : i32
      %dma_start3A_163 = tpu.memref_slice %arg2[%add3A_89, %dma_start3A_162] : memref<20480x32xf32, #tpu.memory_space<hbm>> -> memref<128x32xf32, #tpu.memory_space<hbm>>
      %dma_start3A_164 = arith.constant 0 : i32
      %dma_start3A_165 = tpu.memref_slice %arg2[%add3A_89, %dma_start3A_164] : memref<20480x32xf32, #tpu.memory_space<hbm>> -> memref<128x32xf32, #tpu.memory_space<hbm>>
      tpu.enqueue_dma source(%dma_start3A_165 : memref<128x32xf32, #tpu.memory_space<hbm>>) target(%arg14 : memref<128x32xf32, #tpu.memory_space<vmem>>) target_semaphore(%run_scoped3A : memref<!tpu.dma_semaphore, #tpu.memory_space<semaphore_mem>>)
      %dma_wait3A_166 = arith.constant 0 : i32
      %dma_wait3A_167 = tpu.memref_slice %arg2[%add3A_89, %dma_wait3A_166] : memref<20480x32xf32, #tpu.memory_space<hbm>> -> memref<128x32xf32, #tpu.memory_space<hbm>>
      %dma_wait3A_168 = arith.constant 0 : i32
      %dma_wait3A_169 = tpu.memref_slice %arg2[%add3A_89, %dma_wait3A_168] : memref<20480x32xf32, #tpu.memory_space<hbm>> -> memref<128x32xf32, #tpu.memory_space<hbm>>
      tpu.wait_dma2 semaphore(%run_scoped3A : memref<!tpu.dma_semaphore, #tpu.memory_space<semaphore_mem>>) src(%dma_wait3A_169 : memref<128x32xf32, #tpu.memory_space<hbm>>) dst(%arg14 : memref<128x32xf32, #tpu.memory_space<vmem>>)
      tpu.yield
    }) : () -> ()
    %scan3A_90 = arith.constant 0 : i32
    %scan3A_91 = arith.constant 128 : i32
    %scan3A_92 = arith.addi %scan3A_90, %scan3A_91 : i32
    %scan3A_93 = arith.constant 1 : i32
    scf.for %scan3A_162 = %scan3A_90 to %scan3A_92 step %scan3A_93  : i32 {
      %mul3A_163 = arith.constant 1 : i32
      %mul3A_164 = arith.muli %scan3A_162, %mul3A_163 : i32
      %add3A_165 = arith.constant 0 : i32
      %add3A_166 = arith.addi %add3A_165, %mul3A_164 : i32
      %get3A = arith.index_cast %add3A_166 : i32 to index
      %get3A_167 = arith.constant 0 : index
      %get3A_168 = tpu.vector_load %arg19[%get3A, %get3A_167] {strides = array<i32>} : memref<128x32xf32, #tpu.memory_space<vmem>>, vector<16xf32>,
      %add3A_169 = arith.constant 1.000000e+00 : f32
      %add3A_170 = vector.broadcast %add3A_169 : f32 to vector<16xf32>
      %add3A_171 = arith.addf %get3A_168, %add3A_170 : vector<16xf32>
      %bitcast3A = vector.bitcast %add3A_171 : vector<16xf32> to vector<16xi32>
      %shift_right_arithmetic3A = arith.constant 1 : i32
      %shift_right_arithmetic3A_172 = vector.broadcast %shift_right_arithmetic3A : i32 to vector<16xi32>
      %shift_right_arithmetic3A_173 = arith.shrsi %bitcast3A, %shift_right_arithmetic3A_172 : vector<16xi32>
      %sub3A = arith.constant 1597463007 : i32
      %sub3A_174 = vector.broadcast %sub3A : i32 to vector<16xi32>
      %sub3A_175 = arith.subi %sub3A_174, %shift_right_arithmetic3A_173 : vector<16xi32>
      %bitcast3A_176 = vector.bitcast %sub3A_175 : vector<16xi32> to vector<16xf32>
      %mul3A_177 = arith.constant 5.000000e-01 : f32
      %mul3A_178 = vector.broadcast %mul3A_177 : f32 to vector<16xf32>
      %mul3A_179 = arith.mulf %mul3A_178, %add3A_171 : vector<16xf32>
      %mul3A_180 = arith.mulf %mul3A_179, %bitcast3A_176 : vector<16xf32>
      %mul3A_181 = arith.mulf %mul3A_180, %bitcast3A_176 : vector<16xf32>
      %sub3A_182 = arith.constant 1.500000e+00 : f32
      %sub3A_183 = vector.broadcast %sub3A_182 : f32 to vector<16xf32>
      %sub3A_184 = arith.subf %sub3A_183, %mul3A_181 : vector<16xf32>
      %mul3A_185 = arith.mulf %bitcast3A_176, %sub3A_184 : vector<16xf32>
      %mul3A_186 = arith.constant 5.000000e-01 : f32
      %mul3A_187 = vector.broadcast %mul3A_186 : f32 to vector<16xf32>
      %mul3A_188 = arith.mulf %mul3A_187, %add3A_171 : vector<16xf32>
      %mul3A_189 = arith.mulf %mul3A_188, %mul3A_185 : vector<16xf32>
      %mul3A_190 = arith.mulf %mul3A_189, %mul3A_185 : vector<16xf32>
      %sub3A_191 = arith.constant 1.500000e+00 : f32
      %sub3A_192 = vector.broadcast %sub3A_191 : f32 to vector<16xf32>
      %sub3A_193 = arith.subf %sub3A_192, %mul3A_190 : vector<16xf32>
      %mul3A_194 = arith.mulf %mul3A_185, %sub3A_193 : vector<16xf32>
      %mul3A_195 = arith.constant 5.000000e-01 : f32
      %mul3A_196 = vector.broadcast %mul3A_195 : f32 to vector<16xf32>
      %mul3A_197 = arith.mulf %mul3A_196, %add3A_171 : vector<16xf32>
      %mul3A_198 = arith.mulf %mul3A_197, %mul3A_194 : vector<16xf32>
      %mul3A_199 = arith.mulf %mul3A_198, %mul3A_194 : vector<16xf32>
      %sub3A_200 = arith.constant 1.500000e+00 : f32
      %sub3A_201 = vector.broadcast %sub3A_200 : f32 to vector<16xf32>
      %sub3A_202 = arith.subf %sub3A_201, %mul3A_199 : vector<16xf32>
      %mul3A_203 = arith.mulf %mul3A_194, %sub3A_202 : vector<16xf32>
      %mul3A_204 = arith.constant 0.899999976 : f32
      %mul3A_205 = vector.broadcast %mul3A_204 : f32 to vector<16xf32>
      %mul3A_206 = arith.mulf %mul3A_205, %mul3A_203 : vector<16xf32>
      %mul3A_207 = arith.mulf %mul3A_206, %mul3A_203 : vector<16xf32>
      %mul3A_208 = arith.constant 0.899999976 : f32
      %mul3A_209 = vector.broadcast %mul3A_208 : f32 to vector<16xf32>
      %mul3A_210 = arith.mulf %mul3A_209, %mul3A_203 : vector<16xf32>
      %swap3A = arith.index_cast %add3A_166 : i32 to index
      %swap3A_211 = arith.constant 0 : index
      %swap3A_212 = tpu.vector_load %arg13[%swap3A, %swap3A_211] {strides = array<i32>} : memref<128x32xf32, #tpu.memory_space<vmem>>, vector<16xf32>,
      tpu.vector_store %arg13[%swap3A, %swap3A_211], %mul3A_207 {strides = array<i32>} : memref<128x32xf32, #tpu.memory_space<vmem>>, vector<16xf32>,
      %swap3A_213 = arith.index_cast %add3A_166 : i32 to index
      %swap3A_214 = arith.constant 0 : index
      %swap3A_215 = tpu.vector_load %arg20[%swap3A_213, %swap3A_214] {strides = array<i32>} : memref<128x32xf32, #tpu.memory_space<vmem>>, vector<16xf32>,
      tpu.vector_store %arg20[%swap3A_213, %swap3A_214], %mul3A_210 {strides = array<i32>} : memref<128x32xf32, #tpu.memory_space<vmem>>, vector<16xf32>,
      %get3A_216 = arith.index_cast %add3A_166 : i32 to index
      %get3A_217 = arith.constant 0 : index
      %get3A_218 = tpu.vector_load %arg14[%get3A_216, %get3A_217] {strides = array<i32>} : memref<128x32xf32, #tpu.memory_space<vmem>>, vector<16xf32>,
      %mul3A_219 = arith.constant 1.000000e-01 : f32
      %mul3A_220 = vector.broadcast %mul3A_219 : f32 to vector<16xf32>
      %mul3A_221 = arith.mulf %mul3A_220, %mul3A_203 : vector<16xf32>
      %mul3A_222 = arith.mulf %mul3A_221, %get3A_218 : vector<16xf32>
      %swap3A_223 = arith.index_cast %add3A_166 : i32 to index
      %swap3A_224 = arith.constant 0 : index
      %swap3A_225 = tpu.vector_load %arg16[%swap3A_223, %swap3A_224] {strides = array<i32>} : memref<128x32xf32, #tpu.memory_space<vmem>>, vector<16xf32>,
      tpu.vector_store %arg16[%swap3A_223, %swap3A_224], %mul3A_222 {strides = array<i32>} : memref<128x32xf32, #tpu.memory_space<vmem>>, vector<16xf32>,
      %mul3A_226 = arith.mulf %mul3A_203, %get3A_218 : vector<16xf32>
      %swap3A_227 = arith.index_cast %add3A_166 : i32 to index
      %swap3A_228 = arith.constant 0 : index
      %swap3A_229 = tpu.vector_load %arg14[%swap3A_227, %swap3A_228] {strides = array<i32>} : memref<128x32xf32, #tpu.memory_space<vmem>>, vector<16xf32>,
      tpu.vector_store %arg14[%swap3A_227, %swap3A_228], %mul3A_226 {strides = array<i32>} : memref<128x32xf32, #tpu.memory_space<vmem>>, vector<16xf32>,
      %swap3A_230 = arith.index_cast %add3A_166 : i32 to index
      %swap3A_231 = arith.constant 16 : index
      %swap3A_232 = tpu.vector_load %arg13[%swap3A_230, %swap3A_231] {strides = array<i32>} : memref<128x32xf32, #tpu.memory_space<vmem>>, vector<16xf32>,
      tpu.vector_store %arg13[%swap3A_230, %swap3A_231], %mul3A_207 {strides = array<i32>} : memref<128x32xf32, #tpu.memory_space<vmem>>, vector<16xf32>,
      %swap3A_233 = arith.index_cast %add3A_166 : i32 to index
      %swap3A_234 = arith.constant 16 : index
      %swap3A_235 = tpu.vector_load %arg20[%swap3A_233, %swap3A_234] {strides = array<i32>} : memref<128x32xf32, #tpu.memory_space<vmem>>, vector<16xf32>,
      tpu.vector_store %arg20[%swap3A_233, %swap3A_234], %mul3A_210 {strides = array<i32>} : memref<128x32xf32, #tpu.memory_space<vmem>>, vector<16xf32>,
      %get3A_236 = arith.index_cast %add3A_166 : i32 to index
      %get3A_237 = arith.constant 16 : index
      %get3A_238 = tpu.vector_load %arg14[%get3A_236, %get3A_237] {strides = array<i32>} : memref<128x32xf32, #tpu.memory_space<vmem>>, vector<16xf32>,
      %mul3A_239 = arith.constant 1.000000e-01 : f32
      %mul3A_240 = vector.broadcast %mul3A_239 : f32 to vector<16xf32>
      %mul3A_241 = arith.mulf %mul3A_240, %mul3A_203 : vector<16xf32>
      %mul3A_242 = arith.mulf %mul3A_241, %get3A_238 : vector<16xf32>
      %swap3A_243 = arith.index_cast %add3A_166 : i32 to index
      %swap3A_244 = arith.constant 16 : index
      %swap3A_245 = tpu.vector_load %arg16[%swap3A_243, %swap3A_244] {strides = array<i32>} : memref<128x32xf32, #tpu.memory_space<vmem>>, vector<16xf32>,
      tpu.vector_store %arg16[%swap3A_243, %swap3A_244], %mul3A_242 {strides = array<i32>} : memref<128x32xf32, #tpu.memory_space<vmem>>, vector<16xf32>,
      %mul3A_246 = arith.mulf %mul3A_203, %get3A_238 : vector<16xf32>
      %swap3A_247 = arith.index_cast %add3A_166 : i32 to index
      %swap3A_248 = arith.constant 16 : index
      %swap3A_249 = tpu.vector_load %arg14[%swap3A_247, %swap3A_248] {strides = array<i32>} : memref<128x32xf32, #tpu.memory_space<vmem>>, vector<16xf32>,
      tpu.vector_store %arg14[%swap3A_247, %swap3A_248], %mul3A_246 {strides = array<i32>} : memref<128x32xf32, #tpu.memory_space<vmem>>, vector<16xf32>,
    }
    %scan3A_94 = arith.constant 128 : i32
    "tpu.region"() ({
      %run_scoped3A = tpu.sem_alloc : memref<!tpu.dma_semaphore, #tpu.memory_space<semaphore_mem>>
      %dma_start3A_162 = arith.constant 0 : i32
      %dma_start3A_163 = tpu.memref_slice %arg6[%add3A_89, %dma_start3A_162] : memref<20480x32xf32, #tpu.memory_space<hbm>> -> memref<128x32xf32, #tpu.memory_space<hbm>>
      %dma_start3A_164 = arith.constant 0 : i32
      %dma_start3A_165 = tpu.memref_slice %arg6[%add3A_89, %dma_start3A_164] : memref<20480x32xf32, #tpu.memory_space<hbm>> -> memref<128x32xf32, #tpu.memory_space<hbm>>
      tpu.enqueue_dma source(%arg13 : memref<128x32xf32, #tpu.memory_space<vmem>>) target(%dma_start3A_165 : memref<128x32xf32, #tpu.memory_space<hbm>>) target_semaphore(%run_scoped3A : memref<!tpu.dma_semaphore, #tpu.memory_space<semaphore_mem>>)
      %dma_wait3A_166 = arith.constant 0 : i32
      %dma_wait3A_167 = tpu.memref_slice %arg6[%add3A_89, %dma_wait3A_166] : memref<20480x32xf32, #tpu.memory_space<hbm>> -> memref<128x32xf32, #tpu.memory_space<hbm>>
      %dma_wait3A_168 = arith.constant 0 : i32
      %dma_wait3A_169 = tpu.memref_slice %arg6[%add3A_89, %dma_wait3A_168] : memref<20480x32xf32, #tpu.memory_space<hbm>> -> memref<128x32xf32, #tpu.memory_space<hbm>>
      tpu.wait_dma2 semaphore(%run_scoped3A : memref<!tpu.dma_semaphore, #tpu.memory_space<semaphore_mem>>) src(%arg13 : memref<128x32xf32, #tpu.memory_space<vmem>>) dst(%dma_wait3A_169 : memref<128x32xf32, #tpu.memory_space<hbm>>)
      tpu.yield
    }) : () -> ()
    "tpu.region"() ({
      %run_scoped3A = tpu.sem_alloc : memref<!tpu.dma_semaphore, #tpu.memory_space<semaphore_mem>>
      %dma_start3A_162 = arith.constant 0 : i32
      %dma_start3A_163 = tpu.memref_slice %arg8[%add3A_89, %dma_start3A_162] : memref<20480x32xf32, #tpu.memory_space<hbm>> -> memref<128x32xf32, #tpu.memory_space<hbm>>
      %dma_start3A_164 = arith.constant 0 : i32
      %dma_start3A_165 = tpu.memref_slice %arg8[%add3A_89, %dma_start3A_164] : memref<20480x32xf32, #tpu.memory_space<hbm>> -> memref<128x32xf32, #tpu.memory_space<hbm>>
      tpu.enqueue_dma source(%arg20 : memref<128x32xf32, #tpu.memory_space<vmem>>) target(%dma_start3A_165 : memref<128x32xf32, #tpu.memory_space<hbm>>) target_semaphore(%run_scoped3A : memref<!tpu.dma_semaphore, #tpu.memory_space<semaphore_mem>>)
      %dma_wait3A_166 = arith.constant 0 : i32
      %dma_wait3A_167 = tpu.memref_slice %arg8[%add3A_89, %dma_wait3A_166] : memref<20480x32xf32, #tpu.memory_space<hbm>> -> memref<128x32xf32, #tpu.memory_space<hbm>>
      %dma_wait3A_168 = arith.constant 0 : i32
      %dma_wait3A_169 = tpu.memref_slice %arg8[%add3A_89, %dma_wait3A_168] : memref<20480x32xf32, #tpu.memory_space<hbm>> -> memref<128x32xf32, #tpu.memory_space<hbm>>
      tpu.wait_dma2 semaphore(%run_scoped3A : memref<!tpu.dma_semaphore, #tpu.memory_space<semaphore_mem>>) src(%arg20 : memref<128x32xf32, #tpu.memory_space<vmem>>) dst(%dma_wait3A_169 : memref<128x32xf32, #tpu.memory_space<hbm>>)
      tpu.yield
    }) : () -> ()
    "tpu.region"() ({
      %run_scoped3A = tpu.sem_alloc : memref<!tpu.dma_semaphore, #tpu.memory_space<semaphore_mem>>
      %dma_start3A_162 = arith.constant 0 : i32
      %dma_start3A_163 = tpu.memref_slice %arg7[%add3A_89, %dma_start3A_162] : memref<20480x32xf32, #tpu.memory_space<hbm>> -> memref<128x32xf32, #tpu.memory_space<hbm>>
      %dma_start3A_164 = arith.constant 0 : i32
      %dma_start3A_165 = tpu.memref_slice %arg7[%add3A_89, %dma_start3A_164] : memref<20480x32xf32, #tpu.memory_space<hbm>> -> memref<128x32xf32, #tpu.memory_space<hbm>>
      tpu.enqueue_dma source(%arg16 : memref<128x32xf32, #tpu.memory_space<vmem>>) target(%dma_start3A_165 : memref<128x32xf32, #tpu.memory_space<hbm>>) target_semaphore(%run_scoped3A : memref<!tpu.dma_semaphore, #tpu.memory_space<semaphore_mem>>)
      %dma_wait3A_166 = arith.constant 0 : i32
      %dma_wait3A_167 = tpu.memref_slice %arg7[%add3A_89, %dma_wait3A_166] : memref<20480x32xf32, #tpu.memory_space<hbm>> -> memref<128x32xf32, #tpu.memory_space<hbm>>
      %dma_wait3A_168 = arith.constant 0 : i32
      %dma_wait3A_169 = tpu.memref_slice %arg7[%add3A_89, %dma_wait3A_168] : memref<20480x32xf32, #tpu.memory_space<hbm>> -> memref<128x32xf32, #tpu.memory_space<hbm>>
      tpu.wait_dma2 semaphore(%run_scoped3A : memref<!tpu.dma_semaphore, #tpu.memory_space<semaphore_mem>>) src(%arg16 : memref<128x32xf32, #tpu.memory_space<vmem>>) dst(%dma_wait3A_169 : memref<128x32xf32, #tpu.memory_space<hbm>>)
      tpu.yield
    }) : () -> ()
    "tpu.region"() ({
      %run_scoped3A = tpu.sem_alloc : memref<!tpu.dma_semaphore, #tpu.memory_space<semaphore_mem>>
      %dma_start3A_162 = arith.constant 0 : i32
      %dma_start3A_163 = tpu.memref_slice %arg9[%add3A_87, %dma_start3A_162] : memref<10240x32xf32, #tpu.memory_space<vmem_shared>> -> memref<128x32xf32, #tpu.memory_space<vmem_shared>>
      %dma_start3A_164 = arith.constant 0 : i32
      %dma_start3A_165 = tpu.memref_slice %arg9[%add3A_87, %dma_start3A_164] : memref<10240x32xf32, #tpu.memory_space<vmem_shared>> -> memref<128x32xf32, #tpu.memory_space<vmem_shared>>
      tpu.enqueue_dma source(%arg14 : memref<128x32xf32, #tpu.memory_space<vmem>>) target(%dma_start3A_165 : memref<128x32xf32, #tpu.memory_space<vmem_shared>>) target_semaphore(%run_scoped3A : memref<!tpu.dma_semaphore, #tpu.memory_space<semaphore_mem>>)
      %dma_wait3A_166 = arith.constant 0 : i32
      %dma_wait3A_167 = tpu.memref_slice %arg9[%add3A_87, %dma_wait3A_166] : memref<10240x32xf32, #tpu.memory_space<vmem_shared>> -> memref<128x32xf32, #tpu.memory_space<vmem_shared>>
      %dma_wait3A_168 = arith.constant 0 : i32
      %dma_wait3A_169 = tpu.memref_slice %arg9[%add3A_87, %dma_wait3A_168] : memref<10240x32xf32, #tpu.memory_space<vmem_shared>> -> memref<128x32xf32, #tpu.memory_space<vmem_shared>>
      tpu.wait_dma2 semaphore(%run_scoped3A : memref<!tpu.dma_semaphore, #tpu.memory_space<semaphore_mem>>) src(%arg14 : memref<128x32xf32, #tpu.memory_space<vmem>>) dst(%dma_wait3A_169 : memref<128x32xf32, #tpu.memory_space<vmem_shared>>)
      tpu.yield
    }) : () -> ()
    "tpu.region"() ({
      %run_scoped3A = tpu.sem_alloc : memref<!tpu.dma_semaphore, #tpu.memory_space<semaphore_mem>>
      %dma_start3A_162 = arith.constant 0 : i32
      %dma_start3A_163 = tpu.memref_slice %arg10[%add3A_87, %dma_start3A_162] : memref<10240x32xf32, #tpu.memory_space<vmem_shared>> -> memref<128x32xf32, #tpu.memory_space<vmem_shared>>
      %dma_start3A_164 = arith.constant 0 : i32
      %dma_start3A_165 = tpu.memref_slice %arg10[%add3A_87, %dma_start3A_164] : memref<10240x32xf32, #tpu.memory_space<vmem_shared>> -> memref<128x32xf32, #tpu.memory_space<vmem_shared>>
      tpu.enqueue_dma source(%arg14 : memref<128x32xf32, #tpu.memory_space<vmem>>) target(%dma_start3A_165 : memref<128x32xf32, #tpu.memory_space<vmem_shared>>) target_semaphore(%run_scoped3A : memref<!tpu.dma_semaphore, #tpu.memory_space<semaphore_mem>>)
      %dma_wait3A_166 = arith.constant 0 : i32
      %dma_wait3A_167 = tpu.memref_slice %arg10[%add3A_87, %dma_wait3A_166] : memref<10240x32xf32, #tpu.memory_space<vmem_shared>> -> memref<128x32xf32, #tpu.memory_space<vmem_shared>>
      %dma_wait3A_168 = arith.constant 0 : i32
      %dma_wait3A_169 = tpu.memref_slice %arg10[%add3A_87, %dma_wait3A_168] : memref<10240x32xf32, #tpu.memory_space<vmem_shared>> -> memref<128x32xf32, #tpu.memory_space<vmem_shared>>
      tpu.wait_dma2 semaphore(%run_scoped3A : memref<!tpu.dma_semaphore, #tpu.memory_space<semaphore_mem>>) src(%arg14 : memref<128x32xf32, #tpu.memory_space<vmem>>) dst(%dma_wait3A_169 : memref<128x32xf32, #tpu.memory_space<vmem_shared>>)
      tpu.yield
    }) : () -> ()
    %barrier3A_95 = arith.constant 0 : index
    tpu.barrier barrier_id(%barrier3A_95)
    %scan3A_96 = arith.constant 0 : i32
    %scan3A_97 = arith.constant 9 : i32
    %scan3A_98 = arith.addi %scan3A_96, %scan3A_97 : i32
    %scan3A_99 = arith.constant 1 : i32
    scf.for %scan3A_162 = %scan3A_96 to %scan3A_98 step %scan3A_99  : i32 {
      %mul3A_163 = arith.constant 1 : i32
      %mul3A_164 = arith.muli %scan3A_162, %mul3A_163 : i32
      %add3A_165 = arith.constant 0 : i32
      %add3A_166 = arith.addi %add3A_165, %mul3A_164 : i32
      %dma_start3A_167 = arith.constant 0 : i32
      %dma_start3A_168 = tpu.memref_slice %arg11[%dma_start3A_167] : memref<20480xi32, #tpu.memory_space<vmem>> -> memref<256xi32, #tpu.memory_space<vmem>>
      %dma_start3A_169 = arith.constant 0 : i32
      %dma_start3A_170 = arith.constant 0 : i32
      %dma_start3A_171 = tpu.memref_slice %arg9[%dma_start3A_169, %dma_start3A_170] : memref<10240x32xf32, #tpu.memory_space<vmem_shared>> -> memref<10240x32xf32, #tpu.memory_space<vmem_shared>>
      tpu.enqueue_indirect_dma source(%dma_start3A_171 : memref<10240x32xf32, #tpu.memory_space<vmem_shared>>) target(%arg17 : memref<256x32xf32, #tpu.memory_space<vmem>>) offsets(%dma_start3A_168 : memref<256xi32, #tpu.memory_space<vmem>>) semaphore(%arg21 : memref<!tpu.dma_semaphore, #tpu.memory_space<semaphore_mem>>)
      %scan3A_172 = arith.constant 0 : i32
      %scan3A_173 = arith.constant 40 : i32
      %scan3A_174 = arith.addi %scan3A_172, %scan3A_173 : i32
      %scan3A_175 = arith.constant 1 : i32
      scf.for %scan3A_329 = %scan3A_172 to %scan3A_174 step %scan3A_175  : i32 {
        %mul3A_330 = arith.constant 1 : i32
        %mul3A_331 = arith.muli %scan3A_329, %mul3A_330 : i32
        %add3A_332 = arith.constant 0 : i32
        %add3A_333 = arith.addi %add3A_332, %mul3A_331 : i32
        %mul3A_334 = arith.constant 2 : i32
        %mul3A_335 = arith.muli %mul3A_334, %add3A_333 : i32
        %dma_wait3A_336 = arith.constant 0 : i32
        %dma_wait3A_337 = tpu.memref_slice %arg11[%dma_wait3A_336] : memref<20480xi32, #tpu.memory_space<vmem>> -> memref<256xi32, #tpu.memory_space<vmem>>
        %dma_wait3A_338 = arith.constant 0 : i32
        %dma_wait3A_339 = arith.constant 0 : i32
        %dma_wait3A_340 = tpu.memref_slice %arg9[%dma_wait3A_338, %dma_wait3A_339] : memref<10240x32xf32, #tpu.memory_space<vmem_shared>> -> memref<10240x32xf32, #tpu.memory_space<vmem_shared>>
        tpu.wait_indirect_dma semaphore(%arg21 : memref<!tpu.dma_semaphore, #tpu.memory_space<semaphore_mem>>) src(%dma_wait3A_340 : memref<10240x32xf32, #tpu.memory_space<vmem_shared>>) dst(%arg17 : memref<256x32xf32, #tpu.memory_space<vmem>>)
        %gt3A = arith.constant 0 : i32
        %gt3A_341 = arith.cmpi sgt, %add3A_333, %gt3A : i32
        %convert_element_type3A = arith.extui %gt3A_341 : i1 to i32
        %cond3A = arith.constant 0 : i32
        %cond3A_342 = arith.cmpi ne, %convert_element_type3A, %cond3A : i32
        scf.if %cond3A_342 {
          %dma_wait3A_379 = arith.constant 0 : i32
          %dma_wait3A_380 = tpu.memref_slice %arg12[%dma_wait3A_379] : memref<20480xi32, #tpu.memory_space<vmem>> -> memref<256xi32, #tpu.memory_space<vmem>>
          %dma_wait3A_381 = arith.constant 0 : i32
          %dma_wait3A_382 = arith.constant 0 : i32
          %dma_wait3A_383 = tpu.memref_slice %arg10[%dma_wait3A_381, %dma_wait3A_382] : memref<10240x32xf32, #tpu.memory_space<vmem_shared>> -> memref<10240x32xf32, #tpu.memory_space<vmem_shared>>
          tpu.wait_indirect_dma semaphore(%arg24 : memref<!tpu.dma_semaphore, #tpu.memory_space<semaphore_mem>>) src(%arg18 : memref<256x32xf32, #tpu.memory_space<vmem>>) dst(%dma_wait3A_383 : memref<10240x32xf32, #tpu.memory_space<vmem_shared>>)
        } else {
        }
        %add3A_343 = arith.constant 1 : i32
        %add3A_344 = arith.addi %mul3A_335, %add3A_343 : i32
        %mul3A_345 = arith.constant 256 : i32
        %mul3A_346 = arith.muli %add3A_344, %mul3A_345 : i32
        %dma_start3A_347 = tpu.memref_slice %arg11[%mul3A_346] : memref<20480xi32, #tpu.memory_space<vmem>> -> memref<256xi32, #tpu.memory_space<vmem>>
        %dma_start3A_348 = arith.constant 0 : i32
        %dma_start3A_349 = arith.constant 0 : i32
        %dma_start3A_350 = tpu.memref_slice %arg9[%dma_start3A_348, %dma_start3A_349] : memref<10240x32xf32, #tpu.memory_space<vmem_shared>> -> memref<10240x32xf32, #tpu.memory_space<vmem_shared>>
        tpu.enqueue_indirect_dma source(%dma_start3A_350 : memref<10240x32xf32, #tpu.memory_space<vmem_shared>>) target(%arg18 : memref<256x32xf32, #tpu.memory_space<vmem>>) offsets(%dma_start3A_347 : memref<256xi32, #tpu.memory_space<vmem>>) semaphore(%arg22 : memref<!tpu.dma_semaphore, #tpu.memory_space<semaphore_mem>>)
        %mul3A_351 = arith.constant 256 : i32
        %mul3A_352 = arith.muli %mul3A_335, %mul3A_351 : i32
        %dma_start3A_353 = tpu.memref_slice %arg12[%mul3A_352] : memref<20480xi32, #tpu.memory_space<vmem>> -> memref<256xi32, #tpu.memory_space<vmem>>
        %dma_start3A_354 = arith.constant 0 : i32
        %dma_start3A_355 = arith.constant 0 : i32
        %dma_start3A_356 = tpu.memref_slice %arg10[%dma_start3A_354, %dma_start3A_355] : memref<10240x32xf32, #tpu.memory_space<vmem_shared>> -> memref<10240x32xf32, #tpu.memory_space<vmem_shared>>
        tpu.enqueue_indirect_dma source(%arg17 : memref<256x32xf32, #tpu.memory_space<vmem>>) target(%dma_start3A_356 : memref<10240x32xf32, #tpu.memory_space<vmem_shared>>) offsets(%dma_start3A_353 : memref<256xi32, #tpu.memory_space<vmem>>) semaphore(%arg23 : memref<!tpu.dma_semaphore, #tpu.memory_space<semaphore_mem>>) {add = true}
        %dma_wait3A_357 = arith.constant 0 : i32
        %dma_wait3A_358 = tpu.memref_slice %arg11[%dma_wait3A_357] : memref<20480xi32, #tpu.memory_space<vmem>> -> memref<256xi32, #tpu.memory_space<vmem>>
        %dma_wait3A_359 = arith.constant 0 : i32
        %dma_wait3A_360 = arith.constant 0 : i32
        %dma_wait3A_361 = tpu.memref_slice %arg9[%dma_wait3A_359, %dma_wait3A_360] : memref<10240x32xf32, #tpu.memory_space<vmem_shared>> -> memref<10240x32xf32, #tpu.memory_space<vmem_shared>>
        tpu.wait_indirect_dma semaphore(%arg22 : memref<!tpu.dma_semaphore, #tpu.memory_space<semaphore_mem>>) src(%dma_wait3A_361 : memref<10240x32xf32, #tpu.memory_space<vmem_shared>>) dst(%arg18 : memref<256x32xf32, #tpu.memory_space<vmem>>)
        %dma_wait3A_362 = arith.constant 0 : i32
        %dma_wait3A_363 = tpu.memref_slice %arg12[%dma_wait3A_362] : memref<20480xi32, #tpu.memory_space<vmem>> -> memref<256xi32, #tpu.memory_space<vmem>>
        %dma_wait3A_364 = arith.constant 0 : i32
        %dma_wait3A_365 = arith.constant 0 : i32
        %dma_wait3A_366 = tpu.memref_slice %arg10[%dma_wait3A_364, %dma_wait3A_365] : memref<10240x32xf32, #tpu.memory_space<vmem_shared>> -> memref<10240x32xf32, #tpu.memory_space<vmem_shared>>
        tpu.wait_indirect_dma semaphore(%arg23 : memref<!tpu.dma_semaphore, #tpu.memory_space<semaphore_mem>>) src(%arg17 : memref<256x32xf32, #tpu.memory_space<vmem>>) dst(%dma_wait3A_366 : memref<10240x32xf32, #tpu.memory_space<vmem_shared>>)
        %lt3A = arith.constant 39 : i32
        %lt3A_367 = arith.cmpi slt, %add3A_333, %lt3A : i32
        %convert_element_type3A_368 = arith.extui %lt3A_367 : i1 to i32
        %cond3A_369 = arith.constant 0 : i32
        %cond3A_370 = arith.cmpi ne, %convert_element_type3A_368, %cond3A_369 : i32
        scf.if %cond3A_370 {
          %add3A_379 = arith.constant 2 : i32
          %add3A_380 = arith.addi %mul3A_335, %add3A_379 : i32
          %mul3A_381 = arith.constant 256 : i32
          %mul3A_382 = arith.muli %add3A_380, %mul3A_381 : i32
          %dma_start3A_383 = tpu.memref_slice %arg11[%mul3A_382] : memref<20480xi32, #tpu.memory_space<vmem>> -> memref<256xi32, #tpu.memory_space<vmem>>
          %dma_start3A_384 = arith.constant 0 : i32
          %dma_start3A_385 = arith.constant 0 : i32
          %dma_start3A_386 = tpu.memref_slice %arg9[%dma_start3A_384, %dma_start3A_385] : memref<10240x32xf32, #tpu.memory_space<vmem_shared>> -> memref<10240x32xf32, #tpu.memory_space<vmem_shared>>
          tpu.enqueue_indirect_dma source(%dma_start3A_386 : memref<10240x32xf32, #tpu.memory_space<vmem_shared>>) target(%arg17 : memref<256x32xf32, #tpu.memory_space<vmem>>) offsets(%dma_start3A_383 : memref<256xi32, #tpu.memory_space<vmem>>) semaphore(%arg21 : memref<!tpu.dma_semaphore, #tpu.memory_space<semaphore_mem>>)
        } else {
        }
        %add3A_371 = arith.constant 1 : i32
        %add3A_372 = arith.addi %mul3A_335, %add3A_371 : i32
        %mul3A_373 = arith.constant 256 : i32
        %mul3A_374 = arith.muli %add3A_372, %mul3A_373 : i32
        %dma_start3A_375 = tpu.memref_slice %arg12[%mul3A_374] : memref<20480xi32, #tpu.memory_space<vmem>> -> memref<256xi32, #tpu.memory_space<vmem>>
        %dma_start3A_376 = arith.constant 0 : i32
        %dma_start3A_377 = arith.constant 0 : i32
        %dma_start3A_378 = tpu.memref_slice %arg10[%dma_start3A_376, %dma_start3A_377] : memref<10240x32xf32, #tpu.memory_space<vmem_shared>> -> memref<10240x32xf32, #tpu.memory_space<vmem_shared>>
        tpu.enqueue_indirect_dma source(%arg18 : memref<256x32xf32, #tpu.memory_space<vmem>>) target(%dma_start3A_378 : memref<10240x32xf32, #tpu.memory_space<vmem_shared>>) offsets(%dma_start3A_375 : memref<256xi32, #tpu.memory_space<vmem>>) semaphore(%arg24 : memref<!tpu.dma_semaphore, #tpu.memory_space<semaphore_mem>>) {add = true}
      }
      %scan3A_176 = arith.constant 40 : i32
      %dma_wait3A_177 = arith.constant 0 : i32
      %dma_wait3A_178 = tpu.memref_slice %arg12[%dma_wait3A_177] : memref<20480xi32, #tpu.memory_space<vmem>> -> memref<256xi32, #tpu.memory_space<vmem>>
      %dma_wait3A_179 = arith.constant 0 : i32
      %dma_wait3A_180 = arith.constant 0 : i32
      %dma_wait3A_181 = tpu.memref_slice %arg10[%dma_wait3A_179, %dma_wait3A_180] : memref<10240x32xf32, #tpu.memory_space<vmem_shared>> -> memref<10240x32xf32, #tpu.memory_space<vmem_shared>>
      tpu.wait_indirect_dma semaphore(%arg24 : memref<!tpu.dma_semaphore, #tpu.memory_space<semaphore_mem>>) src(%arg18 : memref<256x32xf32, #tpu.memory_space<vmem>>) dst(%dma_wait3A_181 : memref<10240x32xf32, #tpu.memory_space<vmem_shared>>)
      %barrier3A_182 = arith.constant 0 : index
      tpu.barrier barrier_id(%barrier3A_182)
      %add3A_183 = arith.constant 0 : i32
      %add3A_184 = arith.addi %add3A, %add3A_183 : i32
      %dma_start3A_185 = arith.constant 0 : i32
      %dma_start3A_186 = tpu.memref_slice %arg6[%add3A_184, %dma_start3A_185] : memref<20480x32xf32, #tpu.memory_space<hbm>> -> memref<128x32xf32, #tpu.memory_space<hbm>>
      %dma_start3A_187 = arith.constant 0 : i32
      %dma_start3A_188 = tpu.memref_slice %arg6[%add3A_184, %dma_start3A_187] : memref<20480x32xf32, #tpu.memory_space<hbm>> -> memref<128x32xf32, #tpu.memory_space<hbm>>
      tpu.enqueue_dma source(%dma_start3A_188 : memref<128x32xf32, #tpu.memory_space<hbm>>) target(%arg13 : memref<128x32xf32, #tpu.memory_space<vmem>>) target_semaphore(%arg25 : memref<!tpu.dma_semaphore, #tpu.memory_space<semaphore_mem>>)
      %add3A_189 = arith.constant 0 : i32
      %add3A_190 = arith.addi %add3A, %add3A_189 : i32
      %dma_start3A_191 = arith.constant 0 : i32
      %dma_start3A_192 = tpu.memref_slice %arg7[%add3A_190, %dma_start3A_191] : memref<20480x32xf32, #tpu.memory_space<hbm>> -> memref<128x32xf32, #tpu.memory_space<hbm>>
      %dma_start3A_193 = arith.constant 0 : i32
      %dma_start3A_194 = tpu.memref_slice %arg7[%add3A_190, %dma_start3A_193] : memref<20480x32xf32, #tpu.memory_space<hbm>> -> memref<128x32xf32, #tpu.memory_space<hbm>>
      tpu.enqueue_dma source(%dma_start3A_194 : memref<128x32xf32, #tpu.memory_space<hbm>>) target(%arg14 : memref<128x32xf32, #tpu.memory_space<vmem>>) target_semaphore(%arg25 : memref<!tpu.dma_semaphore, #tpu.memory_space<semaphore_mem>>)
      %add3A_195 = arith.constant 0 : i32
      %add3A_196 = arith.addi %mul3A_0, %add3A_195 : i32
      "tpu.region"() ({
        %run_scoped3A = tpu.sem_alloc : memref<!tpu.dma_semaphore, #tpu.memory_space<semaphore_mem>>
        %dma_start3A_329 = arith.constant 0 : i32
        %dma_start3A_330 = tpu.memref_slice %arg10[%add3A_196, %dma_start3A_329] : memref<10240x32xf32, #tpu.memory_space<vmem_shared>> -> memref<128x32xf32, #tpu.memory_space<vmem_shared>>
        %dma_start3A_331 = arith.constant 0 : i32
        %dma_start3A_332 = tpu.memref_slice %arg10[%add3A_196, %dma_start3A_331] : memref<10240x32xf32, #tpu.memory_space<vmem_shared>> -> memref<128x32xf32, #tpu.memory_space<vmem_shared>>
        tpu.enqueue_dma source(%dma_start3A_332 : memref<128x32xf32, #tpu.memory_space<vmem_shared>>) target(%arg19 : memref<128x32xf32, #tpu.memory_space<vmem>>) target_semaphore(%run_scoped3A : memref<!tpu.dma_semaphore, #tpu.memory_space<semaphore_mem>>)
        %dma_wait3A_333 = arith.constant 0 : i32
        %dma_wait3A_334 = tpu.memref_slice %arg10[%add3A_196, %dma_wait3A_333] : memref<10240x32xf32, #tpu.memory_space<vmem_shared>> -> memref<128x32xf32, #tpu.memory_space<vmem_shared>>
        %dma_wait3A_335 = arith.constant 0 : i32
        %dma_wait3A_336 = tpu.memref_slice %arg10[%add3A_196, %dma_wait3A_335] : memref<10240x32xf32, #tpu.memory_space<vmem_shared>> -> memref<128x32xf32, #tpu.memory_space<vmem_shared>>
        tpu.wait_dma2 semaphore(%run_scoped3A : memref<!tpu.dma_semaphore, #tpu.memory_space<semaphore_mem>>) src(%dma_wait3A_336 : memref<128x32xf32, #tpu.memory_space<vmem_shared>>) dst(%arg19 : memref<128x32xf32, #tpu.memory_space<vmem>>)
        tpu.yield
      }) : () -> ()
      %dma_wait3A_197 = arith.constant 0 : i32
      %dma_wait3A_198 = tpu.memref_slice %arg6[%add3A, %dma_wait3A_197] : memref<20480x32xf32, #tpu.memory_space<hbm>> -> memref<128x32xf32, #tpu.memory_space<hbm>>
      %dma_wait3A_199 = arith.constant 0 : i32
      %dma_wait3A_200 = tpu.memref_slice %arg6[%add3A, %dma_wait3A_199] : memref<20480x32xf32, #tpu.memory_space<hbm>> -> memref<128x32xf32, #tpu.memory_space<hbm>>
      tpu.wait_dma2 semaphore(%arg25 : memref<!tpu.dma_semaphore, #tpu.memory_space<semaphore_mem>>) src(%dma_wait3A_200 : memref<128x32xf32, #tpu.memory_space<hbm>>) dst(%arg13 : memref<128x32xf32, #tpu.memory_space<vmem>>)
      %dma_wait3A_201 = arith.constant 0 : i32
      %dma_wait3A_202 = tpu.memref_slice %arg7[%add3A, %dma_wait3A_201] : memref<20480x32xf32, #tpu.memory_space<hbm>> -> memref<128x32xf32, #tpu.memory_space<hbm>>
      %dma_wait3A_203 = arith.constant 0 : i32
      %dma_wait3A_204 = tpu.memref_slice %arg7[%add3A, %dma_wait3A_203] : memref<20480x32xf32, #tpu.memory_space<hbm>> -> memref<128x32xf32, #tpu.memory_space<hbm>>
      tpu.wait_dma2 semaphore(%arg25 : memref<!tpu.dma_semaphore, #tpu.memory_space<semaphore_mem>>) src(%dma_wait3A_204 : memref<128x32xf32, #tpu.memory_space<hbm>>) dst(%arg14 : memref<128x32xf32, #tpu.memory_space<vmem>>)
      %add3A_205 = arith.constant 128 : i32
      %add3A_206 = arith.addi %add3A, %add3A_205 : i32
      %dma_start3A_207 = arith.constant 0 : i32
      %dma_start3A_208 = tpu.memref_slice %arg6[%add3A_206, %dma_start3A_207] : memref<20480x32xf32, #tpu.memory_space<hbm>> -> memref<128x32xf32, #tpu.memory_space<hbm>>
      %dma_start3A_209 = arith.constant 0 : i32
      %dma_start3A_210 = tpu.memref_slice %arg6[%add3A_206, %dma_start3A_209] : memref<20480x32xf32, #tpu.memory_space<hbm>> -> memref<128x32xf32, #tpu.memory_space<hbm>>
      tpu.enqueue_dma source(%dma_start3A_210 : memref<128x32xf32, #tpu.memory_space<hbm>>) target(%arg15 : memref<128x32xf32, #tpu.memory_space<vmem>>) target_semaphore(%arg26 : memref<!tpu.dma_semaphore, #tpu.memory_space<semaphore_mem>>)
      %add3A_211 = arith.constant 128 : i32
      %add3A_212 = arith.addi %add3A, %add3A_211 : i32
      %dma_start3A_213 = arith.constant 0 : i32
      %dma_start3A_214 = tpu.memref_slice %arg7[%add3A_212, %dma_start3A_213] : memref<20480x32xf32, #tpu.memory_space<hbm>> -> memref<128x32xf32, #tpu.memory_space<hbm>>
      %dma_start3A_215 = arith.constant 0 : i32
      %dma_start3A_216 = tpu.memref_slice %arg7[%add3A_212, %dma_start3A_215] : memref<20480x32xf32, #tpu.memory_space<hbm>> -> memref<128x32xf32, #tpu.memory_space<hbm>>
      tpu.enqueue_dma source(%dma_start3A_216 : memref<128x32xf32, #tpu.memory_space<hbm>>) target(%arg16 : memref<128x32xf32, #tpu.memory_space<vmem>>) target_semaphore(%arg26 : memref<!tpu.dma_semaphore, #tpu.memory_space<semaphore_mem>>)
      %scan3A_217 = arith.constant 0 : i32
      %scan3A_218 = arith.constant 128 : i32
      %scan3A_219 = arith.addi %scan3A_217, %scan3A_218 : i32
      %scan3A_220 = arith.constant 1 : i32
      scf.for %scan3A_329 = %scan3A_217 to %scan3A_219 step %scan3A_220  : i32 {
        %mul3A_330 = arith.constant 1 : i32
        %mul3A_331 = arith.muli %scan3A_329, %mul3A_330 : i32
        %add3A_332 = arith.constant 0 : i32
        %add3A_333 = arith.addi %add3A_332, %mul3A_331 : i32
        %get3A = arith.index_cast %add3A_333 : i32 to index
        %get3A_334 = arith.constant 0 : index
        %get3A_335 = tpu.vector_load %arg13[%get3A, %get3A_334] {strides = array<i32>} : memref<128x32xf32, #tpu.memory_space<vmem>>, vector<16xf32>,
        %get3A_336 = arith.index_cast %add3A_333 : i32 to index
        %get3A_337 = arith.constant 0 : index
        %get3A_338 = tpu.vector_load %arg19[%get3A_336, %get3A_337] {strides = array<i32>} : memref<128x32xf32, #tpu.memory_space<vmem>>, vector<16xf32>,
        %mul3A_339 = arith.mulf %get3A_335, %get3A_338 : vector<16xf32>
        %get3A_340 = arith.index_cast %add3A_333 : i32 to index
        %get3A_341 = arith.constant 0 : index
        %get3A_342 = tpu.vector_load %arg14[%get3A_340, %get3A_341] {strides = array<i32>} : memref<128x32xf32, #tpu.memory_space<vmem>>, vector<16xf32>,
        %add3A_343 = arith.addf %mul3A_339, %get3A_342 : vector<16xf32>
        %swap3A = arith.index_cast %add3A_333 : i32 to index
        %swap3A_344 = arith.constant 0 : index
        %swap3A_345 = tpu.vector_load %arg19[%swap3A, %swap3A_344] {strides = array<i32>} : memref<128x32xf32, #tpu.memory_space<vmem>>, vector<16xf32>,
        tpu.vector_store %arg19[%swap3A, %swap3A_344], %add3A_343 {strides = array<i32>} : memref<128x32xf32, #tpu.memory_space<vmem>>, vector<16xf32>,
        %get3A_346 = arith.index_cast %add3A_333 : i32 to index
        %get3A_347 = arith.constant 16 : index
        %get3A_348 = tpu.vector_load %arg13[%get3A_346, %get3A_347] {strides = array<i32>} : memref<128x32xf32, #tpu.memory_space<vmem>>, vector<16xf32>,
        %get3A_349 = arith.index_cast %add3A_333 : i32 to index
        %get3A_350 = arith.constant 16 : index
        %get3A_351 = tpu.vector_load %arg19[%get3A_349, %get3A_350] {strides = array<i32>} : memref<128x32xf32, #tpu.memory_space<vmem>>, vector<16xf32>,
        %mul3A_352 = arith.mulf %get3A_348, %get3A_351 : vector<16xf32>
        %get3A_353 = arith.index_cast %add3A_333 : i32 to index
        %get3A_354 = arith.constant 16 : index
        %get3A_355 = tpu.vector_load %arg14[%get3A_353, %get3A_354] {strides = array<i32>} : memref<128x32xf32, #tpu.memory_space<vmem>>, vector<16xf32>,
        %add3A_356 = arith.addf %mul3A_352, %get3A_355 : vector<16xf32>
        %swap3A_357 = arith.index_cast %add3A_333 : i32 to index
        %swap3A_358 = arith.constant 16 : index
        %swap3A_359 = tpu.vector_load %arg19[%swap3A_357, %swap3A_358] {strides = array<i32>} : memref<128x32xf32, #tpu.memory_space<vmem>>, vector<16xf32>,
        tpu.vector_store %arg19[%swap3A_357, %swap3A_358], %add3A_356 {strides = array<i32>} : memref<128x32xf32, #tpu.memory_space<vmem>>, vector<16xf32>,
      }
      %scan3A_221 = arith.constant 128 : i32
      %add3A_222 = arith.constant 0 : i32
      %add3A_223 = arith.addi %mul3A_0, %add3A_222 : i32
      "tpu.region"() ({
        %run_scoped3A = tpu.sem_alloc : memref<!tpu.dma_semaphore, #tpu.memory_space<semaphore_mem>>
        %dma_start3A_329 = arith.constant 0 : i32
        %dma_start3A_330 = tpu.memref_slice %arg9[%add3A_223, %dma_start3A_329] : memref<10240x32xf32, #tpu.memory_space<vmem_shared>> -> memref<128x32xf32, #tpu.memory_space<vmem_shared>>
        %dma_start3A_331 = arith.constant 0 : i32
        %dma_start3A_332 = tpu.memref_slice %arg9[%add3A_223, %dma_start3A_331] : memref<10240x32xf32, #tpu.memory_space<vmem_shared>> -> memref<128x32xf32, #tpu.memory_space<vmem_shared>>
        tpu.enqueue_dma source(%arg19 : memref<128x32xf32, #tpu.memory_space<vmem>>) target(%dma_start3A_332 : memref<128x32xf32, #tpu.memory_space<vmem_shared>>) target_semaphore(%run_scoped3A : memref<!tpu.dma_semaphore, #tpu.memory_space<semaphore_mem>>)
        %dma_wait3A_333 = arith.constant 0 : i32
        %dma_wait3A_334 = tpu.memref_slice %arg9[%add3A_223, %dma_wait3A_333] : memref<10240x32xf32, #tpu.memory_space<vmem_shared>> -> memref<128x32xf32, #tpu.memory_space<vmem_shared>>
        %dma_wait3A_335 = arith.constant 0 : i32
        %dma_wait3A_336 = tpu.memref_slice %arg9[%add3A_223, %dma_wait3A_335] : memref<10240x32xf32, #tpu.memory_space<vmem_shared>> -> memref<128x32xf32, #tpu.memory_space<vmem_shared>>
        tpu.wait_dma2 semaphore(%run_scoped3A : memref<!tpu.dma_semaphore, #tpu.memory_space<semaphore_mem>>) src(%arg19 : memref<128x32xf32, #tpu.memory_space<vmem>>) dst(%dma_wait3A_336 : memref<128x32xf32, #tpu.memory_space<vmem_shared>>)
        tpu.yield
      }) : () -> ()
      "tpu.region"() ({
        %run_scoped3A = tpu.sem_alloc : memref<!tpu.dma_semaphore, #tpu.memory_space<semaphore_mem>>
        %dma_start3A_329 = arith.constant 0 : i32
        %dma_start3A_330 = tpu.memref_slice %arg10[%add3A_223, %dma_start3A_329] : memref<10240x32xf32, #tpu.memory_space<vmem_shared>> -> memref<128x32xf32, #tpu.memory_space<vmem_shared>>
        %dma_start3A_331 = arith.constant 0 : i32
        %dma_start3A_332 = tpu.memref_slice %arg10[%add3A_223, %dma_start3A_331] : memref<10240x32xf32, #tpu.memory_space<vmem_shared>> -> memref<128x32xf32, #tpu.memory_space<vmem_shared>>
        tpu.enqueue_dma source(%arg19 : memref<128x32xf32, #tpu.memory_space<vmem>>) target(%dma_start3A_332 : memref<128x32xf32, #tpu.memory_space<vmem_shared>>) target_semaphore(%run_scoped3A : memref<!tpu.dma_semaphore, #tpu.memory_space<semaphore_mem>>)
        %dma_wait3A_333 = arith.constant 0 : i32
        %dma_wait3A_334 = tpu.memref_slice %arg10[%add3A_223, %dma_wait3A_333] : memref<10240x32xf32, #tpu.memory_space<vmem_shared>> -> memref<128x32xf32, #tpu.memory_space<vmem_shared>>
        %dma_wait3A_335 = arith.constant 0 : i32
        %dma_wait3A_336 = tpu.memref_slice %arg10[%add3A_223, %dma_wait3A_335] : memref<10240x32xf32, #tpu.memory_space<vmem_shared>> -> memref<128x32xf32, #tpu.memory_space<vmem_shared>>
        tpu.wait_dma2 semaphore(%run_scoped3A : memref<!tpu.dma_semaphore, #tpu.memory_space<semaphore_mem>>) src(%arg19 : memref<128x32xf32, #tpu.memory_space<vmem>>) dst(%dma_wait3A_336 : memref<128x32xf32, #tpu.memory_space<vmem_shared>>)
        tpu.yield
      }) : () -> ()
      %add3A_224 = arith.constant 128 : i32
      %add3A_225 = arith.addi %mul3A_0, %add3A_224 : i32
      "tpu.region"() ({
        %run_scoped3A = tpu.sem_alloc : memref<!tpu.dma_semaphore, #tpu.memory_space<semaphore_mem>>
        %dma_start3A_329 = arith.constant 0 : i32
        %dma_start3A_330 = tpu.memref_slice %arg10[%add3A_225, %dma_start3A_329] : memref<10240x32xf32, #tpu.memory_space<vmem_shared>> -> memref<128x32xf32, #tpu.memory_space<vmem_shared>>
        %dma_start3A_331 = arith.constant 0 : i32
        %dma_start3A_332 = tpu.memref_slice %arg10[%add3A_225, %dma_start3A_331] : memref<10240x32xf32, #tpu.memory_space<vmem_shared>> -> memref<128x32xf32, #tpu.memory_space<vmem_shared>>
        tpu.enqueue_dma source(%dma_start3A_332 : memref<128x32xf32, #tpu.memory_space<vmem_shared>>) target(%arg20 : memref<128x32xf32, #tpu.memory_space<vmem>>) target_semaphore(%run_scoped3A : memref<!tpu.dma_semaphore, #tpu.memory_space<semaphore_mem>>)
        %dma_wait3A_333 = arith.constant 0 : i32
        %dma_wait3A_334 = tpu.memref_slice %arg10[%add3A_225, %dma_wait3A_333] : memref<10240x32xf32, #tpu.memory_space<vmem_shared>> -> memref<128x32xf32, #tpu.memory_space<vmem_shared>>
        %dma_wait3A_335 = arith.constant 0 : i32
        %dma_wait3A_336 = tpu.memref_slice %arg10[%add3A_225, %dma_wait3A_335] : memref<10240x32xf32, #tpu.memory_space<vmem_shared>> -> memref<128x32xf32, #tpu.memory_space<vmem_shared>>
        tpu.wait_dma2 semaphore(%run_scoped3A : memref<!tpu.dma_semaphore, #tpu.memory_space<semaphore_mem>>) src(%dma_wait3A_336 : memref<128x32xf32, #tpu.memory_space<vmem_shared>>) dst(%arg20 : memref<128x32xf32, #tpu.memory_space<vmem>>)
        tpu.yield
      }) : () -> ()
      %dma_wait3A_226 = arith.constant 0 : i32
      %dma_wait3A_227 = tpu.memref_slice %arg6[%add3A, %dma_wait3A_226] : memref<20480x32xf32, #tpu.memory_space<hbm>> -> memref<128x32xf32, #tpu.memory_space<hbm>>
      %dma_wait3A_228 = arith.constant 0 : i32
      %dma_wait3A_229 = tpu.memref_slice %arg6[%add3A, %dma_wait3A_228] : memref<20480x32xf32, #tpu.memory_space<hbm>> -> memref<128x32xf32, #tpu.memory_space<hbm>>
      tpu.wait_dma2 semaphore(%arg26 : memref<!tpu.dma_semaphore, #tpu.memory_space<semaphore_mem>>) src(%dma_wait3A_229 : memref<128x32xf32, #tpu.memory_space<hbm>>) dst(%arg15 : memref<128x32xf32, #tpu.memory_space<vmem>>)
      %dma_wait3A_230 = arith.constant 0 : i32
      %dma_wait3A_231 = tpu.memref_slice %arg7[%add3A, %dma_wait3A_230] : memref<20480x32xf32, #tpu.memory_space<hbm>> -> memref<128x32xf32, #tpu.memory_space<hbm>>
      %dma_wait3A_232 = arith.constant 0 : i32
      %dma_wait3A_233 = tpu.memref_slice %arg7[%add3A, %dma_wait3A_232] : memref<20480x32xf32, #tpu.memory_space<hbm>> -> memref<128x32xf32, #tpu.memory_space<hbm>>
      tpu.wait_dma2 semaphore(%arg26 : memref<!tpu.dma_semaphore, #tpu.memory_space<semaphore_mem>>) src(%dma_wait3A_233 : memref<128x32xf32, #tpu.memory_space<hbm>>) dst(%arg16 : memref<128x32xf32, #tpu.memory_space<vmem>>)
      %add3A_234 = arith.constant 256 : i32
      %add3A_235 = arith.addi %add3A, %add3A_234 : i32
      %dma_start3A_236 = arith.constant 0 : i32
      %dma_start3A_237 = tpu.memref_slice %arg6[%add3A_235, %dma_start3A_236] : memref<20480x32xf32, #tpu.memory_space<hbm>> -> memref<128x32xf32, #tpu.memory_space<hbm>>
      %dma_start3A_238 = arith.constant 0 : i32
      %dma_start3A_239 = tpu.memref_slice %arg6[%add3A_235, %dma_start3A_238] : memref<20480x32xf32, #tpu.memory_space<hbm>> -> memref<128x32xf32, #tpu.memory_space<hbm>>
      tpu.enqueue_dma source(%dma_start3A_239 : memref<128x32xf32, #tpu.memory_space<hbm>>) target(%arg13 : memref<128x32xf32, #tpu.memory_space<vmem>>) target_semaphore(%arg25 : memref<!tpu.dma_semaphore, #tpu.memory_space<semaphore_mem>>)
      %add3A_240 = arith.constant 256 : i32
      %add3A_241 = arith.addi %add3A, %add3A_240 : i32
      %dma_start3A_242 = arith.constant 0 : i32
      %dma_start3A_243 = tpu.memref_slice %arg7[%add3A_241, %dma_start3A_242] : memref<20480x32xf32, #tpu.memory_space<hbm>> -> memref<128x32xf32, #tpu.memory_space<hbm>>
      %dma_start3A_244 = arith.constant 0 : i32
      %dma_start3A_245 = tpu.memref_slice %arg7[%add3A_241, %dma_start3A_244] : memref<20480x32xf32, #tpu.memory_space<hbm>> -> memref<128x32xf32, #tpu.memory_space<hbm>>
      tpu.enqueue_dma source(%dma_start3A_245 : memref<128x32xf32, #tpu.memory_space<hbm>>) target(%arg14 : memref<128x32xf32, #tpu.memory_space<vmem>>) target_semaphore(%arg25 : memref<!tpu.dma_semaphore, #tpu.memory_space<semaphore_mem>>)
      %scan3A_246 = arith.constant 0 : i32
      %scan3A_247 = arith.constant 128 : i32
      %scan3A_248 = arith.addi %scan3A_246, %scan3A_247 : i32
      %scan3A_249 = arith.constant 1 : i32
      scf.for %scan3A_329 = %scan3A_246 to %scan3A_248 step %scan3A_249  : i32 {
        %mul3A_330 = arith.constant 1 : i32
        %mul3A_331 = arith.muli %scan3A_329, %mul3A_330 : i32
        %add3A_332 = arith.constant 0 : i32
        %add3A_333 = arith.addi %add3A_332, %mul3A_331 : i32
        %get3A = arith.index_cast %add3A_333 : i32 to index
        %get3A_334 = arith.constant 0 : index
        %get3A_335 = tpu.vector_load %arg15[%get3A, %get3A_334] {strides = array<i32>} : memref<128x32xf32, #tpu.memory_space<vmem>>, vector<16xf32>,
        %get3A_336 = arith.index_cast %add3A_333 : i32 to index
        %get3A_337 = arith.constant 0 : index
        %get3A_338 = tpu.vector_load %arg20[%get3A_336, %get3A_337] {strides = array<i32>} : memref<128x32xf32, #tpu.memory_space<vmem>>, vector<16xf32>,
        %mul3A_339 = arith.mulf %get3A_335, %get3A_338 : vector<16xf32>
        %get3A_340 = arith.index_cast %add3A_333 : i32 to index
        %get3A_341 = arith.constant 0 : index
        %get3A_342 = tpu.vector_load %arg16[%get3A_340, %get3A_341] {strides = array<i32>} : memref<128x32xf32, #tpu.memory_space<vmem>>, vector<16xf32>,
        %add3A_343 = arith.addf %mul3A_339, %get3A_342 : vector<16xf32>
        %swap3A = arith.index_cast %add3A_333 : i32 to index
        %swap3A_344 = arith.constant 0 : index
        %swap3A_345 = tpu.vector_load %arg20[%swap3A, %swap3A_344] {strides = array<i32>} : memref<128x32xf32, #tpu.memory_space<vmem>>, vector<16xf32>,
        tpu.vector_store %arg20[%swap3A, %swap3A_344], %add3A_343 {strides = array<i32>} : memref<128x32xf32, #tpu.memory_space<vmem>>, vector<16xf32>,
        %get3A_346 = arith.index_cast %add3A_333 : i32 to index
        %get3A_347 = arith.constant 16 : index
        %get3A_348 = tpu.vector_load %arg15[%get3A_346, %get3A_347] {strides = array<i32>} : memref<128x32xf32, #tpu.memory_space<vmem>>, vector<16xf32>,
        %get3A_349 = arith.index_cast %add3A_333 : i32 to index
        %get3A_350 = arith.constant 16 : index
        %get3A_351 = tpu.vector_load %arg20[%get3A_349, %get3A_350] {strides = array<i32>} : memref<128x32xf32, #tpu.memory_space<vmem>>, vector<16xf32>,
        %mul3A_352 = arith.mulf %get3A_348, %get3A_351 : vector<16xf32>
        %get3A_353 = arith.index_cast %add3A_333 : i32 to index
        %get3A_354 = arith.constant 16 : index
        %get3A_355 = tpu.vector_load %arg16[%get3A_353, %get3A_354] {strides = array<i32>} : memref<128x32xf32, #tpu.memory_space<vmem>>, vector<16xf32>,
        %add3A_356 = arith.addf %mul3A_352, %get3A_355 : vector<16xf32>
        %swap3A_357 = arith.index_cast %add3A_333 : i32 to index
        %swap3A_358 = arith.constant 16 : index
        %swap3A_359 = tpu.vector_load %arg20[%swap3A_357, %swap3A_358] {strides = array<i32>} : memref<128x32xf32, #tpu.memory_space<vmem>>, vector<16xf32>,
        tpu.vector_store %arg20[%swap3A_357, %swap3A_358], %add3A_356 {strides = array<i32>} : memref<128x32xf32, #tpu.memory_space<vmem>>, vector<16xf32>,
      }
      %scan3A_250 = arith.constant 128 : i32
      %add3A_251 = arith.constant 128 : i32
      %add3A_252 = arith.addi %mul3A_0, %add3A_251 : i32
      "tpu.region"() ({
        %run_scoped3A = tpu.sem_alloc : memref<!tpu.dma_semaphore, #tpu.memory_space<semaphore_mem>>
        %dma_start3A_329 = arith.constant 0 : i32
        %dma_start3A_330 = tpu.memref_slice %arg9[%add3A_252, %dma_start3A_329] : memref<10240x32xf32, #tpu.memory_space<vmem_shared>> -> memref<128x32xf32, #tpu.memory_space<vmem_shared>>
        %dma_start3A_331 = arith.constant 0 : i32
        %dma_start3A_332 = tpu.memref_slice %arg9[%add3A_252, %dma_start3A_331] : memref<10240x32xf32, #tpu.memory_space<vmem_shared>> -> memref<128x32xf32, #tpu.memory_space<vmem_shared>>
        tpu.enqueue_dma source(%arg20 : memref<128x32xf32, #tpu.memory_space<vmem>>) target(%dma_start3A_332 : memref<128x32xf32, #tpu.memory_space<vmem_shared>>) target_semaphore(%run_scoped3A : memref<!tpu.dma_semaphore, #tpu.memory_space<semaphore_mem>>)
        %dma_wait3A_333 = arith.constant 0 : i32
        %dma_wait3A_334 = tpu.memref_slice %arg9[%add3A_252, %dma_wait3A_333] : memref<10240x32xf32, #tpu.memory_space<vmem_shared>> -> memref<128x32xf32, #tpu.memory_space<vmem_shared>>
        %dma_wait3A_335 = arith.constant 0 : i32
        %dma_wait3A_336 = tpu.memref_slice %arg9[%add3A_252, %dma_wait3A_335] : memref<10240x32xf32, #tpu.memory_space<vmem_shared>> -> memref<128x32xf32, #tpu.memory_space<vmem_shared>>
        tpu.wait_dma2 semaphore(%run_scoped3A : memref<!tpu.dma_semaphore, #tpu.memory_space<semaphore_mem>>) src(%arg20 : memref<128x32xf32, #tpu.memory_space<vmem>>) dst(%dma_wait3A_336 : memref<128x32xf32, #tpu.memory_space<vmem_shared>>)
        tpu.yield
      }) : () -> ()
      "tpu.region"() ({
        %run_scoped3A = tpu.sem_alloc : memref<!tpu.dma_semaphore, #tpu.memory_space<semaphore_mem>>
        %dma_start3A_329 = arith.constant 0 : i32
        %dma_start3A_330 = tpu.memref_slice %arg10[%add3A_252, %dma_start3A_329] : memref<10240x32xf32, #tpu.memory_space<vmem_shared>> -> memref<128x32xf32, #tpu.memory_space<vmem_shared>>
        %dma_start3A_331 = arith.constant 0 : i32
        %dma_start3A_332 = tpu.memref_slice %arg10[%add3A_252, %dma_start3A_331] : memref<10240x32xf32, #tpu.memory_space<vmem_shared>> -> memref<128x32xf32, #tpu.memory_space<vmem_shared>>
        tpu.enqueue_dma source(%arg20 : memref<128x32xf32, #tpu.memory_space<vmem>>) target(%dma_start3A_332 : memref<128x32xf32, #tpu.memory_space<vmem_shared>>) target_semaphore(%run_scoped3A : memref<!tpu.dma_semaphore, #tpu.memory_space<semaphore_mem>>)
        %dma_wait3A_333 = arith.constant 0 : i32
        %dma_wait3A_334 = tpu.memref_slice %arg10[%add3A_252, %dma_wait3A_333] : memref<10240x32xf32, #tpu.memory_space<vmem_shared>> -> memref<128x32xf32, #tpu.memory_space<vmem_shared>>
        %dma_wait3A_335 = arith.constant 0 : i32
        %dma_wait3A_336 = tpu.memref_slice %arg10[%add3A_252, %dma_wait3A_335] : memref<10240x32xf32, #tpu.memory_space<vmem_shared>> -> memref<128x32xf32, #tpu.memory_space<vmem_shared>>
        tpu.wait_dma2 semaphore(%run_scoped3A : memref<!tpu.dma_semaphore, #tpu.memory_space<semaphore_mem>>) src(%arg20 : memref<128x32xf32, #tpu.memory_space<vmem>>) dst(%dma_wait3A_336 : memref<128x32xf32, #tpu.memory_space<vmem_shared>>)
        tpu.yield
      }) : () -> ()
      %add3A_253 = arith.constant 256 : i32
      %add3A_254 = arith.addi %mul3A_0, %add3A_253 : i32
      "tpu.region"() ({
        %run_scoped3A = tpu.sem_alloc : memref<!tpu.dma_semaphore, #tpu.memory_space<semaphore_mem>>
        %dma_start3A_329 = arith.constant 0 : i32
        %dma_start3A_330 = tpu.memref_slice %arg10[%add3A_254, %dma_start3A_329] : memref<10240x32xf32, #tpu.memory_space<vmem_shared>> -> memref<128x32xf32, #tpu.memory_space<vmem_shared>>
        %dma_start3A_331 = arith.constant 0 : i32
        %dma_start3A_332 = tpu.memref_slice %arg10[%add3A_254, %dma_start3A_331] : memref<10240x32xf32, #tpu.memory_space<vmem_shared>> -> memref<128x32xf32, #tpu.memory_space<vmem_shared>>
        tpu.enqueue_dma source(%dma_start3A_332 : memref<128x32xf32, #tpu.memory_space<vmem_shared>>) target(%arg19 : memref<128x32xf32, #tpu.memory_space<vmem>>) target_semaphore(%run_scoped3A : memref<!tpu.dma_semaphore, #tpu.memory_space<semaphore_mem>>)
        %dma_wait3A_333 = arith.constant 0 : i32
        %dma_wait3A_334 = tpu.memref_slice %arg10[%add3A_254, %dma_wait3A_333] : memref<10240x32xf32, #tpu.memory_space<vmem_shared>> -> memref<128x32xf32, #tpu.memory_space<vmem_shared>>
        %dma_wait3A_335 = arith.constant 0 : i32
        %dma_wait3A_336 = tpu.memref_slice %arg10[%add3A_254, %dma_wait3A_335] : memref<10240x32xf32, #tpu.memory_space<vmem_shared>> -> memref<128x32xf32, #tpu.memory_space<vmem_shared>>
        tpu.wait_dma2 semaphore(%run_scoped3A : memref<!tpu.dma_semaphore, #tpu.memory_space<semaphore_mem>>) src(%dma_wait3A_336 : memref<128x32xf32, #tpu.memory_space<vmem_shared>>) dst(%arg19 : memref<128x32xf32, #tpu.memory_space<vmem>>)
        tpu.yield
      }) : () -> ()
      %dma_wait3A_255 = arith.constant 0 : i32
      %dma_wait3A_256 = tpu.memref_slice %arg6[%add3A, %dma_wait3A_255] : memref<20480x32xf32, #tpu.memory_space<hbm>> -> memref<128x32xf32, #tpu.memory_space<hbm>>
      %dma_wait3A_257 = arith.constant 0 : i32
      %dma_wait3A_258 = tpu.memref_slice %arg6[%add3A, %dma_wait3A_257] : memref<20480x32xf32, #tpu.memory_space<hbm>> -> memref<128x32xf32, #tpu.memory_space<hbm>>
      tpu.wait_dma2 semaphore(%arg25 : memref<!tpu.dma_semaphore, #tpu.memory_space<semaphore_mem>>) src(%dma_wait3A_258 : memref<128x32xf32, #tpu.memory_space<hbm>>) dst(%arg13 : memref<128x32xf32, #tpu.memory_space<vmem>>)
      %dma_wait3A_259 = arith.constant 0 : i32
      %dma_wait3A_260 = tpu.memref_slice %arg7[%add3A, %dma_wait3A_259] : memref<20480x32xf32, #tpu.memory_space<hbm>> -> memref<128x32xf32, #tpu.memory_space<hbm>>
      %dma_wait3A_261 = arith.constant 0 : i32
      %dma_wait3A_262 = tpu.memref_slice %arg7[%add3A, %dma_wait3A_261] : memref<20480x32xf32, #tpu.memory_space<hbm>> -> memref<128x32xf32, #tpu.memory_space<hbm>>
      tpu.wait_dma2 semaphore(%arg25 : memref<!tpu.dma_semaphore, #tpu.memory_space<semaphore_mem>>) src(%dma_wait3A_262 : memref<128x32xf32, #tpu.memory_space<hbm>>) dst(%arg14 : memref<128x32xf32, #tpu.memory_space<vmem>>)
      %add3A_263 = arith.constant 384 : i32
      %add3A_264 = arith.addi %add3A, %add3A_263 : i32
      %dma_start3A_265 = arith.constant 0 : i32
      %dma_start3A_266 = tpu.memref_slice %arg6[%add3A_264, %dma_start3A_265] : memref<20480x32xf32, #tpu.memory_space<hbm>> -> memref<128x32xf32, #tpu.memory_space<hbm>>
      %dma_start3A_267 = arith.constant 0 : i32
      %dma_start3A_268 = tpu.memref_slice %arg6[%add3A_264, %dma_start3A_267] : memref<20480x32xf32, #tpu.memory_space<hbm>> -> memref<128x32xf32, #tpu.memory_space<hbm>>
      tpu.enqueue_dma source(%dma_start3A_268 : memref<128x32xf32, #tpu.memory_space<hbm>>) target(%arg15 : memref<128x32xf32, #tpu.memory_space<vmem>>) target_semaphore(%arg26 : memref<!tpu.dma_semaphore, #tpu.memory_space<semaphore_mem>>)
      %add3A_269 = arith.constant 384 : i32
      %add3A_270 = arith.addi %add3A, %add3A_269 : i32
      %dma_start3A_271 = arith.constant 0 : i32
      %dma_start3A_272 = tpu.memref_slice %arg7[%add3A_270, %dma_start3A_271] : memref<20480x32xf32, #tpu.memory_space<hbm>> -> memref<128x32xf32, #tpu.memory_space<hbm>>
      %dma_start3A_273 = arith.constant 0 : i32
      %dma_start3A_274 = tpu.memref_slice %arg7[%add3A_270, %dma_start3A_273] : memref<20480x32xf32, #tpu.memory_space<hbm>> -> memref<128x32xf32, #tpu.memory_space<hbm>>
      tpu.enqueue_dma source(%dma_start3A_274 : memref<128x32xf32, #tpu.memory_space<hbm>>) target(%arg16 : memref<128x32xf32, #tpu.memory_space<vmem>>) target_semaphore(%arg26 : memref<!tpu.dma_semaphore, #tpu.memory_space<semaphore_mem>>)
      %scan3A_275 = arith.constant 0 : i32
      %scan3A_276 = arith.constant 128 : i32
      %scan3A_277 = arith.addi %scan3A_275, %scan3A_276 : i32
      %scan3A_278 = arith.constant 1 : i32
      scf.for %scan3A_329 = %scan3A_275 to %scan3A_277 step %scan3A_278  : i32 {
        %mul3A_330 = arith.constant 1 : i32
        %mul3A_331 = arith.muli %scan3A_329, %mul3A_330 : i32
        %add3A_332 = arith.constant 0 : i32
        %add3A_333 = arith.addi %add3A_332, %mul3A_331 : i32
        %get3A = arith.index_cast %add3A_333 : i32 to index
        %get3A_334 = arith.constant 0 : index
        %get3A_335 = tpu.vector_load %arg13[%get3A, %get3A_334] {strides = array<i32>} : memref<128x32xf32, #tpu.memory_space<vmem>>, vector<16xf32>,
        %get3A_336 = arith.index_cast %add3A_333 : i32 to index
        %get3A_337 = arith.constant 0 : index
        %get3A_338 = tpu.vector_load %arg19[%get3A_336, %get3A_337] {strides = array<i32>} : memref<128x32xf32, #tpu.memory_space<vmem>>, vector<16xf32>,
        %mul3A_339 = arith.mulf %get3A_335, %get3A_338 : vector<16xf32>
        %get3A_340 = arith.index_cast %add3A_333 : i32 to index
        %get3A_341 = arith.constant 0 : index
        %get3A_342 = tpu.vector_load %arg14[%get3A_340, %get3A_341] {strides = array<i32>} : memref<128x32xf32, #tpu.memory_space<vmem>>, vector<16xf32>,
        %add3A_343 = arith.addf %mul3A_339, %get3A_342 : vector<16xf32>
        %swap3A = arith.index_cast %add3A_333 : i32 to index
        %swap3A_344 = arith.constant 0 : index
        %swap3A_345 = tpu.vector_load %arg19[%swap3A, %swap3A_344] {strides = array<i32>} : memref<128x32xf32, #tpu.memory_space<vmem>>, vector<16xf32>,
        tpu.vector_store %arg19[%swap3A, %swap3A_344], %add3A_343 {strides = array<i32>} : memref<128x32xf32, #tpu.memory_space<vmem>>, vector<16xf32>,
        %get3A_346 = arith.index_cast %add3A_333 : i32 to index
        %get3A_347 = arith.constant 16 : index
        %get3A_348 = tpu.vector_load %arg13[%get3A_346, %get3A_347] {strides = array<i32>} : memref<128x32xf32, #tpu.memory_space<vmem>>, vector<16xf32>,
        %get3A_349 = arith.index_cast %add3A_333 : i32 to index
        %get3A_350 = arith.constant 16 : index
        %get3A_351 = tpu.vector_load %arg19[%get3A_349, %get3A_350] {strides = array<i32>} : memref<128x32xf32, #tpu.memory_space<vmem>>, vector<16xf32>,
        %mul3A_352 = arith.mulf %get3A_348, %get3A_351 : vector<16xf32>
        %get3A_353 = arith.index_cast %add3A_333 : i32 to index
        %get3A_354 = arith.constant 16 : index
        %get3A_355 = tpu.vector_load %arg14[%get3A_353, %get3A_354] {strides = array<i32>} : memref<128x32xf32, #tpu.memory_space<vmem>>, vector<16xf32>,
        %add3A_356 = arith.addf %mul3A_352, %get3A_355 : vector<16xf32>
        %swap3A_357 = arith.index_cast %add3A_333 : i32 to index
        %swap3A_358 = arith.constant 16 : index
        %swap3A_359 = tpu.vector_load %arg19[%swap3A_357, %swap3A_358] {strides = array<i32>} : memref<128x32xf32, #tpu.memory_space<vmem>>, vector<16xf32>,
        tpu.vector_store %arg19[%swap3A_357, %swap3A_358], %add3A_356 {strides = array<i32>} : memref<128x32xf32, #tpu.memory_space<vmem>>, vector<16xf32>,
      }
      %scan3A_279 = arith.constant 128 : i32
      %add3A_280 = arith.constant 256 : i32
      %add3A_281 = arith.addi %mul3A_0, %add3A_280 : i32
      "tpu.region"() ({
        %run_scoped3A = tpu.sem_alloc : memref<!tpu.dma_semaphore, #tpu.memory_space<semaphore_mem>>
        %dma_start3A_329 = arith.constant 0 : i32
        %dma_start3A_330 = tpu.memref_slice %arg9[%add3A_281, %dma_start3A_329] : memref<10240x32xf32, #tpu.memory_space<vmem_shared>> -> memref<128x32xf32, #tpu.memory_space<vmem_shared>>
        %dma_start3A_331 = arith.constant 0 : i32
        %dma_start3A_332 = tpu.memref_slice %arg9[%add3A_281, %dma_start3A_331] : memref<10240x32xf32, #tpu.memory_space<vmem_shared>> -> memref<128x32xf32, #tpu.memory_space<vmem_shared>>
        tpu.enqueue_dma source(%arg19 : memref<128x32xf32, #tpu.memory_space<vmem>>) target(%dma_start3A_332 : memref<128x32xf32, #tpu.memory_space<vmem_shared>>) target_semaphore(%run_scoped3A : memref<!tpu.dma_semaphore, #tpu.memory_space<semaphore_mem>>)
        %dma_wait3A_333 = arith.constant 0 : i32
        %dma_wait3A_334 = tpu.memref_slice %arg9[%add3A_281, %dma_wait3A_333] : memref<10240x32xf32, #tpu.memory_space<vmem_shared>> -> memref<128x32xf32, #tpu.memory_space<vmem_shared>>
        %dma_wait3A_335 = arith.constant 0 : i32
        %dma_wait3A_336 = tpu.memref_slice %arg9[%add3A_281, %dma_wait3A_335] : memref<10240x32xf32, #tpu.memory_space<vmem_shared>> -> memref<128x32xf32, #tpu.memory_space<vmem_shared>>
        tpu.wait_dma2 semaphore(%run_scoped3A : memref<!tpu.dma_semaphore, #tpu.memory_space<semaphore_mem>>) src(%arg19 : memref<128x32xf32, #tpu.memory_space<vmem>>) dst(%dma_wait3A_336 : memref<128x32xf32, #tpu.memory_space<vmem_shared>>)
        tpu.yield
      }) : () -> ()
      "tpu.region"() ({
        %run_scoped3A = tpu.sem_alloc : memref<!tpu.dma_semaphore, #tpu.memory_space<semaphore_mem>>
        %dma_start3A_329 = arith.constant 0 : i32
        %dma_start3A_330 = tpu.memref_slice %arg10[%add3A_281, %dma_start3A_329] : memref<10240x32xf32, #tpu.memory_space<vmem_shared>> -> memref<128x32xf32, #tpu.memory_space<vmem_shared>>
        %dma_start3A_331 = arith.constant 0 : i32
        %dma_start3A_332 = tpu.memref_slice %arg10[%add3A_281, %dma_start3A_331] : memref<10240x32xf32, #tpu.memory_space<vmem_shared>> -> memref<128x32xf32, #tpu.memory_space<vmem_shared>>
        tpu.enqueue_dma source(%arg19 : memref<128x32xf32, #tpu.memory_space<vmem>>) target(%dma_start3A_332 : memref<128x32xf32, #tpu.memory_space<vmem_shared>>) target_semaphore(%run_scoped3A : memref<!tpu.dma_semaphore, #tpu.memory_space<semaphore_mem>>)
        %dma_wait3A_333 = arith.constant 0 : i32
        %dma_wait3A_334 = tpu.memref_slice %arg10[%add3A_281, %dma_wait3A_333] : memref<10240x32xf32, #tpu.memory_space<vmem_shared>> -> memref<128x32xf32, #tpu.memory_space<vmem_shared>>
        %dma_wait3A_335 = arith.constant 0 : i32
        %dma_wait3A_336 = tpu.memref_slice %arg10[%add3A_281, %dma_wait3A_335] : memref<10240x32xf32, #tpu.memory_space<vmem_shared>> -> memref<128x32xf32, #tpu.memory_space<vmem_shared>>
        tpu.wait_dma2 semaphore(%run_scoped3A : memref<!tpu.dma_semaphore, #tpu.memory_space<semaphore_mem>>) src(%arg19 : memref<128x32xf32, #tpu.memory_space<vmem>>) dst(%dma_wait3A_336 : memref<128x32xf32, #tpu.memory_space<vmem_shared>>)
        tpu.yield
      }) : () -> ()
      %add3A_282 = arith.constant 384 : i32
      %add3A_283 = arith.addi %mul3A_0, %add3A_282 : i32
      "tpu.region"() ({
        %run_scoped3A = tpu.sem_alloc : memref<!tpu.dma_semaphore, #tpu.memory_space<semaphore_mem>>
        %dma_start3A_329 = arith.constant 0 : i32
        %dma_start3A_330 = tpu.memref_slice %arg10[%add3A_283, %dma_start3A_329] : memref<10240x32xf32, #tpu.memory_space<vmem_shared>> -> memref<128x32xf32, #tpu.memory_space<vmem_shared>>
        %dma_start3A_331 = arith.constant 0 : i32
        %dma_start3A_332 = tpu.memref_slice %arg10[%add3A_283, %dma_start3A_331] : memref<10240x32xf32, #tpu.memory_space<vmem_shared>> -> memref<128x32xf32, #tpu.memory_space<vmem_shared>>
        tpu.enqueue_dma source(%dma_start3A_332 : memref<128x32xf32, #tpu.memory_space<vmem_shared>>) target(%arg20 : memref<128x32xf32, #tpu.memory_space<vmem>>) target_semaphore(%run_scoped3A : memref<!tpu.dma_semaphore, #tpu.memory_space<semaphore_mem>>)
        %dma_wait3A_333 = arith.constant 0 : i32
        %dma_wait3A_334 = tpu.memref_slice %arg10[%add3A_283, %dma_wait3A_333] : memref<10240x32xf32, #tpu.memory_space<vmem_shared>> -> memref<128x32xf32, #tpu.memory_space<vmem_shared>>
        %dma_wait3A_335 = arith.constant 0 : i32
        %dma_wait3A_336 = tpu.memref_slice %arg10[%add3A_283, %dma_wait3A_335] : memref<10240x32xf32, #tpu.memory_space<vmem_shared>> -> memref<128x32xf32, #tpu.memory_space<vmem_shared>>
        tpu.wait_dma2 semaphore(%run_scoped3A : memref<!tpu.dma_semaphore, #tpu.memory_space<semaphore_mem>>) src(%dma_wait3A_336 : memref<128x32xf32, #tpu.memory_space<vmem_shared>>) dst(%arg20 : memref<128x32xf32, #tpu.memory_space<vmem>>)
        tpu.yield
      }) : () -> ()
      %dma_wait3A_284 = arith.constant 0 : i32
      %dma_wait3A_285 = tpu.memref_slice %arg6[%add3A, %dma_wait3A_284] : memref<20480x32xf32, #tpu.memory_space<hbm>> -> memref<128x32xf32, #tpu.memory_space<hbm>>
      %dma_wait3A_286 = arith.constant 0 : i32
      %dma_wait3A_287 = tpu.memref_slice %arg6[%add3A, %dma_wait3A_286] : memref<20480x32xf32, #tpu.memory_space<hbm>> -> memref<128x32xf32, #tpu.memory_space<hbm>>
      tpu.wait_dma2 semaphore(%arg26 : memref<!tpu.dma_semaphore, #tpu.memory_space<semaphore_mem>>) src(%dma_wait3A_287 : memref<128x32xf32, #tpu.memory_space<hbm>>) dst(%arg15 : memref<128x32xf32, #tpu.memory_space<vmem>>)
      %dma_wait3A_288 = arith.constant 0 : i32
      %dma_wait3A_289 = tpu.memref_slice %arg7[%add3A, %dma_wait3A_288] : memref<20480x32xf32, #tpu.memory_space<hbm>> -> memref<128x32xf32, #tpu.memory_space<hbm>>
      %dma_wait3A_290 = arith.constant 0 : i32
      %dma_wait3A_291 = tpu.memref_slice %arg7[%add3A, %dma_wait3A_290] : memref<20480x32xf32, #tpu.memory_space<hbm>> -> memref<128x32xf32, #tpu.memory_space<hbm>>
      tpu.wait_dma2 semaphore(%arg26 : memref<!tpu.dma_semaphore, #tpu.memory_space<semaphore_mem>>) src(%dma_wait3A_291 : memref<128x32xf32, #tpu.memory_space<hbm>>) dst(%arg16 : memref<128x32xf32, #tpu.memory_space<vmem>>)
      %add3A_292 = arith.constant 512 : i32
      %add3A_293 = arith.addi %add3A, %add3A_292 : i32
      %dma_start3A_294 = arith.constant 0 : i32
      %dma_start3A_295 = tpu.memref_slice %arg6[%add3A_293, %dma_start3A_294] : memref<20480x32xf32, #tpu.memory_space<hbm>> -> memref<128x32xf32, #tpu.memory_space<hbm>>
      %dma_start3A_296 = arith.constant 0 : i32
      %dma_start3A_297 = tpu.memref_slice %arg6[%add3A_293, %dma_start3A_296] : memref<20480x32xf32, #tpu.memory_space<hbm>> -> memref<128x32xf32, #tpu.memory_space<hbm>>
      tpu.enqueue_dma source(%dma_start3A_297 : memref<128x32xf32, #tpu.memory_space<hbm>>) target(%arg13 : memref<128x32xf32, #tpu.memory_space<vmem>>) target_semaphore(%arg25 : memref<!tpu.dma_semaphore, #tpu.memory_space<semaphore_mem>>)
      %add3A_298 = arith.constant 512 : i32
      %add3A_299 = arith.addi %add3A, %add3A_298 : i32
      %dma_start3A_300 = arith.constant 0 : i32
      %dma_start3A_301 = tpu.memref_slice %arg7[%add3A_299, %dma_start3A_300] : memref<20480x32xf32, #tpu.memory_space<hbm>> -> memref<128x32xf32, #tpu.memory_space<hbm>>
      %dma_start3A_302 = arith.constant 0 : i32
      %dma_start3A_303 = tpu.memref_slice %arg7[%add3A_299, %dma_start3A_302] : memref<20480x32xf32, #tpu.memory_space<hbm>> -> memref<128x32xf32, #tpu.memory_space<hbm>>
      tpu.enqueue_dma source(%dma_start3A_303 : memref<128x32xf32, #tpu.memory_space<hbm>>) target(%arg14 : memref<128x32xf32, #tpu.memory_space<vmem>>) target_semaphore(%arg25 : memref<!tpu.dma_semaphore, #tpu.memory_space<semaphore_mem>>)
      %scan3A_304 = arith.constant 0 : i32
      %scan3A_305 = arith.constant 128 : i32
      %scan3A_306 = arith.addi %scan3A_304, %scan3A_305 : i32
      %scan3A_307 = arith.constant 1 : i32
      scf.for %scan3A_329 = %scan3A_304 to %scan3A_306 step %scan3A_307  : i32 {
        %mul3A_330 = arith.constant 1 : i32
        %mul3A_331 = arith.muli %scan3A_329, %mul3A_330 : i32
        %add3A_332 = arith.constant 0 : i32
        %add3A_333 = arith.addi %add3A_332, %mul3A_331 : i32
        %get3A = arith.index_cast %add3A_333 : i32 to index
        %get3A_334 = arith.constant 0 : index
        %get3A_335 = tpu.vector_load %arg15[%get3A, %get3A_334] {strides = array<i32>} : memref<128x32xf32, #tpu.memory_space<vmem>>, vector<16xf32>,
        %get3A_336 = arith.index_cast %add3A_333 : i32 to index
        %get3A_337 = arith.constant 0 : index
        %get3A_338 = tpu.vector_load %arg20[%get3A_336, %get3A_337] {strides = array<i32>} : memref<128x32xf32, #tpu.memory_space<vmem>>, vector<16xf32>,
        %mul3A_339 = arith.mulf %get3A_335, %get3A_338 : vector<16xf32>
        %get3A_340 = arith.index_cast %add3A_333 : i32 to index
        %get3A_341 = arith.constant 0 : index
        %get3A_342 = tpu.vector_load %arg16[%get3A_340, %get3A_341] {strides = array<i32>} : memref<128x32xf32, #tpu.memory_space<vmem>>, vector<16xf32>,
        %add3A_343 = arith.addf %mul3A_339, %get3A_342 : vector<16xf32>
        %swap3A = arith.index_cast %add3A_333 : i32 to index
        %swap3A_344 = arith.constant 0 : index
        %swap3A_345 = tpu.vector_load %arg20[%swap3A, %swap3A_344] {strides = array<i32>} : memref<128x32xf32, #tpu.memory_space<vmem>>, vector<16xf32>,
        tpu.vector_store %arg20[%swap3A, %swap3A_344], %add3A_343 {strides = array<i32>} : memref<128x32xf32, #tpu.memory_space<vmem>>, vector<16xf32>,
        %get3A_346 = arith.index_cast %add3A_333 : i32 to index
        %get3A_347 = arith.constant 16 : index
        %get3A_348 = tpu.vector_load %arg15[%get3A_346, %get3A_347] {strides = array<i32>} : memref<128x32xf32, #tpu.memory_space<vmem>>, vector<16xf32>,
        %get3A_349 = arith.index_cast %add3A_333 : i32 to index
        %get3A_350 = arith.constant 16 : index
        %get3A_351 = tpu.vector_load %arg20[%get3A_349, %get3A_350] {strides = array<i32>} : memref<128x32xf32, #tpu.memory_space<vmem>>, vector<16xf32>,
        %mul3A_352 = arith.mulf %get3A_348, %get3A_351 : vector<16xf32>
        %get3A_353 = arith.index_cast %add3A_333 : i32 to index
        %get3A_354 = arith.constant 16 : index
        %get3A_355 = tpu.vector_load %arg16[%get3A_353, %get3A_354] {strides = array<i32>} : memref<128x32xf32, #tpu.memory_space<vmem>>, vector<16xf32>,
        %add3A_356 = arith.addf %mul3A_352, %get3A_355 : vector<16xf32>
        %swap3A_357 = arith.index_cast %add3A_333 : i32 to index
        %swap3A_358 = arith.constant 16 : index
        %swap3A_359 = tpu.vector_load %arg20[%swap3A_357, %swap3A_358] {strides = array<i32>} : memref<128x32xf32, #tpu.memory_space<vmem>>, vector<16xf32>,
        tpu.vector_store %arg20[%swap3A_357, %swap3A_358], %add3A_356 {strides = array<i32>} : memref<128x32xf32, #tpu.memory_space<vmem>>, vector<16xf32>,
      }
      %scan3A_308 = arith.constant 128 : i32
      %add3A_309 = arith.constant 384 : i32
      %add3A_310 = arith.addi %mul3A_0, %add3A_309 : i32
      "tpu.region"() ({
        %run_scoped3A = tpu.sem_alloc : memref<!tpu.dma_semaphore, #tpu.memory_space<semaphore_mem>>
        %dma_start3A_329 = arith.constant 0 : i32
        %dma_start3A_330 = tpu.memref_slice %arg9[%add3A_310, %dma_start3A_329] : memref<10240x32xf32, #tpu.memory_space<vmem_shared>> -> memref<128x32xf32, #tpu.memory_space<vmem_shared>>
        %dma_start3A_331 = arith.constant 0 : i32
        %dma_start3A_332 = tpu.memref_slice %arg9[%add3A_310, %dma_start3A_331] : memref<10240x32xf32, #tpu.memory_space<vmem_shared>> -> memref<128x32xf32, #tpu.memory_space<vmem_shared>>
        tpu.enqueue_dma source(%arg20 : memref<128x32xf32, #tpu.memory_space<vmem>>) target(%dma_start3A_332 : memref<128x32xf32, #tpu.memory_space<vmem_shared>>) target_semaphore(%run_scoped3A : memref<!tpu.dma_semaphore, #tpu.memory_space<semaphore_mem>>)
        %dma_wait3A_333 = arith.constant 0 : i32
        %dma_wait3A_334 = tpu.memref_slice %arg9[%add3A_310, %dma_wait3A_333] : memref<10240x32xf32, #tpu.memory_space<vmem_shared>> -> memref<128x32xf32, #tpu.memory_space<vmem_shared>>
        %dma_wait3A_335 = arith.constant 0 : i32
        %dma_wait3A_336 = tpu.memref_slice %arg9[%add3A_310, %dma_wait3A_335] : memref<10240x32xf32, #tpu.memory_space<vmem_shared>> -> memref<128x32xf32, #tpu.memory_space<vmem_shared>>
        tpu.wait_dma2 semaphore(%run_scoped3A : memref<!tpu.dma_semaphore, #tpu.memory_space<semaphore_mem>>) src(%arg20 : memref<128x32xf32, #tpu.memory_space<vmem>>) dst(%dma_wait3A_336 : memref<128x32xf32, #tpu.memory_space<vmem_shared>>)
        tpu.yield
      }) : () -> ()
      "tpu.region"() ({
        %run_scoped3A = tpu.sem_alloc : memref<!tpu.dma_semaphore, #tpu.memory_space<semaphore_mem>>
        %dma_start3A_329 = arith.constant 0 : i32
        %dma_start3A_330 = tpu.memref_slice %arg10[%add3A_310, %dma_start3A_329] : memref<10240x32xf32, #tpu.memory_space<vmem_shared>> -> memref<128x32xf32, #tpu.memory_space<vmem_shared>>
        %dma_start3A_331 = arith.constant 0 : i32
        %dma_start3A_332 = tpu.memref_slice %arg10[%add3A_310, %dma_start3A_331] : memref<10240x32xf32, #tpu.memory_space<vmem_shared>> -> memref<128x32xf32, #tpu.memory_space<vmem_shared>>
        tpu.enqueue_dma source(%arg20 : memref<128x32xf32, #tpu.memory_space<vmem>>) target(%dma_start3A_332 : memref<128x32xf32, #tpu.memory_space<vmem_shared>>) target_semaphore(%run_scoped3A : memref<!tpu.dma_semaphore, #tpu.memory_space<semaphore_mem>>)
        %dma_wait3A_333 = arith.constant 0 : i32
        %dma_wait3A_334 = tpu.memref_slice %arg10[%add3A_310, %dma_wait3A_333] : memref<10240x32xf32, #tpu.memory_space<vmem_shared>> -> memref<128x32xf32, #tpu.memory_space<vmem_shared>>
        %dma_wait3A_335 = arith.constant 0 : i32
        %dma_wait3A_336 = tpu.memref_slice %arg10[%add3A_310, %dma_wait3A_335] : memref<10240x32xf32, #tpu.memory_space<vmem_shared>> -> memref<128x32xf32, #tpu.memory_space<vmem_shared>>
        tpu.wait_dma2 semaphore(%run_scoped3A : memref<!tpu.dma_semaphore, #tpu.memory_space<semaphore_mem>>) src(%arg20 : memref<128x32xf32, #tpu.memory_space<vmem>>) dst(%dma_wait3A_336 : memref<128x32xf32, #tpu.memory_space<vmem_shared>>)
        tpu.yield
      }) : () -> ()
      %add3A_311 = arith.constant 512 : i32
      %add3A_312 = arith.addi %mul3A_0, %add3A_311 : i32
      "tpu.region"() ({
        %run_scoped3A = tpu.sem_alloc : memref<!tpu.dma_semaphore, #tpu.memory_space<semaphore_mem>>
        %dma_start3A_329 = arith.constant 0 : i32
        %dma_start3A_330 = tpu.memref_slice %arg10[%add3A_312, %dma_start3A_329] : memref<10240x32xf32, #tpu.memory_space<vmem_shared>> -> memref<128x32xf32, #tpu.memory_space<vmem_shared>>
        %dma_start3A_331 = arith.constant 0 : i32
        %dma_start3A_332 = tpu.memref_slice %arg10[%add3A_312, %dma_start3A_331] : memref<10240x32xf32, #tpu.memory_space<vmem_shared>> -> memref<128x32xf32, #tpu.memory_space<vmem_shared>>
        tpu.enqueue_dma source(%dma_start3A_332 : memref<128x32xf32, #tpu.memory_space<vmem_shared>>) target(%arg19 : memref<128x32xf32, #tpu.memory_space<vmem>>) target_semaphore(%run_scoped3A : memref<!tpu.dma_semaphore, #tpu.memory_space<semaphore_mem>>)
        %dma_wait3A_333 = arith.constant 0 : i32
        %dma_wait3A_334 = tpu.memref_slice %arg10[%add3A_312, %dma_wait3A_333] : memref<10240x32xf32, #tpu.memory_space<vmem_shared>> -> memref<128x32xf32, #tpu.memory_space<vmem_shared>>
        %dma_wait3A_335 = arith.constant 0 : i32
        %dma_wait3A_336 = tpu.memref_slice %arg10[%add3A_312, %dma_wait3A_335] : memref<10240x32xf32, #tpu.memory_space<vmem_shared>> -> memref<128x32xf32, #tpu.memory_space<vmem_shared>>
        tpu.wait_dma2 semaphore(%run_scoped3A : memref<!tpu.dma_semaphore, #tpu.memory_space<semaphore_mem>>) src(%dma_wait3A_336 : memref<128x32xf32, #tpu.memory_space<vmem_shared>>) dst(%arg19 : memref<128x32xf32, #tpu.memory_space<vmem>>)
        tpu.yield
      }) : () -> ()
      %dma_wait3A_313 = arith.constant 0 : i32
      %dma_wait3A_314 = tpu.memref_slice %arg6[%add3A, %dma_wait3A_313] : memref<20480x32xf32, #tpu.memory_space<hbm>> -> memref<128x32xf32, #tpu.memory_space<hbm>>
      %dma_wait3A_315 = arith.constant 0 : i32
      %dma_wait3A_316 = tpu.memref_slice %arg6[%add3A, %dma_wait3A_315] : memref<20480x32xf32, #tpu.memory_space<hbm>> -> memref<128x32xf32, #tpu.memory_space<hbm>>
      tpu.wait_dma2 semaphore(%arg25 : memref<!tpu.dma_semaphore, #tpu.memory_space<semaphore_mem>>) src(%dma_wait3A_316 : memref<128x32xf32, #tpu.memory_space<hbm>>) dst(%arg13 : memref<128x32xf32, #tpu.memory_space<vmem>>)
      %dma_wait3A_317 = arith.constant 0 : i32
      %dma_wait3A_318 = tpu.memref_slice %arg7[%add3A, %dma_wait3A_317] : memref<20480x32xf32, #tpu.memory_space<hbm>> -> memref<128x32xf32, #tpu.memory_space<hbm>>
      %dma_wait3A_319 = arith.constant 0 : i32
      %dma_wait3A_320 = tpu.memref_slice %arg7[%add3A, %dma_wait3A_319] : memref<20480x32xf32, #tpu.memory_space<hbm>> -> memref<128x32xf32, #tpu.memory_space<hbm>>
      tpu.wait_dma2 semaphore(%arg25 : memref<!tpu.dma_semaphore, #tpu.memory_space<semaphore_mem>>) src(%dma_wait3A_320 : memref<128x32xf32, #tpu.memory_space<hbm>>) dst(%arg14 : memref<128x32xf32, #tpu.memory_space<vmem>>)
      %scan3A_321 = arith.constant 0 : i32
      %scan3A_322 = arith.constant 128 : i32
      %scan3A_323 = arith.addi %scan3A_321, %scan3A_322 : i32
      %scan3A_324 = arith.constant 1 : i32
      scf.for %scan3A_329 = %scan3A_321 to %scan3A_323 step %scan3A_324  : i32 {
        %mul3A_330 = arith.constant 1 : i32
        %mul3A_331 = arith.muli %scan3A_329, %mul3A_330 : i32
        %add3A_332 = arith.constant 0 : i32
        %add3A_333 = arith.addi %add3A_332, %mul3A_331 : i32
        %get3A = arith.index_cast %add3A_333 : i32 to index
        %get3A_334 = arith.constant 0 : index
        %get3A_335 = tpu.vector_load %arg13[%get3A, %get3A_334] {strides = array<i32>} : memref<128x32xf32, #tpu.memory_space<vmem>>, vector<16xf32>,
        %get3A_336 = arith.index_cast %add3A_333 : i32 to index
        %get3A_337 = arith.constant 0 : index
        %get3A_338 = tpu.vector_load %arg19[%get3A_336, %get3A_337] {strides = array<i32>} : memref<128x32xf32, #tpu.memory_space<vmem>>, vector<16xf32>,
        %mul3A_339 = arith.mulf %get3A_335, %get3A_338 : vector<16xf32>
        %get3A_340 = arith.index_cast %add3A_333 : i32 to index
        %get3A_341 = arith.constant 0 : index
        %get3A_342 = tpu.vector_load %arg14[%get3A_340, %get3A_341] {strides = array<i32>} : memref<128x32xf32, #tpu.memory_space<vmem>>, vector<16xf32>,
        %add3A_343 = arith.addf %mul3A_339, %get3A_342 : vector<16xf32>
        %swap3A = arith.index_cast %add3A_333 : i32 to index
        %swap3A_344 = arith.constant 0 : index
        %swap3A_345 = tpu.vector_load %arg19[%swap3A, %swap3A_344] {strides = array<i32>} : memref<128x32xf32, #tpu.memory_space<vmem>>, vector<16xf32>,
        tpu.vector_store %arg19[%swap3A, %swap3A_344], %add3A_343 {strides = array<i32>} : memref<128x32xf32, #tpu.memory_space<vmem>>, vector<16xf32>,
        %get3A_346 = arith.index_cast %add3A_333 : i32 to index
        %get3A_347 = arith.constant 16 : index
        %get3A_348 = tpu.vector_load %arg13[%get3A_346, %get3A_347] {strides = array<i32>} : memref<128x32xf32, #tpu.memory_space<vmem>>, vector<16xf32>,
        %get3A_349 = arith.index_cast %add3A_333 : i32 to index
        %get3A_350 = arith.constant 16 : index
        %get3A_351 = tpu.vector_load %arg19[%get3A_349, %get3A_350] {strides = array<i32>} : memref<128x32xf32, #tpu.memory_space<vmem>>, vector<16xf32>,
        %mul3A_352 = arith.mulf %get3A_348, %get3A_351 : vector<16xf32>
        %get3A_353 = arith.index_cast %add3A_333 : i32 to index
        %get3A_354 = arith.constant 16 : index
        %get3A_355 = tpu.vector_load %arg14[%get3A_353, %get3A_354] {strides = array<i32>} : memref<128x32xf32, #tpu.memory_space<vmem>>, vector<16xf32>,
        %add3A_356 = arith.addf %mul3A_352, %get3A_355 : vector<16xf32>
        %swap3A_357 = arith.index_cast %add3A_333 : i32 to index
        %swap3A_358 = arith.constant 16 : index
        %swap3A_359 = tpu.vector_load %arg19[%swap3A_357, %swap3A_358] {strides = array<i32>} : memref<128x32xf32, #tpu.memory_space<vmem>>, vector<16xf32>,
        tpu.vector_store %arg19[%swap3A_357, %swap3A_358], %add3A_356 {strides = array<i32>} : memref<128x32xf32, #tpu.memory_space<vmem>>, vector<16xf32>,
      }
      %scan3A_325 = arith.constant 128 : i32
      %add3A_326 = arith.constant 512 : i32
      %add3A_327 = arith.addi %mul3A_0, %add3A_326 : i32
      "tpu.region"() ({
        %run_scoped3A = tpu.sem_alloc : memref<!tpu.dma_semaphore, #tpu.memory_space<semaphore_mem>>
        %dma_start3A_329 = arith.constant 0 : i32
        %dma_start3A_330 = tpu.memref_slice %arg9[%add3A_327, %dma_start3A_329] : memref<10240x32xf32, #tpu.memory_space<vmem_shared>> -> memref<128x32xf32, #tpu.memory_space<vmem_shared>>
        %dma_start3A_331 = arith.constant 0 : i32
        %dma_start3A_332 = tpu.memref_slice %arg9[%add3A_327, %dma_start3A_331] : memref<10240x32xf32, #tpu.memory_space<vmem_shared>> -> memref<128x32xf32, #tpu.memory_space<vmem_shared>>
        tpu.enqueue_dma source(%arg19 : memref<128x32xf32, #tpu.memory_space<vmem>>) target(%dma_start3A_332 : memref<128x32xf32, #tpu.memory_space<vmem_shared>>) target_semaphore(%run_scoped3A : memref<!tpu.dma_semaphore, #tpu.memory_space<semaphore_mem>>)
        %dma_wait3A_333 = arith.constant 0 : i32
        %dma_wait3A_334 = tpu.memref_slice %arg9[%add3A_327, %dma_wait3A_333] : memref<10240x32xf32, #tpu.memory_space<vmem_shared>> -> memref<128x32xf32, #tpu.memory_space<vmem_shared>>
        %dma_wait3A_335 = arith.constant 0 : i32
        %dma_wait3A_336 = tpu.memref_slice %arg9[%add3A_327, %dma_wait3A_335] : memref<10240x32xf32, #tpu.memory_space<vmem_shared>> -> memref<128x32xf32, #tpu.memory_space<vmem_shared>>
        tpu.wait_dma2 semaphore(%run_scoped3A : memref<!tpu.dma_semaphore, #tpu.memory_space<semaphore_mem>>) src(%arg19 : memref<128x32xf32, #tpu.memory_space<vmem>>) dst(%dma_wait3A_336 : memref<128x32xf32, #tpu.memory_space<vmem_shared>>)
        tpu.yield
      }) : () -> ()
      "tpu.region"() ({
        %run_scoped3A = tpu.sem_alloc : memref<!tpu.dma_semaphore, #tpu.memory_space<semaphore_mem>>
        %dma_start3A_329 = arith.constant 0 : i32
        %dma_start3A_330 = tpu.memref_slice %arg10[%add3A_327, %dma_start3A_329] : memref<10240x32xf32, #tpu.memory_space<vmem_shared>> -> memref<128x32xf32, #tpu.memory_space<vmem_shared>>
        %dma_start3A_331 = arith.constant 0 : i32
        %dma_start3A_332 = tpu.memref_slice %arg10[%add3A_327, %dma_start3A_331] : memref<10240x32xf32, #tpu.memory_space<vmem_shared>> -> memref<128x32xf32, #tpu.memory_space<vmem_shared>>
        tpu.enqueue_dma source(%arg19 : memref<128x32xf32, #tpu.memory_space<vmem>>) target(%dma_start3A_332 : memref<128x32xf32, #tpu.memory_space<vmem_shared>>) target_semaphore(%run_scoped3A : memref<!tpu.dma_semaphore, #tpu.memory_space<semaphore_mem>>)
        %dma_wait3A_333 = arith.constant 0 : i32
        %dma_wait3A_334 = tpu.memref_slice %arg10[%add3A_327, %dma_wait3A_333] : memref<10240x32xf32, #tpu.memory_space<vmem_shared>> -> memref<128x32xf32, #tpu.memory_space<vmem_shared>>
        %dma_wait3A_335 = arith.constant 0 : i32
        %dma_wait3A_336 = tpu.memref_slice %arg10[%add3A_327, %dma_wait3A_335] : memref<10240x32xf32, #tpu.memory_space<vmem_shared>> -> memref<128x32xf32, #tpu.memory_space<vmem_shared>>
        tpu.wait_dma2 semaphore(%run_scoped3A : memref<!tpu.dma_semaphore, #tpu.memory_space<semaphore_mem>>) src(%arg19 : memref<128x32xf32, #tpu.memory_space<vmem>>) dst(%dma_wait3A_336 : memref<128x32xf32, #tpu.memory_space<vmem_shared>>)
        tpu.yield
      }) : () -> ()
      %barrier3A_328 = arith.constant 0 : index
      tpu.barrier barrier_id(%barrier3A_328)
    }
    %scan3A_100 = arith.constant 9 : i32
    %dma_start3A_101 = arith.constant 0 : i32
    %dma_start3A_102 = tpu.memref_slice %arg11[%dma_start3A_101] : memref<20480xi32, #tpu.memory_space<vmem>> -> memref<256xi32, #tpu.memory_space<vmem>>
    %dma_start3A_103 = arith.constant 0 : i32
    %dma_start3A_104 = arith.constant 0 : i32
    %dma_start3A_105 = tpu.memref_slice %arg9[%dma_start3A_103, %dma_start3A_104] : memref<10240x32xf32, #tpu.memory_space<vmem_shared>> -> memref<10240x32xf32, #tpu.memory_space<vmem_shared>>
    tpu.enqueue_indirect_dma source(%dma_start3A_105 : memref<10240x32xf32, #tpu.memory_space<vmem_shared>>) target(%arg17 : memref<256x32xf32, #tpu.memory_space<vmem>>) offsets(%dma_start3A_102 : memref<256xi32, #tpu.memory_space<vmem>>) semaphore(%arg21 : memref<!tpu.dma_semaphore, #tpu.memory_space<semaphore_mem>>)
    %scan3A_106 = arith.constant 0 : i32
    %scan3A_107 = arith.constant 40 : i32
    %scan3A_108 = arith.addi %scan3A_106, %scan3A_107 : i32
    %scan3A_109 = arith.constant 1 : i32
    scf.for %scan3A_162 = %scan3A_106 to %scan3A_108 step %scan3A_109  : i32 {
      %mul3A_163 = arith.constant 1 : i32
      %mul3A_164 = arith.muli %scan3A_162, %mul3A_163 : i32
      %add3A_165 = arith.constant 0 : i32
      %add3A_166 = arith.addi %add3A_165, %mul3A_164 : i32
      %mul3A_167 = arith.constant 2 : i32
      %mul3A_168 = arith.muli %mul3A_167, %add3A_166 : i32
      %dma_wait3A_169 = arith.constant 0 : i32
      %dma_wait3A_170 = tpu.memref_slice %arg11[%dma_wait3A_169] : memref<20480xi32, #tpu.memory_space<vmem>> -> memref<256xi32, #tpu.memory_space<vmem>>
      %dma_wait3A_171 = arith.constant 0 : i32
      %dma_wait3A_172 = arith.constant 0 : i32
      %dma_wait3A_173 = tpu.memref_slice %arg9[%dma_wait3A_171, %dma_wait3A_172] : memref<10240x32xf32, #tpu.memory_space<vmem_shared>> -> memref<10240x32xf32, #tpu.memory_space<vmem_shared>>
      tpu.wait_indirect_dma semaphore(%arg21 : memref<!tpu.dma_semaphore, #tpu.memory_space<semaphore_mem>>) src(%dma_wait3A_173 : memref<10240x32xf32, #tpu.memory_space<vmem_shared>>) dst(%arg17 : memref<256x32xf32, #tpu.memory_space<vmem>>)
      %gt3A = arith.constant 0 : i32
      %gt3A_174 = arith.cmpi sgt, %add3A_166, %gt3A : i32
      %convert_element_type3A = arith.extui %gt3A_174 : i1 to i32
      %cond3A = arith.constant 0 : i32
      %cond3A_175 = arith.cmpi ne, %convert_element_type3A, %cond3A : i32
      scf.if %cond3A_175 {
        %dma_wait3A_212 = arith.constant 0 : i32
        %dma_wait3A_213 = tpu.memref_slice %arg12[%dma_wait3A_212] : memref<20480xi32, #tpu.memory_space<vmem>> -> memref<256xi32, #tpu.memory_space<vmem>>
        %dma_wait3A_214 = arith.constant 0 : i32
        %dma_wait3A_215 = arith.constant 0 : i32
        %dma_wait3A_216 = tpu.memref_slice %arg10[%dma_wait3A_214, %dma_wait3A_215] : memref<10240x32xf32, #tpu.memory_space<vmem_shared>> -> memref<10240x32xf32, #tpu.memory_space<vmem_shared>>
        tpu.wait_indirect_dma semaphore(%arg24 : memref<!tpu.dma_semaphore, #tpu.memory_space<semaphore_mem>>) src(%arg18 : memref<256x32xf32, #tpu.memory_space<vmem>>) dst(%dma_wait3A_216 : memref<10240x32xf32, #tpu.memory_space<vmem_shared>>)
      } else {
      }
      %add3A_176 = arith.constant 1 : i32
      %add3A_177 = arith.addi %mul3A_168, %add3A_176 : i32
      %mul3A_178 = arith.constant 256 : i32
      %mul3A_179 = arith.muli %add3A_177, %mul3A_178 : i32
      %dma_start3A_180 = tpu.memref_slice %arg11[%mul3A_179] : memref<20480xi32, #tpu.memory_space<vmem>> -> memref<256xi32, #tpu.memory_space<vmem>>
      %dma_start3A_181 = arith.constant 0 : i32
      %dma_start3A_182 = arith.constant 0 : i32
      %dma_start3A_183 = tpu.memref_slice %arg9[%dma_start3A_181, %dma_start3A_182] : memref<10240x32xf32, #tpu.memory_space<vmem_shared>> -> memref<10240x32xf32, #tpu.memory_space<vmem_shared>>
      tpu.enqueue_indirect_dma source(%dma_start3A_183 : memref<10240x32xf32, #tpu.memory_space<vmem_shared>>) target(%arg18 : memref<256x32xf32, #tpu.memory_space<vmem>>) offsets(%dma_start3A_180 : memref<256xi32, #tpu.memory_space<vmem>>) semaphore(%arg22 : memref<!tpu.dma_semaphore, #tpu.memory_space<semaphore_mem>>)
      %mul3A_184 = arith.constant 256 : i32
      %mul3A_185 = arith.muli %mul3A_168, %mul3A_184 : i32
      %dma_start3A_186 = tpu.memref_slice %arg12[%mul3A_185] : memref<20480xi32, #tpu.memory_space<vmem>> -> memref<256xi32, #tpu.memory_space<vmem>>
      %dma_start3A_187 = arith.constant 0 : i32
      %dma_start3A_188 = arith.constant 0 : i32
      %dma_start3A_189 = tpu.memref_slice %arg10[%dma_start3A_187, %dma_start3A_188] : memref<10240x32xf32, #tpu.memory_space<vmem_shared>> -> memref<10240x32xf32, #tpu.memory_space<vmem_shared>>
      tpu.enqueue_indirect_dma source(%arg17 : memref<256x32xf32, #tpu.memory_space<vmem>>) target(%dma_start3A_189 : memref<10240x32xf32, #tpu.memory_space<vmem_shared>>) offsets(%dma_start3A_186 : memref<256xi32, #tpu.memory_space<vmem>>) semaphore(%arg23 : memref<!tpu.dma_semaphore, #tpu.memory_space<semaphore_mem>>) {add = true}
      %dma_wait3A_190 = arith.constant 0 : i32
      %dma_wait3A_191 = tpu.memref_slice %arg11[%dma_wait3A_190] : memref<20480xi32, #tpu.memory_space<vmem>> -> memref<256xi32, #tpu.memory_space<vmem>>
      %dma_wait3A_192 = arith.constant 0 : i32
      %dma_wait3A_193 = arith.constant 0 : i32
      %dma_wait3A_194 = tpu.memref_slice %arg9[%dma_wait3A_192, %dma_wait3A_193] : memref<10240x32xf32, #tpu.memory_space<vmem_shared>> -> memref<10240x32xf32, #tpu.memory_space<vmem_shared>>
      tpu.wait_indirect_dma semaphore(%arg22 : memref<!tpu.dma_semaphore, #tpu.memory_space<semaphore_mem>>) src(%dma_wait3A_194 : memref<10240x32xf32, #tpu.memory_space<vmem_shared>>) dst(%arg18 : memref<256x32xf32, #tpu.memory_space<vmem>>)
      %dma_wait3A_195 = arith.constant 0 : i32
      %dma_wait3A_196 = tpu.memref_slice %arg12[%dma_wait3A_195] : memref<20480xi32, #tpu.memory_space<vmem>> -> memref<256xi32, #tpu.memory_space<vmem>>
      %dma_wait3A_197 = arith.constant 0 : i32
      %dma_wait3A_198 = arith.constant 0 : i32
      %dma_wait3A_199 = tpu.memref_slice %arg10[%dma_wait3A_197, %dma_wait3A_198] : memref<10240x32xf32, #tpu.memory_space<vmem_shared>> -> memref<10240x32xf32, #tpu.memory_space<vmem_shared>>
      tpu.wait_indirect_dma semaphore(%arg23 : memref<!tpu.dma_semaphore, #tpu.memory_space<semaphore_mem>>) src(%arg17 : memref<256x32xf32, #tpu.memory_space<vmem>>) dst(%dma_wait3A_199 : memref<10240x32xf32, #tpu.memory_space<vmem_shared>>)
      %lt3A = arith.constant 39 : i32
      %lt3A_200 = arith.cmpi slt, %add3A_166, %lt3A : i32
      %convert_element_type3A_201 = arith.extui %lt3A_200 : i1 to i32
      %cond3A_202 = arith.constant 0 : i32
      %cond3A_203 = arith.cmpi ne, %convert_element_type3A_201, %cond3A_202 : i32
      scf.if %cond3A_203 {
        %add3A_212 = arith.constant 2 : i32
        %add3A_213 = arith.addi %mul3A_168, %add3A_212 : i32
        %mul3A_214 = arith.constant 256 : i32
        %mul3A_215 = arith.muli %add3A_213, %mul3A_214 : i32
        %dma_start3A_216 = tpu.memref_slice %arg11[%mul3A_215] : memref<20480xi32, #tpu.memory_space<vmem>> -> memref<256xi32, #tpu.memory_space<vmem>>
        %dma_start3A_217 = arith.constant 0 : i32
        %dma_start3A_218 = arith.constant 0 : i32
        %dma_start3A_219 = tpu.memref_slice %arg9[%dma_start3A_217, %dma_start3A_218] : memref<10240x32xf32, #tpu.memory_space<vmem_shared>> -> memref<10240x32xf32, #tpu.memory_space<vmem_shared>>
        tpu.enqueue_indirect_dma source(%dma_start3A_219 : memref<10240x32xf32, #tpu.memory_space<vmem_shared>>) target(%arg17 : memref<256x32xf32, #tpu.memory_space<vmem>>) offsets(%dma_start3A_216 : memref<256xi32, #tpu.memory_space<vmem>>) semaphore(%arg21 : memref<!tpu.dma_semaphore, #tpu.memory_space<semaphore_mem>>)
      } else {
      }
      %add3A_204 = arith.constant 1 : i32
      %add3A_205 = arith.addi %mul3A_168, %add3A_204 : i32
      %mul3A_206 = arith.constant 256 : i32
      %mul3A_207 = arith.muli %add3A_205, %mul3A_206 : i32
      %dma_start3A_208 = tpu.memref_slice %arg12[%mul3A_207] : memref<20480xi32, #tpu.memory_space<vmem>> -> memref<256xi32, #tpu.memory_space<vmem>>
      %dma_start3A_209 = arith.constant 0 : i32
      %dma_start3A_210 = arith.constant 0 : i32
      %dma_start3A_211 = tpu.memref_slice %arg10[%dma_start3A_209, %dma_start3A_210] : memref<10240x32xf32, #tpu.memory_space<vmem_shared>> -> memref<10240x32xf32, #tpu.memory_space<vmem_shared>>
      tpu.enqueue_indirect_dma source(%arg18 : memref<256x32xf32, #tpu.memory_space<vmem>>) target(%dma_start3A_211 : memref<10240x32xf32, #tpu.memory_space<vmem_shared>>) offsets(%dma_start3A_208 : memref<256xi32, #tpu.memory_space<vmem>>) semaphore(%arg24 : memref<!tpu.dma_semaphore, #tpu.memory_space<semaphore_mem>>) {add = true}
    }
    %scan3A_110 = arith.constant 40 : i32
    %dma_wait3A_111 = arith.constant 0 : i32
    %dma_wait3A_112 = tpu.memref_slice %arg12[%dma_wait3A_111] : memref<20480xi32, #tpu.memory_space<vmem>> -> memref<256xi32, #tpu.memory_space<vmem>>
    %dma_wait3A_113 = arith.constant 0 : i32
    %dma_wait3A_114 = arith.constant 0 : i32
    %dma_wait3A_115 = tpu.memref_slice %arg10[%dma_wait3A_113, %dma_wait3A_114] : memref<10240x32xf32, #tpu.memory_space<vmem_shared>> -> memref<10240x32xf32, #tpu.memory_space<vmem_shared>>
    tpu.wait_indirect_dma semaphore(%arg24 : memref<!tpu.dma_semaphore, #tpu.memory_space<semaphore_mem>>) src(%arg18 : memref<256x32xf32, #tpu.memory_space<vmem>>) dst(%dma_wait3A_115 : memref<10240x32xf32, #tpu.memory_space<vmem_shared>>)
    %barrier3A_116 = arith.constant 0 : index
    tpu.barrier barrier_id(%barrier3A_116)
    %add3A_117 = arith.constant 0 : i32
    %add3A_118 = arith.addi %add3A, %add3A_117 : i32
    %add3A_119 = arith.constant 0 : i32
    %add3A_120 = arith.addi %mul3A_0, %add3A_119 : i32
    "tpu.region"() ({
      %run_scoped3A = tpu.sem_alloc : memref<!tpu.dma_semaphore, #tpu.memory_space<semaphore_mem>>
      %dma_start3A_162 = arith.constant 0 : i32
      %dma_start3A_163 = tpu.memref_slice %arg10[%add3A_120, %dma_start3A_162] : memref<10240x32xf32, #tpu.memory_space<vmem_shared>> -> memref<128x32xf32, #tpu.memory_space<vmem_shared>>
      %dma_start3A_164 = arith.constant 0 : i32
      %dma_start3A_165 = tpu.memref_slice %arg10[%add3A_120, %dma_start3A_164] : memref<10240x32xf32, #tpu.memory_space<vmem_shared>> -> memref<128x32xf32, #tpu.memory_space<vmem_shared>>
      tpu.enqueue_dma source(%dma_start3A_165 : memref<128x32xf32, #tpu.memory_space<vmem_shared>>) target(%arg19 : memref<128x32xf32, #tpu.memory_space<vmem>>) target_semaphore(%run_scoped3A : memref<!tpu.dma_semaphore, #tpu.memory_space<semaphore_mem>>)
      %dma_wait3A_166 = arith.constant 0 : i32
      %dma_wait3A_167 = tpu.memref_slice %arg10[%add3A_120, %dma_wait3A_166] : memref<10240x32xf32, #tpu.memory_space<vmem_shared>> -> memref<128x32xf32, #tpu.memory_space<vmem_shared>>
      %dma_wait3A_168 = arith.constant 0 : i32
      %dma_wait3A_169 = tpu.memref_slice %arg10[%add3A_120, %dma_wait3A_168] : memref<10240x32xf32, #tpu.memory_space<vmem_shared>> -> memref<128x32xf32, #tpu.memory_space<vmem_shared>>
      tpu.wait_dma2 semaphore(%run_scoped3A : memref<!tpu.dma_semaphore, #tpu.memory_space<semaphore_mem>>) src(%dma_wait3A_169 : memref<128x32xf32, #tpu.memory_space<vmem_shared>>) dst(%arg19 : memref<128x32xf32, #tpu.memory_space<vmem>>)
      tpu.yield
    }) : () -> ()
    "tpu.region"() ({
      %run_scoped3A = tpu.sem_alloc : memref<!tpu.dma_semaphore, #tpu.memory_space<semaphore_mem>>
      %dma_start3A_162 = arith.constant 0 : i32
      %dma_start3A_163 = tpu.memref_slice %arg8[%add3A_118, %dma_start3A_162] : memref<20480x32xf32, #tpu.memory_space<hbm>> -> memref<128x32xf32, #tpu.memory_space<hbm>>
      %dma_start3A_164 = arith.constant 0 : i32
      %dma_start3A_165 = tpu.memref_slice %arg8[%add3A_118, %dma_start3A_164] : memref<20480x32xf32, #tpu.memory_space<hbm>> -> memref<128x32xf32, #tpu.memory_space<hbm>>
      tpu.enqueue_dma source(%dma_start3A_165 : memref<128x32xf32, #tpu.memory_space<hbm>>) target(%arg13 : memref<128x32xf32, #tpu.memory_space<vmem>>) target_semaphore(%run_scoped3A : memref<!tpu.dma_semaphore, #tpu.memory_space<semaphore_mem>>)
      %dma_wait3A_166 = arith.constant 0 : i32
      %dma_wait3A_167 = tpu.memref_slice %arg8[%add3A_118, %dma_wait3A_166] : memref<20480x32xf32, #tpu.memory_space<hbm>> -> memref<128x32xf32, #tpu.memory_space<hbm>>
      %dma_wait3A_168 = arith.constant 0 : i32
      %dma_wait3A_169 = tpu.memref_slice %arg8[%add3A_118, %dma_wait3A_168] : memref<20480x32xf32, #tpu.memory_space<hbm>> -> memref<128x32xf32, #tpu.memory_space<hbm>>
      tpu.wait_dma2 semaphore(%run_scoped3A : memref<!tpu.dma_semaphore, #tpu.memory_space<semaphore_mem>>) src(%dma_wait3A_169 : memref<128x32xf32, #tpu.memory_space<hbm>>) dst(%arg13 : memref<128x32xf32, #tpu.memory_space<vmem>>)
      tpu.yield
    }) : () -> ()
    %scan3A_121 = arith.constant 0 : i32
    %scan3A_122 = arith.constant 128 : i32
    %scan3A_123 = arith.addi %scan3A_121, %scan3A_122 : i32
    %scan3A_124 = arith.constant 1 : i32
    scf.for %scan3A_162 = %scan3A_121 to %scan3A_123 step %scan3A_124  : i32 {
      %mul3A_163 = arith.constant 1 : i32
      %mul3A_164 = arith.muli %scan3A_162, %mul3A_163 : i32
      %add3A_165 = arith.constant 0 : i32
      %add3A_166 = arith.addi %add3A_165, %mul3A_164 : i32
      %get3A = arith.index_cast %add3A_166 : i32 to index
      %get3A_167 = arith.constant 0 : index
      %get3A_168 = tpu.vector_load %arg13[%get3A, %get3A_167] {strides = array<i32>} : memref<128x32xf32, #tpu.memory_space<vmem>>, vector<16xf32>,
      %get3A_169 = arith.index_cast %add3A_166 : i32 to index
      %get3A_170 = arith.constant 0 : index
      %get3A_171 = tpu.vector_load %arg19[%get3A_169, %get3A_170] {strides = array<i32>} : memref<128x32xf32, #tpu.memory_space<vmem>>, vector<16xf32>,
      %mul3A_172 = arith.mulf %get3A_168, %get3A_171 : vector<16xf32>
      %swap3A = arith.index_cast %add3A_166 : i32 to index
      %swap3A_173 = arith.constant 0 : index
      %swap3A_174 = tpu.vector_load %arg19[%swap3A, %swap3A_173] {strides = array<i32>} : memref<128x32xf32, #tpu.memory_space<vmem>>, vector<16xf32>,
      tpu.vector_store %arg19[%swap3A, %swap3A_173], %mul3A_172 {strides = array<i32>} : memref<128x32xf32, #tpu.memory_space<vmem>>, vector<16xf32>,
      %get3A_175 = arith.index_cast %add3A_166 : i32 to index
      %get3A_176 = arith.constant 16 : index
      %get3A_177 = tpu.vector_load %arg13[%get3A_175, %get3A_176] {strides = array<i32>} : memref<128x32xf32, #tpu.memory_space<vmem>>, vector<16xf32>,
      %get3A_178 = arith.index_cast %add3A_166 : i32 to index
      %get3A_179 = arith.constant 16 : index
      %get3A_180 = tpu.vector_load %arg19[%get3A_178, %get3A_179] {strides = array<i32>} : memref<128x32xf32, #tpu.memory_space<vmem>>, vector<16xf32>,
      %mul3A_181 = arith.mulf %get3A_177, %get3A_180 : vector<16xf32>
      %swap3A_182 = arith.index_cast %add3A_166 : i32 to index
      %swap3A_183 = arith.constant 16 : index
      %swap3A_184 = tpu.vector_load %arg19[%swap3A_182, %swap3A_183] {strides = array<i32>} : memref<128x32xf32, #tpu.memory_space<vmem>>, vector<16xf32>,
      tpu.vector_store %arg19[%swap3A_182, %swap3A_183], %mul3A_181 {strides = array<i32>} : memref<128x32xf32, #tpu.memory_space<vmem>>, vector<16xf32>,
    }
    %scan3A_125 = arith.constant 128 : i32
    "tpu.region"() ({
      %run_scoped3A = tpu.sem_alloc : memref<!tpu.dma_semaphore, #tpu.memory_space<semaphore_mem>>
      %dma_start3A_162 = arith.constant 0 : i32
      %dma_start3A_163 = tpu.memref_slice %arg5[%add3A_118, %dma_start3A_162] : memref<20480x32xf32, #tpu.memory_space<hbm>> -> memref<128x32xf32, #tpu.memory_space<hbm>>
      %dma_start3A_164 = arith.constant 0 : i32
      %dma_start3A_165 = tpu.memref_slice %arg5[%add3A_118, %dma_start3A_164] : memref<20480x32xf32, #tpu.memory_space<hbm>> -> memref<128x32xf32, #tpu.memory_space<hbm>>
      tpu.enqueue_dma source(%arg19 : memref<128x32xf32, #tpu.memory_space<vmem>>) target(%dma_start3A_165 : memref<128x32xf32, #tpu.memory_space<hbm>>) target_semaphore(%run_scoped3A : memref<!tpu.dma_semaphore, #tpu.memory_space<semaphore_mem>>)
      %dma_wait3A_166 = arith.constant 0 : i32
      %dma_wait3A_167 = tpu.memref_slice %arg5[%add3A_118, %dma_wait3A_166] : memref<20480x32xf32, #tpu.memory_space<hbm>> -> memref<128x32xf32, #tpu.memory_space<hbm>>
      %dma_wait3A_168 = arith.constant 0 : i32
      %dma_wait3A_169 = tpu.memref_slice %arg5[%add3A_118, %dma_wait3A_168] : memref<20480x32xf32, #tpu.memory_space<hbm>> -> memref<128x32xf32, #tpu.memory_space<hbm>>
      tpu.wait_dma2 semaphore(%run_scoped3A : memref<!tpu.dma_semaphore, #tpu.memory_space<semaphore_mem>>) src(%arg19 : memref<128x32xf32, #tpu.memory_space<vmem>>) dst(%dma_wait3A_169 : memref<128x32xf32, #tpu.memory_space<hbm>>)
      tpu.yield
    }) : () -> ()
    %add3A_126 = arith.constant 128 : i32
    %add3A_127 = arith.addi %add3A, %add3A_126 : i32
    %add3A_128 = arith.constant 128 : i32
    %add3A_129 = arith.addi %mul3A_0, %add3A_128 : i32
    "tpu.region"() ({
      %run_scoped3A = tpu.sem_alloc : memref<!tpu.dma_semaphore, #tpu.memory_space<semaphore_mem>>
      %dma_start3A_162 = arith.constant 0 : i32
      %dma_start3A_163 = tpu.memref_slice %arg10[%add3A_129, %dma_start3A_162] : memref<10240x32xf32, #tpu.memory_space<vmem_shared>> -> memref<128x32xf32, #tpu.memory_space<vmem_shared>>
      %dma_start3A_164 = arith.constant 0 : i32
      %dma_start3A_165 = tpu.memref_slice %arg10[%add3A_129, %dma_start3A_164] : memref<10240x32xf32, #tpu.memory_space<vmem_shared>> -> memref<128x32xf32, #tpu.memory_space<vmem_shared>>
      tpu.enqueue_dma source(%dma_start3A_165 : memref<128x32xf32, #tpu.memory_space<vmem_shared>>) target(%arg19 : memref<128x32xf32, #tpu.memory_space<vmem>>) target_semaphore(%run_scoped3A : memref<!tpu.dma_semaphore, #tpu.memory_space<semaphore_mem>>)
      %dma_wait3A_166 = arith.constant 0 : i32
      %dma_wait3A_167 = tpu.memref_slice %arg10[%add3A_129, %dma_wait3A_166] : memref<10240x32xf32, #tpu.memory_space<vmem_shared>> -> memref<128x32xf32, #tpu.memory_space<vmem_shared>>
      %dma_wait3A_168 = arith.constant 0 : i32
      %dma_wait3A_169 = tpu.memref_slice %arg10[%add3A_129, %dma_wait3A_168] : memref<10240x32xf32, #tpu.memory_space<vmem_shared>> -> memref<128x32xf32, #tpu.memory_space<vmem_shared>>
      tpu.wait_dma2 semaphore(%run_scoped3A : memref<!tpu.dma_semaphore, #tpu.memory_space<semaphore_mem>>) src(%dma_wait3A_169 : memref<128x32xf32, #tpu.memory_space<vmem_shared>>) dst(%arg19 : memref<128x32xf32, #tpu.memory_space<vmem>>)
      tpu.yield
    }) : () -> ()
    "tpu.region"() ({
      %run_scoped3A = tpu.sem_alloc : memref<!tpu.dma_semaphore, #tpu.memory_space<semaphore_mem>>
      %dma_start3A_162 = arith.constant 0 : i32
      %dma_start3A_163 = tpu.memref_slice %arg8[%add3A_127, %dma_start3A_162] : memref<20480x32xf32, #tpu.memory_space<hbm>> -> memref<128x32xf32, #tpu.memory_space<hbm>>
      %dma_start3A_164 = arith.constant 0 : i32
      %dma_start3A_165 = tpu.memref_slice %arg8[%add3A_127, %dma_start3A_164] : memref<20480x32xf32, #tpu.memory_space<hbm>> -> memref<128x32xf32, #tpu.memory_space<hbm>>
      tpu.enqueue_dma source(%dma_start3A_165 : memref<128x32xf32, #tpu.memory_space<hbm>>) target(%arg13 : memref<128x32xf32, #tpu.memory_space<vmem>>) target_semaphore(%run_scoped3A : memref<!tpu.dma_semaphore, #tpu.memory_space<semaphore_mem>>)
      %dma_wait3A_166 = arith.constant 0 : i32
      %dma_wait3A_167 = tpu.memref_slice %arg8[%add3A_127, %dma_wait3A_166] : memref<20480x32xf32, #tpu.memory_space<hbm>> -> memref<128x32xf32, #tpu.memory_space<hbm>>
      %dma_wait3A_168 = arith.constant 0 : i32
      %dma_wait3A_169 = tpu.memref_slice %arg8[%add3A_127, %dma_wait3A_168] : memref<20480x32xf32, #tpu.memory_space<hbm>> -> memref<128x32xf32, #tpu.memory_space<hbm>>
      tpu.wait_dma2 semaphore(%run_scoped3A : memref<!tpu.dma_semaphore, #tpu.memory_space<semaphore_mem>>) src(%dma_wait3A_169 : memref<128x32xf32, #tpu.memory_space<hbm>>) dst(%arg13 : memref<128x32xf32, #tpu.memory_space<vmem>>)
      tpu.yield
    }) : () -> ()
    %scan3A_130 = arith.constant 0 : i32
    %scan3A_131 = arith.constant 128 : i32
    %scan3A_132 = arith.addi %scan3A_130, %scan3A_131 : i32
    %scan3A_133 = arith.constant 1 : i32
    scf.for %scan3A_162 = %scan3A_130 to %scan3A_132 step %scan3A_133  : i32 {
      %mul3A_163 = arith.constant 1 : i32
      %mul3A_164 = arith.muli %scan3A_162, %mul3A_163 : i32
      %add3A_165 = arith.constant 0 : i32
      %add3A_166 = arith.addi %add3A_165, %mul3A_164 : i32
      %get3A = arith.index_cast %add3A_166 : i32 to index
      %get3A_167 = arith.constant 0 : index
      %get3A_168 = tpu.vector_load %arg13[%get3A, %get3A_167] {strides = array<i32>} : memref<128x32xf32, #tpu.memory_space<vmem>>, vector<16xf32>,
      %get3A_169 = arith.index_cast %add3A_166 : i32 to index
      %get3A_170 = arith.constant 0 : index
      %get3A_171 = tpu.vector_load %arg19[%get3A_169, %get3A_170] {strides = array<i32>} : memref<128x32xf32, #tpu.memory_space<vmem>>, vector<16xf32>,
      %mul3A_172 = arith.mulf %get3A_168, %get3A_171 : vector<16xf32>
      %swap3A = arith.index_cast %add3A_166 : i32 to index
      %swap3A_173 = arith.constant 0 : index
      %swap3A_174 = tpu.vector_load %arg19[%swap3A, %swap3A_173] {strides = array<i32>} : memref<128x32xf32, #tpu.memory_space<vmem>>, vector<16xf32>,
      tpu.vector_store %arg19[%swap3A, %swap3A_173], %mul3A_172 {strides = array<i32>} : memref<128x32xf32, #tpu.memory_space<vmem>>, vector<16xf32>,
      %get3A_175 = arith.index_cast %add3A_166 : i32 to index
      %get3A_176 = arith.constant 16 : index
      %get3A_177 = tpu.vector_load %arg13[%get3A_175, %get3A_176] {strides = array<i32>} : memref<128x32xf32, #tpu.memory_space<vmem>>, vector<16xf32>,
      %get3A_178 = arith.index_cast %add3A_166 : i32 to index
      %get3A_179 = arith.constant 16 : index
      %get3A_180 = tpu.vector_load %arg19[%get3A_178, %get3A_179] {strides = array<i32>} : memref<128x32xf32, #tpu.memory_space<vmem>>, vector<16xf32>,
      %mul3A_181 = arith.mulf %get3A_177, %get3A_180 : vector<16xf32>
      %swap3A_182 = arith.index_cast %add3A_166 : i32 to index
      %swap3A_183 = arith.constant 16 : index
      %swap3A_184 = tpu.vector_load %arg19[%swap3A_182, %swap3A_183] {strides = array<i32>} : memref<128x32xf32, #tpu.memory_space<vmem>>, vector<16xf32>,
      tpu.vector_store %arg19[%swap3A_182, %swap3A_183], %mul3A_181 {strides = array<i32>} : memref<128x32xf32, #tpu.memory_space<vmem>>, vector<16xf32>,
    }
    %scan3A_134 = arith.constant 128 : i32
    "tpu.region"() ({
      %run_scoped3A = tpu.sem_alloc : memref<!tpu.dma_semaphore, #tpu.memory_space<semaphore_mem>>
      %dma_start3A_162 = arith.constant 0 : i32
      %dma_start3A_163 = tpu.memref_slice %arg5[%add3A_127, %dma_start3A_162] : memref<20480x32xf32, #tpu.memory_space<hbm>> -> memref<128x32xf32, #tpu.memory_space<hbm>>
      %dma_start3A_164 = arith.constant 0 : i32
      %dma_start3A_165 = tpu.memref_slice %arg5[%add3A_127, %dma_start3A_164] : memref<20480x32xf32, #tpu.memory_space<hbm>> -> memref<128x32xf32, #tpu.memory_space<hbm>>
      tpu.enqueue_dma source(%arg19 : memref<128x32xf32, #tpu.memory_space<vmem>>) target(%dma_start3A_165 : memref<128x32xf32, #tpu.memory_space<hbm>>) target_semaphore(%run_scoped3A : memref<!tpu.dma_semaphore, #tpu.memory_space<semaphore_mem>>)
      %dma_wait3A_166 = arith.constant 0 : i32
      %dma_wait3A_167 = tpu.memref_slice %arg5[%add3A_127, %dma_wait3A_166] : memref<20480x32xf32, #tpu.memory_space<hbm>> -> memref<128x32xf32, #tpu.memory_space<hbm>>
      %dma_wait3A_168 = arith.constant 0 : i32
      %dma_wait3A_169 = tpu.memref_slice %arg5[%add3A_127, %dma_wait3A_168] : memref<20480x32xf32, #tpu.memory_space<hbm>> -> memref<128x32xf32, #tpu.memory_space<hbm>>
      tpu.wait_dma2 semaphore(%run_scoped3A : memref<!tpu.dma_semaphore, #tpu.memory_space<semaphore_mem>>) src(%arg19 : memref<128x32xf32, #tpu.memory_space<vmem>>) dst(%dma_wait3A_169 : memref<128x32xf32, #tpu.memory_space<hbm>>)
      tpu.yield
    }) : () -> ()
    %add3A_135 = arith.constant 256 : i32
    %add3A_136 = arith.addi %add3A, %add3A_135 : i32
    %add3A_137 = arith.constant 256 : i32
    %add3A_138 = arith.addi %mul3A_0, %add3A_137 : i32
    "tpu.region"() ({
      %run_scoped3A = tpu.sem_alloc : memref<!tpu.dma_semaphore, #tpu.memory_space<semaphore_mem>>
      %dma_start3A_162 = arith.constant 0 : i32
      %dma_start3A_163 = tpu.memref_slice %arg10[%add3A_138, %dma_start3A_162] : memref<10240x32xf32, #tpu.memory_space<vmem_shared>> -> memref<128x32xf32, #tpu.memory_space<vmem_shared>>
      %dma_start3A_164 = arith.constant 0 : i32
      %dma_start3A_165 = tpu.memref_slice %arg10[%add3A_138, %dma_start3A_164] : memref<10240x32xf32, #tpu.memory_space<vmem_shared>> -> memref<128x32xf32, #tpu.memory_space<vmem_shared>>
      tpu.enqueue_dma source(%dma_start3A_165 : memref<128x32xf32, #tpu.memory_space<vmem_shared>>) target(%arg19 : memref<128x32xf32, #tpu.memory_space<vmem>>) target_semaphore(%run_scoped3A : memref<!tpu.dma_semaphore, #tpu.memory_space<semaphore_mem>>)
      %dma_wait3A_166 = arith.constant 0 : i32
      %dma_wait3A_167 = tpu.memref_slice %arg10[%add3A_138, %dma_wait3A_166] : memref<10240x32xf32, #tpu.memory_space<vmem_shared>> -> memref<128x32xf32, #tpu.memory_space<vmem_shared>>
      %dma_wait3A_168 = arith.constant 0 : i32
      %dma_wait3A_169 = tpu.memref_slice %arg10[%add3A_138, %dma_wait3A_168] : memref<10240x32xf32, #tpu.memory_space<vmem_shared>> -> memref<128x32xf32, #tpu.memory_space<vmem_shared>>
      tpu.wait_dma2 semaphore(%run_scoped3A : memref<!tpu.dma_semaphore, #tpu.memory_space<semaphore_mem>>) src(%dma_wait3A_169 : memref<128x32xf32, #tpu.memory_space<vmem_shared>>) dst(%arg19 : memref<128x32xf32, #tpu.memory_space<vmem>>)
      tpu.yield
    }) : () -> ()
    "tpu.region"() ({
      %run_scoped3A = tpu.sem_alloc : memref<!tpu.dma_semaphore, #tpu.memory_space<semaphore_mem>>
      %dma_start3A_162 = arith.constant 0 : i32
      %dma_start3A_163 = tpu.memref_slice %arg8[%add3A_136, %dma_start3A_162] : memref<20480x32xf32, #tpu.memory_space<hbm>> -> memref<128x32xf32, #tpu.memory_space<hbm>>
      %dma_start3A_164 = arith.constant 0 : i32
      %dma_start3A_165 = tpu.memref_slice %arg8[%add3A_136, %dma_start3A_164] : memref<20480x32xf32, #tpu.memory_space<hbm>> -> memref<128x32xf32, #tpu.memory_space<hbm>>
      tpu.enqueue_dma source(%dma_start3A_165 : memref<128x32xf32, #tpu.memory_space<hbm>>) target(%arg13 : memref<128x32xf32, #tpu.memory_space<vmem>>) target_semaphore(%run_scoped3A : memref<!tpu.dma_semaphore, #tpu.memory_space<semaphore_mem>>)
      %dma_wait3A_166 = arith.constant 0 : i32
      %dma_wait3A_167 = tpu.memref_slice %arg8[%add3A_136, %dma_wait3A_166] : memref<20480x32xf32, #tpu.memory_space<hbm>> -> memref<128x32xf32, #tpu.memory_space<hbm>>
      %dma_wait3A_168 = arith.constant 0 : i32
      %dma_wait3A_169 = tpu.memref_slice %arg8[%add3A_136, %dma_wait3A_168] : memref<20480x32xf32, #tpu.memory_space<hbm>> -> memref<128x32xf32, #tpu.memory_space<hbm>>
      tpu.wait_dma2 semaphore(%run_scoped3A : memref<!tpu.dma_semaphore, #tpu.memory_space<semaphore_mem>>) src(%dma_wait3A_169 : memref<128x32xf32, #tpu.memory_space<hbm>>) dst(%arg13 : memref<128x32xf32, #tpu.memory_space<vmem>>)
      tpu.yield
    }) : () -> ()
    %scan3A_139 = arith.constant 0 : i32
    %scan3A_140 = arith.constant 128 : i32
    %scan3A_141 = arith.addi %scan3A_139, %scan3A_140 : i32
    %scan3A_142 = arith.constant 1 : i32
    scf.for %scan3A_162 = %scan3A_139 to %scan3A_141 step %scan3A_142  : i32 {
      %mul3A_163 = arith.constant 1 : i32
      %mul3A_164 = arith.muli %scan3A_162, %mul3A_163 : i32
      %add3A_165 = arith.constant 0 : i32
      %add3A_166 = arith.addi %add3A_165, %mul3A_164 : i32
      %get3A = arith.index_cast %add3A_166 : i32 to index
      %get3A_167 = arith.constant 0 : index
      %get3A_168 = tpu.vector_load %arg13[%get3A, %get3A_167] {strides = array<i32>} : memref<128x32xf32, #tpu.memory_space<vmem>>, vector<16xf32>,
      %get3A_169 = arith.index_cast %add3A_166 : i32 to index
      %get3A_170 = arith.constant 0 : index
      %get3A_171 = tpu.vector_load %arg19[%get3A_169, %get3A_170] {strides = array<i32>} : memref<128x32xf32, #tpu.memory_space<vmem>>, vector<16xf32>,
      %mul3A_172 = arith.mulf %get3A_168, %get3A_171 : vector<16xf32>
      %swap3A = arith.index_cast %add3A_166 : i32 to index
      %swap3A_173 = arith.constant 0 : index
      %swap3A_174 = tpu.vector_load %arg19[%swap3A, %swap3A_173] {strides = array<i32>} : memref<128x32xf32, #tpu.memory_space<vmem>>, vector<16xf32>,
      tpu.vector_store %arg19[%swap3A, %swap3A_173], %mul3A_172 {strides = array<i32>} : memref<128x32xf32, #tpu.memory_space<vmem>>, vector<16xf32>,
      %get3A_175 = arith.index_cast %add3A_166 : i32 to index
      %get3A_176 = arith.constant 16 : index
      %get3A_177 = tpu.vector_load %arg13[%get3A_175, %get3A_176] {strides = array<i32>} : memref<128x32xf32, #tpu.memory_space<vmem>>, vector<16xf32>,
      %get3A_178 = arith.index_cast %add3A_166 : i32 to index
      %get3A_179 = arith.constant 16 : index
      %get3A_180 = tpu.vector_load %arg19[%get3A_178, %get3A_179] {strides = array<i32>} : memref<128x32xf32, #tpu.memory_space<vmem>>, vector<16xf32>,
      %mul3A_181 = arith.mulf %get3A_177, %get3A_180 : vector<16xf32>
      %swap3A_182 = arith.index_cast %add3A_166 : i32 to index
      %swap3A_183 = arith.constant 16 : index
      %swap3A_184 = tpu.vector_load %arg19[%swap3A_182, %swap3A_183] {strides = array<i32>} : memref<128x32xf32, #tpu.memory_space<vmem>>, vector<16xf32>,
      tpu.vector_store %arg19[%swap3A_182, %swap3A_183], %mul3A_181 {strides = array<i32>} : memref<128x32xf32, #tpu.memory_space<vmem>>, vector<16xf32>,
    }
    %scan3A_143 = arith.constant 128 : i32
    "tpu.region"() ({
      %run_scoped3A = tpu.sem_alloc : memref<!tpu.dma_semaphore, #tpu.memory_space<semaphore_mem>>
      %dma_start3A_162 = arith.constant 0 : i32
      %dma_start3A_163 = tpu.memref_slice %arg5[%add3A_136, %dma_start3A_162] : memref<20480x32xf32, #tpu.memory_space<hbm>> -> memref<128x32xf32, #tpu.memory_space<hbm>>
      %dma_start3A_164 = arith.constant 0 : i32
      %dma_start3A_165 = tpu.memref_slice %arg5[%add3A_136, %dma_start3A_164] : memref<20480x32xf32, #tpu.memory_space<hbm>> -> memref<128x32xf32, #tpu.memory_space<hbm>>
      tpu.enqueue_dma source(%arg19 : memref<128x32xf32, #tpu.memory_space<vmem>>) target(%dma_start3A_165 : memref<128x32xf32, #tpu.memory_space<hbm>>) target_semaphore(%run_scoped3A : memref<!tpu.dma_semaphore, #tpu.memory_space<semaphore_mem>>)
      %dma_wait3A_166 = arith.constant 0 : i32
      %dma_wait3A_167 = tpu.memref_slice %arg5[%add3A_136, %dma_wait3A_166] : memref<20480x32xf32, #tpu.memory_space<hbm>> -> memref<128x32xf32, #tpu.memory_space<hbm>>
      %dma_wait3A_168 = arith.constant 0 : i32
      %dma_wait3A_169 = tpu.memref_slice %arg5[%add3A_136, %dma_wait3A_168] : memref<20480x32xf32, #tpu.memory_space<hbm>> -> memref<128x32xf32, #tpu.memory_space<hbm>>
      tpu.wait_dma2 semaphore(%run_scoped3A : memref<!tpu.dma_semaphore, #tpu.memory_space<semaphore_mem>>) src(%arg19 : memref<128x32xf32, #tpu.memory_space<vmem>>) dst(%dma_wait3A_169 : memref<128x32xf32, #tpu.memory_space<hbm>>)
      tpu.yield
    }) : () -> ()
    %add3A_144 = arith.constant 384 : i32
    %add3A_145 = arith.addi %add3A, %add3A_144 : i32
    %add3A_146 = arith.constant 384 : i32
    %add3A_147 = arith.addi %mul3A_0, %add3A_146 : i32
    "tpu.region"() ({
      %run_scoped3A = tpu.sem_alloc : memref<!tpu.dma_semaphore, #tpu.memory_space<semaphore_mem>>
      %dma_start3A_162 = arith.constant 0 : i32
      %dma_start3A_163 = tpu.memref_slice %arg10[%add3A_147, %dma_start3A_162] : memref<10240x32xf32, #tpu.memory_space<vmem_shared>> -> memref<128x32xf32, #tpu.memory_space<vmem_shared>>
      %dma_start3A_164 = arith.constant 0 : i32
      %dma_start3A_165 = tpu.memref_slice %arg10[%add3A_147, %dma_start3A_164] : memref<10240x32xf32, #tpu.memory_space<vmem_shared>> -> memref<128x32xf32, #tpu.memory_space<vmem_shared>>
      tpu.enqueue_dma source(%dma_start3A_165 : memref<128x32xf32, #tpu.memory_space<vmem_shared>>) target(%arg19 : memref<128x32xf32, #tpu.memory_space<vmem>>) target_semaphore(%run_scoped3A : memref<!tpu.dma_semaphore, #tpu.memory_space<semaphore_mem>>)
      %dma_wait3A_166 = arith.constant 0 : i32
      %dma_wait3A_167 = tpu.memref_slice %arg10[%add3A_147, %dma_wait3A_166] : memref<10240x32xf32, #tpu.memory_space<vmem_shared>> -> memref<128x32xf32, #tpu.memory_space<vmem_shared>>
      %dma_wait3A_168 = arith.constant 0 : i32
      %dma_wait3A_169 = tpu.memref_slice %arg10[%add3A_147, %dma_wait3A_168] : memref<10240x32xf32, #tpu.memory_space<vmem_shared>> -> memref<128x32xf32, #tpu.memory_space<vmem_shared>>
      tpu.wait_dma2 semaphore(%run_scoped3A : memref<!tpu.dma_semaphore, #tpu.memory_space<semaphore_mem>>) src(%dma_wait3A_169 : memref<128x32xf32, #tpu.memory_space<vmem_shared>>) dst(%arg19 : memref<128x32xf32, #tpu.memory_space<vmem>>)
      tpu.yield
    }) : () -> ()
    "tpu.region"() ({
      %run_scoped3A = tpu.sem_alloc : memref<!tpu.dma_semaphore, #tpu.memory_space<semaphore_mem>>
      %dma_start3A_162 = arith.constant 0 : i32
      %dma_start3A_163 = tpu.memref_slice %arg8[%add3A_145, %dma_start3A_162] : memref<20480x32xf32, #tpu.memory_space<hbm>> -> memref<128x32xf32, #tpu.memory_space<hbm>>
      %dma_start3A_164 = arith.constant 0 : i32
      %dma_start3A_165 = tpu.memref_slice %arg8[%add3A_145, %dma_start3A_164] : memref<20480x32xf32, #tpu.memory_space<hbm>> -> memref<128x32xf32, #tpu.memory_space<hbm>>
      tpu.enqueue_dma source(%dma_start3A_165 : memref<128x32xf32, #tpu.memory_space<hbm>>) target(%arg13 : memref<128x32xf32, #tpu.memory_space<vmem>>) target_semaphore(%run_scoped3A : memref<!tpu.dma_semaphore, #tpu.memory_space<semaphore_mem>>)
      %dma_wait3A_166 = arith.constant 0 : i32
      %dma_wait3A_167 = tpu.memref_slice %arg8[%add3A_145, %dma_wait3A_166] : memref<20480x32xf32, #tpu.memory_space<hbm>> -> memref<128x32xf32, #tpu.memory_space<hbm>>
      %dma_wait3A_168 = arith.constant 0 : i32
      %dma_wait3A_169 = tpu.memref_slice %arg8[%add3A_145, %dma_wait3A_168] : memref<20480x32xf32, #tpu.memory_space<hbm>> -> memref<128x32xf32, #tpu.memory_space<hbm>>
      tpu.wait_dma2 semaphore(%run_scoped3A : memref<!tpu.dma_semaphore, #tpu.memory_space<semaphore_mem>>) src(%dma_wait3A_169 : memref<128x32xf32, #tpu.memory_space<hbm>>) dst(%arg13 : memref<128x32xf32, #tpu.memory_space<vmem>>)
      tpu.yield
    }) : () -> ()
    %scan3A_148 = arith.constant 0 : i32
    %scan3A_149 = arith.constant 128 : i32
    %scan3A_150 = arith.addi %scan3A_148, %scan3A_149 : i32
    %scan3A_151 = arith.constant 1 : i32
    scf.for %scan3A_162 = %scan3A_148 to %scan3A_150 step %scan3A_151  : i32 {
      %mul3A_163 = arith.constant 1 : i32
      %mul3A_164 = arith.muli %scan3A_162, %mul3A_163 : i32
      %add3A_165 = arith.constant 0 : i32
      %add3A_166 = arith.addi %add3A_165, %mul3A_164 : i32
      %get3A = arith.index_cast %add3A_166 : i32 to index
      %get3A_167 = arith.constant 0 : index
      %get3A_168 = tpu.vector_load %arg13[%get3A, %get3A_167] {strides = array<i32>} : memref<128x32xf32, #tpu.memory_space<vmem>>, vector<16xf32>,
      %get3A_169 = arith.index_cast %add3A_166 : i32 to index
      %get3A_170 = arith.constant 0 : index
      %get3A_171 = tpu.vector_load %arg19[%get3A_169, %get3A_170] {strides = array<i32>} : memref<128x32xf32, #tpu.memory_space<vmem>>, vector<16xf32>,
      %mul3A_172 = arith.mulf %get3A_168, %get3A_171 : vector<16xf32>
      %swap3A = arith.index_cast %add3A_166 : i32 to index
      %swap3A_173 = arith.constant 0 : index
      %swap3A_174 = tpu.vector_load %arg19[%swap3A, %swap3A_173] {strides = array<i32>} : memref<128x32xf32, #tpu.memory_space<vmem>>, vector<16xf32>,
      tpu.vector_store %arg19[%swap3A, %swap3A_173], %mul3A_172 {strides = array<i32>} : memref<128x32xf32, #tpu.memory_space<vmem>>, vector<16xf32>,
      %get3A_175 = arith.index_cast %add3A_166 : i32 to index
      %get3A_176 = arith.constant 16 : index
      %get3A_177 = tpu.vector_load %arg13[%get3A_175, %get3A_176] {strides = array<i32>} : memref<128x32xf32, #tpu.memory_space<vmem>>, vector<16xf32>,
      %get3A_178 = arith.index_cast %add3A_166 : i32 to index
      %get3A_179 = arith.constant 16 : index
      %get3A_180 = tpu.vector_load %arg19[%get3A_178, %get3A_179] {strides = array<i32>} : memref<128x32xf32, #tpu.memory_space<vmem>>, vector<16xf32>,
      %mul3A_181 = arith.mulf %get3A_177, %get3A_180 : vector<16xf32>
      %swap3A_182 = arith.index_cast %add3A_166 : i32 to index
      %swap3A_183 = arith.constant 16 : index
      %swap3A_184 = tpu.vector_load %arg19[%swap3A_182, %swap3A_183] {strides = array<i32>} : memref<128x32xf32, #tpu.memory_space<vmem>>, vector<16xf32>,
      tpu.vector_store %arg19[%swap3A_182, %swap3A_183], %mul3A_181 {strides = array<i32>} : memref<128x32xf32, #tpu.memory_space<vmem>>, vector<16xf32>,
    }
    %scan3A_152 = arith.constant 128 : i32
    "tpu.region"() ({
      %run_scoped3A = tpu.sem_alloc : memref<!tpu.dma_semaphore, #tpu.memory_space<semaphore_mem>>
      %dma_start3A_162 = arith.constant 0 : i32
      %dma_start3A_163 = tpu.memref_slice %arg5[%add3A_145, %dma_start3A_162] : memref<20480x32xf32, #tpu.memory_space<hbm>> -> memref<128x32xf32, #tpu.memory_space<hbm>>
      %dma_start3A_164 = arith.constant 0 : i32
      %dma_start3A_165 = tpu.memref_slice %arg5[%add3A_145, %dma_start3A_164] : memref<20480x32xf32, #tpu.memory_space<hbm>> -> memref<128x32xf32, #tpu.memory_space<hbm>>
      tpu.enqueue_dma source(%arg19 : memref<128x32xf32, #tpu.memory_space<vmem>>) target(%dma_start3A_165 : memref<128x32xf32, #tpu.memory_space<hbm>>) target_semaphore(%run_scoped3A : memref<!tpu.dma_semaphore, #tpu.memory_space<semaphore_mem>>)
      %dma_wait3A_166 = arith.constant 0 : i32
      %dma_wait3A_167 = tpu.memref_slice %arg5[%add3A_145, %dma_wait3A_166] : memref<20480x32xf32, #tpu.memory_space<hbm>> -> memref<128x32xf32, #tpu.memory_space<hbm>>
      %dma_wait3A_168 = arith.constant 0 : i32
      %dma_wait3A_169 = tpu.memref_slice %arg5[%add3A_145, %dma_wait3A_168] : memref<20480x32xf32, #tpu.memory_space<hbm>> -> memref<128x32xf32, #tpu.memory_space<hbm>>
      tpu.wait_dma2 semaphore(%run_scoped3A : memref<!tpu.dma_semaphore, #tpu.memory_space<semaphore_mem>>) src(%arg19 : memref<128x32xf32, #tpu.memory_space<vmem>>) dst(%dma_wait3A_169 : memref<128x32xf32, #tpu.memory_space<hbm>>)
      tpu.yield
    }) : () -> ()
    %add3A_153 = arith.constant 512 : i32
    %add3A_154 = arith.addi %add3A, %add3A_153 : i32
    %add3A_155 = arith.constant 512 : i32
    %add3A_156 = arith.addi %mul3A_0, %add3A_155 : i32
    "tpu.region"() ({
      %run_scoped3A = tpu.sem_alloc : memref<!tpu.dma_semaphore, #tpu.memory_space<semaphore_mem>>
      %dma_start3A_162 = arith.constant 0 : i32
      %dma_start3A_163 = tpu.memref_slice %arg10[%add3A_156, %dma_start3A_162] : memref<10240x32xf32, #tpu.memory_space<vmem_shared>> -> memref<128x32xf32, #tpu.memory_space<vmem_shared>>
      %dma_start3A_164 = arith.constant 0 : i32
      %dma_start3A_165 = tpu.memref_slice %arg10[%add3A_156, %dma_start3A_164] : memref<10240x32xf32, #tpu.memory_space<vmem_shared>> -> memref<128x32xf32, #tpu.memory_space<vmem_shared>>
      tpu.enqueue_dma source(%dma_start3A_165 : memref<128x32xf32, #tpu.memory_space<vmem_shared>>) target(%arg19 : memref<128x32xf32, #tpu.memory_space<vmem>>) target_semaphore(%run_scoped3A : memref<!tpu.dma_semaphore, #tpu.memory_space<semaphore_mem>>)
      %dma_wait3A_166 = arith.constant 0 : i32
      %dma_wait3A_167 = tpu.memref_slice %arg10[%add3A_156, %dma_wait3A_166] : memref<10240x32xf32, #tpu.memory_space<vmem_shared>> -> memref<128x32xf32, #tpu.memory_space<vmem_shared>>
      %dma_wait3A_168 = arith.constant 0 : i32
      %dma_wait3A_169 = tpu.memref_slice %arg10[%add3A_156, %dma_wait3A_168] : memref<10240x32xf32, #tpu.memory_space<vmem_shared>> -> memref<128x32xf32, #tpu.memory_space<vmem_shared>>
      tpu.wait_dma2 semaphore(%run_scoped3A : memref<!tpu.dma_semaphore, #tpu.memory_space<semaphore_mem>>) src(%dma_wait3A_169 : memref<128x32xf32, #tpu.memory_space<vmem_shared>>) dst(%arg19 : memref<128x32xf32, #tpu.memory_space<vmem>>)
      tpu.yield
    }) : () -> ()
    "tpu.region"() ({
      %run_scoped3A = tpu.sem_alloc : memref<!tpu.dma_semaphore, #tpu.memory_space<semaphore_mem>>
      %dma_start3A_162 = arith.constant 0 : i32
      %dma_start3A_163 = tpu.memref_slice %arg8[%add3A_154, %dma_start3A_162] : memref<20480x32xf32, #tpu.memory_space<hbm>> -> memref<128x32xf32, #tpu.memory_space<hbm>>
      %dma_start3A_164 = arith.constant 0 : i32
      %dma_start3A_165 = tpu.memref_slice %arg8[%add3A_154, %dma_start3A_164] : memref<20480x32xf32, #tpu.memory_space<hbm>> -> memref<128x32xf32, #tpu.memory_space<hbm>>
      tpu.enqueue_dma source(%dma_start3A_165 : memref<128x32xf32, #tpu.memory_space<hbm>>) target(%arg13 : memref<128x32xf32, #tpu.memory_space<vmem>>) target_semaphore(%run_scoped3A : memref<!tpu.dma_semaphore, #tpu.memory_space<semaphore_mem>>)
      %dma_wait3A_166 = arith.constant 0 : i32
      %dma_wait3A_167 = tpu.memref_slice %arg8[%add3A_154, %dma_wait3A_166] : memref<20480x32xf32, #tpu.memory_space<hbm>> -> memref<128x32xf32, #tpu.memory_space<hbm>>
      %dma_wait3A_168 = arith.constant 0 : i32
      %dma_wait3A_169 = tpu.memref_slice %arg8[%add3A_154, %dma_wait3A_168] : memref<20480x32xf32, #tpu.memory_space<hbm>> -> memref<128x32xf32, #tpu.memory_space<hbm>>
      tpu.wait_dma2 semaphore(%run_scoped3A : memref<!tpu.dma_semaphore, #tpu.memory_space<semaphore_mem>>) src(%dma_wait3A_169 : memref<128x32xf32, #tpu.memory_space<hbm>>) dst(%arg13 : memref<128x32xf32, #tpu.memory_space<vmem>>)
      tpu.yield
    }) : () -> ()
    %scan3A_157 = arith.constant 0 : i32
    %scan3A_158 = arith.constant 128 : i32
    %scan3A_159 = arith.addi %scan3A_157, %scan3A_158 : i32
    %scan3A_160 = arith.constant 1 : i32
    scf.for %scan3A_162 = %scan3A_157 to %scan3A_159 step %scan3A_160  : i32 {
      %mul3A_163 = arith.constant 1 : i32
      %mul3A_164 = arith.muli %scan3A_162, %mul3A_163 : i32
      %add3A_165 = arith.constant 0 : i32
      %add3A_166 = arith.addi %add3A_165, %mul3A_164 : i32
      %get3A = arith.index_cast %add3A_166 : i32 to index
      %get3A_167 = arith.constant 0 : index
      %get3A_168 = tpu.vector_load %arg13[%get3A, %get3A_167] {strides = array<i32>} : memref<128x32xf32, #tpu.memory_space<vmem>>, vector<16xf32>,
      %get3A_169 = arith.index_cast %add3A_166 : i32 to index
      %get3A_170 = arith.constant 0 : index
      %get3A_171 = tpu.vector_load %arg19[%get3A_169, %get3A_170] {strides = array<i32>} : memref<128x32xf32, #tpu.memory_space<vmem>>, vector<16xf32>,
      %mul3A_172 = arith.mulf %get3A_168, %get3A_171 : vector<16xf32>
      %swap3A = arith.index_cast %add3A_166 : i32 to index
      %swap3A_173 = arith.constant 0 : index
      %swap3A_174 = tpu.vector_load %arg19[%swap3A, %swap3A_173] {strides = array<i32>} : memref<128x32xf32, #tpu.memory_space<vmem>>, vector<16xf32>,
      tpu.vector_store %arg19[%swap3A, %swap3A_173], %mul3A_172 {strides = array<i32>} : memref<128x32xf32, #tpu.memory_space<vmem>>, vector<16xf32>,
      %get3A_175 = arith.index_cast %add3A_166 : i32 to index
      %get3A_176 = arith.constant 16 : index
      %get3A_177 = tpu.vector_load %arg13[%get3A_175, %get3A_176] {strides = array<i32>} : memref<128x32xf32, #tpu.memory_space<vmem>>, vector<16xf32>,
      %get3A_178 = arith.index_cast %add3A_166 : i32 to index
      %get3A_179 = arith.constant 16 : index
      %get3A_180 = tpu.vector_load %arg19[%get3A_178, %get3A_179] {strides = array<i32>} : memref<128x32xf32, #tpu.memory_space<vmem>>, vector<16xf32>,
      %mul3A_181 = arith.mulf %get3A_177, %get3A_180 : vector<16xf32>
      %swap3A_182 = arith.index_cast %add3A_166 : i32 to index
      %swap3A_183 = arith.constant 16 : index
      %swap3A_184 = tpu.vector_load %arg19[%swap3A_182, %swap3A_183] {strides = array<i32>} : memref<128x32xf32, #tpu.memory_space<vmem>>, vector<16xf32>,
      tpu.vector_store %arg19[%swap3A_182, %swap3A_183], %mul3A_181 {strides = array<i32>} : memref<128x32xf32, #tpu.memory_space<vmem>>, vector<16xf32>,
    }
    %scan3A_161 = arith.constant 128 : i32
    "tpu.region"() ({
      %run_scoped3A = tpu.sem_alloc : memref<!tpu.dma_semaphore, #tpu.memory_space<semaphore_mem>>
      %dma_start3A_162 = arith.constant 0 : i32
      %dma_start3A_163 = tpu.memref_slice %arg5[%add3A_154, %dma_start3A_162] : memref<20480x32xf32, #tpu.memory_space<hbm>> -> memref<128x32xf32, #tpu.memory_space<hbm>>
      %dma_start3A_164 = arith.constant 0 : i32
      %dma_start3A_165 = tpu.memref_slice %arg5[%add3A_154, %dma_start3A_164] : memref<20480x32xf32, #tpu.memory_space<hbm>> -> memref<128x32xf32, #tpu.memory_space<hbm>>
      tpu.enqueue_dma source(%arg19 : memref<128x32xf32, #tpu.memory_space<vmem>>) target(%dma_start3A_165 : memref<128x32xf32, #tpu.memory_space<hbm>>) target_semaphore(%run_scoped3A : memref<!tpu.dma_semaphore, #tpu.memory_space<semaphore_mem>>)
      %dma_wait3A_166 = arith.constant 0 : i32
      %dma_wait3A_167 = tpu.memref_slice %arg5[%add3A_154, %dma_wait3A_166] : memref<20480x32xf32, #tpu.memory_space<hbm>> -> memref<128x32xf32, #tpu.memory_space<hbm>>
      %dma_wait3A_168 = arith.constant 0 : i32
      %dma_wait3A_169 = tpu.memref_slice %arg5[%add3A_154, %dma_wait3A_168] : memref<20480x32xf32, #tpu.memory_space<hbm>> -> memref<128x32xf32, #tpu.memory_space<hbm>>
      tpu.wait_dma2 semaphore(%run_scoped3A : memref<!tpu.dma_semaphore, #tpu.memory_space<semaphore_mem>>) src(%arg19 : memref<128x32xf32, #tpu.memory_space<vmem>>) dst(%dma_wait3A_169 : memref<128x32xf32, #tpu.memory_space<hbm>>)
      tpu.yield
    }) : () -> ()
    return
  }
}

module attributes {stable_mosaic.version = 14 : i64} {
  func.func @body(%arg0: i32, %arg1: i32, %arg2: memref<1280x128xf32, #tpu.memory_space<vmem>>, %arg3: memref<128x128xf32, #tpu.memory_space<vmem>>, %arg4: memref<1x128xf32, #tpu.memory_space<vmem>>, %arg5: memref<128x64xf32, #tpu.memory_space<vmem>>, %arg6: memref<1x64xf32, #tpu.memory_space<vmem>>, %arg7: memref<1280x32xf32, #tpu.memory_space<vmem>>, %arg8: memref<1280x64xf32, #tpu.memory_space<vmem>>) attributes {dimension_semantics = [#tpu.dimension_semantics<arbitrary>, #tpu.dimension_semantics<arbitrary>], iteration_bounds = array<i64: 2, 8>, scalar_prefetch = 0 : i64, scratch_operands = 0 : i64, tpu.core_type = #tpu.core_type<tc>, window_params = [{transform_indices = @transform_0, window_bounds = array<i64: 1280, 128>}, {pipeline_mode = #tpu.pipeline_mode<synchronous>, transform_indices = @transform_1, window_bounds = array<i64: 128, 128>}, {pipeline_mode = #tpu.pipeline_mode<synchronous>, transform_indices = @transform_2, window_bounds = array<i64: 1, 128>}, {pipeline_mode = #tpu.pipeline_mode<synchronous>, transform_indices = @transform_3, window_bounds = array<i64: 128, 64>}, {pipeline_mode = #tpu.pipeline_mode<synchronous>, transform_indices = @transform_4, window_bounds = array<i64: 1, 64>}, {transform_indices = @transform_5, window_bounds = array<i64: 1280, 32>}, {transform_indices = @transform_6, window_bounds = array<i64: 1280, 64>}]} {
    %get3A = arith.constant 0 : index
    %get3A_0 = arith.constant 0 : index
    %get3A_1 = vector.load %arg2[%get3A, %get3A_0] : memref<1280x128xf32, #tpu.memory_space<vmem>>, vector<1280x128xf32>
    %get3A_2 = arith.constant 0 : index
    %get3A_3 = arith.constant 0 : index
    %get3A_4 = vector.load %arg3[%get3A_2, %get3A_3] : memref<128x128xf32, #tpu.memory_space<vmem>>, vector<128x128xf32>
    %dot_general3A = arith.constant dense<0.000000e+00> : vector<1280x128xf32>
    %dot_general3A_5 = tpu.matmul %get3A_1, %get3A_4, %dot_general3A {dimension_numbers = #tpu.dot_dimension_numbers<[1], [0], [0], [1], [0, 0, 1, 1], [], []>, transpose_lhs_hint = false} : vector<1280x128xf32>, vector<128x128xf32>, vector<1280x128xf32> -> vector<1280x128xf32>
    %get3A_6 = arith.constant 0 : index
    %get3A_7 = arith.constant 0 : index
    %get3A_8 = vector.load %arg4[%get3A_6, %get3A_7] : memref<1x128xf32, #tpu.memory_space<vmem>>, vector<1x128xf32>
    %add3A = vector.broadcast %get3A_8 : vector<1x128xf32> to vector<1280x128xf32>
    %add3A_9 = arith.addf %dot_general3A_5, %add3A : vector<1280x128xf32>
    %max3A = arith.constant 0.000000e+00 : f32
    %max3A_10 = vector.broadcast %max3A : f32 to vector<1280x128xf32>
    %max3A_11 = arith.maximumf %add3A_9, %max3A_10 : vector<1280x128xf32>
    %get3A_12 = arith.constant 0 : index
    %get3A_13 = arith.constant 0 : index
    %get3A_14 = vector.load %arg5[%get3A_12, %get3A_13] : memref<128x64xf32, #tpu.memory_space<vmem>>, vector<128x64xf32>
    %dot_general3A_15 = arith.constant dense<0.000000e+00> : vector<1280x64xf32>
    %dot_general3A_16 = tpu.matmul %max3A_11, %get3A_14, %dot_general3A_15 {dimension_numbers = #tpu.dot_dimension_numbers<[1], [0], [0], [1], [0, 0, 1, 1], [], []>, transpose_lhs_hint = false} : vector<1280x128xf32>, vector<128x64xf32>, vector<1280x64xf32> -> vector<1280x64xf32>
    %get3A_17 = arith.constant 0 : index
    %get3A_18 = arith.constant 0 : index
    %get3A_19 = vector.load %arg6[%get3A_17, %get3A_18] : memref<1x64xf32, #tpu.memory_space<vmem>>, vector<1x64xf32>
    %add3A_20 = vector.broadcast %get3A_19 : vector<1x64xf32> to vector<1280x64xf32>
    %add3A_21 = arith.addf %dot_general3A_16, %add3A_20 : vector<1280x64xf32>
    %eq3A = arith.constant 0 : i32
    %eq3A_22 = arith.cmpi eq, %arg0, %eq3A : i32
    %slice3A = vector.extract_strided_slice %add3A_21 {offsets = [0, 0], sizes = [1280, 32], strides = [1, 1]} : vector<1280x64xf32> to vector<1280x32xf32>
    %slice3A_23 = vector.extract_strided_slice %add3A_21 {offsets = [0, 32], sizes = [1280, 32], strides = [1, 1]} : vector<1280x64xf32> to vector<1280x32xf32>
    %select_n3A = arith.select %eq3A_22, %slice3A, %slice3A_23 : vector<1280x32xf32>
    %swap3A = arith.constant 0 : index
    %swap3A_24 = arith.constant 0 : index
    %swap3A_25 = vector.load %arg7[%swap3A, %swap3A_24] : memref<1280x32xf32, #tpu.memory_space<vmem>>, vector<1280x32xf32>
    tpu.vector_store %arg7[%swap3A, %swap3A_24], %select_n3A {strides = array<i32>} : memref<1280x32xf32, #tpu.memory_space<vmem>>, vector<1280x32xf32>,
    %mul3A = arith.constant 1.000000e-01 : f32
    %mul3A_26 = vector.broadcast %mul3A : f32 to vector<1280x64xf32>
    %mul3A_27 = arith.mulf %mul3A_26, %add3A_21 : vector<1280x64xf32>
    %swap3A_28 = arith.constant 0 : index
    %swap3A_29 = arith.constant 0 : index
    %swap3A_30 = vector.load %arg8[%swap3A_28, %swap3A_29] : memref<1280x64xf32, #tpu.memory_space<vmem>>, vector<1280x64xf32>
    tpu.vector_store %arg8[%swap3A_28, %swap3A_29], %mul3A_27 {strides = array<i32>} : memref<1280x64xf32, #tpu.memory_space<vmem>>, vector<1280x64xf32>,
    return
  }
  func.func @transform_0(%arg0: i32, %arg1: i32) -> (i32, i32) {
    %c0_i32 = arith.constant 0 : i32
    %c0_i32_0 = arith.constant 0 : i32
    return %arg1, %c0_i32 : i32, i32
  }
  func.func @transform_1(%arg0: i32, %arg1: i32) -> (i32, i32) {
    %c0_i32 = arith.constant 0 : i32
    %c0_i32_0 = arith.constant 0 : i32
    %c0_i32_1 = arith.constant 0 : i32
    return %c0_i32, %c0_i32_0 : i32, i32
  }
  func.func @transform_2(%arg0: i32, %arg1: i32) -> (i32, i32) {
    %c0_i32 = arith.constant 0 : i32
    %c0_i32_0 = arith.constant 0 : i32
    %c0_i32_1 = arith.constant 0 : i32
    return %c0_i32, %c0_i32_0 : i32, i32
  }
  func.func @transform_3(%arg0: i32, %arg1: i32) -> (i32, i32) {
    %c0_i32 = arith.constant 0 : i32
    %c0_i32_0 = arith.constant 0 : i32
    %c0_i32_1 = arith.constant 0 : i32
    return %c0_i32, %c0_i32_0 : i32, i32
  }
  func.func @transform_4(%arg0: i32, %arg1: i32) -> (i32, i32) {
    %c0_i32 = arith.constant 0 : i32
    %c0_i32_0 = arith.constant 0 : i32
    %c0_i32_1 = arith.constant 0 : i32
    return %c0_i32, %c0_i32_0 : i32, i32
  }
  func.func @transform_5(%arg0: i32, %arg1: i32) -> (i32, i32) {
    %mul3A = arith.constant 8 : i32
    %mul3A_0 = arith.muli %arg0, %mul3A : i32
    %add3A = arith.addi %mul3A_0, %arg1 : i32
    %c0_i32 = arith.constant 0 : i32
    %c0_i32_1 = arith.constant 0 : i32
    return %add3A, %c0_i32 : i32, i32
  }
  func.func @transform_6(%arg0: i32, %arg1: i32) -> (i32, i32) {
    %c0_i32 = arith.constant 0 : i32
    %c0_i32_0 = arith.constant 0 : i32
    return %arg1, %c0_i32 : i32, i32
  }
}

module attributes {stable_mosaic.version = 14 : i64} {
  func.func @body(%arg0: i32, %arg1: memref<1x2000x32xf32, #tpu.memory_space<vmem>>, %arg2: memref<1x2000x32xf32, #tpu.memory_space<vmem>>, %arg3: memref<2000x64xf32, #tpu.memory_space<vmem>>, %arg4: memref<2000x64xf32, #tpu.memory_space<vmem>>) attributes {dimension_semantics = [#tpu.dimension_semantics<arbitrary>], iteration_bounds = array<i64: 5>, scalar_prefetch = 0 : i64, scratch_operands = 0 : i64, tpu.core_type = #tpu.core_type<tc>, window_params = [{transform_indices = @transform_0, window_bounds = array<i64: 1, 2000, 32>}, {transform_indices = @transform_1, window_bounds = array<i64: 1, 2000, 32>}, {transform_indices = @transform_2, window_bounds = array<i64: 2000, 64>}, {transform_indices = @transform_3, window_bounds = array<i64: 2000, 64>}]} {
    %get3A = arith.constant 0 : index
    %get3A_0 = arith.constant 0 : index
    %get3A_1 = arith.constant 0 : index
    %get3A_2 = vector.load %arg1[%get3A, %get3A_0, %get3A_1] : memref<1x2000x32xf32, #tpu.memory_space<vmem>>, vector<1x2000x32xf32>
    %squeeze3A = vector.shape_cast %get3A_2 : vector<1x2000x32xf32> to vector<2000x32xf32>
    %get3A_3 = arith.constant 0 : index
    %get3A_4 = arith.constant 0 : index
    %get3A_5 = arith.constant 0 : index
    %get3A_6 = vector.load %arg2[%get3A_3, %get3A_4, %get3A_5] : memref<1x2000x32xf32, #tpu.memory_space<vmem>>, vector<1x2000x32xf32>
    %squeeze3A_7 = vector.shape_cast %get3A_6 : vector<1x2000x32xf32> to vector<2000x32xf32>
    %concatenate3A = tpu.concatenate %squeeze3A, %squeeze3A_7 in 1 : vector<2000x32xf32>, vector<2000x32xf32> -> vector<2000x64xf32>
    %get3A_8 = arith.constant 0 : index
    %get3A_9 = arith.constant 0 : index
    %get3A_10 = vector.load %arg3[%get3A_8, %get3A_9] : memref<2000x64xf32, #tpu.memory_space<vmem>>, vector<2000x64xf32>
    %add3A = arith.addf %concatenate3A, %get3A_10 : vector<2000x64xf32>
    %reduce_max3A = arith.constant dense<0xFF800000> : vector<2000xf32>
    %reduce_max3A_11 = vector.multi_reduction <maximumf>, %add3A, %reduce_max3A [1] : vector<2000x64xf32> to vector<2000xf32>
    %broadcast_in_dim3A = vector.shape_cast %reduce_max3A_11 : vector<2000xf32> to vector<2000x1xf32>
    %sub3A = vector.broadcast %broadcast_in_dim3A : vector<2000x1xf32> to vector<2000x64xf32>
    %sub3A_12 = arith.subf %add3A, %sub3A : vector<2000x64xf32>
    %exp3A = math.exp %sub3A_12 : vector<2000x64xf32>
    %reduce_sum3A = arith.constant dense<0.000000e+00> : vector<2000xf32>
    %reduce_sum3A_13 = vector.multi_reduction <add>, %exp3A, %reduce_sum3A [1] : vector<2000x64xf32> to vector<2000xf32>
    %broadcast_in_dim3A_14 = vector.shape_cast %reduce_sum3A_13 : vector<2000xf32> to vector<2000x1xf32>
    %log3A = math.log %broadcast_in_dim3A_14 : vector<2000x1xf32>
    %add3A_15 = arith.addf %log3A, %broadcast_in_dim3A : vector<2000x1xf32>
    %sub3A_16 = vector.broadcast %add3A_15 : vector<2000x1xf32> to vector<2000x64xf32>
    %sub3A_17 = arith.subf %add3A, %sub3A_16 : vector<2000x64xf32>
    %swap3A = arith.constant 0 : index
    %swap3A_18 = arith.constant 0 : index
    %swap3A_19 = vector.load %arg4[%swap3A, %swap3A_18] : memref<2000x64xf32, #tpu.memory_space<vmem>>, vector<2000x64xf32>
    tpu.vector_store %arg4[%swap3A, %swap3A_18], %sub3A_17 {strides = array<i32>} : memref<2000x64xf32, #tpu.memory_space<vmem>>, vector<2000x64xf32>,
    return
  }
  func.func @transform_0(%arg0: i32) -> (i32, i32, i32) {
    %c0_i32 = arith.constant 0 : i32
    %c0_i32_0 = arith.constant 0 : i32
    %c0_i32_1 = arith.constant 0 : i32
    return %c0_i32, %arg0, %c0_i32_0 : i32, i32, i32
  }
  func.func @transform_1(%arg0: i32) -> (i32, i32, i32) {
    %c1_i32 = arith.constant 1 : i32
    %c0_i32 = arith.constant 0 : i32
    %c0_i32_0 = arith.constant 0 : i32
    return %c1_i32, %arg0, %c0_i32 : i32, i32, i32
  }
  func.func @transform_2(%arg0: i32) -> (i32, i32) {
    %c0_i32 = arith.constant 0 : i32
    %c0_i32_0 = arith.constant 0 : i32
    return %arg0, %c0_i32 : i32, i32
  }
  func.func @transform_3(%arg0: i32) -> (i32, i32) {
    %c0_i32 = arith.constant 0 : i32
    %c0_i32_0 = arith.constant 0 : i32
    return %arg0, %c0_i32 : i32, i32
  }
}

</mosaic_0001>

<sc_bundles>
// kernel: kernel.5.cloned.1.call-start
scs
__scs_entry_jumppad:
0x0: {  	(pc) =	sbr.rel $0x88, $3  }
0x1: {  	(tag) =	ssettag $0x0;
	lr =	simm.s32 $0x1  }
0x2: {  	[smem:$0x3F9B] =	sst lr;
	_ =	strace $0xD0000000  }
0x3: {  	_ = 	snop  }
0x4: {  	_ = 	snop  }
0x5: {  	_ = 	snop  }
0x6: {  	_ = 	snop  }
0x7: {  	_ = 	snop  }
__scs_overlays_trampoline_lowered:
0x8: {  	[smem:$0x3FAA] =	sst s0  }
0x9: {  	[smem:$0x3FAB] =	sst s1  }
0xa: {  	[smem:$0x3FAC] =	sst s2  }
0xb: {  	[smem:$0x3FAD] =	sst s3  }
0xc: {  	[smem:$0x3FAE] =	sst s4  }
0xd: {  	[smem:$0x3FAF] =	sst s5  }
0xe: {  	[smem:$0x3FB0] =	sst s6  }
0xf: {  	[smem:$0x3FB1] =	sst s7  }
0x10: {  	[smem:$0x3FB2] =	sst s8  }
0x11: {  	[smem:$0x3FB3] =	sst s9;
	s0 =	simm.s32 @!p0 $0x0  }
0x12: {  	s1 =	sld [smem:$0x3F99];
	s0 =	simm.s32 @p0 $0x1  }
0x13: {  	[smem:$0x3FB4] =	sst s0;
	s0 =	simm.s32 @!p1 $0x0  }
0x14: {  	s2 =	sld [smem:$0x3F98];
	s0 =	simm.s32 @p1 $0x1  }
0x15: {  	[smem:$0x3FB5] =	sst s0;
	s0 =	simm.s32 @!p2 $0x0  }
0x16: {  	s3 =	sld [smem:$0x3FDB];
	s0 =	simm.s32 @p2 $0x1  }
0x17: {  	s4 =	simm.s32 $0x1BF5;
	[smem:$0x3FB7] =	sst s0  }
0x18: {  	s0 =	sld [smem:$0x3F9A];
	_ =	swait.ge [sflag:s4], $0x0  }
0x19: {  	s7 =	sld [smem:$0x3F9B]  }
0x1a: {  	s8 =	sadd.s32 $0xFFFFE003, lr  }
0x1b: {  	s9 =	sadd.s32 $0xFFFFFEF7, lr;
	s5 =	simm.s32 $0xFFFFFFFF;
	p2 =	slt.u32 s8, $0xFFFFF086  }
0x1c: {  	p1 =	slt.u32 s9, $0xF7A;
	s5 =	simm.s32 @!p2 $0x0  }
0x1d: {  	s5 =	simm.s32 @p1 $0x1;
	p0 =	seq.s32 s7, s2  }
0x1e: {  	s7 =	smul.u32 @!p0 $0xF7A, s2;
	p2 =	seq.s32 @!p0 s5, $0x0  }
0x1f: {  	s9 =	smul.u32 $0xF7A, s1;
	s8 =	simm.s32 @!p0 $0x1BF5;
	p2 =	por !p2, p0  }
0x20: {  	[sflag:s8] =	ssyncset.s32 @!p0 $0xFFFFF086;
	s6 =	sadd.s32 @!p0 s3, s7;
	s7 =	simm.s32 @!p0 $0x108  }
0x21: {  	s3 =	sadd.s32 s3, s9;
	s6 =	sadd.s32 @!p0 $0x88, s6;
	s7 =	simm.s32 @p2 $0x1082  }
0x22: {  	[simem:s7], [sflag:s8] =	dma.local @!p0 [hbm:s6], $0xF7A  }
0x23: {  	s9 =	sor.u32 $0xD0000000, s2;
	s6 =	simm.s32 $0x108;
	_ =	swait.ge @!p0 [sflag:s8], $0x0  }
0x24: {  	s3 =	sadd.s32 $0x88, s3;
	s6 =	simm.s32 @!p1 $0x1082;
	[sflag:s4] =	ssyncset.s32 $0xFFFFF086  }
0x25: {  	[simem:s6], [sflag:s4] =	dma.local [hbm:s3], $0xF7A  }
0x26: {  	[smem:$0x3F9B] =	sst s1;
	(tag) =	ssettag s2;
	_ =	strace s9  }
0x27: {  	s1 =	sld [smem:$0x3FAB]  }
0x28: {  	s2 =	sld [smem:$0x3FAC]  }
0x29: {  	s4 =	sld [smem:$0x3FAE]  }
0x2a: {  	p0 =	seq.s32 s5, $0x0;
	s5 =	sld [smem:$0x3FAF]  }
0x2b: {  	s6 =	sld [smem:$0x3FB0]  }
0x2c: {  	s7 =	sld [smem:$0x3FB1]  }
0x2d: {  	s3 =	simm.s32 $0x108;
	s8 =	sld [smem:$0x3FB2]  }
0x2e: {  	s3 =	simm.s32 @!p0 $0x1082;
	s9 =	sld [smem:$0x3FB3]  }
0x2f: {  	lr =	sadd.s32 s0, s3;
	s0 =	sld [smem:$0x3FAA]  }
0x30: {  	s3 =	sld [smem:$0x3FAD]  }
0x31: {  	[smem:$0x3FB6] =	sst s10  }
0x32: {  	s10 =	sld [smem:$0x3FB4];
	_ =	sdelay $0x3  }
0x33: {  	p0 =	seq.s32 s10, $0x1;
	s10 =	sld [smem:$0x3FB6];
	_ =	sdelay $0x3  }
0x34: {  	[smem:$0x3FB6] =	sst s10  }
0x35: {  	s10 =	sld [smem:$0x3FB5];
	_ =	sdelay $0x3  }
0x36: {  	p1 =	seq.s32 s10, $0x1;
	s10 =	sld [smem:$0x3FB6];
	_ =	sdelay $0x3  }
0x37: {  	[smem:$0x3FB6] =	sst s10  }
0x38: {  	s10 =	sld [smem:$0x3FB7]  }
0x39: {  	_ = 	snop;
	(pc) =	sbr.ind lr, $3  }
0x3a: {  	_ = 	snop  }
0x3b: {  	_ = 	snop  }
0x3c: {  	p2 =	seq.s32 s10, $0x1;
	s10 =	sld [smem:$0x3FB6]  }
0x3d: {  	_ =	shalt  }
0x3e: {  	_ =	shalt  }
0x3f: {  	_ =	shalt  }
0x40: {  	_ =	shalt  }
0x41: {  	_ =	shalt  }
0x42: {  	_ =	shalt  }
0x43: {  	_ =	shalt  }
0x44: {  	_ =	shalt  }
0x45: {  	_ =	shalt  }
0x46: {  	_ =	shalt  }
0x47: {  	_ =	shalt  }
0x48: {  	_ =	shalt  }
0x49: {  	_ =	shalt  }
0x4a: {  	_ =	shalt  }
0x4b: {  	_ =	shalt  }
0x4c: {  	_ =	shalt  }
0x4d: {  	_ =	shalt  }
0x4e: {  	_ =	shalt  }
0x4f: {  	_ =	shalt  }
0x50: {  	_ =	shalt  }
0x51: {  	_ =	shalt  }
0x52: {  	_ =	shalt  }
0x53: {  	_ =	shalt  }
0x54: {  	_ =	shalt  }
0x55: {  	_ =	shalt  }
0x56: {  	_ =	shalt  }
0x57: {  	_ =	shalt  }
0x58: {  	_ =	shalt  }
0x59: {  	_ =	shalt  }
0x5a: {  	_ =	shalt  }
0x5b: {  	_ =	shalt  }
0x5c: {  	_ =	shalt  }
0x5d: {  	_ =	shalt  }
0x5e: {  	_ =	shalt  }
0x5f: {  	_ =	shalt  }
0x60: {  	_ =	shalt  }
0x61: {  	_ =	shalt  }
0x62: {  	_ =	shalt  }
0x63: {  	_ =	shalt  }
0x64: {  	_ =	shalt  }
0x65: {  	_ =	shalt  }
0x66: {  	_ =	shalt  }
0x67: {  	_ =	shalt  }
0x68: {  	_ =	shalt  }
0x69: {  	_ =	shalt  }
0x6a: {  	_ =	shalt  }
0x6b: {  	_ =	shalt  }
0x6c: {  	_ =	shalt  }
0x6d: {  	_ =	shalt  }
0x6e: {  	_ =	shalt  }
0x6f: {  	_ =	shalt  }
0x70: {  	_ =	shalt  }
0x71: {  	_ =	shalt  }
0x72: {  	_ =	shalt  }
0x73: {  	_ =	shalt  }
0x74: {  	_ =	shalt  }
0x75: {  	_ =	shalt  }
0x76: {  	_ =	shalt  }
0x77: {  	_ =	shalt  }
0x78: {  	_ =	shalt  }
0x79: {  	_ =	shalt  }
0x7a: {  	_ =	shalt  }
0x7b: {  	_ =	shalt  }
0x7c: {  	_ =	shalt  }
0x7d: {  	_ =	shalt  }
0x7e: {  	_ =	shalt  }
0x7f: {  	_ =	shalt  }
0x80: {  	_ =	shalt  }
0x81: {  	_ =	shalt  }
0x82: {  	_ =	shalt  }
0x83: {  	_ =	shalt  }
0x84: {  	_ =	shalt  }
0x85: {  	_ =	shalt  }
0x86: {  	_ =	shalt  }
0x87: {  	_ =	shalt  }
.Lfunc_end0:
.L_simem_size_0:
called_computation_lowered:
.L_overlay_start_0:
0x88: {  	s2 =	sld [smem:$0x3FD9]  }
0x89: {  	s3 =	sld [smem:$0x3FFE];
	_ =	sdelay $0x1  }
0x8a: {  	s1 =	srdreg.scid  }
0x8b: {  	s0 =	sand.u32 $0x1, s1  }
0x8c: {  	s17 =	sshll.u32 s0, $0xA;
	s2 =	sadd.s32 s3, s2  }
0x8d: {  	s2 =	sadd.s32 s2, s17  }
0x8e: {  	[smem:$0x3FC2] =	sst s2  }
0x8f: {  	_ = 	snop  }
0x90: {  	s2 =	sld [smem:$0x3FD0];
	(tm) =	ssettm $0x1  }
0x91: {  	s18 =	sld [smem:$0x3FFB];
	_ =	sdelay $0x3  }
0x92: {  	_ =	strace s18  }
0x93: {  	s3 =	sld [smem:$0x3FFC];
	_ =	sdelay $0x3  }
0x94: {  	_ =	strace s3  }
0x95: {  	s3 =	sld [smem:$0x3FFD];
	_ =	sdelay $0x3  }
0x96: {  	_ =	strace s3  }
0x97: {  	_ =	strace $0x8FFFFFFF  }
0x98: {  	s19 =	sld [smem:$0x3FDB];
	_ =	sdelay $0x1  }
0x99: {  	s4 =	simm.s32 $_scs_section_size  }
0x9a: {  	s5 =	simm.s32 $_size__tile_overlayer_lowered;
	s6 =	simm.s32 $_tile_overlayer_lowered  }
0x9b: {  	s22 =	simm.s32 $0x1BFF;
	s21 =	sshll.u32 s6, $0x1;
	s3 =	sadd.s32 s4, s19  }
0x9c: {  	s7 =	simm.s32 $0x0;
	s20 =	sshll.u32 s5, $0x1;
	s5 =	sadd.s32 s21, s3  }
0x9d: {  	[timem:s7], [sflag:s22] =	dma.local [hbm:s5], s20  }
0x9e: {  	_ =	swait.ge [sflag:s22], s20  }
0x9f: {  	s4 =	ssub.s32 $0x0, s20;
	[sflag:s22] =	ssyncset.done $0x0  }
0xa0: {  	[sflag:s22] =	ssyncadd.s32 s4;
	_ =	sdelay $0x1  }
0xa1: {  	s23 =	simm.s32 $0x1B8B  }
0xa2: {  	_ =	swait.ge [sflag:s23], $0x1  }
0xa3: {  	[sflag:s23] =	ssyncset.done $0x0  }
0xa4: {  	s25 =	simm.s32 $0x1B8E;
	s24 =	sld [smem:$0x3FFE];
	[sflag:s23] =	ssyncadd.s32 $0xFFFFFFFF  }
0xa5: {  	s26 =	simm.s32 $execute0_lowered;
	[smem:$0x3FD2] =	sst s25  }
0xa6: {  	s5 =	sshll.u32 s26, $0x1;
	_ =	strace $0x80000046;
	[dreg:$0x1] =	wrdreg $0xFFFFFFFF  }
0xa7: {  	s28 =	simm.s32 $_size_execute0_lowered;
	s3 =	sadd.s32 s3, s5;
	[dreg:$0x0] =	wrdreg $0x0  }
0xa8: {  	s5 =	sshll.u32 s28, $0x1;
	[dreg:$0x2] =	wrdreg s3  }
0xa9: {  	[dreg:$0x3] =	wrdreg s5  }
0xaa: {  	[dreg:$0x4] =	wrdreg $0xC0  }
0xab: {  	_ =	task [dreg:s7], $0x5FFFF  }
0xac: {  	[dreg:$0x1] =	wrdreg $0xFFFFFFFF  }
0xad: {  	[dreg:$0x0] =	wrdreg $0x60  }
0xae: {  	[dreg:$0x2] =	wrdreg s24  }
0xaf: {  	[dreg:$0x3] =	wrdreg s2  }
0xb0: {  	[dreg:$0x4] =	wrdreg $0x50000  }
0xb1: {  	[dreg:$0x5] =	wrdreg $0x0  }
0xb2: {  	[dreg:$0x6] =	wrdreg $0x9  }
0xb3: {  	_ =	task.clear_ibuf [dreg:s7], $0x7FFFF;
	_ =	strace $0x90000046  }
0xb4: {  	s29 =	simm.s32 $0x9;
	_ =	strace $0x80000048  }
0xb5: {  	_ =	swait.ge [sflag:s29], $0x1  }
0xb6: {  	[sflag:s29] =	ssyncadd.s32 $0xFFFFFFFF  }
0xb7: {  	_ =	strace $0x90000048  }
0xb8: {  	_ =	sfence  }
0xb9: {  	s30 =	sld [smem:$0x0];
	_ =	sdelay $0x2  }
0xba: {  	s31 =	sshll.u32 s1, $0xD;
	s1 =	sshrl.u32 s1, $0x2  }
0xbb: {  	s3 =	sand.u32 $0x4000, s31;
	s1 =	sadd.s32 s1, s30  }
0xbc: {  	s0 =	sor.u32 s3, s0;
	s1 =	sshll.u32 s1, $0x11  }
0xbd: {  	s0 =	sor.u32 s1, s0  }
0xbe: {  	s0 =	sadd.s32 $0x8F2B, s0  }
0xbf: {  	[sflag:s0] =	ssyncadd.remote.s32 $0x1  }
0xc0: {  	_ =	sfence.sel $0xFFFF  }
0xc1: {  	[dreg:$0x0] =	wrdreg $0xFFFFFFFF;
	(pc) =	sbr.abs _section_cstart, $3  }
0xc2: {  	[dreg:$0x1] =	wrdreg $0xFFFFFFFF  }
0xc3: {  	_ =	task.clear_ibuf [dreg:s7], $0x2FFFF;
	_ =	strace $0x9FFFFFFF  }
0xc4: {  	(tm) =	ssettm $0x7FFFFFFF  }
0xc5: {  	_ =	shalt  }
tec
execute0_lowered:
.L_overlay_start_1:
0x0: {  	(tag) =	ssettag $0x1  }
0x1: {  	s0 =	rddreg [dreg:$0x0]  }
0x2: {  	s1 =	rddreg [dreg:$0x1];
	s12 =	stileid.u32  }
0x3: {  	s19 =	simm.s32 $0x0;
	s3 =	srdreg.scid;
	s29 =	rddreg [dreg:$0x3]  }
0x4: {  	[smem:$0x7FF] =	sst s19;
	s2 =	smul.u32 $0xA00, s12;
	s4 =	sadd.s32 $0xA00, s0  }
0x5: {  	s3 =	sand.u32 $0x1, s3;
	s5 =	smul.u32 $0x280, s12;
	s7 =	sadd.s32 $0x5AA00, s0  }
0x6: {  	s9 =	sadd.s32 $0x1EA00, s0;
	s10 =	sadd.s32 $0x32A00, s0;
	s8 =	smul.u32 $0x2800, s3  }
0x7: {  	s3 =	ssub.s32 $0x2, s3;
	s6 =	sadd.s32 s2, s0;
	s0 =	sadd.s32 $0x46A00, s0  }
0x8: {  	s11 =	sshrl.u32 s3, $0x1;
	s1 =	sadd.s32 s1, s2;
	s5 =	sadd.s32 s5, s8  }
0x9: {  	s8 =	ssub.s32 s3, s11;
	[dreg:$0x5] =	wrdreg s1;
	s1 =	sshll.u32 s5, $0x2  }
0xa: {  	s22 =	sadd.s32 s4, s1;
	s20 =	sadd.s32 s9, s1;
	s2 =	sadd.s32 $0x200, s1  }
0xb: {  	s23 =	sadd.s32 s0, s1;
	s3 =	sadd.s32 $0x400, s1;
	[dreg:$0x6] =	wrdreg s22  }
0xc: {  	s5 =	sadd.s32 $0x600, s1;
	s18 =	sadd.s32 s10, s1;
	[dreg:$0x8] =	wrdreg s23  }
0xd: {  	s15 =	sadd.s32 $0x800, s1;
	s1 =	sadd.s32 s7, s1;
	[dreg:$0x15] =	wrdreg s18  }
0xe: {  	s24 =	sadd.s32 s4, s2;
	[dreg:$0x1a] =	wrdreg s1  }
0xf: {  	s25 =	sadd.s32 s0, s2;
	[dreg:$0x9] =	wrdreg s24  }
0x10: {  	s26 =	sadd.s32 s4, s3;
	[dreg:$0xb] =	wrdreg s25  }
0x11: {  	s11 =	sadd.s32 s0, s3;
	[dreg:$0xc] =	wrdreg s26  }
0x12: {  	s13 =	sadd.s32 s4, s5;
	[dreg:$0xe] =	wrdreg s11  }
0x13: {  	s14 =	sadd.s32 s9, s5;
	[dreg:$0xf] =	wrdreg s13  }
0x14: {  	s4 =	sadd.s32 s4, s15;
	[dreg:$0x10] =	wrdreg s14  }
0x15: {  	s16 =	sadd.s32 s9, s15;
	[dreg:$0x11] =	wrdreg s4  }
0x16: {  	s17 =	sadd.s32 s0, s5;
	[dreg:$0x12] =	wrdreg s16  }
0x17: {  	s0 =	sadd.s32 s0, s15;
	[dreg:$0x13] =	wrdreg s17  }
0x18: {  	s21 =	sadd.s32 s9, s2;
	s23 =	sadd.s32 s10, s2;
	[dreg:$0x14] =	wrdreg s0  }
0x19: {  	s22 =	sadd.s32 s9, s3;
	s9 =	sadd.s32 s7, s3;
	[dreg:$0x16] =	wrdreg s23  }
0x1a: {  	s24 =	sadd.s32 s10, s3;
	[dreg:$0x1c] =	wrdreg s9  }
0x1b: {  	s30 =	simm.s32 $0x1C000;
	s25 =	sadd.s32 s10, s5;
	[dreg:$0x17] =	wrdreg s24  }
0x1c: {  	s31 =	simm.s32 $0x15000;
	s26 =	sadd.s32 s10, s15;
	[dreg:$0x18] =	wrdreg s25  }
0x1d: {  	s4 =	sadd.s32 s7, s2;
	s10 =	smul.u32 $0x5000, s12;
	[dreg:$0x19] =	wrdreg s26  }
0x1e: {  	s12 =	sadd.s32 s7, s5;
	s13 =	sadd.s32 s7, s15;
	[dreg:$0x1b] =	wrdreg s4  }
0x1f: {  	s14 =	sadd.s32 $0x14A00, s6;
	s5 =	simm.s32 $0x5;
	s26 =	rddreg [dreg:$0x2]  }
0x20: {  	s11 =	simm.s32 $0x100;
	s7 =	simm.s32 $0x17000;
	[dreg:$0x1d] =	wrdreg s12  }
0x21: {  	s6 =	simm.s32 $0x0;
	[dreg:$0x1e] =	wrdreg s13;
	s25 =	smax.u32 s8, $0x1  }
0x22: {  	s8 =	simm.s32 $0x6;
	_ =	strace $0x80000047;
	[dreg:$0x1f] =	wrdreg s14  }
0x23: {  	s4 =	simm.s32 $0x1D000;
	s13 =	simm.s32 $0x1A000;
	[smem:$0x7FD] =	sst s25  }
0x24: {  	s0 =	sadd.s32 s10, s26;
	s15 =	sadd.s32 $0x1000, s10;
	[dreg:$0x7] =	wrdreg s20  }
0x25: {  	s16 =	sadd.s32 $0x2000, s10;
	s17 =	sadd.s32 $0x3000, s10;
	[dreg:$0xa] =	wrdreg s21  }
0x26: {  	s18 =	sadd.s32 $0x4000, s10;
	s1 =	sadd.s32 s10, s29;
	[dreg:$0xd] =	wrdreg s22  }
0x27: {  	s25 =	simm.s32 $0x14000;
	s10 =	simm.s32 $0x1;
	[smem:$0x7FA] =	sst s1  }
0x28: {  	s3 =	sadd.s32 s15, s26;
	s23 =	sadd.s32 s15, s29;
	s9 =	sadd.s32 s16, s26  }
0x29: {  	s24 =	sadd.s32 s16, s29;
	s14 =	sadd.s32 s17, s26;
	s28 =	sadd.s32 s18, s29  }
0x2a: {  	s1 =	simm.s32 $0x7;
	s16 =	simm.s32 $0x18000;
	[smem:$0x7FB] =	sst s23  }
0x2b: {  	s15 =	simm.s32 $0x2;
	[smem:$0x7FC] =	sst s24;
	s23 =	sadd.s32 s17, s29  }
0x2c: {  	v0 =	vimm.f32 $0.0e+00;
	v1 =	vimm.f32 $1.000000000e+00;
	s24 =	sadd.s32 s18, s26;
	s17 =	simm.s32 $0x3;
	s18 =	simm.s32 $0x4  }
.LBB2_1:
0x2d: {  	[smem:$0x7F9] =	sst s6  }
0x2e: {  	s2 =	rddreg [dreg:$0x5];
	s20 =	simm.s32 $0xA000  }
0x2f: {  	[tilespmem:s20], [sflag:$0x5] =	stream.linear.gather [hbm4b:s2+s19], $0x5000, $0x38;
	[tilespmem:$0x1E000] =	vst v63  }
0x30: {  	s21 =	rddreg [dreg:$0x1f];
	s22 =	simm.s32 $0xF000;
	s2 =	simm.s32 $0x0  }
0x31: {  	[tilespmem:s22], [sflag:$0x6] =	stream.linear.gather [hbm4b:s21+s19], $0x5000, $0x38;
	[tilespmem:$0x1E000] =	vst v63  }
.LBB2_2:
0x32: {  	p0 =	sne.s32 s2, $0x3F80  }
.Ltmp0:
0x33: {  	_ = 	snop;
	(pc) =	sbr.rel @p0 .LBB2_2-.Ltmp0, $4  }
0x34: {  	_ = 	snop  }
0x35: {  	s6 =	sshra.s32 s2, $0x2  }
0x36: {  	[tilespmem:s6+$0x1C000] =	vst v0  }
0x37: {  	s2 =	sadd.s32 $0x80, s2;
	[tilespmem:s6+$0x1C010] =	vst v0  }
0x38: {  	s2 =	simm.s32 $0x80;
	s6 =	simm.s32 $0x0  }
.LBB2_4:
0x39: {  	p0 =	sne.s32 s2, $0x7F80;
	[tilespmem:s6+$0x18000] =	vst v1;
	s12 =	smov.u32 s2;
	s2 =	sadd.s32 $0x80, s2  }
.Ltmp1:
0x3a: {  	[tilespmem:s6+$0x18010] =	vst v1;
	(pc) =	sbr.rel @p0 .LBB2_4-.Ltmp1, $2  }
0x3b: {  	_ =	sdelay $0x2  }
0x3c: {  	s6 =	sshra.s32 s12, $0x2  }
0x3d: {  	[tilespmem:s6+$0x18000] =	vst v1  }
0x3e: {  	[tilespmem:s6+$0x18010] =	vst v1  }
0x3f: {  	[spmem:s0] =	stream.linear.scatter [tilespmem:s30], [sflag:$0x7], $0x1000, $0x38;
	[tilespmem:$0x1E000] =	vst v63  }
0x40: {  	_ =	swait.ge [sflag:s1], $0x1000  }
0x41: {  	[sflag:s1] =	ssyncset.done $0x0  }
0x42: {  	[sflag:s1] =	ssyncadd.s32 $0xFFFFF000  }
0x43: {  	[spmem:s3] =	stream.linear.scatter [tilespmem:s30], [sflag:$0x7], $0x1000, $0x38;
	[tilespmem:$0x1E000] =	vst v63  }
0x44: {  	_ =	swait.ge [sflag:s1], $0x1000  }
0x45: {  	[sflag:s1] =	ssyncset.done $0x0  }
0x46: {  	[sflag:s1] =	ssyncadd.s32 $0xFFFFF000  }
0x47: {  	[spmem:s9] =	stream.linear.scatter [tilespmem:s30], [sflag:$0x7], $0x1000, $0x38;
	[tilespmem:$0x1E000] =	vst v63  }
0x48: {  	_ =	swait.ge [sflag:s1], $0x1000  }
0x49: {  	[sflag:s1] =	ssyncset.done $0x0  }
0x4a: {  	[sflag:s1] =	ssyncadd.s32 $0xFFFFF000  }
0x4b: {  	[spmem:s14] =	stream.linear.scatter [tilespmem:s30], [sflag:$0x7], $0x1000, $0x38;
	[tilespmem:$0x1E000] =	vst v63  }
0x4c: {  	_ =	swait.ge [sflag:s1], $0x1000  }
0x4d: {  	[sflag:s1] =	ssyncset.done $0x0  }
0x4e: {  	[sflag:s1] =	ssyncadd.s32 $0xFFFFF000  }
0x4f: {  	[spmem:s24] =	stream.linear.scatter [tilespmem:s30], [sflag:$0x7], $0x1000, $0x38;
	[tilespmem:$0x1E000] =	vst v63  }
0x50: {  	_ =	swait.ge [sflag:s1], $0x1000  }
0x51: {  	[sflag:s1] =	ssyncset.done $0x0  }
0x52: {  	[sflag:s1] =	ssyncadd.s32 $0xFFFFF000  }
0x53: {  	_ =	swait.ge [sflag:s5], $0x5000  }
0x54: {  	[sflag:s5] =	ssyncset.done $0x0  }
0x55: {  	[sflag:s5] =	ssyncadd.s32 $0xFFFFB000  }
0x56: {  	_ =	swait.ge [sflag:s8], $0x5000  }
0x57: {  	[sflag:s8] =	ssyncset.done $0x0  }
0x58: {  	[sflag:s8] =	ssyncadd.s32 $0xFFFFB000  }
0x59: {  	s2 =	simm.s32 $0x0;
	[bflag:$0x0] =	sbarrier.arrive $0xFFFF  }
.LBB2_6:
0x5a: {  	p0 =	sne.s32 s2, $0x13C00  }
.Ltmp2:
0x5b: {  	_ = 	snop;
	(pc) =	sbr.rel @p0 .LBB2_6-.Ltmp2, $4  }
0x5c: {  	_ = 	snop  }
0x5d: {  	s6 =	sshra.s32 s2, $0x2  }
0x5e: {  	s2 =	sadd.s32 $0x400, s2;
	s6 =	sadd.s32 $0xF000, s6  }
0x5f: {  	[spmem:s26] =	stream.indirect.scatter.add.f32 [tilespmem:s16], [sflag:$0x3], $0x20, s6, s11, $0xb8;
	[tilespmem:$0x1E000] =	vst v63  }
0x60: {  	_ =	swait.ge [sflag:s17], $0x2000  }
0x61: {  	s2 =	simm.s32 $0x4F;
	[sflag:s17] =	ssyncset.done $0x0  }
.LBB2_8:
0x62: {  	p0 =	sne.s32 s2, $0x1;
	s2 =	sadd.s32 $0xFFFFFFFF, s2;
	[sflag:s17] =	ssyncadd.s32 $0xFFFFE000  }
.Ltmp3:
0x63: {  	(pc) =	sbr.rel @p0 .LBB2_8-.Ltmp3, $3  }
0x64: {  	_ =	sdelay $0x1  }
0x65: {  	_ =	swait.ge [sflag:s17], $0x2000  }
0x66: {  	[sflag:s17] =	ssyncset.done $0x0  }
0x67: {  	[sflag:s17] =	ssyncadd.s32 $0xFFFFE000  }
0x68: {  	[bflag:$0x0] =	sbarrier.arrive $0xFFFF  }
0x69: {  	[tilespmem:s30], [sflag:$0x7] =	stream.linear.gather [spmem:s0], $0x1000, $0x38;
	[tilespmem:$0x1E000] =	vst v63  }
0x6a: {  	_ =	swait.ge [sflag:s1], $0x1000  }
0x6b: {  	[sflag:s1] =	ssyncset.done $0x0  }
0x6c: {  	s2 =	simm.s32 $0x0;
	s6 =	rddreg [dreg:$0x6];
	[sflag:s1] =	ssyncadd.s32 $0xFFFFF000  }
0x6d: {  	[tilespmem:s31], [sflag:$0x7] =	stream.linear.gather [hbm4b:s6+s2], $0x1000, $0x38;
	[tilespmem:$0x1E000] =	vst v63  }
0x6e: {  	_ =	swait.ge [sflag:s1], $0x1000  }
0x6f: {  	[sflag:s1] =	ssyncset.done $0x0  }
0x70: {  	s6 =	simm.s32 $0x0;
	[sflag:s1] =	ssyncadd.s32 $0xFFFFF000  }
0x71: {  	v2 =	vld [tilespmem:s6+$0x1C000];
	_ =	sdelay $0x4  }
0x72: {  	v2 =	vadd.f32 $1.000000000e+00, v2;
	_ =	sdelay $0x1  }
0x73: {  	v3 =	vmul.f32 $5.000000000e-01, v2;
	v2 =	vshra.s32 v2, $0x1  }
0x74: {  	s22 =	simm.s32 $0x20;
	v2 =	vsub.s32 $0x5F3759DF, v2  }
0x75: {  	v5 =	vld [tilespmem:s22+$0x1C000];
	v4 =	vmul.f32 v2, v3;
	_ =	sdelay $0x1  }
0x76: {  	v4 =	vmul.f32 v2, v4;
	_ =	sdelay $0x1  }
0x77: {  	v4 =	vsub.f32 $1.500000000e+00, v4  }
0x78: {  	v5 =	vadd.f32 $1.000000000e+00, v5  }
0x79: {  	v2 =	vmul.f32 v2, v4  }
0x7a: {  	v4 =	vmul.f32 $5.000000000e-01, v5;
	v5 =	vshra.s32 v5, $0x1  }
0x7b: {  	s21 =	simm.s32 $0x40;
	v5 =	vsub.s32 $0x5F3759DF, v5;
	v6 =	vmul.f32 v2, v3  }
0x7c: {  	v7 =	vld [tilespmem:s21+$0x1C000];
	v8 =	vmul.f32 v5, v4  }
0x7d: {  	v6 =	vmul.f32 v6, v2  }
0x7e: {  	v8 =	vmul.f32 v5, v8  }
0x7f: {  	v6 =	vsub.f32 $1.500000000e+00, v6  }
0x80: {  	v8 =	vsub.f32 $1.500000000e+00, v8  }
0x81: {  	v2 =	vmul.f32 v6, v2;
	v6 =	vadd.f32 $1.000000000e+00, v7  }
0x82: {  	s20 =	simm.s32 $0x60;
	v5 =	vmul.f32 v5, v8  }
0x83: {  	v7 =	vld [tilespmem:s20+$0x1C000];
	v3 =	vmul.f32 v2, v3;
	v13 =	vmul.f32 $5.000000000e-01, v6;
	v6 =	vshra.s32 v6, $0x1  }
0x84: {  	v8 =	vmul.f32 v5, v4;
	v6 =	vsub.s32 $0x5F3759DF, v6  }
0x85: {  	v3 =	vmul.f32 v3, v2;
	v9 =	vmul.f32 v6, v13  }
0x86: {  	v10 =	vld [tilespmem:s6+$0x15000];
	v8 =	vmul.f32 v8, v5  }
0x87: {  	v11 =	vsub.f32 $1.500000000e+00, v3;
	v3 =	vld [tilespmem:s6+$0x15010];
	v9 =	vmul.f32 v6, v9  }
0x88: {  	v7 =	vadd.f32 $1.000000000e+00, v7;
	v8 =	vsub.f32 $1.500000000e+00, v8  }
0x89: {  	v12 =	vmul.f32 v11, v2;
	v9 =	vsub.f32 $1.500000000e+00, v9  }
0x8a: {  	s19 =	simm.s32 $0x80;
	v2 =	vmul.f32 $5.000000000e-01, v7;
	v8 =	vmul.f32 v8, v5  }
0x8b: {  	v14 =	vld [tilespmem:s19+$0x1C000];
	v5 =	vmul.f32 v12, v10;
	v9 =	vmul.f32 v6, v9  }
0x8c: {  	v6 =	vshra.s32 v7, $0x1;
	v4 =	vmul.f32 v8, v4;
	v7 =	vmul.f32 v12, v3  }
0x8d: {  	v11 =	vmul.f32 $1.000000010e-01, v12;
	v15 =	vsub.s32 $0x5F3759DF, v6;
	[tilespmem:s6+$0x15000] =	vst v5;
	v5 =	vmul.f32 v9, v13  }
0x8e: {  	v16 =	vmul.f32 v15, v2;
	v4 =	vmul.f32 v4, v8;
	[tilespmem:s6+$0x15010] =	vst v7  }
0x8f: {  	v7 =	vmul.f32 $8.999999760e-01, v12;
	v6 =	vld [tilespmem:s22+$0x15000];
	v17 =	vmul.f32 v5, v9  }
0x90: {  	v14 =	vadd.f32 $1.000000000e+00, v14;
	v5 =	vld [tilespmem:s22+$0x15010];
	v16 =	vmul.f32 v15, v16;
	v4 =	vsub.f32 $1.500000000e+00, v4  }
0x91: {  	v10 =	vmul.f32 v11, v10;
	v18 =	vmul.f32 v7, v12;
	[tilespmem:s6+$0x1D000] =	vst v7;
	v12 =	vsub.f32 $1.500000000e+00, v17  }
0x92: {  	[tilespmem:s6+$0x1D010] =	vst v7;
	v7 =	vsub.f32 $1.500000000e+00, v16;
	v8 =	vmul.f32 v4, v8  }
0x93: {  	[tilespmem:s6+$0x17000] =	vst v10;
	v4 =	vmul.f32 $5.000000000e-01, v14;
	v9 =	vmul.f32 v12, v9  }
0x94: {  	s2 =	simm.s32 $0xA0;
	[tilespmem:s6+$0x14000] =	vst v18;
	v7 =	vmul.f32 v15, v7;
	v12 =	vmul.f32 v8, v6  }
0x95: {  	s12 =	simm.s32 $0x300;
	v10 =	vld [tilespmem:s2+$0x1C000];
	v15 =	vshra.s32 v14, $0x1;
	[tilespmem:s6+$0x14010] =	vst v18;
	v14 =	vmul.f32 v8, v5;
	v13 =	vmul.f32 v9, v13  }
.LBB2_10:
0x96: {  	p0 =	sne.s32 s12, $0x3F80;
	v15 =	vsub.s32 $0x5F3759DF, v15;
	v16 =	vmul.f32 v7, v2;
	[tilespmem:s22+$0x15000] =	vst v12;
	v11 =	vmul.f32 v11, v3;
	v3 =	vmovc v5  }
0x97: {  	v17 =	vmov v4;
	v5 =	vmul.f32 v15, v4;
	v12 =	vmul.f32 v13, v9;
	[tilespmem:s22+$0x15010] =	vst v14  }
0x98: {  	v14 =	vmul.f32 $8.999999760e-01, v8;
	v4 =	vmul.f32 v16, v7;
	v13 =	vld [tilespmem:s21+$0x15000];
	[tilespmem:s6+$0x17010] =	vst v11;
	s6 =	smov.u32 s22;
	s22 =	smov.u32 s21;
	s21 =	smov.u32 s20  }
0x99: {  	v11 =	vmul.f32 $1.000000010e-01, v8;
	s20 =	smov.u32 s19;
	s19 =	smov.u32 s2;
	v16 =	vmul.f32 v15, v5;
	v12 =	vsub.f32 $1.500000000e+00, v12;
	v5 =	vld [tilespmem:s22+$0x15010]  }
.Ltmp4:
0x9a: {  	v19 =	vmul.f32 v14, v8;
	v18 =	vadd.f32 $1.000000000e+00, v10;
	v10 =	vsub.f32 $1.500000000e+00, v4;
	[tilespmem:s6+$0x1D000] =	vst v14;
	(pc) =	sbr.rel @p0 .LBB2_10-.Ltmp4, $4  }
0x9b: {  	v20 =	vmul.f32 v11, v6;
	v16 =	vsub.f32 $1.500000000e+00, v16;
	v8 =	vmul.f32 v12, v9;
	[tilespmem:s6+$0x1D010] =	vst v14  }
0x9c: {  	v4 =	vmul.f32 $5.000000000e-01, v18;
	v9 =	vmul.f32 v10, v7;
	[tilespmem:s6+$0x14000] =	vst v19  }
0x9d: {  	s2 =	sshra.s32 s12, $0x2;
	v7 =	vmul.f32 v15, v16;
	v12 =	vmul.f32 v8, v13;
	[tilespmem:s6+$0x17000] =	vst v20;
	v6 =	vmov v13  }
0x9e: {  	s12 =	sadd.s32 $0x80, s12;
	v15 =	vshra.s32 v18, $0x1;
	v10 =	vld [tilespmem:s2+$0x1C000];
	v13 =	vmul.f32 v9, v2;
	v14 =	vmul.f32 v8, v5;
	[tilespmem:s6+$0x14010] =	vst v19;
	v2 =	vmovc v17  }
0x9f: {  	v3 =	vmul.f32 v11, v3  }
0xa0: {  	[tilespmem:s22+$0x15000] =	vst v12;
	v11 =	vsub.s32 $0x5F3759DF, v15;
	v12 =	vmul.f32 v7, v2;
	v16 =	vmul.f32 $8.999999760e-01, v8  }
0xa1: {  	[tilespmem:s22+$0x15010] =	vst v14;
	v13 =	vmul.f32 v13, v9;
	v15 =	vmul.f32 v11, v4  }
0xa2: {  	v17 =	vmul.f32 $1.000000010e-01, v8;
	v14 =	vld [tilespmem:s21+$0x15000];
	[tilespmem:s6+$0x17010] =	vst v3;
	v3 =	vmul.f32 v12, v7  }
0xa3: {  	v8 =	vmul.f32 v16, v8;
	v12 =	vsub.f32 $1.500000000e+00, v13;
	v13 =	vld [tilespmem:s21+$0x15010];
	v15 =	vmul.f32 v11, v15  }
0xa4: {  	v6 =	vmul.f32 v17, v6;
	[tilespmem:s22+$0x1D000] =	vst v16;
	v3 =	vsub.f32 $1.500000000e+00, v3  }
0xa5: {  	[tilespmem:s22+$0x14000] =	vst v8;
	v9 =	vmul.f32 v12, v9;
	v12 =	vsub.f32 $1.500000000e+00, v15  }
0xa6: {  	[tilespmem:s22+$0x17000] =	vst v6;
	v3 =	vmul.f32 v3, v7  }
0xa7: {  	v6 =	vadd.f32 $1.000000000e+00, v10;
	[tilespmem:s22+$0x14010] =	vst v8;
	v7 =	vmul.f32 v9, v14;
	v8 =	vmul.f32 v11, v12  }
0xa8: {  	[tilespmem:s22+$0x1D010] =	vst v16;
	v10 =	vmul.f32 v9, v13;
	v2 =	vmul.f32 v3, v2  }
0xa9: {  	v5 =	vmul.f32 v17, v5;
	[tilespmem:s21+$0x15000] =	vst v7;
	v7 =	vmul.f32 $5.000000000e-01, v6;
	v6 =	vshra.s32 v6, $0x1  }
0xaa: {  	[tilespmem:s21+$0x15010] =	vst v10;
	v6 =	vsub.s32 $0x5F3759DF, v6;
	v10 =	vmul.f32 v8, v4;
	v2 =	vmul.f32 v2, v3  }
0xab: {  	v15 =	vmul.f32 $8.999999760e-01, v9;
	v11 =	vld [tilespmem:s20+$0x15000];
	v12 =	vmul.f32 v6, v7;
	[tilespmem:s22+$0x17010] =	vst v5  }
0xac: {  	v16 =	vmul.f32 $1.000000010e-01, v9;
	v5 =	vmul.f32 v10, v8;
	v2 =	vsub.f32 $1.500000000e+00, v2;
	v10 =	vld [tilespmem:s20+$0x15010]  }
0xad: {  	v9 =	vmul.f32 v15, v9;
	[tilespmem:s21+$0x1D000] =	vst v15;
	v12 =	vmul.f32 v6, v12  }
0xae: {  	[tilespmem:s21+$0x1D010] =	vst v15;
	v5 =	vsub.f32 $1.500000000e+00, v5;
	v2 =	vmul.f32 v2, v3  }
0xaf: {  	[tilespmem:s21+$0x14000] =	vst v9;
	v3 =	vmul.f32 v16, v14;
	v12 =	vsub.f32 $1.500000000e+00, v12  }
0xb0: {  	[tilespmem:s21+$0x14010] =	vst v9;
	v5 =	vmul.f32 v5, v8;
	v8 =	vmul.f32 v2, v11  }
0xb1: {  	[tilespmem:s21+$0x17000] =	vst v3;
	v3 =	vmul.f32 v2, v10;
	v6 =	vmul.f32 v6, v12  }
0xb2: {  	v4 =	vmul.f32 v5, v4;
	[tilespmem:s20+$0x15000] =	vst v8  }
0xb3: {  	v8 =	vmul.f32 v16, v13;
	[tilespmem:s20+$0x15010] =	vst v3;
	v3 =	vmul.f32 v6, v7  }
0xb4: {  	v4 =	vmul.f32 v4, v5  }
0xb5: {  	v12 =	vmul.f32 $8.999999760e-01, v2;
	v9 =	vld [tilespmem:s19+$0x15000];
	[tilespmem:s21+$0x17010] =	vst v8;
	v3 =	vmul.f32 v3, v6  }
0xb6: {  	v8 =	vld [tilespmem:s19+$0x15010];
	v4 =	vsub.f32 $1.500000000e+00, v4  }
0xb7: {  	v13 =	vmul.f32 $1.000000010e-01, v2;
	v2 =	vmul.f32 v12, v2;
	[tilespmem:s20+$0x1D000] =	vst v12;
	v3 =	vsub.f32 $1.500000000e+00, v3  }
0xb8: {  	[tilespmem:s20+$0x1D010] =	vst v12;
	v4 =	vmul.f32 v4, v5  }
0xb9: {  	[tilespmem:s20+$0x14000] =	vst v2;
	v5 =	vmul.f32 v13, v11;
	v3 =	vmul.f32 v3, v6  }
0xba: {  	[tilespmem:s20+$0x14010] =	vst v2;
	v6 =	vmul.f32 v4, v9  }
0xbb: {  	[tilespmem:s20+$0x17000] =	vst v5;
	v5 =	vmul.f32 v4, v8;
	v2 =	vmul.f32 v3, v7  }
0xbc: {  	[tilespmem:s19+$0x15000] =	vst v6;
	v6 =	vmul.f32 v13, v10  }
0xbd: {  	[tilespmem:s19+$0x15010] =	vst v5;
	v2 =	vmul.f32 v2, v3  }
0xbe: {  	v7 =	vmul.f32 $8.999999760e-01, v4;
	v5 =	vld [tilespmem:s2+$0x15000];
	[tilespmem:s20+$0x17010] =	vst v6  }
0xbf: {  	v2 =	vsub.f32 $1.500000000e+00, v2;
	v6 =	vld [tilespmem:s2+$0x15010]  }
0xc0: {  	v10 =	vmul.f32 $1.000000010e-01, v4;
	v4 =	vmul.f32 v7, v4;
	[tilespmem:s19+$0x1D000] =	vst v7  }
0xc1: {  	[tilespmem:s19+$0x1D010] =	vst v7;
	v2 =	vmul.f32 v2, v3  }
0xc2: {  	[tilespmem:s19+$0x14000] =	vst v4;
	v3 =	vmul.f32 v10, v9  }
0xc3: {  	[tilespmem:s19+$0x14010] =	vst v4;
	v7 =	vmul.f32 v2, v5  }
0xc4: {  	[tilespmem:s19+$0x17000] =	vst v3;
	v3 =	vmul.f32 v2, v6  }
0xc5: {  	v4 =	vmul.f32 v10, v8;
	[tilespmem:s2+$0x15000] =	vst v7  }
0xc6: {  	[tilespmem:s2+$0x15010] =	vst v3;
	v3 =	vmul.f32 $8.999999760e-01, v2  }
0xc7: {  	[tilespmem:s19+$0x17010] =	vst v4  }
0xc8: {  	v4 =	vmul.f32 $1.000000010e-01, v2;
	v2 =	vmul.f32 v3, v2;
	[tilespmem:s2+$0x1D000] =	vst v3  }
0xc9: {  	[tilespmem:s2+$0x1D010] =	vst v3  }
0xca: {  	v5 =	vmul.f32 v4, v5;
	[tilespmem:s2+$0x14000] =	vst v2  }
0xcb: {  	v3 =	vmul.f32 v4, v6;
	[tilespmem:s2+$0x14010] =	vst v2  }
0xcc: {  	[tilespmem:s2+$0x17000] =	vst v5  }
0xcd: {  	s12 =	rddreg [dreg:$0x7];
	[tilespmem:s2+$0x17010] =	vst v3;
	s2 =	simm.s32 $0x0  }
0xce: {  	[hbm4b:s12+s2] =	stream.linear.scatter [tilespmem:s25], [sflag:$0x7], $0x1000, $0x38;
	[tilespmem:$0x1E000] =	vst v63  }
0xcf: {  	_ =	swait.ge [sflag:s1], $0x1000  }
0xd0: {  	[sflag:s1] =	ssyncset.done $0x0  }
0xd1: {  	s19 =	rddreg [dreg:$0x8];
	[sflag:s1] =	ssyncadd.s32 $0xFFFFF000  }
0xd2: {  	[hbm4b:s19+s2] =	stream.linear.scatter [tilespmem:s4], [sflag:$0x7], $0x1000, $0x38;
	[tilespmem:$0x1E000] =	vst v63  }
0xd3: {  	_ =	swait.ge [sflag:s1], $0x1000  }
0xd4: {  	[sflag:s1] =	ssyncset.done $0x0  }
0xd5: {  	s20 =	rddreg [dreg:$0x15];
	[sflag:s1] =	ssyncadd.s32 $0xFFFFF000  }
0xd6: {  	[hbm4b:s20+s2] =	stream.linear.scatter [tilespmem:s7], [sflag:$0x7], $0x1000, $0x38;
	[tilespmem:$0x1E000] =	vst v63  }
0xd7: {  	_ =	swait.ge [sflag:s1], $0x1000  }
0xd8: {  	s21 =	sld [smem:$0x7FA]  }
0xd9: {  	[sflag:s1] =	ssyncset.done $0x0  }
0xda: {  	[sflag:s1] =	ssyncadd.s32 $0xFFFFF000  }
0xdb: {  	[spmem:s21] =	stream.linear.scatter [tilespmem:s31], [sflag:$0x7], $0x1000, $0x38;
	[tilespmem:$0x1E000] =	vst v63  }
0xdc: {  	_ =	swait.ge [sflag:s1], $0x1000  }
0xdd: {  	[sflag:s1] =	ssyncset.done $0x0  }
0xde: {  	[sflag:s1] =	ssyncadd.s32 $0xFFFFF000  }
0xdf: {  	[spmem:s0] =	stream.linear.scatter [tilespmem:s31], [sflag:$0x7], $0x1000, $0x38;
	[tilespmem:$0x1E000] =	vst v63  }
0xe0: {  	_ =	swait.ge [sflag:s1], $0x1000  }
0xe1: {  	[sflag:s1] =	ssyncset.done $0x0  }
0xe2: {  	[sflag:s1] =	ssyncadd.s32 $0xFFFFF000  }
0xe3: {  	[tilespmem:s30], [sflag:$0x7] =	stream.linear.gather [spmem:s3], $0x1000, $0x38;
	[tilespmem:$0x1E000] =	vst v63  }
0xe4: {  	_ =	swait.ge [sflag:s1], $0x1000  }
0xe5: {  	[sflag:s1] =	ssyncset.done $0x0  }
0xe6: {  	s22 =	rddreg [dreg:$0x9];
	[sflag:s1] =	ssyncadd.s32 $0xFFFFF000  }
0xe7: {  	[tilespmem:s31], [sflag:$0x7] =	stream.linear.gather [hbm4b:s22+s2], $0x1000, $0x38;
	[tilespmem:$0x1E000] =	vst v63  }
0xe8: {  	_ =	swait.ge [sflag:s1], $0x1000  }
0xe9: {  	[sflag:s1] =	ssyncset.done $0x0  }
0xea: {  	s6 =	simm.s32 $0x0;
	[sflag:s1] =	ssyncadd.s32 $0xFFFFF000  }
0xeb: {  	v2 =	vld [tilespmem:s6+$0x1C000];
	_ =	sdelay $0x4  }
0xec: {  	v2 =	vadd.f32 $1.000000000e+00, v2;
	_ =	sdelay $0x1  }
0xed: {  	v3 =	vmul.f32 $5.000000000e-01, v2;
	v2 =	vshra.s32 v2, $0x1  }
0xee: {  	s22 =	simm.s32 $0x20;
	v2 =	vsub.s32 $0x5F3759DF, v2  }
0xef: {  	v5 =	vld [tilespmem:s22+$0x1C000];
	v4 =	vmul.f32 v2, v3;
	_ =	sdelay $0x1  }
0xf0: {  	v4 =	vmul.f32 v2, v4;
	_ =	sdelay $0x1  }
0xf1: {  	v4 =	vsub.f32 $1.500000000e+00, v4  }
0xf2: {  	v5 =	vadd.f32 $1.000000000e+00, v5  }
0xf3: {  	v2 =	vmul.f32 v2, v4  }
0xf4: {  	v4 =	vmul.f32 $5.000000000e-01, v5;
	v5 =	vshra.s32 v5, $0x1  }
0xf5: {  	s21 =	simm.s32 $0x40;
	v5 =	vsub.s32 $0x5F3759DF, v5;
	v6 =	vmul.f32 v2, v3  }
0xf6: {  	v7 =	vld [tilespmem:s21+$0x1C000];
	v8 =	vmul.f32 v5, v4  }
0xf7: {  	v6 =	vmul.f32 v6, v2  }
0xf8: {  	v8 =	vmul.f32 v5, v8  }
0xf9: {  	v6 =	vsub.f32 $1.500000000e+00, v6  }
0xfa: {  	v8 =	vsub.f32 $1.500000000e+00, v8  }
0xfb: {  	v2 =	vmul.f32 v6, v2;
	v6 =	vadd.f32 $1.000000000e+00, v7  }
0xfc: {  	s20 =	simm.s32 $0x60;
	v5 =	vmul.f32 v5, v8  }
0xfd: {  	v7 =	vld [tilespmem:s20+$0x1C000];
	v3 =	vmul.f32 v2, v3;
	v13 =	vmul.f32 $5.000000000e-01, v6;
	v6 =	vshra.s32 v6, $0x1  }
0xfe: {  	v8 =	vmul.f32 v5, v4;
	v6 =	vsub.s32 $0x5F3759DF, v6  }
0xff: {  	v3 =	vmul.f32 v3, v2;
	v9 =	vmul.f32 v6, v13  }
0x100: {  	v10 =	vld [tilespmem:s6+$0x15000];
	v8 =	vmul.f32 v8, v5  }
0x101: {  	v11 =	vsub.f32 $1.500000000e+00, v3;
	v3 =	vld [tilespmem:s6+$0x15010];
	v9 =	vmul.f32 v6, v9  }
0x102: {  	v7 =	vadd.f32 $1.000000000e+00, v7;
	v8 =	vsub.f32 $1.500000000e+00, v8  }
0x103: {  	v12 =	vmul.f32 v11, v2;
	v9 =	vsub.f32 $1.500000000e+00, v9  }
0x104: {  	s19 =	simm.s32 $0x80;
	v2 =	vmul.f32 $5.000000000e-01, v7;
	v8 =	vmul.f32 v8, v5  }
0x105: {  	v14 =	vld [tilespmem:s19+$0x1C000];
	v5 =	vmul.f32 v12, v10;
	v9 =	vmul.f32 v6, v9  }
0x106: {  	v6 =	vshra.s32 v7, $0x1;
	v4 =	vmul.f32 v8, v4;
	v7 =	vmul.f32 v12, v3  }
0x107: {  	v11 =	vmul.f32 $1.000000010e-01, v12;
	v15 =	vsub.s32 $0x5F3759DF, v6;
	[tilespmem:s6+$0x15000] =	vst v5;
	v5 =	vmul.f32 v9, v13  }
0x108: {  	v16 =	vmul.f32 v15, v2;
	v4 =	vmul.f32 v4, v8;
	[tilespmem:s6+$0x15010] =	vst v7  }
0x109: {  	v7 =	vmul.f32 $8.999999760e-01, v12;
	v6 =	vld [tilespmem:s22+$0x15000];
	v17 =	vmul.f32 v5, v9  }
0x10a: {  	v14 =	vadd.f32 $1.000000000e+00, v14;
	v5 =	vld [tilespmem:s22+$0x15010];
	v16 =	vmul.f32 v15, v16;
	v4 =	vsub.f32 $1.500000000e+00, v4  }
0x10b: {  	v10 =	vmul.f32 v11, v10;
	v18 =	vmul.f32 v7, v12;
	[tilespmem:s6+$0x1D000] =	vst v7;
	v12 =	vsub.f32 $1.500000000e+00, v17  }
0x10c: {  	[tilespmem:s6+$0x1D010] =	vst v7;
	v7 =	vsub.f32 $1.500000000e+00, v16;
	v8 =	vmul.f32 v4, v8  }
0x10d: {  	[tilespmem:s6+$0x17000] =	vst v10;
	v4 =	vmul.f32 $5.000000000e-01, v14;
	v9 =	vmul.f32 v12, v9  }
0x10e: {  	s2 =	simm.s32 $0xA0;
	[tilespmem:s6+$0x14000] =	vst v18;
	v7 =	vmul.f32 v15, v7;
	v12 =	vmul.f32 v8, v6  }
0x10f: {  	s12 =	simm.s32 $0x300;
	v10 =	vld [tilespmem:s2+$0x1C000];
	v15 =	vshra.s32 v14, $0x1;
	[tilespmem:s6+$0x14010] =	vst v18;
	v14 =	vmul.f32 v8, v5;
	v13 =	vmul.f32 v9, v13  }
.LBB2_12:
0x110: {  	p0 =	sne.s32 s12, $0x3F80;
	v15 =	vsub.s32 $0x5F3759DF, v15;
	v16 =	vmul.f32 v7, v2;
	[tilespmem:s22+$0x15000] =	vst v12;
	v11 =	vmul.f32 v11, v3;
	v3 =	vmovc v5  }
0x111: {  	v17 =	vmov v4;
	v5 =	vmul.f32 v15, v4;
	v12 =	vmul.f32 v13, v9;
	[tilespmem:s22+$0x15010] =	vst v14  }
0x112: {  	v14 =	vmul.f32 $8.999999760e-01, v8;
	v4 =	vmul.f32 v16, v7;
	v13 =	vld [tilespmem:s21+$0x15000];
	[tilespmem:s6+$0x17010] =	vst v11;
	s6 =	smov.u32 s22;
	s22 =	smov.u32 s21;
	s21 =	smov.u32 s20  }
0x113: {  	v11 =	vmul.f32 $1.000000010e-01, v8;
	s20 =	smov.u32 s19;
	s19 =	smov.u32 s2;
	v16 =	vmul.f32 v15, v5;
	v12 =	vsub.f32 $1.500000000e+00, v12;
	v5 =	vld [tilespmem:s22+$0x15010]  }
.Ltmp5:
0x114: {  	v19 =	vmul.f32 v14, v8;
	v18 =	vadd.f32 $1.000000000e+00, v10;
	v10 =	vsub.f32 $1.500000000e+00, v4;
	[tilespmem:s6+$0x1D000] =	vst v14;
	(pc) =	sbr.rel @p0 .LBB2_12-.Ltmp5, $4  }
0x115: {  	v20 =	vmul.f32 v11, v6;
	v16 =	vsub.f32 $1.500000000e+00, v16;
	v8 =	vmul.f32 v12, v9;
	[tilespmem:s6+$0x1D010] =	vst v14  }
0x116: {  	v4 =	vmul.f32 $5.000000000e-01, v18;
	v9 =	vmul.f32 v10, v7;
	[tilespmem:s6+$0x14000] =	vst v19  }
0x117: {  	s2 =	sshra.s32 s12, $0x2;
	v7 =	vmul.f32 v15, v16;
	v12 =	vmul.f32 v8, v13;
	[tilespmem:s6+$0x17000] =	vst v20;
	v6 =	vmov v13  }
0x118: {  	s12 =	sadd.s32 $0x80, s12;
	v15 =	vshra.s32 v18, $0x1;
	v10 =	vld [tilespmem:s2+$0x1C000];
	v13 =	vmul.f32 v9, v2;
	v14 =	vmul.f32 v8, v5;
	[tilespmem:s6+$0x14010] =	vst v19;
	v2 =	vmovc v17  }
0x119: {  	v3 =	vmul.f32 v11, v3  }
0x11a: {  	[tilespmem:s22+$0x15000] =	vst v12;
	v11 =	vsub.s32 $0x5F3759DF, v15;
	v12 =	vmul.f32 v7, v2;
	v16 =	vmul.f32 $8.999999760e-01, v8  }
0x11b: {  	[tilespmem:s22+$0x15010] =	vst v14;
	v13 =	vmul.f32 v13, v9;
	v15 =	vmul.f32 v11, v4  }
0x11c: {  	v17 =	vmul.f32 $1.000000010e-01, v8;
	v14 =	vld [tilespmem:s21+$0x15000];
	[tilespmem:s6+$0x17010] =	vst v3;
	v3 =	vmul.f32 v12, v7  }
0x11d: {  	v8 =	vmul.f32 v16, v8;
	v12 =	vsub.f32 $1.500000000e+00, v13;
	v13 =	vld [tilespmem:s21+$0x15010];
	v15 =	vmul.f32 v11, v15  }
0x11e: {  	v6 =	vmul.f32 v17, v6;
	[tilespmem:s22+$0x1D000] =	vst v16;
	v3 =	vsub.f32 $1.500000000e+00, v3  }
0x11f: {  	[tilespmem:s22+$0x14000] =	vst v8;
	v9 =	vmul.f32 v12, v9;
	v12 =	vsub.f32 $1.500000000e+00, v15  }
0x120: {  	[tilespmem:s22+$0x17000] =	vst v6;
	v3 =	vmul.f32 v3, v7  }
0x121: {  	v6 =	vadd.f32 $1.000000000e+00, v10;
	[tilespmem:s22+$0x14010] =	vst v8;
	v7 =	vmul.f32 v9, v14;
	v8 =	vmul.f32 v11, v12  }
0x122: {  	[tilespmem:s22+$0x1D010] =	vst v16;
	v10 =	vmul.f32 v9, v13;
	v2 =	vmul.f32 v3, v2  }
0x123: {  	v5 =	vmul.f32 v17, v5;
	[tilespmem:s21+$0x15000] =	vst v7;
	v7 =	vmul.f32 $5.000000000e-01, v6;
	v6 =	vshra.s32 v6, $0x1  }
0x124: {  	[tilespmem:s21+$0x15010] =	vst v10;
	v6 =	vsub.s32 $0x5F3759DF, v6;
	v10 =	vmul.f32 v8, v4;
	v2 =	vmul.f32 v2, v3  }
0x125: {  	v15 =	vmul.f32 $8.999999760e-01, v9;
	v11 =	vld [tilespmem:s20+$0x15000];
	v12 =	vmul.f32 v6, v7;
	[tilespmem:s22+$0x17010] =	vst v5  }
0x126: {  	v16 =	vmul.f32 $1.000000010e-01, v9;
	v5 =	vmul.f32 v10, v8;
	v2 =	vsub.f32 $1.500000000e+00, v2;
	v10 =	vld [tilespmem:s20+$0x15010]  }
0x127: {  	v9 =	vmul.f32 v15, v9;
	[tilespmem:s21+$0x1D000] =	vst v15;
	v12 =	vmul.f32 v6, v12  }
0x128: {  	[tilespmem:s21+$0x1D010] =	vst v15;
	v5 =	vsub.f32 $1.500000000e+00, v5;
	v2 =	vmul.f32 v2, v3  }
0x129: {  	[tilespmem:s21+$0x14000] =	vst v9;
	v3 =	vmul.f32 v16, v14;
	v12 =	vsub.f32 $1.500000000e+00, v12  }
0x12a: {  	[tilespmem:s21+$0x14010] =	vst v9;
	v5 =	vmul.f32 v5, v8;
	v8 =	vmul.f32 v2, v11  }
0x12b: {  	[tilespmem:s21+$0x17000] =	vst v3;
	v3 =	vmul.f32 v2, v10;
	v6 =	vmul.f32 v6, v12  }
0x12c: {  	v4 =	vmul.f32 v5, v4;
	[tilespmem:s20+$0x15000] =	vst v8  }
0x12d: {  	v8 =	vmul.f32 v16, v13;
	[tilespmem:s20+$0x15010] =	vst v3;
	v3 =	vmul.f32 v6, v7  }
0x12e: {  	v4 =	vmul.f32 v4, v5  }
0x12f: {  	v12 =	vmul.f32 $8.999999760e-01, v2;
	v9 =	vld [tilespmem:s19+$0x15000];
	[tilespmem:s21+$0x17010] =	vst v8;
	v3 =	vmul.f32 v3, v6  }
0x130: {  	v8 =	vld [tilespmem:s19+$0x15010];
	v4 =	vsub.f32 $1.500000000e+00, v4  }
0x131: {  	v13 =	vmul.f32 $1.000000010e-01, v2;
	v2 =	vmul.f32 v12, v2;
	[tilespmem:s20+$0x1D000] =	vst v12;
	v3 =	vsub.f32 $1.500000000e+00, v3  }
0x132: {  	[tilespmem:s20+$0x1D010] =	vst v12;
	v4 =	vmul.f32 v4, v5  }
0x133: {  	[tilespmem:s20+$0x14000] =	vst v2;
	v5 =	vmul.f32 v13, v11;
	v3 =	vmul.f32 v3, v6  }
0x134: {  	[tilespmem:s20+$0x14010] =	vst v2;
	v6 =	vmul.f32 v4, v9  }
0x135: {  	[tilespmem:s20+$0x17000] =	vst v5;
	v5 =	vmul.f32 v4, v8;
	v2 =	vmul.f32 v3, v7  }
0x136: {  	[tilespmem:s19+$0x15000] =	vst v6;
	v6 =	vmul.f32 v13, v10  }
0x137: {  	[tilespmem:s19+$0x15010] =	vst v5;
	v2 =	vmul.f32 v2, v3  }
0x138: {  	v7 =	vmul.f32 $8.999999760e-01, v4;
	v5 =	vld [tilespmem:s2+$0x15000];
	[tilespmem:s20+$0x17010] =	vst v6  }
0x139: {  	v2 =	vsub.f32 $1.500000000e+00, v2;
	v6 =	vld [tilespmem:s2+$0x15010]  }
0x13a: {  	v10 =	vmul.f32 $1.000000010e-01, v4;
	v4 =	vmul.f32 v7, v4;
	[tilespmem:s19+$0x1D000] =	vst v7  }
0x13b: {  	[tilespmem:s19+$0x1D010] =	vst v7;
	v2 =	vmul.f32 v2, v3  }
0x13c: {  	[tilespmem:s19+$0x14000] =	vst v4;
	v3 =	vmul.f32 v10, v9  }
0x13d: {  	[tilespmem:s19+$0x14010] =	vst v4;
	v7 =	vmul.f32 v2, v5  }
0x13e: {  	[tilespmem:s19+$0x17000] =	vst v3;
	v3 =	vmul.f32 v2, v6  }
0x13f: {  	v4 =	vmul.f32 v10, v8;
	[tilespmem:s2+$0x15000] =	vst v7  }
0x140: {  	[tilespmem:s2+$0x15010] =	vst v3;
	v3 =	vmul.f32 $8.999999760e-01, v2  }
0x141: {  	[tilespmem:s19+$0x17010] =	vst v4  }
0x142: {  	v4 =	vmul.f32 $1.000000010e-01, v2;
	v2 =	vmul.f32 v3, v2;
	[tilespmem:s2+$0x1D000] =	vst v3  }
0x143: {  	[tilespmem:s2+$0x1D010] =	vst v3  }
0x144: {  	v5 =	vmul.f32 v4, v5;
	[tilespmem:s2+$0x14000] =	vst v2  }
0x145: {  	v3 =	vmul.f32 v4, v6;
	[tilespmem:s2+$0x14010] =	vst v2  }
0x146: {  	[tilespmem:s2+$0x17000] =	vst v5  }
0x147: {  	s12 =	rddreg [dreg:$0xa];
	[tilespmem:s2+$0x17010] =	vst v3;
	s2 =	simm.s32 $0x0  }
0x148: {  	[hbm4b:s12+s2] =	stream.linear.scatter [tilespmem:s25], [sflag:$0x7], $0x1000, $0x38;
	[tilespmem:$0x1E000] =	vst v63  }
0x149: {  	_ =	swait.ge [sflag:s1], $0x1000  }
0x14a: {  	[sflag:s1] =	ssyncset.done $0x0  }
0x14b: {  	s19 =	rddreg [dreg:$0xb];
	[sflag:s1] =	ssyncadd.s32 $0xFFFFF000  }
0x14c: {  	[hbm4b:s19+s2] =	stream.linear.scatter [tilespmem:s4], [sflag:$0x7], $0x1000, $0x38;
	[tilespmem:$0x1E000] =	vst v63  }
0x14d: {  	_ =	swait.ge [sflag:s1], $0x1000  }
0x14e: {  	[sflag:s1] =	ssyncset.done $0x0  }
0x14f: {  	s20 =	rddreg [dreg:$0x16];
	[sflag:s1] =	ssyncadd.s32 $0xFFFFF000  }
0x150: {  	[hbm4b:s20+s2] =	stream.linear.scatter [tilespmem:s7], [sflag:$0x7], $0x1000, $0x38;
	[tilespmem:$0x1E000] =	vst v63  }
0x151: {  	_ =	swait.ge [sflag:s1], $0x1000  }
0x152: {  	s21 =	sld [smem:$0x7FB]  }
0x153: {  	[sflag:s1] =	ssyncset.done $0x0  }
0x154: {  	[sflag:s1] =	ssyncadd.s32 $0xFFFFF000  }
0x155: {  	[spmem:s21] =	stream.linear.scatter [tilespmem:s31], [sflag:$0x7], $0x1000, $0x38;
	[tilespmem:$0x1E000] =	vst v63  }
0x156: {  	_ =	swait.ge [sflag:s1], $0x1000  }
0x157: {  	[sflag:s1] =	ssyncset.done $0x0  }
0x158: {  	[sflag:s1] =	ssyncadd.s32 $0xFFFFF000  }
0x159: {  	[spmem:s3] =	stream.linear.scatter [tilespmem:s31], [sflag:$0x7], $0x1000, $0x38;
	[tilespmem:$0x1E000] =	vst v63  }
0x15a: {  	_ =	swait.ge [sflag:s1], $0x1000  }
0x15b: {  	[sflag:s1] =	ssyncset.done $0x0  }
0x15c: {  	[sflag:s1] =	ssyncadd.s32 $0xFFFFF000  }
0x15d: {  	[tilespmem:s30], [sflag:$0x7] =	stream.linear.gather [spmem:s9], $0x1000, $0x38;
	[tilespmem:$0x1E000] =	vst v63  }
0x15e: {  	_ =	swait.ge [sflag:s1], $0x1000  }
0x15f: {  	[sflag:s1] =	ssyncset.done $0x0  }
0x160: {  	s22 =	rddreg [dreg:$0xc];
	[sflag:s1] =	ssyncadd.s32 $0xFFFFF000  }
0x161: {  	[tilespmem:s31], [sflag:$0x7] =	stream.linear.gather [hbm4b:s22+s2], $0x1000, $0x38;
	[tilespmem:$0x1E000] =	vst v63  }
0x162: {  	_ =	swait.ge [sflag:s1], $0x1000  }
0x163: {  	[sflag:s1] =	ssyncset.done $0x0  }
0x164: {  	s6 =	simm.s32 $0x0;
	[sflag:s1] =	ssyncadd.s32 $0xFFFFF000  }
0x165: {  	v2 =	vld [tilespmem:s6+$0x1C000];
	_ =	sdelay $0x4  }
0x166: {  	v2 =	vadd.f32 $1.000000000e+00, v2;
	_ =	sdelay $0x1  }
0x167: {  	v3 =	vmul.f32 $5.000000000e-01, v2;
	v2 =	vshra.s32 v2, $0x1  }
0x168: {  	s22 =	simm.s32 $0x20;
	v2 =	vsub.s32 $0x5F3759DF, v2  }
0x169: {  	v5 =	vld [tilespmem:s22+$0x1C000];
	v4 =	vmul.f32 v2, v3;
	_ =	sdelay $0x1  }
0x16a: {  	v4 =	vmul.f32 v2, v4;
	_ =	sdelay $0x1  }
0x16b: {  	v4 =	vsub.f32 $1.500000000e+00, v4  }
0x16c: {  	v5 =	vadd.f32 $1.000000000e+00, v5  }
0x16d: {  	v2 =	vmul.f32 v2, v4  }
0x16e: {  	v4 =	vmul.f32 $5.000000000e-01, v5;
	v5 =	vshra.s32 v5, $0x1  }
0x16f: {  	s21 =	simm.s32 $0x40;
	v5 =	vsub.s32 $0x5F3759DF, v5;
	v6 =	vmul.f32 v2, v3  }
0x170: {  	v7 =	vld [tilespmem:s21+$0x1C000];
	v8 =	vmul.f32 v5, v4  }
0x171: {  	v6 =	vmul.f32 v6, v2  }
0x172: {  	v8 =	vmul.f32 v5, v8  }
0x173: {  	v6 =	vsub.f32 $1.500000000e+00, v6  }
0x174: {  	v8 =	vsub.f32 $1.500000000e+00, v8  }
0x175: {  	v2 =	vmul.f32 v6, v2;
	v6 =	vadd.f32 $1.000000000e+00, v7  }
0x176: {  	s20 =	simm.s32 $0x60;
	v5 =	vmul.f32 v5, v8  }
0x177: {  	v7 =	vld [tilespmem:s20+$0x1C000];
	v3 =	vmul.f32 v2, v3;
	v13 =	vmul.f32 $5.000000000e-01, v6;
	v6 =	vshra.s32 v6, $0x1  }
0x178: {  	v8 =	vmul.f32 v5, v4;
	v6 =	vsub.s32 $0x5F3759DF, v6  }
0x179: {  	v3 =	vmul.f32 v3, v2;
	v9 =	vmul.f32 v6, v13  }
0x17a: {  	v10 =	vld [tilespmem:s6+$0x15000];
	v8 =	vmul.f32 v8, v5  }
0x17b: {  	v11 =	vsub.f32 $1.500000000e+00, v3;
	v3 =	vld [tilespmem:s6+$0x15010];
	v9 =	vmul.f32 v6, v9  }
0x17c: {  	v7 =	vadd.f32 $1.000000000e+00, v7;
	v8 =	vsub.f32 $1.500000000e+00, v8  }
0x17d: {  	v12 =	vmul.f32 v11, v2;
	v9 =	vsub.f32 $1.500000000e+00, v9  }
0x17e: {  	s19 =	simm.s32 $0x80;
	v2 =	vmul.f32 $5.000000000e-01, v7;
	v8 =	vmul.f32 v8, v5  }
0x17f: {  	v14 =	vld [tilespmem:s19+$0x1C000];
	v5 =	vmul.f32 v12, v10;
	v9 =	vmul.f32 v6, v9  }
0x180: {  	v6 =	vshra.s32 v7, $0x1;
	v4 =	vmul.f32 v8, v4;
	v7 =	vmul.f32 v12, v3  }
0x181: {  	v11 =	vmul.f32 $1.000000010e-01, v12;
	v15 =	vsub.s32 $0x5F3759DF, v6;
	[tilespmem:s6+$0x15000] =	vst v5;
	v5 =	vmul.f32 v9, v13  }
0x182: {  	v16 =	vmul.f32 v15, v2;
	v4 =	vmul.f32 v4, v8;
	[tilespmem:s6+$0x15010] =	vst v7  }
0x183: {  	v7 =	vmul.f32 $8.999999760e-01, v12;
	v6 =	vld [tilespmem:s22+$0x15000];
	v17 =	vmul.f32 v5, v9  }
0x184: {  	v14 =	vadd.f32 $1.000000000e+00, v14;
	v5 =	vld [tilespmem:s22+$0x15010];
	v16 =	vmul.f32 v15, v16;
	v4 =	vsub.f32 $1.500000000e+00, v4  }
0x185: {  	v10 =	vmul.f32 v11, v10;
	v18 =	vmul.f32 v7, v12;
	[tilespmem:s6+$0x1D000] =	vst v7;
	v12 =	vsub.f32 $1.500000000e+00, v17  }
0x186: {  	[tilespmem:s6+$0x1D010] =	vst v7;
	v7 =	vsub.f32 $1.500000000e+00, v16;
	v8 =	vmul.f32 v4, v8  }
0x187: {  	[tilespmem:s6+$0x17000] =	vst v10;
	v4 =	vmul.f32 $5.000000000e-01, v14;
	v9 =	vmul.f32 v12, v9  }
0x188: {  	s2 =	simm.s32 $0xA0;
	[tilespmem:s6+$0x14000] =	vst v18;
	v7 =	vmul.f32 v15, v7;
	v12 =	vmul.f32 v8, v6  }
0x189: {  	s12 =	simm.s32 $0x300;
	v10 =	vld [tilespmem:s2+$0x1C000];
	v15 =	vshra.s32 v14, $0x1;
	[tilespmem:s6+$0x14010] =	vst v18;
	v14 =	vmul.f32 v8, v5;
	v13 =	vmul.f32 v9, v13  }
.LBB2_14:
0x18a: {  	p0 =	sne.s32 s12, $0x3F80;
	v15 =	vsub.s32 $0x5F3759DF, v15;
	v16 =	vmul.f32 v7, v2;
	[tilespmem:s22+$0x15000] =	vst v12;
	v11 =	vmul.f32 v11, v3;
	v3 =	vmovc v5  }
0x18b: {  	v17 =	vmov v4;
	v5 =	vmul.f32 v15, v4;
	v12 =	vmul.f32 v13, v9;
	[tilespmem:s22+$0x15010] =	vst v14  }
0x18c: {  	v14 =	vmul.f32 $8.999999760e-01, v8;
	v4 =	vmul.f32 v16, v7;
	v13 =	vld [tilespmem:s21+$0x15000];
	[tilespmem:s6+$0x17010] =	vst v11;
	s6 =	smov.u32 s22;
	s22 =	smov.u32 s21;
	s21 =	smov.u32 s20  }
0x18d: {  	v11 =	vmul.f32 $1.000000010e-01, v8;
	s20 =	smov.u32 s19;
	s19 =	smov.u32 s2;
	v16 =	vmul.f32 v15, v5;
	v12 =	vsub.f32 $1.500000000e+00, v12;
	v5 =	vld [tilespmem:s22+$0x15010]  }
.Ltmp6:
0x18e: {  	v19 =	vmul.f32 v14, v8;
	v18 =	vadd.f32 $1.000000000e+00, v10;
	v10 =	vsub.f32 $1.500000000e+00, v4;
	[tilespmem:s6+$0x1D000] =	vst v14;
	(pc) =	sbr.rel @p0 .LBB2_14-.Ltmp6, $4  }
0x18f: {  	v20 =	vmul.f32 v11, v6;
	v16 =	vsub.f32 $1.500000000e+00, v16;
	v8 =	vmul.f32 v12, v9;
	[tilespmem:s6+$0x1D010] =	vst v14  }
0x190: {  	v4 =	vmul.f32 $5.000000000e-01, v18;
	v9 =	vmul.f32 v10, v7;
	[tilespmem:s6+$0x14000] =	vst v19  }
0x191: {  	s2 =	sshra.s32 s12, $0x2;
	v7 =	vmul.f32 v15, v16;
	v12 =	vmul.f32 v8, v13;
	[tilespmem:s6+$0x17000] =	vst v20;
	v6 =	vmov v13  }
0x192: {  	s12 =	sadd.s32 $0x80, s12;
	v15 =	vshra.s32 v18, $0x1;
	v10 =	vld [tilespmem:s2+$0x1C000];
	v13 =	vmul.f32 v9, v2;
	v14 =	vmul.f32 v8, v5;
	[tilespmem:s6+$0x14010] =	vst v19;
	v2 =	vmovc v17  }
0x193: {  	v3 =	vmul.f32 v11, v3  }
0x194: {  	[tilespmem:s22+$0x15000] =	vst v12;
	v11 =	vsub.s32 $0x5F3759DF, v15;
	v12 =	vmul.f32 v7, v2;
	v16 =	vmul.f32 $8.999999760e-01, v8  }
0x195: {  	[tilespmem:s22+$0x15010] =	vst v14;
	v13 =	vmul.f32 v13, v9;
	v15 =	vmul.f32 v11, v4  }
0x196: {  	v17 =	vmul.f32 $1.000000010e-01, v8;
	v14 =	vld [tilespmem:s21+$0x15000];
	[tilespmem:s6+$0x17010] =	vst v3;
	v3 =	vmul.f32 v12, v7  }
0x197: {  	v8 =	vmul.f32 v16, v8;
	v12 =	vsub.f32 $1.500000000e+00, v13;
	v13 =	vld [tilespmem:s21+$0x15010];
	v15 =	vmul.f32 v11, v15  }
0x198: {  	v6 =	vmul.f32 v17, v6;
	[tilespmem:s22+$0x1D000] =	vst v16;
	v3 =	vsub.f32 $1.500000000e+00, v3  }
0x199: {  	[tilespmem:s22+$0x14000] =	vst v8;
	v9 =	vmul.f32 v12, v9;
	v12 =	vsub.f32 $1.500000000e+00, v15  }
0x19a: {  	[tilespmem:s22+$0x17000] =	vst v6;
	v3 =	vmul.f32 v3, v7  }
0x19b: {  	v6 =	vadd.f32 $1.000000000e+00, v10;
	[tilespmem:s22+$0x14010] =	vst v8;
	v7 =	vmul.f32 v9, v14;
	v8 =	vmul.f32 v11, v12  }
0x19c: {  	[tilespmem:s22+$0x1D010] =	vst v16;
	v10 =	vmul.f32 v9, v13;
	v2 =	vmul.f32 v3, v2  }
0x19d: {  	v5 =	vmul.f32 v17, v5;
	[tilespmem:s21+$0x15000] =	vst v7;
	v7 =	vmul.f32 $5.000000000e-01, v6;
	v6 =	vshra.s32 v6, $0x1  }
0x19e: {  	[tilespmem:s21+$0x15010] =	vst v10;
	v6 =	vsub.s32 $0x5F3759DF, v6;
	v10 =	vmul.f32 v8, v4;
	v2 =	vmul.f32 v2, v3  }
0x19f: {  	v15 =	vmul.f32 $8.999999760e-01, v9;
	v11 =	vld [tilespmem:s20+$0x15000];
	v12 =	vmul.f32 v6, v7;
	[tilespmem:s22+$0x17010] =	vst v5  }
0x1a0: {  	v16 =	vmul.f32 $1.000000010e-01, v9;
	v5 =	vmul.f32 v10, v8;
	v2 =	vsub.f32 $1.500000000e+00, v2;
	v10 =	vld [tilespmem:s20+$0x15010]  }
0x1a1: {  	v9 =	vmul.f32 v15, v9;
	[tilespmem:s21+$0x1D000] =	vst v15;
	v12 =	vmul.f32 v6, v12  }
0x1a2: {  	[tilespmem:s21+$0x1D010] =	vst v15;
	v5 =	vsub.f32 $1.500000000e+00, v5;
	v2 =	vmul.f32 v2, v3  }
0x1a3: {  	[tilespmem:s21+$0x14000] =	vst v9;
	v3 =	vmul.f32 v16, v14;
	v12 =	vsub.f32 $1.500000000e+00, v12  }
0x1a4: {  	[tilespmem:s21+$0x14010] =	vst v9;
	v5 =	vmul.f32 v5, v8;
	v8 =	vmul.f32 v2, v11  }
0x1a5: {  	[tilespmem:s21+$0x17000] =	vst v3;
	v3 =	vmul.f32 v2, v10;
	v6 =	vmul.f32 v6, v12  }
0x1a6: {  	v4 =	vmul.f32 v5, v4;
	[tilespmem:s20+$0x15000] =	vst v8  }
0x1a7: {  	v8 =	vmul.f32 v16, v13;
	[tilespmem:s20+$0x15010] =	vst v3;
	v3 =	vmul.f32 v6, v7  }
0x1a8: {  	v4 =	vmul.f32 v4, v5  }
0x1a9: {  	v12 =	vmul.f32 $8.999999760e-01, v2;
	v9 =	vld [tilespmem:s19+$0x15000];
	[tilespmem:s21+$0x17010] =	vst v8;
	v3 =	vmul.f32 v3, v6  }
0x1aa: {  	v8 =	vld [tilespmem:s19+$0x15010];
	v4 =	vsub.f32 $1.500000000e+00, v4  }
0x1ab: {  	v13 =	vmul.f32 $1.000000010e-01, v2;
	v2 =	vmul.f32 v12, v2;
	[tilespmem:s20+$0x1D000] =	vst v12;
	v3 =	vsub.f32 $1.500000000e+00, v3  }
0x1ac: {  	[tilespmem:s20+$0x1D010] =	vst v12;
	v4 =	vmul.f32 v4, v5  }
0x1ad: {  	[tilespmem:s20+$0x14000] =	vst v2;
	v5 =	vmul.f32 v13, v11;
	v3 =	vmul.f32 v3, v6  }
0x1ae: {  	[tilespmem:s20+$0x14010] =	vst v2;
	v6 =	vmul.f32 v4, v9  }
0x1af: {  	[tilespmem:s20+$0x17000] =	vst v5;
	v5 =	vmul.f32 v4, v8;
	v2 =	vmul.f32 v3, v7  }
0x1b0: {  	[tilespmem:s19+$0x15000] =	vst v6;
	v6 =	vmul.f32 v13, v10  }
0x1b1: {  	[tilespmem:s19+$0x15010] =	vst v5;
	v2 =	vmul.f32 v2, v3  }
0x1b2: {  	v7 =	vmul.f32 $8.999999760e-01, v4;
	v5 =	vld [tilespmem:s2+$0x15000];
	[tilespmem:s20+$0x17010] =	vst v6  }
0x1b3: {  	v2 =	vsub.f32 $1.500000000e+00, v2;
	v6 =	vld [tilespmem:s2+$0x15010]  }
0x1b4: {  	v10 =	vmul.f32 $1.000000010e-01, v4;
	v4 =	vmul.f32 v7, v4;
	[tilespmem:s19+$0x1D000] =	vst v7  }
0x1b5: {  	[tilespmem:s19+$0x1D010] =	vst v7;
	v2 =	vmul.f32 v2, v3  }
0x1b6: {  	[tilespmem:s19+$0x14000] =	vst v4;
	v3 =	vmul.f32 v10, v9  }
0x1b7: {  	[tilespmem:s19+$0x14010] =	vst v4;
	v7 =	vmul.f32 v2, v5  }
0x1b8: {  	[tilespmem:s19+$0x17000] =	vst v3;
	v3 =	vmul.f32 v2, v6  }
0x1b9: {  	v4 =	vmul.f32 v10, v8;
	[tilespmem:s2+$0x15000] =	vst v7  }
0x1ba: {  	[tilespmem:s2+$0x15010] =	vst v3;
	v3 =	vmul.f32 $8.999999760e-01, v2  }
0x1bb: {  	[tilespmem:s19+$0x17010] =	vst v4  }
0x1bc: {  	v4 =	vmul.f32 $1.000000010e-01, v2;
	v2 =	vmul.f32 v3, v2;
	[tilespmem:s2+$0x1D000] =	vst v3  }
0x1bd: {  	[tilespmem:s2+$0x1D010] =	vst v3  }
0x1be: {  	v5 =	vmul.f32 v4, v5;
	[tilespmem:s2+$0x14000] =	vst v2  }
0x1bf: {  	v3 =	vmul.f32 v4, v6;
	[tilespmem:s2+$0x14010] =	vst v2  }
0x1c0: {  	[tilespmem:s2+$0x17000] =	vst v5  }
0x1c1: {  	s12 =	rddreg [dreg:$0xd];
	[tilespmem:s2+$0x17010] =	vst v3;
	s2 =	simm.s32 $0x0  }
0x1c2: {  	[hbm4b:s12+s2] =	stream.linear.scatter [tilespmem:s25], [sflag:$0x7], $0x1000, $0x38;
	[tilespmem:$0x1E000] =	vst v63  }
0x1c3: {  	_ =	swait.ge [sflag:s1], $0x1000  }
0x1c4: {  	[sflag:s1] =	ssyncset.done $0x0  }
0x1c5: {  	s19 =	rddreg [dreg:$0xe];
	[sflag:s1] =	ssyncadd.s32 $0xFFFFF000  }
0x1c6: {  	[hbm4b:s19+s2] =	stream.linear.scatter [tilespmem:s4], [sflag:$0x7], $0x1000, $0x38;
	[tilespmem:$0x1E000] =	vst v63  }
0x1c7: {  	_ =	swait.ge [sflag:s1], $0x1000  }
0x1c8: {  	[sflag:s1] =	ssyncset.done $0x0  }
0x1c9: {  	s20 =	rddreg [dreg:$0x17];
	[sflag:s1] =	ssyncadd.s32 $0xFFFFF000  }
0x1ca: {  	[hbm4b:s20+s2] =	stream.linear.scatter [tilespmem:s7], [sflag:$0x7], $0x1000, $0x38;
	[tilespmem:$0x1E000] =	vst v63  }
0x1cb: {  	_ =	swait.ge [sflag:s1], $0x1000  }
0x1cc: {  	s21 =	sld [smem:$0x7FC]  }
0x1cd: {  	[sflag:s1] =	ssyncset.done $0x0  }
0x1ce: {  	[sflag:s1] =	ssyncadd.s32 $0xFFFFF000  }
0x1cf: {  	[spmem:s21] =	stream.linear.scatter [tilespmem:s31], [sflag:$0x7], $0x1000, $0x38;
	[tilespmem:$0x1E000] =	vst v63  }
0x1d0: {  	_ =	swait.ge [sflag:s1], $0x1000  }
0x1d1: {  	[sflag:s1] =	ssyncset.done $0x0  }
0x1d2: {  	[sflag:s1] =	ssyncadd.s32 $0xFFFFF000  }
0x1d3: {  	[spmem:s9] =	stream.linear.scatter [tilespmem:s31], [sflag:$0x7], $0x1000, $0x38;
	[tilespmem:$0x1E000] =	vst v63  }
0x1d4: {  	_ =	swait.ge [sflag:s1], $0x1000  }
0x1d5: {  	[sflag:s1] =	ssyncset.done $0x0  }
0x1d6: {  	[sflag:s1] =	ssyncadd.s32 $0xFFFFF000  }
0x1d7: {  	[tilespmem:s30], [sflag:$0x7] =	stream.linear.gather [spmem:s14], $0x1000, $0x38;
	[tilespmem:$0x1E000] =	vst v63  }
0x1d8: {  	_ =	swait.ge [sflag:s1], $0x1000  }
0x1d9: {  	[sflag:s1] =	ssyncset.done $0x0  }
0x1da: {  	s22 =	rddreg [dreg:$0xf];
	[sflag:s1] =	ssyncadd.s32 $0xFFFFF000  }
0x1db: {  	[tilespmem:s31], [sflag:$0x7] =	stream.linear.gather [hbm4b:s22+s2], $0x1000, $0x38;
	[tilespmem:$0x1E000] =	vst v63  }
0x1dc: {  	_ =	swait.ge [sflag:s1], $0x1000  }
0x1dd: {  	[sflag:s1] =	ssyncset.done $0x0  }
0x1de: {  	s6 =	simm.s32 $0x0;
	[sflag:s1] =	ssyncadd.s32 $0xFFFFF000  }
0x1df: {  	v2 =	vld [tilespmem:s6+$0x1C000];
	_ =	sdelay $0x4  }
0x1e0: {  	v2 =	vadd.f32 $1.000000000e+00, v2;
	_ =	sdelay $0x1  }
0x1e1: {  	v3 =	vmul.f32 $5.000000000e-01, v2;
	v2 =	vshra.s32 v2, $0x1  }
0x1e2: {  	s22 =	simm.s32 $0x20;
	v2 =	vsub.s32 $0x5F3759DF, v2  }
0x1e3: {  	v5 =	vld [tilespmem:s22+$0x1C000];
	v4 =	vmul.f32 v2, v3;
	_ =	sdelay $0x1  }
0x1e4: {  	v4 =	vmul.f32 v2, v4;
	_ =	sdelay $0x1  }
0x1e5: {  	v4 =	vsub.f32 $1.500000000e+00, v4  }
0x1e6: {  	v5 =	vadd.f32 $1.000000000e+00, v5  }
0x1e7: {  	v2 =	vmul.f32 v2, v4  }
0x1e8: {  	v4 =	vmul.f32 $5.000000000e-01, v5;
	v5 =	vshra.s32 v5, $0x1  }
0x1e9: {  	s21 =	simm.s32 $0x40;
	v5 =	vsub.s32 $0x5F3759DF, v5;
	v6 =	vmul.f32 v2, v3  }
0x1ea: {  	v7 =	vld [tilespmem:s21+$0x1C000];
	v8 =	vmul.f32 v5, v4  }
0x1eb: {  	v6 =	vmul.f32 v6, v2  }
0x1ec: {  	v8 =	vmul.f32 v5, v8  }
0x1ed: {  	v6 =	vsub.f32 $1.500000000e+00, v6  }
0x1ee: {  	v8 =	vsub.f32 $1.500000000e+00, v8  }
0x1ef: {  	v2 =	vmul.f32 v6, v2;
	v6 =	vadd.f32 $1.000000000e+00, v7  }
0x1f0: {  	s20 =	simm.s32 $0x60;
	v5 =	vmul.f32 v5, v8  }
0x1f1: {  	v7 =	vld [tilespmem:s20+$0x1C000];
	v3 =	vmul.f32 v2, v3;
	v13 =	vmul.f32 $5.000000000e-01, v6;
	v6 =	vshra.s32 v6, $0x1  }
0x1f2: {  	v8 =	vmul.f32 v5, v4;
	v6 =	vsub.s32 $0x5F3759DF, v6  }
0x1f3: {  	v3 =	vmul.f32 v3, v2;
	v9 =	vmul.f32 v6, v13  }
0x1f4: {  	v10 =	vld [tilespmem:s6+$0x15000];
	v8 =	vmul.f32 v8, v5  }
0x1f5: {  	v11 =	vsub.f32 $1.500000000e+00, v3;
	v3 =	vld [tilespmem:s6+$0x15010];
	v9 =	vmul.f32 v6, v9  }
0x1f6: {  	v7 =	vadd.f32 $1.000000000e+00, v7;
	v8 =	vsub.f32 $1.500000000e+00, v8  }
0x1f7: {  	v12 =	vmul.f32 v11, v2;
	v9 =	vsub.f32 $1.500000000e+00, v9  }
0x1f8: {  	s19 =	simm.s32 $0x80;
	v2 =	vmul.f32 $5.000000000e-01, v7;
	v8 =	vmul.f32 v8, v5  }
0x1f9: {  	v14 =	vld [tilespmem:s19+$0x1C000];
	v5 =	vmul.f32 v12, v10;
	v9 =	vmul.f32 v6, v9  }
0x1fa: {  	v6 =	vshra.s32 v7, $0x1;
	v4 =	vmul.f32 v8, v4;
	v7 =	vmul.f32 v12, v3  }
0x1fb: {  	v11 =	vmul.f32 $1.000000010e-01, v12;
	v15 =	vsub.s32 $0x5F3759DF, v6;
	[tilespmem:s6+$0x15000] =	vst v5;
	v5 =	vmul.f32 v9, v13  }
0x1fc: {  	v16 =	vmul.f32 v15, v2;
	v4 =	vmul.f32 v4, v8;
	[tilespmem:s6+$0x15010] =	vst v7  }
0x1fd: {  	v7 =	vmul.f32 $8.999999760e-01, v12;
	v6 =	vld [tilespmem:s22+$0x15000];
	v17 =	vmul.f32 v5, v9  }
0x1fe: {  	v14 =	vadd.f32 $1.000000000e+00, v14;
	v5 =	vld [tilespmem:s22+$0x15010];
	v16 =	vmul.f32 v15, v16;
	v4 =	vsub.f32 $1.500000000e+00, v4  }
0x1ff: {  	v10 =	vmul.f32 v11, v10;
	v18 =	vmul.f32 v7, v12;
	[tilespmem:s6+$0x1D000] =	vst v7;
	v12 =	vsub.f32 $1.500000000e+00, v17  }
0x200: {  	[tilespmem:s6+$0x1D010] =	vst v7;
	v7 =	vsub.f32 $1.500000000e+00, v16;
	v8 =	vmul.f32 v4, v8  }
0x201: {  	[tilespmem:s6+$0x17000] =	vst v10;
	v4 =	vmul.f32 $5.000000000e-01, v14;
	v9 =	vmul.f32 v12, v9  }
0x202: {  	s2 =	simm.s32 $0xA0;
	[tilespmem:s6+$0x14000] =	vst v18;
	v7 =	vmul.f32 v15, v7;
	v12 =	vmul.f32 v8, v6  }
0x203: {  	s12 =	simm.s32 $0x300;
	v10 =	vld [tilespmem:s2+$0x1C000];
	v15 =	vshra.s32 v14, $0x1;
	[tilespmem:s6+$0x14010] =	vst v18;
	v14 =	vmul.f32 v8, v5;
	v13 =	vmul.f32 v9, v13  }
.LBB2_16:
0x204: {  	p0 =	sne.s32 s12, $0x3F80;
	v15 =	vsub.s32 $0x5F3759DF, v15;
	v16 =	vmul.f32 v7, v2;
	[tilespmem:s22+$0x15000] =	vst v12;
	v11 =	vmul.f32 v11, v3;
	v3 =	vmovc v5  }
0x205: {  	v17 =	vmov v4;
	v5 =	vmul.f32 v15, v4;
	v12 =	vmul.f32 v13, v9;
	[tilespmem:s22+$0x15010] =	vst v14  }
0x206: {  	v14 =	vmul.f32 $8.999999760e-01, v8;
	v4 =	vmul.f32 v16, v7;
	v13 =	vld [tilespmem:s21+$0x15000];
	[tilespmem:s6+$0x17010] =	vst v11;
	s6 =	smov.u32 s22;
	s22 =	smov.u32 s21;
	s21 =	smov.u32 s20  }
0x207: {  	v11 =	vmul.f32 $1.000000010e-01, v8;
	s20 =	smov.u32 s19;
	s19 =	smov.u32 s2;
	v16 =	vmul.f32 v15, v5;
	v12 =	vsub.f32 $1.500000000e+00, v12;
	v5 =	vld [tilespmem:s22+$0x15010]  }
.Ltmp7:
0x208: {  	v19 =	vmul.f32 v14, v8;
	v18 =	vadd.f32 $1.000000000e+00, v10;
	v10 =	vsub.f32 $1.500000000e+00, v4;
	[tilespmem:s6+$0x1D000] =	vst v14;
	(pc) =	sbr.rel @p0 .LBB2_16-.Ltmp7, $4  }
0x209: {  	v20 =	vmul.f32 v11, v6;
	v16 =	vsub.f32 $1.500000000e+00, v16;
	v8 =	vmul.f32 v12, v9;
	[tilespmem:s6+$0x1D010] =	vst v14  }
0x20a: {  	v4 =	vmul.f32 $5.000000000e-01, v18;
	v9 =	vmul.f32 v10, v7;
	[tilespmem:s6+$0x14000] =	vst v19  }
0x20b: {  	s2 =	sshra.s32 s12, $0x2;
	v7 =	vmul.f32 v15, v16;
	v12 =	vmul.f32 v8, v13;
	[tilespmem:s6+$0x17000] =	vst v20;
	v6 =	vmov v13  }
0x20c: {  	s12 =	sadd.s32 $0x80, s12;
	v15 =	vshra.s32 v18, $0x1;
	v10 =	vld [tilespmem:s2+$0x1C000];
	v13 =	vmul.f32 v9, v2;
	v14 =	vmul.f32 v8, v5;
	[tilespmem:s6+$0x14010] =	vst v19;
	v2 =	vmovc v17  }
0x20d: {  	v3 =	vmul.f32 v11, v3  }
0x20e: {  	[tilespmem:s22+$0x15000] =	vst v12;
	v11 =	vsub.s32 $0x5F3759DF, v15;
	v12 =	vmul.f32 v7, v2;
	v16 =	vmul.f32 $8.999999760e-01, v8  }
0x20f: {  	[tilespmem:s22+$0x15010] =	vst v14;
	v13 =	vmul.f32 v13, v9;
	v15 =	vmul.f32 v11, v4  }
0x210: {  	v17 =	vmul.f32 $1.000000010e-01, v8;
	v14 =	vld [tilespmem:s21+$0x15000];
	[tilespmem:s6+$0x17010] =	vst v3;
	v3 =	vmul.f32 v12, v7  }
0x211: {  	v8 =	vmul.f32 v16, v8;
	v12 =	vsub.f32 $1.500000000e+00, v13;
	v13 =	vld [tilespmem:s21+$0x15010];
	v15 =	vmul.f32 v11, v15  }
0x212: {  	v6 =	vmul.f32 v17, v6;
	[tilespmem:s22+$0x1D000] =	vst v16;
	v3 =	vsub.f32 $1.500000000e+00, v3  }
0x213: {  	[tilespmem:s22+$0x14000] =	vst v8;
	v9 =	vmul.f32 v12, v9;
	v12 =	vsub.f32 $1.500000000e+00, v15  }
0x214: {  	[tilespmem:s22+$0x17000] =	vst v6;
	v3 =	vmul.f32 v3, v7  }
0x215: {  	v6 =	vadd.f32 $1.000000000e+00, v10;
	[tilespmem:s22+$0x14010] =	vst v8;
	v7 =	vmul.f32 v9, v14;
	v8 =	vmul.f32 v11, v12  }
0x216: {  	[tilespmem:s22+$0x1D010] =	vst v16;
	v10 =	vmul.f32 v9, v13;
	v2 =	vmul.f32 v3, v2  }
0x217: {  	v5 =	vmul.f32 v17, v5;
	[tilespmem:s21+$0x15000] =	vst v7;
	v7 =	vmul.f32 $5.000000000e-01, v6;
	v6 =	vshra.s32 v6, $0x1  }
0x218: {  	[tilespmem:s21+$0x15010] =	vst v10;
	v6 =	vsub.s32 $0x5F3759DF, v6;
	v10 =	vmul.f32 v8, v4;
	v2 =	vmul.f32 v2, v3  }
0x219: {  	v15 =	vmul.f32 $8.999999760e-01, v9;
	v11 =	vld [tilespmem:s20+$0x15000];
	v12 =	vmul.f32 v6, v7;
	[tilespmem:s22+$0x17010] =	vst v5  }
0x21a: {  	v16 =	vmul.f32 $1.000000010e-01, v9;
	v5 =	vmul.f32 v10, v8;
	v2 =	vsub.f32 $1.500000000e+00, v2;
	v10 =	vld [tilespmem:s20+$0x15010]  }
0x21b: {  	v9 =	vmul.f32 v15, v9;
	[tilespmem:s21+$0x1D000] =	vst v15;
	v12 =	vmul.f32 v6, v12  }
0x21c: {  	[tilespmem:s21+$0x1D010] =	vst v15;
	v5 =	vsub.f32 $1.500000000e+00, v5;
	v2 =	vmul.f32 v2, v3  }
0x21d: {  	[tilespmem:s21+$0x14000] =	vst v9;
	v3 =	vmul.f32 v16, v14;
	v12 =	vsub.f32 $1.500000000e+00, v12  }
0x21e: {  	[tilespmem:s21+$0x14010] =	vst v9;
	v5 =	vmul.f32 v5, v8;
	v8 =	vmul.f32 v2, v11  }
0x21f: {  	[tilespmem:s21+$0x17000] =	vst v3;
	v3 =	vmul.f32 v2, v10;
	v6 =	vmul.f32 v6, v12  }
0x220: {  	v4 =	vmul.f32 v5, v4;
	[tilespmem:s20+$0x15000] =	vst v8  }
0x221: {  	v8 =	vmul.f32 v16, v13;
	[tilespmem:s20+$0x15010] =	vst v3;
	v3 =	vmul.f32 v6, v7  }
0x222: {  	v4 =	vmul.f32 v4, v5  }
0x223: {  	v12 =	vmul.f32 $8.999999760e-01, v2;
	v9 =	vld [tilespmem:s19+$0x15000];
	[tilespmem:s21+$0x17010] =	vst v8;
	v3 =	vmul.f32 v3, v6  }
0x224: {  	v8 =	vld [tilespmem:s19+$0x15010];
	v4 =	vsub.f32 $1.500000000e+00, v4  }
0x225: {  	v13 =	vmul.f32 $1.000000010e-01, v2;
	v2 =	vmul.f32 v12, v2;
	[tilespmem:s20+$0x1D000] =	vst v12;
	v3 =	vsub.f32 $1.500000000e+00, v3  }
0x226: {  	[tilespmem:s20+$0x1D010] =	vst v12;
	v4 =	vmul.f32 v4, v5  }
0x227: {  	[tilespmem:s20+$0x14000] =	vst v2;
	v5 =	vmul.f32 v13, v11;
	v3 =	vmul.f32 v3, v6  }
0x228: {  	[tilespmem:s20+$0x14010] =	vst v2;
	v6 =	vmul.f32 v4, v9  }
0x229: {  	[tilespmem:s20+$0x17000] =	vst v5;
	v5 =	vmul.f32 v4, v8;
	v2 =	vmul.f32 v3, v7  }
0x22a: {  	[tilespmem:s19+$0x15000] =	vst v6;
	v6 =	vmul.f32 v13, v10  }
0x22b: {  	[tilespmem:s19+$0x15010] =	vst v5;
	v2 =	vmul.f32 v2, v3  }
0x22c: {  	v7 =	vmul.f32 $8.999999760e-01, v4;
	v5 =	vld [tilespmem:s2+$0x15000];
	[tilespmem:s20+$0x17010] =	vst v6  }
0x22d: {  	v2 =	vsub.f32 $1.500000000e+00, v2;
	v6 =	vld [tilespmem:s2+$0x15010]  }
0x22e: {  	v10 =	vmul.f32 $1.000000010e-01, v4;
	v4 =	vmul.f32 v7, v4;
	[tilespmem:s19+$0x1D000] =	vst v7  }
0x22f: {  	[tilespmem:s19+$0x1D010] =	vst v7;
	v2 =	vmul.f32 v2, v3  }
0x230: {  	[tilespmem:s19+$0x14000] =	vst v4;
	v3 =	vmul.f32 v10, v9  }
0x231: {  	[tilespmem:s19+$0x14010] =	vst v4;
	v7 =	vmul.f32 v2, v5  }
0x232: {  	[tilespmem:s19+$0x17000] =	vst v3;
	v3 =	vmul.f32 v2, v6  }
0x233: {  	v4 =	vmul.f32 v10, v8;
	[tilespmem:s2+$0x15000] =	vst v7  }
0x234: {  	[tilespmem:s2+$0x15010] =	vst v3;
	v3 =	vmul.f32 $8.999999760e-01, v2  }
0x235: {  	[tilespmem:s19+$0x17010] =	vst v4  }
0x236: {  	v4 =	vmul.f32 $1.000000010e-01, v2;
	v2 =	vmul.f32 v3, v2;
	[tilespmem:s2+$0x1D000] =	vst v3  }
0x237: {  	[tilespmem:s2+$0x1D010] =	vst v3  }
0x238: {  	v5 =	vmul.f32 v4, v5;
	[tilespmem:s2+$0x14000] =	vst v2  }
0x239: {  	v3 =	vmul.f32 v4, v6;
	[tilespmem:s2+$0x14010] =	vst v2  }
0x23a: {  	[tilespmem:s2+$0x17000] =	vst v5  }
0x23b: {  	s12 =	simm.s32 $0x0;
	s19 =	rddreg [dreg:$0x10];
	[tilespmem:s2+$0x17010] =	vst v3  }
0x23c: {  	[hbm4b:s19+s12] =	stream.linear.scatter [tilespmem:s25], [sflag:$0x7], $0x1000, $0x38;
	[tilespmem:$0x1E000] =	vst v63  }
0x23d: {  	_ =	swait.ge [sflag:s1], $0x1000  }
0x23e: {  	[sflag:s1] =	ssyncset.done $0x0  }
0x23f: {  	s20 =	rddreg [dreg:$0x13];
	[sflag:s1] =	ssyncadd.s32 $0xFFFFF000  }
0x240: {  	[hbm4b:s20+s12] =	stream.linear.scatter [tilespmem:s4], [sflag:$0x7], $0x1000, $0x38;
	[tilespmem:$0x1E000] =	vst v63  }
0x241: {  	_ =	swait.ge [sflag:s1], $0x1000  }
0x242: {  	[sflag:s1] =	ssyncset.done $0x0  }
0x243: {  	s21 =	rddreg [dreg:$0x18];
	[sflag:s1] =	ssyncadd.s32 $0xFFFFF000  }
0x244: {  	[hbm4b:s21+s12] =	stream.linear.scatter [tilespmem:s7], [sflag:$0x7], $0x1000, $0x38;
	[tilespmem:$0x1E000] =	vst v63  }
0x245: {  	_ =	swait.ge [sflag:s1], $0x1000  }
0x246: {  	[sflag:s1] =	ssyncset.done $0x0  }
0x247: {  	[sflag:s1] =	ssyncadd.s32 $0xFFFFF000  }
0x248: {  	[spmem:s23] =	stream.linear.scatter [tilespmem:s31], [sflag:$0x7], $0x1000, $0x38;
	[tilespmem:$0x1E000] =	vst v63  }
0x249: {  	_ =	swait.ge [sflag:s1], $0x1000  }
0x24a: {  	[sflag:s1] =	ssyncset.done $0x0  }
0x24b: {  	[sflag:s1] =	ssyncadd.s32 $0xFFFFF000  }
0x24c: {  	[spmem:s14] =	stream.linear.scatter [tilespmem:s31], [sflag:$0x7], $0x1000, $0x38;
	[tilespmem:$0x1E000] =	vst v63  }
0x24d: {  	_ =	swait.ge [sflag:s1], $0x1000  }
0x24e: {  	[sflag:s1] =	ssyncset.done $0x0  }
0x24f: {  	[sflag:s1] =	ssyncadd.s32 $0xFFFFF000  }
0x250: {  	[tilespmem:s30], [sflag:$0x7] =	stream.linear.gather [spmem:s24], $0x1000, $0x38;
	[tilespmem:$0x1E000] =	vst v63  }
0x251: {  	_ =	swait.ge [sflag:s1], $0x1000  }
0x252: {  	[sflag:s1] =	ssyncset.done $0x0  }
0x253: {  	s22 =	rddreg [dreg:$0x11];
	[sflag:s1] =	ssyncadd.s32 $0xFFFFF000  }
0x254: {  	[tilespmem:s31], [sflag:$0x7] =	stream.linear.gather [hbm4b:s22+s12], $0x1000, $0x38;
	[tilespmem:$0x1E000] =	vst v63  }
0x255: {  	_ =	swait.ge [sflag:s1], $0x1000  }
0x256: {  	[sflag:s1] =	ssyncset.done $0x0  }
0x257: {  	s6 =	simm.s32 $0x0;
	[sflag:s1] =	ssyncadd.s32 $0xFFFFF000  }
0x258: {  	v2 =	vld [tilespmem:s6+$0x1C000];
	_ =	sdelay $0x4  }
0x259: {  	v2 =	vadd.f32 $1.000000000e+00, v2;
	_ =	sdelay $0x1  }
0x25a: {  	v3 =	vmul.f32 $5.000000000e-01, v2;
	v2 =	vshra.s32 v2, $0x1  }
0x25b: {  	s22 =	simm.s32 $0x20;
	v2 =	vsub.s32 $0x5F3759DF, v2  }
0x25c: {  	v5 =	vld [tilespmem:s22+$0x1C000];
	v4 =	vmul.f32 v2, v3;
	_ =	sdelay $0x1  }
0x25d: {  	v4 =	vmul.f32 v2, v4;
	_ =	sdelay $0x1  }
0x25e: {  	v4 =	vsub.f32 $1.500000000e+00, v4  }
0x25f: {  	v5 =	vadd.f32 $1.000000000e+00, v5  }
0x260: {  	v2 =	vmul.f32 v2, v4  }
0x261: {  	v4 =	vmul.f32 $5.000000000e-01, v5;
	v5 =	vshra.s32 v5, $0x1  }
0x262: {  	s21 =	simm.s32 $0x40;
	v5 =	vsub.s32 $0x5F3759DF, v5;
	v6 =	vmul.f32 v2, v3  }
0x263: {  	v7 =	vld [tilespmem:s21+$0x1C000];
	v8 =	vmul.f32 v5, v4  }
0x264: {  	v6 =	vmul.f32 v6, v2  }
0x265: {  	v8 =	vmul.f32 v5, v8  }
0x266: {  	v6 =	vsub.f32 $1.500000000e+00, v6  }
0x267: {  	v8 =	vsub.f32 $1.500000000e+00, v8  }
0x268: {  	v2 =	vmul.f32 v6, v2;
	v6 =	vadd.f32 $1.000000000e+00, v7  }
0x269: {  	s20 =	simm.s32 $0x60;
	v5 =	vmul.f32 v5, v8  }
0x26a: {  	v7 =	vld [tilespmem:s20+$0x1C000];
	v3 =	vmul.f32 v2, v3;
	v13 =	vmul.f32 $5.000000000e-01, v6;
	v6 =	vshra.s32 v6, $0x1  }
0x26b: {  	v8 =	vmul.f32 v5, v4;
	v6 =	vsub.s32 $0x5F3759DF, v6  }
0x26c: {  	v3 =	vmul.f32 v3, v2;
	v9 =	vmul.f32 v6, v13  }
0x26d: {  	v10 =	vld [tilespmem:s6+$0x15000];
	v8 =	vmul.f32 v8, v5  }
0x26e: {  	v11 =	vsub.f32 $1.500000000e+00, v3;
	v3 =	vld [tilespmem:s6+$0x15010];
	v9 =	vmul.f32 v6, v9  }
0x26f: {  	v7 =	vadd.f32 $1.000000000e+00, v7;
	v8 =	vsub.f32 $1.500000000e+00, v8  }
0x270: {  	v12 =	vmul.f32 v11, v2;
	v9 =	vsub.f32 $1.500000000e+00, v9  }
0x271: {  	s19 =	simm.s32 $0x80;
	v2 =	vmul.f32 $5.000000000e-01, v7;
	v8 =	vmul.f32 v8, v5  }
0x272: {  	v14 =	vld [tilespmem:s19+$0x1C000];
	v5 =	vmul.f32 v12, v10;
	v9 =	vmul.f32 v6, v9  }
0x273: {  	v6 =	vshra.s32 v7, $0x1;
	v4 =	vmul.f32 v8, v4;
	v7 =	vmul.f32 v12, v3  }
0x274: {  	v11 =	vmul.f32 $1.000000010e-01, v12;
	v15 =	vsub.s32 $0x5F3759DF, v6;
	[tilespmem:s6+$0x15000] =	vst v5;
	v5 =	vmul.f32 v9, v13  }
0x275: {  	v16 =	vmul.f32 v15, v2;
	v4 =	vmul.f32 v4, v8;
	[tilespmem:s6+$0x15010] =	vst v7  }
0x276: {  	v7 =	vmul.f32 $8.999999760e-01, v12;
	v6 =	vld [tilespmem:s22+$0x15000];
	v17 =	vmul.f32 v5, v9  }
0x277: {  	v14 =	vadd.f32 $1.000000000e+00, v14;
	v5 =	vld [tilespmem:s22+$0x15010];
	v16 =	vmul.f32 v15, v16;
	v4 =	vsub.f32 $1.500000000e+00, v4  }
0x278: {  	v10 =	vmul.f32 v11, v10;
	v18 =	vmul.f32 v7, v12;
	[tilespmem:s6+$0x1D000] =	vst v7;
	v12 =	vsub.f32 $1.500000000e+00, v17  }
0x279: {  	[tilespmem:s6+$0x1D010] =	vst v7;
	v7 =	vsub.f32 $1.500000000e+00, v16;
	v8 =	vmul.f32 v4, v8  }
0x27a: {  	[tilespmem:s6+$0x17000] =	vst v10;
	v4 =	vmul.f32 $5.000000000e-01, v14;
	v9 =	vmul.f32 v12, v9  }
0x27b: {  	s2 =	simm.s32 $0xA0;
	[tilespmem:s6+$0x14000] =	vst v18;
	v7 =	vmul.f32 v15, v7;
	v12 =	vmul.f32 v8, v6  }
0x27c: {  	s12 =	simm.s32 $0x300;
	v10 =	vld [tilespmem:s2+$0x1C000];
	v15 =	vshra.s32 v14, $0x1;
	[tilespmem:s6+$0x14010] =	vst v18;
	v14 =	vmul.f32 v8, v5;
	v13 =	vmul.f32 v9, v13  }
.LBB2_18:
0x27d: {  	p0 =	sne.s32 s12, $0x3F80;
	v15 =	vsub.s32 $0x5F3759DF, v15;
	v16 =	vmul.f32 v7, v2;
	[tilespmem:s22+$0x15000] =	vst v12;
	v11 =	vmul.f32 v11, v3;
	v3 =	vmovc v5  }
0x27e: {  	v17 =	vmov v4;
	v5 =	vmul.f32 v15, v4;
	v12 =	vmul.f32 v13, v9;
	[tilespmem:s22+$0x15010] =	vst v14  }
0x27f: {  	v14 =	vmul.f32 $8.999999760e-01, v8;
	v4 =	vmul.f32 v16, v7;
	v13 =	vld [tilespmem:s21+$0x15000];
	[tilespmem:s6+$0x17010] =	vst v11;
	s6 =	smov.u32 s22;
	s22 =	smov.u32 s21;
	s21 =	smov.u32 s20  }
0x280: {  	v11 =	vmul.f32 $1.000000010e-01, v8;
	s20 =	smov.u32 s19;
	s19 =	smov.u32 s2;
	v16 =	vmul.f32 v15, v5;
	v12 =	vsub.f32 $1.500000000e+00, v12;
	v5 =	vld [tilespmem:s22+$0x15010]  }
.Ltmp8:
0x281: {  	v19 =	vmul.f32 v14, v8;
	v18 =	vadd.f32 $1.000000000e+00, v10;
	v10 =	vsub.f32 $1.500000000e+00, v4;
	[tilespmem:s6+$0x1D000] =	vst v14;
	(pc) =	sbr.rel @p0 .LBB2_18-.Ltmp8, $4  }
0x282: {  	v20 =	vmul.f32 v11, v6;
	v16 =	vsub.f32 $1.500000000e+00, v16;
	v8 =	vmul.f32 v12, v9;
	[tilespmem:s6+$0x1D010] =	vst v14  }
0x283: {  	v4 =	vmul.f32 $5.000000000e-01, v18;
	v9 =	vmul.f32 v10, v7;
	[tilespmem:s6+$0x14000] =	vst v19  }
0x284: {  	s2 =	sshra.s32 s12, $0x2;
	v7 =	vmul.f32 v15, v16;
	v12 =	vmul.f32 v8, v13;
	[tilespmem:s6+$0x17000] =	vst v20;
	v6 =	vmov v13  }
0x285: {  	s12 =	sadd.s32 $0x80, s12;
	v15 =	vshra.s32 v18, $0x1;
	v10 =	vld [tilespmem:s2+$0x1C000];
	v13 =	vmul.f32 v9, v2;
	v14 =	vmul.f32 v8, v5;
	[tilespmem:s6+$0x14010] =	vst v19;
	v2 =	vmovc v17  }
0x286: {  	[tilespmem:s22+$0x15000] =	vst v12;
	v3 =	vmul.f32 v11, v3  }
0x287: {  	v31 =	vsub.s32 $0x5F3759DF, v15;
	v32 =	vmul.f32 v7, v2;
	[tilespmem:s22+$0x15010] =	vst v14;
	v13 =	vmul.f32 v13, v9  }
0x288: {  	v16 =	vmul.f32 $8.999999760e-01, v8;
	v15 =	vmul.f32 v31, v4;
	v14 =	vld [tilespmem:s21+$0x15000];
	[tilespmem:s6+$0x17010] =	vst v3  }
0x289: {  	v17 =	vmul.f32 $1.000000010e-01, v8;
	v3 =	vmul.f32 v32, v7;
	v33 =	vsub.f32 $1.500000000e+00, v13;
	v34 =	vld [tilespmem:s21+$0x15010]  }
0x28a: {  	v35 =	vmul.f32 v16, v8;
	v15 =	vmul.f32 v31, v15;
	[tilespmem:s22+$0x1D000] =	vst v16  }
0x28b: {  	v6 =	vmul.f32 v17, v6;
	[tilespmem:s22+$0x1D010] =	vst v16;
	v3 =	vsub.f32 $1.500000000e+00, v3;
	v36 =	vmul.f32 v33, v9  }
0x28c: {  	v5 =	vmul.f32 v17, v5;
	[tilespmem:s22+$0x14000] =	vst v35;
	v37 =	vsub.f32 $1.500000000e+00, v15  }
0x28d: {  	[tilespmem:s22+$0x17000] =	vst v6;
	v39 =	vadd.f32 $1.000000000e+00, v10;
	v3 =	vmul.f32 v3, v7;
	v38 =	vmul.f32 v36, v14  }
0x28e: {  	[tilespmem:s22+$0x14010] =	vst v35;
	v41 =	vmul.f32 v31, v37;
	v40 =	vmul.f32 v36, v34  }
0x28f: {  	v42 =	vmul.f32 $5.000000000e-01, v39;
	v6 =	vshra.s32 v39, $0x1;
	v2 =	vmul.f32 v3, v2;
	[tilespmem:s21+$0x15000] =	vst v38  }
0x290: {  	v6 =	vsub.s32 $0x5F3759DF, v6;
	v43 =	vmul.f32 v41, v4;
	[tilespmem:s21+$0x15010] =	vst v40  }
0x291: {  	v45 =	vmul.f32 v6, v42;
	v2 =	vmul.f32 v2, v3;
	v44 =	vld [tilespmem:s20+$0x15000];
	[tilespmem:s22+$0x17010] =	vst v5  }
0x292: {  	v46 =	vmul.f32 $8.999999760e-01, v36;
	v47 =	vmul.f32 v43, v41;
	v48 =	vld [tilespmem:s20+$0x15010]  }
0x293: {  	v49 =	vmul.f32 $1.000000010e-01, v36;
	v12 =	vmul.f32 v6, v45;
	v2 =	vsub.f32 $1.500000000e+00, v2  }
0x294: {  	v9 =	vmul.f32 v46, v36;
	[tilespmem:s21+$0x1D000] =	vst v46;
	v5 =	vsub.f32 $1.500000000e+00, v47  }
0x295: {  	[tilespmem:s21+$0x1D010] =	vst v46;
	v12 =	vsub.f32 $1.500000000e+00, v12;
	v2 =	vmul.f32 v2, v3;
	v3 =	vmul.f32 v49, v14  }
0x296: {  	[tilespmem:s21+$0x14000] =	vst v9;
	v5 =	vmul.f32 v5, v41  }
0x297: {  	v6 =	vmul.f32 v6, v12;
	[tilespmem:s21+$0x17000] =	vst v3;
	v3 =	vmul.f32 v2, v48  }
0x298: {  	[tilespmem:s21+$0x14010] =	vst v9;
	v50 =	vmul.f32 v2, v44;
	v51 =	vmul.f32 v5, v4  }
0x299: {  	v52 =	vmul.f32 v49, v34;
	[tilespmem:s20+$0x15010] =	vst v3;
	v3 =	vmul.f32 v6, v42  }
0x29a: {  	[tilespmem:s20+$0x15000] =	vst v50;
	v4 =	vmul.f32 v51, v5  }
0x29b: {  	v53 =	vmul.f32 $8.999999760e-01, v2;
	v9 =	vld [tilespmem:s19+$0x15000];
	[tilespmem:s21+$0x17010] =	vst v52;
	v3 =	vmul.f32 v3, v6  }
0x29c: {  	v54 =	vmul.f32 $1.000000010e-01, v2;
	v4 =	vsub.f32 $1.500000000e+00, v4;
	v8 =	vld [tilespmem:s19+$0x15010]  }
0x29d: {  	v2 =	vmul.f32 v53, v2;
	[tilespmem:s20+$0x1D000] =	vst v53;
	v3 =	vsub.f32 $1.500000000e+00, v3  }
0x29e: {  	v55 =	vmul.f32 v54, v44;
	[tilespmem:s20+$0x1D010] =	vst v53;
	v4 =	vmul.f32 v4, v5  }
0x29f: {  	[tilespmem:s20+$0x14000] =	vst v2;
	v3 =	vmul.f32 v3, v6  }
0x2a0: {  	[tilespmem:s20+$0x17000] =	vst v55;
	v56 =	vmul.f32 v4, v9  }
0x2a1: {  	[tilespmem:s20+$0x14010] =	vst v2;
	v57 =	vmul.f32 v4, v8;
	v2 =	vmul.f32 v3, v42  }
0x2a2: {  	v58 =	vmul.f32 v54, v48;
	[tilespmem:s19+$0x15000] =	vst v56  }
0x2a3: {  	[tilespmem:s19+$0x15010] =	vst v57;
	v2 =	vmul.f32 v2, v3  }
0x2a4: {  	v59 =	vmul.f32 $8.999999760e-01, v4;
	v5 =	vld [tilespmem:s2+$0x15000];
	[tilespmem:s20+$0x17010] =	vst v58  }
0x2a5: {  	v6 =	vld [tilespmem:s2+$0x15010];
	v2 =	vsub.f32 $1.500000000e+00, v2  }
0x2a6: {  	v60 =	vmul.f32 $1.000000010e-01, v4;
	v4 =	vmul.f32 v59, v4;
	[tilespmem:s19+$0x1D000] =	vst v59  }
0x2a7: {  	[tilespmem:s19+$0x1D010] =	vst v59;
	v2 =	vmul.f32 v2, v3  }
0x2a8: {  	[tilespmem:s19+$0x14000] =	vst v4;
	v3 =	vmul.f32 v60, v9  }
0x2a9: {  	[tilespmem:s19+$0x14010] =	vst v4;
	v61 =	vmul.f32 v2, v5  }
0x2aa: {  	[tilespmem:s19+$0x17000] =	vst v3;
	v3 =	vmul.f32 v2, v6  }
0x2ab: {  	v62 =	vmul.f32 v60, v8;
	[tilespmem:s2+$0x15000] =	vst v61  }
0x2ac: {  	v63 =	vmul.f32 $1.000000010e-01, v2;
	[tilespmem:s2+$0x15010] =	vst v3;
	v3 =	vmul.f32 $8.999999760e-01, v2  }
0x2ad: {  	[tilespmem:s19+$0x17010] =	vst v62  }
0x2ae: {  	v5 =	vmul.f32 v63, v5;
	[tilespmem:s2+$0x1D000] =	vst v3  }
0x2af: {  	v2 =	vmul.f32 v3, v2;
	[tilespmem:s2+$0x1D010] =	vst v3  }
0x2b0: {  	[tilespmem:s2+$0x17000] =	vst v5  }
0x2b1: {  	v3 =	vmul.f32 v63, v6;
	[tilespmem:s2+$0x14000] =	vst v2  }
0x2b2: {  	[tilespmem:s2+$0x14010] =	vst v2  }
0x2b3: {  	s20 =	rddreg [dreg:$0x12];
	s19 =	simm.s32 $0x0;
	[tilespmem:s2+$0x17010] =	vst v3  }
0x2b4: {  	[hbm4b:s20+s19] =	stream.linear.scatter [tilespmem:s25], [sflag:$0x7], $0x1000, $0x38;
	[tilespmem:$0x1E000] =	vst v63  }
0x2b5: {  	_ =	swait.ge [sflag:s1], $0x1000  }
0x2b6: {  	[sflag:s1] =	ssyncset.done $0x0  }
0x2b7: {  	s21 =	rddreg [dreg:$0x14];
	[sflag:s1] =	ssyncadd.s32 $0xFFFFF000  }
0x2b8: {  	[hbm4b:s21+s19] =	stream.linear.scatter [tilespmem:s4], [sflag:$0x7], $0x1000, $0x38;
	[tilespmem:$0x1E000] =	vst v63  }
0x2b9: {  	_ =	swait.ge [sflag:s1], $0x1000  }
0x2ba: {  	[sflag:s1] =	ssyncset.done $0x0  }
0x2bb: {  	s22 =	rddreg [dreg:$0x19];
	[sflag:s1] =	ssyncadd.s32 $0xFFFFF000  }
0x2bc: {  	[hbm4b:s22+s19] =	stream.linear.scatter [tilespmem:s7], [sflag:$0x7], $0x1000, $0x38;
	[tilespmem:$0x1E000] =	vst v63  }
0x2bd: {  	_ =	swait.ge [sflag:s1], $0x1000  }
0x2be: {  	[sflag:s1] =	ssyncset.done $0x0  }
0x2bf: {  	[sflag:s1] =	ssyncadd.s32 $0xFFFFF000  }
0x2c0: {  	[spmem:s28] =	stream.linear.scatter [tilespmem:s31], [sflag:$0x7], $0x1000, $0x38;
	[tilespmem:$0x1E000] =	vst v63  }
0x2c1: {  	_ =	swait.ge [sflag:s1], $0x1000  }
0x2c2: {  	[sflag:s1] =	ssyncset.done $0x0  }
0x2c3: {  	[sflag:s1] =	ssyncadd.s32 $0xFFFFF000  }
0x2c4: {  	[spmem:s24] =	stream.linear.scatter [tilespmem:s31], [sflag:$0x7], $0x1000, $0x38;
	[tilespmem:$0x1E000] =	vst v63  }
0x2c5: {  	_ =	swait.ge [sflag:s1], $0x1000  }
0x2c6: {  	[sflag:s1] =	ssyncset.done $0x0  }
0x2c7: {  	[sflag:s1] =	ssyncadd.s32 $0xFFFFF000  }
0x2c8: {  	[bflag:$0x0] =	sbarrier.arrive $0xFFFF  }
0x2c9: {  	s20 =	rddreg [dreg:$0x7]  }
0x2ca: {  	s21 =	rddreg [dreg:$0xa]  }
0x2cb: {  	s22 =	rddreg [dreg:$0xd]  }
.LBB2_20:
0x2cc: {  	s2 =	simm.s32 $0xA000  }
0x2cd: {  	[tilespmem:s16], [sflag:$0x1] =	stream.indirect.gather [spmem:s29], $0x20, s2, s11, $0xb8;
	[tilespmem:$0x1E000] =	vst v63  }
0x2ce: {  	_ =	swait.ge [sflag:s10], $0x2000  }
0x2cf: {  	[sflag:s10] =	ssyncset.done $0x0  }
0x2d0: {  	s6 =	simm.s32 $0xA100;
	[sflag:s10] =	ssyncadd.s32 $0xFFFFE000  }
0x2d1: {  	[tilespmem:s13], [sflag:$0x2] =	stream.indirect.gather [spmem:s29], $0x20, s6, s11, $0xb8;
	[tilespmem:$0x1E000] =	vst v63  }
0x2d2: {  	s12 =	simm.s32 $0xF000  }
0x2d3: {  	[spmem:s26] =	stream.indirect.scatter.add.f32 [tilespmem:s16], [sflag:$0x3], $0x20, s12, s11, $0xb8;
	[tilespmem:$0x1E000] =	vst v63  }
0x2d4: {  	_ =	swait.ge [sflag:s15], $0x2000  }
0x2d5: {  	[sflag:s15] =	ssyncset.done $0x0  }
0x2d6: {  	[sflag:s15] =	ssyncadd.s32 $0xFFFFE000  }
0x2d7: {  	_ =	swait.ge [sflag:s17], $0x2000  }
0x2d8: {  	[sflag:s17] =	ssyncset.done $0x0  }
0x2d9: {  	s6 =	simm.s32 $0xA200;
	[sflag:s17] =	ssyncadd.s32 $0xFFFFE000  }
0x2da: {  	[tilespmem:s16], [sflag:$0x1] =	stream.indirect.gather [spmem:s29], $0x20, s6, s11, $0xb8;
	[tilespmem:$0x1E000] =	vst v63  }
0x2db: {  	s2 =	simm.s32 $0xFFFED000;
	s12 =	simm.s32 $0xF100  }
0x2dc: {  	[spmem:s26] =	stream.indirect.scatter.add.f32 [tilespmem:s13], [sflag:$0x4], $0x20, s12, s11, $0xb8;
	[tilespmem:$0x1E000] =	vst v63  }
.LBB2_21:
0x2dd: {  	_ =	swait.ge [sflag:s10], $0x2000  }
0x2de: {  	[sflag:s10] =	ssyncset.done $0x0  }
0x2df: {  	[sflag:s10] =	ssyncadd.s32 $0xFFFFE000  }
0x2e0: {  	_ =	swait.ge [sflag:s18], $0x2000  }
0x2e1: {  	s6 =	sshra.s32 s2, $0x2;
	[sflag:s18] =	ssyncset.done $0x0  }
0x2e2: {  	s12 =	sadd.s32 $0xEF00, s6;
	[sflag:s18] =	ssyncadd.s32 $0xFFFFE000  }
0x2e3: {  	[tilespmem:s13], [sflag:$0x2] =	stream.indirect.gather [spmem:s29], $0x20, s12, s11, $0xb8;
	[tilespmem:$0x1E000] =	vst v63  }
0x2e4: {  	s12 =	sadd.s32 $0x13E00, s6  }
0x2e5: {  	[spmem:s26] =	stream.indirect.scatter.add.f32 [tilespmem:s16], [sflag:$0x3], $0x20, s12, s11, $0xb8;
	[tilespmem:$0x1E000] =	vst v63  }
0x2e6: {  	p0 =	seq.s32 s2, $0x0;
	_ =	swait.ge [sflag:s15], $0x2000  }
.Ltmp9:
0x2e7: {  	[sflag:s15] =	ssyncset.done $0x0;
	(pc) =	sbr.rel @p0 .LBB2_23-.Ltmp9, $4  }
0x2e8: {  	[sflag:s15] =	ssyncadd.s32 $0xFFFFE000  }
0x2e9: {  	_ =	swait.ge [sflag:s17], $0x2000  }
0x2ea: {  	[sflag:s17] =	ssyncset.done $0x0  }
0x2eb: {  	s12 =	sadd.s32 $0x13F00, s6;
	[sflag:s17] =	ssyncadd.s32 $0xFFFFE000  }
.Ltmp10:
0x2ec: {  	(pc) =	sbr.rel .LBB2_21-.Ltmp10, $4  }
0x2ed: {  	s6 =	sadd.s32 $0xF000, s6  }
0x2ee: {  	[tilespmem:s16], [sflag:$0x1] =	stream.indirect.gather [spmem:s29], $0x20, s6, s11, $0xb8;
	[tilespmem:$0x1E000] =	vst v63  }
0x2ef: {  	s2 =	sadd.s32 $0x800, s2  }
0x2f0: {  	[spmem:s26] =	stream.indirect.scatter.add.f32 [tilespmem:s13], [sflag:$0x4], $0x20, s12, s11, $0xb8;
	[tilespmem:$0x1E000] =	vst v63  }
.LBB2_23:
0x2f1: {  	[spmem:s26] =	stream.indirect.scatter.add.f32 [tilespmem:s13], [sflag:$0x4], $0x20, s12, s11, $0xb8;
	[tilespmem:$0x1E000] =	vst v63  }
0x2f2: {  	_ =	swait.ge [sflag:s18], $0x2000  }
0x2f3: {  	[sflag:s18] =	ssyncset.done $0x0  }
0x2f4: {  	[sflag:s18] =	ssyncadd.s32 $0xFFFFE000  }
0x2f5: {  	s2 =	simm.s32 $0x0;
	[bflag:$0x0] =	sbarrier.arrive $0xFFFF  }
0x2f6: {  	[tilespmem:s25], [sflag:$0x5] =	stream.linear.gather [hbm4b:s20+s2], $0x1000, $0x38;
	[tilespmem:$0x1E000] =	vst v63  }
0x2f7: {  	s6 =	rddreg [dreg:$0x15]  }
0x2f8: {  	[tilespmem:s31], [sflag:$0x5] =	stream.linear.gather [hbm4b:s6+s2], $0x1000, $0x38;
	[tilespmem:$0x1E000] =	vst v63  }
0x2f9: {  	_ = 	snop  }
0x2fa: {  	[tilespmem:s30], [sflag:$0x7] =	stream.linear.gather [spmem:s0], $0x1000, $0x38;
	[tilespmem:$0x1E000] =	vst v63  }
0x2fb: {  	_ =	swait.ge [sflag:s1], $0x1000  }
0x2fc: {  	[sflag:s1] =	ssyncset.done $0x0  }
0x2fd: {  	[sflag:s1] =	ssyncadd.s32 $0xFFFFF000  }
0x2fe: {  	_ =	swait.ge [sflag:s5], $0x1000  }
0x2ff: {  	[sflag:s5] =	ssyncset.done $0x0  }
0x300: {  	[sflag:s5] =	ssyncadd.s32 $0xFFFFF000  }
0x301: {  	_ =	swait.ge [sflag:s5], $0x1000  }
0x302: {  	[sflag:s5] =	ssyncset.done $0x0  }
0x303: {  	s12 =	simm.s32 $0x16000;
	[sflag:s5] =	ssyncadd.s32 $0xFFFFF000  }
0x304: {  	[tilespmem:s12], [sflag:$0x6] =	stream.linear.gather [hbm4b:s21+s2], $0x1000, $0x38;
	[tilespmem:$0x1E000] =	vst v63  }
0x305: {  	s12 =	rddreg [dreg:$0x16]  }
0x306: {  	[tilespmem:s7], [sflag:$0x6] =	stream.linear.gather [hbm4b:s12+s2], $0x1000, $0x38;
	[tilespmem:$0x1E000] =	vst v63  }
0x307: {  	s2 =	simm.s32 $0x0  }
0x308: {  	v2 =	vld [tilespmem:s2+$0x14000]  }
0x309: {  	v3 =	vld [tilespmem:s2+$0x14010]  }
0x30a: {  	s6 =	simm.s32 $0x80;
	v4 =	vld [tilespmem:s2+$0x1C000]  }
.LBB2_24:
0x30b: {  	p0 =	sne.s32 s6, $0x3F80;
	v5 =	vld [tilespmem:s2+$0x1C010]  }
0x30c: {  	v6 =	vld [tilespmem:s2+$0x15000]  }
0x30d: {  	v7 =	vld [tilespmem:s2+$0x15010];
	_ =	sdelay $0x1  }
0x30e: {  	v2 =	vmul.f32 v4, v2  }
.Ltmp11:
0x30f: {  	v3 =	vmul.f32 v5, v3;
	(pc) =	sbr.rel @p0 .LBB2_24-.Ltmp11, $4  }
0x310: {  	s12 =	sshra.s32 s6, $0x2;
	v4 =	vadd.f32 v6, v2  }
0x311: {  	v2 =	vld [tilespmem:s12+$0x14000];
	v5 =	vadd.f32 v7, v3  }
0x312: {  	v3 =	vld [tilespmem:s12+$0x14010];
	[tilespmem:s2+$0x1C000] =	vst v4  }
0x313: {  	s6 =	sadd.s32 $0x80, s6;
	v4 =	vld [tilespmem:s12+$0x1C000];
	[tilespmem:s2+$0x1C010] =	vst v5;
	s2 =	smov.u32 s12  }
0x314: {  	v5 =	vld [tilespmem:s2+$0x1C010]  }
0x315: {  	v6 =	vld [tilespmem:s2+$0x15000]  }
0x316: {  	v7 =	vld [tilespmem:s2+$0x15010];
	_ =	sdelay $0x1  }
0x317: {  	v2 =	vmul.f32 v4, v2  }
0x318: {  	v3 =	vmul.f32 v5, v3  }
0x319: {  	v2 =	vadd.f32 v6, v2  }
0x31a: {  	s6 =	sld [smem:$0x7FA];
	v3 =	vadd.f32 v7, v3  }
0x31b: {  	[tilespmem:s2+$0x1C000] =	vst v2  }
0x31c: {  	[tilespmem:s2+$0x1C010] =	vst v3  }
0x31d: {  	[spmem:s6] =	stream.linear.scatter [tilespmem:s30], [sflag:$0x7], $0x1000, $0x38;
	[tilespmem:$0x1E000] =	vst v63  }
0x31e: {  	_ =	swait.ge [sflag:s1], $0x1000  }
0x31f: {  	[sflag:s1] =	ssyncset.done $0x0  }
0x320: {  	[sflag:s1] =	ssyncadd.s32 $0xFFFFF000  }
0x321: {  	[spmem:s0] =	stream.linear.scatter [tilespmem:s30], [sflag:$0x7], $0x1000, $0x38;
	[tilespmem:$0x1E000] =	vst v63  }
0x322: {  	_ =	swait.ge [sflag:s1], $0x1000  }
0x323: {  	[sflag:s1] =	ssyncset.done $0x0  }
0x324: {  	[sflag:s1] =	ssyncadd.s32 $0xFFFFF000  }
0x325: {  	[tilespmem:s4], [sflag:$0x7] =	stream.linear.gather [spmem:s3], $0x1000, $0x38;
	[tilespmem:$0x1E000] =	vst v63  }
0x326: {  	_ =	swait.ge [sflag:s1], $0x1000  }
0x327: {  	[sflag:s1] =	ssyncset.done $0x0  }
0x328: {  	[sflag:s1] =	ssyncadd.s32 $0xFFFFF000  }
0x329: {  	_ =	swait.ge [sflag:s8], $0x1000  }
0x32a: {  	[sflag:s8] =	ssyncset.done $0x0  }
0x32b: {  	[sflag:s8] =	ssyncadd.s32 $0xFFFFF000  }
0x32c: {  	_ =	swait.ge [sflag:s8], $0x1000  }
0x32d: {  	[sflag:s8] =	ssyncset.done $0x0  }
0x32e: {  	s12 =	simm.s32 $0x0;
	[sflag:s8] =	ssyncadd.s32 $0xFFFFF000  }
0x32f: {  	[tilespmem:s25], [sflag:$0x5] =	stream.linear.gather [hbm4b:s22+s12], $0x1000, $0x38;
	[tilespmem:$0x1E000] =	vst v63  }
0x330: {  	s2 =	simm.s32 $0x0;
	s6 =	rddreg [dreg:$0x17]  }
0x331: {  	[tilespmem:s31], [sflag:$0x5] =	stream.linear.gather [hbm4b:s6+s12], $0x1000, $0x38;
	[tilespmem:$0x1E000] =	vst v63  }
0x332: {  	v2 =	vld [tilespmem:s2+$0x16000]  }
0x333: {  	v3 =	vld [tilespmem:s2+$0x16010]  }
0x334: {  	s6 =	simm.s32 $0x80;
	v4 =	vld [tilespmem:s2+$0x1D000]  }
.LBB2_26:
0x335: {  	p0 =	sne.s32 s6, $0x3F80;
	v5 =	vld [tilespmem:s2+$0x1D010]  }
0x336: {  	v6 =	vld [tilespmem:s2+$0x17000]  }
0x337: {  	v7 =	vld [tilespmem:s2+$0x17010];
	_ =	sdelay $0x1  }
0x338: {  	v2 =	vmul.f32 v4, v2  }
.Ltmp12:
0x339: {  	v3 =	vmul.f32 v5, v3;
	(pc) =	sbr.rel @p0 .LBB2_26-.Ltmp12, $4  }
0x33a: {  	s12 =	sshra.s32 s6, $0x2;
	v4 =	vadd.f32 v6, v2  }
0x33b: {  	v2 =	vld [tilespmem:s12+$0x16000];
	v5 =	vadd.f32 v7, v3  }
0x33c: {  	v3 =	vld [tilespmem:s12+$0x16010];
	[tilespmem:s2+$0x1D000] =	vst v4  }
0x33d: {  	s6 =	sadd.s32 $0x80, s6;
	v4 =	vld [tilespmem:s12+$0x1D000];
	[tilespmem:s2+$0x1D010] =	vst v5;
	s2 =	smov.u32 s12  }
0x33e: {  	v5 =	vld [tilespmem:s2+$0x1D010]  }
0x33f: {  	v6 =	vld [tilespmem:s2+$0x17000]  }
0x340: {  	v7 =	vld [tilespmem:s2+$0x17010];
	_ =	sdelay $0x1  }
0x341: {  	v2 =	vmul.f32 v4, v2  }
0x342: {  	v3 =	vmul.f32 v5, v3  }
0x343: {  	v2 =	vadd.f32 v6, v2  }
0x344: {  	s6 =	sld [smem:$0x7FB];
	v3 =	vadd.f32 v7, v3  }
0x345: {  	[tilespmem:s2+$0x1D000] =	vst v2  }
0x346: {  	[tilespmem:s2+$0x1D010] =	vst v3  }
0x347: {  	[spmem:s6] =	stream.linear.scatter [tilespmem:s4], [sflag:$0x7], $0x1000, $0x38;
	[tilespmem:$0x1E000] =	vst v63  }
0x348: {  	_ =	swait.ge [sflag:s1], $0x1000  }
0x349: {  	[sflag:s1] =	ssyncset.done $0x0  }
0x34a: {  	[sflag:s1] =	ssyncadd.s32 $0xFFFFF000  }
0x34b: {  	[spmem:s3] =	stream.linear.scatter [tilespmem:s4], [sflag:$0x7], $0x1000, $0x38;
	[tilespmem:$0x1E000] =	vst v63  }
0x34c: {  	_ =	swait.ge [sflag:s1], $0x1000  }
0x34d: {  	[sflag:s1] =	ssyncset.done $0x0  }
0x34e: {  	[sflag:s1] =	ssyncadd.s32 $0xFFFFF000  }
0x34f: {  	[tilespmem:s30], [sflag:$0x7] =	stream.linear.gather [spmem:s9], $0x1000, $0x38;
	[tilespmem:$0x1E000] =	vst v63  }
0x350: {  	_ =	swait.ge [sflag:s1], $0x1000  }
0x351: {  	[sflag:s1] =	ssyncset.done $0x0  }
0x352: {  	[sflag:s1] =	ssyncadd.s32 $0xFFFFF000  }
0x353: {  	_ =	swait.ge [sflag:s5], $0x1000  }
0x354: {  	[sflag:s5] =	ssyncset.done $0x0  }
0x355: {  	[sflag:s5] =	ssyncadd.s32 $0xFFFFF000  }
0x356: {  	_ =	swait.ge [sflag:s5], $0x1000  }
0x357: {  	s12 =	simm.s32 $0x16000;
	[sflag:s5] =	ssyncset.done $0x0  }
0x358: {  	s2 =	simm.s32 $0x0;
	s6 =	rddreg [dreg:$0x10];
	[sflag:s5] =	ssyncadd.s32 $0xFFFFF000  }
0x359: {  	[tilespmem:s12], [sflag:$0x6] =	stream.linear.gather [hbm4b:s6+s2], $0x1000, $0x38;
	[tilespmem:$0x1E000] =	vst v63  }
0x35a: {  	s12 =	rddreg [dreg:$0x18]  }
0x35b: {  	[tilespmem:s7], [sflag:$0x6] =	stream.linear.gather [hbm4b:s12+s2], $0x1000, $0x38;
	[tilespmem:$0x1E000] =	vst v63  }
0x35c: {  	s2 =	simm.s32 $0x0  }
0x35d: {  	v2 =	vld [tilespmem:s2+$0x14000]  }
0x35e: {  	v3 =	vld [tilespmem:s2+$0x14010]  }
0x35f: {  	s6 =	simm.s32 $0x80;
	v4 =	vld [tilespmem:s2+$0x1C000]  }
.LBB2_28:
0x360: {  	p0 =	sne.s32 s6, $0x3F80;
	v5 =	vld [tilespmem:s2+$0x1C010]  }
0x361: {  	v6 =	vld [tilespmem:s2+$0x15000]  }
0x362: {  	v7 =	vld [tilespmem:s2+$0x15010];
	_ =	sdelay $0x1  }
0x363: {  	v2 =	vmul.f32 v4, v2  }
.Ltmp13:
0x364: {  	v3 =	vmul.f32 v5, v3;
	(pc) =	sbr.rel @p0 .LBB2_28-.Ltmp13, $4  }
0x365: {  	s12 =	sshra.s32 s6, $0x2;
	v4 =	vadd.f32 v6, v2  }
0x366: {  	v2 =	vld [tilespmem:s12+$0x14000];
	v5 =	vadd.f32 v7, v3  }
0x367: {  	v3 =	vld [tilespmem:s12+$0x14010];
	[tilespmem:s2+$0x1C000] =	vst v4  }
0x368: {  	s6 =	sadd.s32 $0x80, s6;
	v4 =	vld [tilespmem:s12+$0x1C000];
	[tilespmem:s2+$0x1C010] =	vst v5;
	s2 =	smov.u32 s12  }
0x369: {  	v5 =	vld [tilespmem:s2+$0x1C010]  }
0x36a: {  	v6 =	vld [tilespmem:s2+$0x15000]  }
0x36b: {  	v7 =	vld [tilespmem:s2+$0x15010];
	_ =	sdelay $0x1  }
0x36c: {  	v2 =	vmul.f32 v4, v2  }
0x36d: {  	v3 =	vmul.f32 v5, v3  }
0x36e: {  	v2 =	vadd.f32 v6, v2  }
0x36f: {  	s6 =	sld [smem:$0x7FC];
	v3 =	vadd.f32 v7, v3  }
0x370: {  	[tilespmem:s2+$0x1C000] =	vst v2  }
0x371: {  	[tilespmem:s2+$0x1C010] =	vst v3  }
0x372: {  	[spmem:s6] =	stream.linear.scatter [tilespmem:s30], [sflag:$0x7], $0x1000, $0x38;
	[tilespmem:$0x1E000] =	vst v63  }
0x373: {  	_ =	swait.ge [sflag:s1], $0x1000  }
0x374: {  	[sflag:s1] =	ssyncset.done $0x0  }
0x375: {  	[sflag:s1] =	ssyncadd.s32 $0xFFFFF000  }
0x376: {  	[spmem:s9] =	stream.linear.scatter [tilespmem:s30], [sflag:$0x7], $0x1000, $0x38;
	[tilespmem:$0x1E000] =	vst v63  }
0x377: {  	_ =	swait.ge [sflag:s1], $0x1000  }
0x378: {  	[sflag:s1] =	ssyncset.done $0x0  }
0x379: {  	[sflag:s1] =	ssyncadd.s32 $0xFFFFF000  }
0x37a: {  	[tilespmem:s4], [sflag:$0x7] =	stream.linear.gather [spmem:s14], $0x1000, $0x38;
	[tilespmem:$0x1E000] =	vst v63  }
0x37b: {  	_ =	swait.ge [sflag:s1], $0x1000  }
0x37c: {  	[sflag:s1] =	ssyncset.done $0x0  }
0x37d: {  	[sflag:s1] =	ssyncadd.s32 $0xFFFFF000  }
0x37e: {  	_ =	swait.ge [sflag:s8], $0x1000  }
0x37f: {  	[sflag:s8] =	ssyncset.done $0x0  }
0x380: {  	[sflag:s8] =	ssyncadd.s32 $0xFFFFF000  }
0x381: {  	_ =	swait.ge [sflag:s8], $0x1000  }
0x382: {  	[sflag:s8] =	ssyncset.done $0x0  }
0x383: {  	s2 =	simm.s32 $0x0;
	s6 =	rddreg [dreg:$0x12];
	[sflag:s8] =	ssyncadd.s32 $0xFFFFF000  }
0x384: {  	[tilespmem:s25], [sflag:$0x5] =	stream.linear.gather [hbm4b:s6+s2], $0x1000, $0x38;
	[tilespmem:$0x1E000] =	vst v63  }
0x385: {  	s12 =	rddreg [dreg:$0x19]  }
0x386: {  	[tilespmem:s31], [sflag:$0x5] =	stream.linear.gather [hbm4b:s12+s2], $0x1000, $0x38;
	[tilespmem:$0x1E000] =	vst v63  }
0x387: {  	s2 =	simm.s32 $0x0  }
0x388: {  	v2 =	vld [tilespmem:s2+$0x16000]  }
0x389: {  	v3 =	vld [tilespmem:s2+$0x16010]  }
0x38a: {  	s6 =	simm.s32 $0x80;
	v4 =	vld [tilespmem:s2+$0x1D000]  }
.LBB2_30:
0x38b: {  	p0 =	sne.s32 s6, $0x3F80;
	v5 =	vld [tilespmem:s2+$0x1D010]  }
0x38c: {  	v6 =	vld [tilespmem:s2+$0x17000]  }
0x38d: {  	v7 =	vld [tilespmem:s2+$0x17010];
	_ =	sdelay $0x1  }
0x38e: {  	v2 =	vmul.f32 v4, v2  }
.Ltmp14:
0x38f: {  	v3 =	vmul.f32 v5, v3;
	(pc) =	sbr.rel @p0 .LBB2_30-.Ltmp14, $4  }
0x390: {  	s12 =	sshra.s32 s6, $0x2;
	v4 =	vadd.f32 v6, v2  }
0x391: {  	v2 =	vld [tilespmem:s12+$0x16000];
	v5 =	vadd.f32 v7, v3  }
0x392: {  	v3 =	vld [tilespmem:s12+$0x16010];
	[tilespmem:s2+$0x1D000] =	vst v4  }
0x393: {  	s6 =	sadd.s32 $0x80, s6;
	v4 =	vld [tilespmem:s12+$0x1D000];
	[tilespmem:s2+$0x1D010] =	vst v5;
	s2 =	smov.u32 s12  }
0x394: {  	v5 =	vld [tilespmem:s2+$0x1D010]  }
0x395: {  	v6 =	vld [tilespmem:s2+$0x17000]  }
0x396: {  	v7 =	vld [tilespmem:s2+$0x17010];
	_ =	sdelay $0x1  }
0x397: {  	v2 =	vmul.f32 v4, v2  }
0x398: {  	v3 =	vmul.f32 v5, v3  }
0x399: {  	v2 =	vadd.f32 v6, v2  }
0x39a: {  	v3 =	vadd.f32 v7, v3  }
0x39b: {  	[tilespmem:s2+$0x1D000] =	vst v2  }
0x39c: {  	[tilespmem:s2+$0x1D010] =	vst v3  }
0x39d: {  	[spmem:s23] =	stream.linear.scatter [tilespmem:s4], [sflag:$0x7], $0x1000, $0x38;
	[tilespmem:$0x1E000] =	vst v63  }
0x39e: {  	_ =	swait.ge [sflag:s1], $0x1000  }
0x39f: {  	[sflag:s1] =	ssyncset.done $0x0  }
0x3a0: {  	[sflag:s1] =	ssyncadd.s32 $0xFFFFF000  }
0x3a1: {  	[spmem:s14] =	stream.linear.scatter [tilespmem:s4], [sflag:$0x7], $0x1000, $0x38;
	[tilespmem:$0x1E000] =	vst v63  }
0x3a2: {  	_ =	swait.ge [sflag:s1], $0x1000  }
0x3a3: {  	[sflag:s1] =	ssyncset.done $0x0  }
0x3a4: {  	[sflag:s1] =	ssyncadd.s32 $0xFFFFF000  }
0x3a5: {  	[tilespmem:s30], [sflag:$0x7] =	stream.linear.gather [spmem:s24], $0x1000, $0x38;
	[tilespmem:$0x1E000] =	vst v63  }
0x3a6: {  	_ =	swait.ge [sflag:s1], $0x1000  }
0x3a7: {  	[sflag:s1] =	ssyncset.done $0x0  }
0x3a8: {  	[sflag:s1] =	ssyncadd.s32 $0xFFFFF000  }
0x3a9: {  	_ =	swait.ge [sflag:s5], $0x1000  }
0x3aa: {  	[sflag:s5] =	ssyncset.done $0x0  }
0x3ab: {  	[sflag:s5] =	ssyncadd.s32 $0xFFFFF000  }
0x3ac: {  	_ =	swait.ge [sflag:s5], $0x1000  }
0x3ad: {  	[sflag:s5] =	ssyncset.done $0x0  }
0x3ae: {  	s2 =	simm.s32 $0x0;
	[sflag:s5] =	ssyncadd.s32 $0xFFFFF000  }
0x3af: {  	v2 =	vld [tilespmem:s2+$0x14000]  }
0x3b0: {  	v3 =	vld [tilespmem:s2+$0x14010]  }
0x3b1: {  	s6 =	simm.s32 $0x80;
	v4 =	vld [tilespmem:s2+$0x1C000]  }
.LBB2_32:
0x3b2: {  	p0 =	sne.s32 s6, $0x3F80;
	v5 =	vld [tilespmem:s2+$0x1C010]  }
0x3b3: {  	v6 =	vld [tilespmem:s2+$0x15000]  }
0x3b4: {  	v7 =	vld [tilespmem:s2+$0x15010];
	_ =	sdelay $0x1  }
0x3b5: {  	v2 =	vmul.f32 v4, v2  }
.Ltmp15:
0x3b6: {  	v3 =	vmul.f32 v5, v3;
	(pc) =	sbr.rel @p0 .LBB2_32-.Ltmp15, $4  }
0x3b7: {  	s12 =	sshra.s32 s6, $0x2;
	v4 =	vadd.f32 v6, v2  }
0x3b8: {  	v2 =	vld [tilespmem:s12+$0x14000];
	v5 =	vadd.f32 v7, v3  }
0x3b9: {  	v3 =	vld [tilespmem:s12+$0x14010];
	[tilespmem:s2+$0x1C000] =	vst v4  }
0x3ba: {  	s6 =	sadd.s32 $0x80, s6;
	v4 =	vld [tilespmem:s12+$0x1C000];
	[tilespmem:s2+$0x1C010] =	vst v5;
	s2 =	smov.u32 s12  }
0x3bb: {  	v5 =	vld [tilespmem:s2+$0x1C010]  }
0x3bc: {  	v6 =	vld [tilespmem:s2+$0x15000]  }
0x3bd: {  	v7 =	vld [tilespmem:s2+$0x15010];
	_ =	sdelay $0x1  }
0x3be: {  	v2 =	vmul.f32 v4, v2  }
0x3bf: {  	v3 =	vmul.f32 v5, v3  }
0x3c0: {  	v2 =	vadd.f32 v6, v2  }
0x3c1: {  	v3 =	vadd.f32 v7, v3  }
0x3c2: {  	[tilespmem:s2+$0x1C000] =	vst v2  }
0x3c3: {  	[tilespmem:s2+$0x1C010] =	vst v3  }
0x3c4: {  	[spmem:s28] =	stream.linear.scatter [tilespmem:s30], [sflag:$0x7], $0x1000, $0x38;
	[tilespmem:$0x1E000] =	vst v63  }
0x3c5: {  	_ =	swait.ge [sflag:s1], $0x1000  }
0x3c6: {  	s19 =	sadd.s32 $0x1, s19;
	[sflag:s1] =	ssyncset.done $0x0  }
0x3c7: {  	p0 =	sne.s32 s19, $0x9;
	[sflag:s1] =	ssyncadd.s32 $0xFFFFF000  }
0x3c8: {  	[spmem:s24] =	stream.linear.scatter [tilespmem:s30], [sflag:$0x7], $0x1000, $0x38;
	[tilespmem:$0x1E000] =	vst v63  }
.Ltmp16:
0x3c9: {  	_ =	swait.ge [sflag:s1], $0x1000;
	(pc) =	sbr.rel @p0 .LBB2_20-.Ltmp16, $3  }
0x3ca: {  	[sflag:s1] =	ssyncset.done $0x0  }
0x3cb: {  	[sflag:s1] =	ssyncadd.s32 $0xFFFFF000  }
0x3cc: {  	[bflag:$0x0] =	sbarrier.arrive $0xFFFF;
	_ =	sdelay $0x1  }
0x3cd: {  	s2 =	simm.s32 $0xA000  }
0x3ce: {  	[tilespmem:s16], [sflag:$0x1] =	stream.indirect.gather [spmem:s29], $0x20, s2, s11, $0xb8;
	[tilespmem:$0x1E000] =	vst v63  }
0x3cf: {  	_ =	swait.ge [sflag:s10], $0x2000  }
0x3d0: {  	[sflag:s10] =	ssyncset.done $0x0  }
0x3d1: {  	s19 =	simm.s32 $0xA100;
	[sflag:s10] =	ssyncadd.s32 $0xFFFFE000  }
0x3d2: {  	[tilespmem:s13], [sflag:$0x2] =	stream.indirect.gather [spmem:s29], $0x20, s19, s11, $0xb8;
	[tilespmem:$0x1E000] =	vst v63  }
0x3d3: {  	s20 =	simm.s32 $0xF000  }
0x3d4: {  	[spmem:s26] =	stream.indirect.scatter.add.f32 [tilespmem:s16], [sflag:$0x3], $0x20, s20, s11, $0xb8;
	[tilespmem:$0x1E000] =	vst v63  }
0x3d5: {  	_ =	swait.ge [sflag:s15], $0x2000  }
0x3d6: {  	[sflag:s15] =	ssyncset.done $0x0  }
0x3d7: {  	[sflag:s15] =	ssyncadd.s32 $0xFFFFE000  }
0x3d8: {  	_ =	swait.ge [sflag:s17], $0x2000  }
0x3d9: {  	[sflag:s17] =	ssyncset.done $0x0  }
0x3da: {  	s21 =	simm.s32 $0xA200;
	[sflag:s17] =	ssyncadd.s32 $0xFFFFE000  }
0x3db: {  	[tilespmem:s16], [sflag:$0x1] =	stream.indirect.gather [spmem:s29], $0x20, s21, s11, $0xb8;
	[tilespmem:$0x1E000] =	vst v63  }
0x3dc: {  	s22 =	simm.s32 $0xF100;
	s2 =	simm.s32 $0xFFFED000;
	s19 =	simm.s32 $0x0  }
0x3dd: {  	[spmem:s26] =	stream.indirect.scatter.add.f32 [tilespmem:s13], [sflag:$0x4], $0x20, s22, s11, $0xb8;
	[tilespmem:$0x1E000] =	vst v63  }
.LBB2_35:
0x3de: {  	_ =	swait.ge [sflag:s10], $0x2000  }
0x3df: {  	[sflag:s10] =	ssyncset.done $0x0  }
0x3e0: {  	[sflag:s10] =	ssyncadd.s32 $0xFFFFE000  }
0x3e1: {  	_ =	swait.ge [sflag:s18], $0x2000  }
0x3e2: {  	s6 =	sshra.s32 s2, $0x2;
	[sflag:s18] =	ssyncset.done $0x0  }
0x3e3: {  	s12 =	sadd.s32 $0xEF00, s6;
	[sflag:s18] =	ssyncadd.s32 $0xFFFFE000  }
0x3e4: {  	[tilespmem:s13], [sflag:$0x2] =	stream.indirect.gather [spmem:s29], $0x20, s12, s11, $0xb8;
	[tilespmem:$0x1E000] =	vst v63  }
0x3e5: {  	s22 =	sadd.s32 $0x13E00, s6  }
0x3e6: {  	[spmem:s26] =	stream.indirect.scatter.add.f32 [tilespmem:s16], [sflag:$0x3], $0x20, s22, s11, $0xb8;
	[tilespmem:$0x1E000] =	vst v63  }
0x3e7: {  	p0 =	seq.s32 s2, $0x0;
	_ =	swait.ge [sflag:s15], $0x2000  }
.Ltmp17:
0x3e8: {  	[sflag:s15] =	ssyncset.done $0x0;
	(pc) =	sbr.rel @p0 .LBB2_37-.Ltmp17, $4  }
0x3e9: {  	[sflag:s15] =	ssyncadd.s32 $0xFFFFE000  }
0x3ea: {  	_ =	swait.ge [sflag:s17], $0x2000  }
0x3eb: {  	[sflag:s17] =	ssyncset.done $0x0  }
0x3ec: {  	s12 =	sadd.s32 $0x13F00, s6;
	[sflag:s17] =	ssyncadd.s32 $0xFFFFE000  }
.Ltmp18:
0x3ed: {  	(pc) =	sbr.rel .LBB2_35-.Ltmp18, $4  }
0x3ee: {  	s6 =	sadd.s32 $0xF000, s6  }
0x3ef: {  	[tilespmem:s16], [sflag:$0x1] =	stream.indirect.gather [spmem:s29], $0x20, s6, s11, $0xb8;
	[tilespmem:$0x1E000] =	vst v63  }
0x3f0: {  	s2 =	sadd.s32 $0x800, s2  }
0x3f1: {  	[spmem:s26] =	stream.indirect.scatter.add.f32 [tilespmem:s13], [sflag:$0x4], $0x20, s12, s11, $0xb8;
	[tilespmem:$0x1E000] =	vst v63  }
.LBB2_37:
0x3f2: {  	[spmem:s26] =	stream.indirect.scatter.add.f32 [tilespmem:s13], [sflag:$0x4], $0x20, s12, s11, $0xb8;
	[tilespmem:$0x1E000] =	vst v63  }
0x3f3: {  	_ =	swait.ge [sflag:s18], $0x2000  }
0x3f4: {  	[sflag:s18] =	ssyncset.done $0x0  }
0x3f5: {  	[sflag:s18] =	ssyncadd.s32 $0xFFFFE000  }
0x3f6: {  	[bflag:$0x0] =	sbarrier.arrive $0xFFFF  }
0x3f7: {  	[tilespmem:s30], [sflag:$0x7] =	stream.linear.gather [spmem:s0], $0x1000, $0x38;
	[tilespmem:$0x1E000] =	vst v63  }
0x3f8: {  	_ =	swait.ge [sflag:s1], $0x1000  }
0x3f9: {  	[sflag:s1] =	ssyncset.done $0x0  }
0x3fa: {  	s2 =	simm.s32 $0x0;
	s6 =	rddreg [dreg:$0x8];
	[sflag:s1] =	ssyncadd.s32 $0xFFFFF000  }
0x3fb: {  	[tilespmem:s25], [sflag:$0x7] =	stream.linear.gather [hbm4b:s6+s2], $0x1000, $0x38;
	[tilespmem:$0x1E000] =	vst v63  }
0x3fc: {  	_ =	swait.ge [sflag:s1], $0x1000  }
0x3fd: {  	[sflag:s1] =	ssyncset.done $0x0  }
0x3fe: {  	s2 =	simm.s32 $0x0;
	[sflag:s1] =	ssyncadd.s32 $0xFFFFF000  }
0x3ff: {  	v2 =	vld [tilespmem:s2+$0x14000]  }
0x400: {  	v3 =	vld [tilespmem:s2+$0x14010]  }
0x401: {  	s6 =	simm.s32 $0x80;
	v4 =	vld [tilespmem:s2+$0x1C000]  }
.LBB2_38:
0x402: {  	p0 =	sne.s32 s6, $0x3F80;
	v5 =	vld [tilespmem:s2+$0x1C010];
	_ =	sdelay $0x2  }
.Ltmp19:
0x403: {  	(pc) =	sbr.rel @p0 .LBB2_38-.Ltmp19, $4  }
0x404: {  	s12 =	sshra.s32 s6, $0x2;
	v4 =	vmul.f32 v4, v2  }
0x405: {  	v2 =	vld [tilespmem:s12+$0x14000];
	v5 =	vmul.f32 v5, v3  }
0x406: {  	v3 =	vld [tilespmem:s12+$0x14010];
	[tilespmem:s2+$0x1C000] =	vst v4  }
0x407: {  	s6 =	sadd.s32 $0x80, s6;
	v4 =	vld [tilespmem:s12+$0x1C000];
	[tilespmem:s2+$0x1C010] =	vst v5;
	s2 =	smov.u32 s12  }
0x408: {  	v5 =	vld [tilespmem:s2+$0x1C010];
	_ =	sdelay $0x3  }
0x409: {  	v2 =	vmul.f32 v4, v2  }
0x40a: {  	v3 =	vmul.f32 v5, v3  }
0x40b: {  	[tilespmem:s2+$0x1C000] =	vst v2  }
0x40c: {  	s21 =	simm.s32 $0x0;
	s6 =	rddreg [dreg:$0x1a];
	[tilespmem:s2+$0x1C010] =	vst v3  }
0x40d: {  	[hbm4b:s6+s21] =	stream.linear.scatter [tilespmem:s30], [sflag:$0x7], $0x1000, $0x38;
	[tilespmem:$0x1E000] =	vst v63  }
0x40e: {  	_ =	swait.ge [sflag:s1], $0x1000  }
0x40f: {  	[sflag:s1] =	ssyncset.done $0x0  }
0x410: {  	[sflag:s1] =	ssyncadd.s32 $0xFFFFF000  }
0x411: {  	[tilespmem:s30], [sflag:$0x7] =	stream.linear.gather [spmem:s3], $0x1000, $0x38;
	[tilespmem:$0x1E000] =	vst v63  }
0x412: {  	_ =	swait.ge [sflag:s1], $0x1000  }
0x413: {  	[sflag:s1] =	ssyncset.done $0x0  }
0x414: {  	s22 =	rddreg [dreg:$0xb];
	[sflag:s1] =	ssyncadd.s32 $0xFFFFF000  }
0x415: {  	[tilespmem:s25], [sflag:$0x7] =	stream.linear.gather [hbm4b:s22+s21], $0x1000, $0x38;
	[tilespmem:$0x1E000] =	vst v63  }
0x416: {  	_ =	swait.ge [sflag:s1], $0x1000  }
0x417: {  	[sflag:s1] =	ssyncset.done $0x0  }
0x418: {  	s2 =	simm.s32 $0x0;
	[sflag:s1] =	ssyncadd.s32 $0xFFFFF000  }
0x419: {  	v2 =	vld [tilespmem:s2+$0x14000]  }
0x41a: {  	v3 =	vld [tilespmem:s2+$0x14010]  }
0x41b: {  	s6 =	simm.s32 $0x80;
	v4 =	vld [tilespmem:s2+$0x1C000]  }
.LBB2_40:
0x41c: {  	p0 =	sne.s32 s6, $0x3F80;
	v5 =	vld [tilespmem:s2+$0x1C010];
	_ =	sdelay $0x2  }
.Ltmp20:
0x41d: {  	(pc) =	sbr.rel @p0 .LBB2_40-.Ltmp20, $4  }
0x41e: {  	s12 =	sshra.s32 s6, $0x2;
	v4 =	vmul.f32 v4, v2  }
0x41f: {  	v2 =	vld [tilespmem:s12+$0x14000];
	v5 =	vmul.f32 v5, v3  }
0x420: {  	v3 =	vld [tilespmem:s12+$0x14010];
	[tilespmem:s2+$0x1C000] =	vst v4  }
0x421: {  	s6 =	sadd.s32 $0x80, s6;
	v4 =	vld [tilespmem:s12+$0x1C000];
	[tilespmem:s2+$0x1C010] =	vst v5;
	s2 =	smov.u32 s12  }
0x422: {  	v5 =	vld [tilespmem:s2+$0x1C010];
	_ =	sdelay $0x3  }
0x423: {  	v2 =	vmul.f32 v4, v2  }
0x424: {  	v3 =	vmul.f32 v5, v3  }
0x425: {  	[tilespmem:s2+$0x1C000] =	vst v2  }
0x426: {  	s21 =	simm.s32 $0x0;
	s6 =	rddreg [dreg:$0x1b];
	[tilespmem:s2+$0x1C010] =	vst v3  }
0x427: {  	[hbm4b:s6+s21] =	stream.linear.scatter [tilespmem:s30], [sflag:$0x7], $0x1000, $0x38;
	[tilespmem:$0x1E000] =	vst v63  }
0x428: {  	_ =	swait.ge [sflag:s1], $0x1000  }
0x429: {  	[sflag:s1] =	ssyncset.done $0x0  }
0x42a: {  	[sflag:s1] =	ssyncadd.s32 $0xFFFFF000  }
0x42b: {  	[tilespmem:s30], [sflag:$0x7] =	stream.linear.gather [spmem:s9], $0x1000, $0x38;
	[tilespmem:$0x1E000] =	vst v63  }
0x42c: {  	_ =	swait.ge [sflag:s1], $0x1000  }
0x42d: {  	[sflag:s1] =	ssyncset.done $0x0  }
0x42e: {  	s22 =	rddreg [dreg:$0xe];
	[sflag:s1] =	ssyncadd.s32 $0xFFFFF000  }
0x42f: {  	[tilespmem:s25], [sflag:$0x7] =	stream.linear.gather [hbm4b:s22+s21], $0x1000, $0x38;
	[tilespmem:$0x1E000] =	vst v63  }
0x430: {  	_ =	swait.ge [sflag:s1], $0x1000  }
0x431: {  	[sflag:s1] =	ssyncset.done $0x0  }
0x432: {  	s2 =	simm.s32 $0x0;
	[sflag:s1] =	ssyncadd.s32 $0xFFFFF000  }
0x433: {  	v2 =	vld [tilespmem:s2+$0x14000]  }
0x434: {  	v3 =	vld [tilespmem:s2+$0x14010]  }
0x435: {  	s6 =	simm.s32 $0x80;
	v4 =	vld [tilespmem:s2+$0x1C000]  }
.LBB2_42:
0x436: {  	p0 =	sne.s32 s6, $0x3F80;
	v5 =	vld [tilespmem:s2+$0x1C010];
	_ =	sdelay $0x2  }
.Ltmp21:
0x437: {  	(pc) =	sbr.rel @p0 .LBB2_42-.Ltmp21, $4  }
0x438: {  	s12 =	sshra.s32 s6, $0x2;
	v4 =	vmul.f32 v4, v2  }
0x439: {  	v2 =	vld [tilespmem:s12+$0x14000];
	v5 =	vmul.f32 v5, v3  }
0x43a: {  	v3 =	vld [tilespmem:s12+$0x14010];
	[tilespmem:s2+$0x1C000] =	vst v4  }
0x43b: {  	s6 =	sadd.s32 $0x80, s6;
	v4 =	vld [tilespmem:s12+$0x1C000];
	[tilespmem:s2+$0x1C010] =	vst v5;
	s2 =	smov.u32 s12  }
0x43c: {  	v5 =	vld [tilespmem:s2+$0x1C010];
	_ =	sdelay $0x3  }
0x43d: {  	v2 =	vmul.f32 v4, v2  }
0x43e: {  	v3 =	vmul.f32 v5, v3  }
0x43f: {  	[tilespmem:s2+$0x1C000] =	vst v2  }
0x440: {  	s21 =	simm.s32 $0x0;
	s6 =	rddreg [dreg:$0x1c];
	[tilespmem:s2+$0x1C010] =	vst v3  }
0x441: {  	[hbm4b:s6+s21] =	stream.linear.scatter [tilespmem:s30], [sflag:$0x7], $0x1000, $0x38;
	[tilespmem:$0x1E000] =	vst v63  }
0x442: {  	_ =	swait.ge [sflag:s1], $0x1000  }
0x443: {  	[sflag:s1] =	ssyncset.done $0x0  }
0x444: {  	[sflag:s1] =	ssyncadd.s32 $0xFFFFF000  }
0x445: {  	[tilespmem:s30], [sflag:$0x7] =	stream.linear.gather [spmem:s14], $0x1000, $0x38;
	[tilespmem:$0x1E000] =	vst v63  }
0x446: {  	_ =	swait.ge [sflag:s1], $0x1000  }
0x447: {  	[sflag:s1] =	ssyncset.done $0x0  }
0x448: {  	s22 =	rddreg [dreg:$0x13];
	[sflag:s1] =	ssyncadd.s32 $0xFFFFF000  }
0x449: {  	[tilespmem:s25], [sflag:$0x7] =	stream.linear.gather [hbm4b:s22+s21], $0x1000, $0x38;
	[tilespmem:$0x1E000] =	vst v63  }
0x44a: {  	_ =	swait.ge [sflag:s1], $0x1000  }
0x44b: {  	[sflag:s1] =	ssyncset.done $0x0  }
0x44c: {  	s2 =	simm.s32 $0x0;
	[sflag:s1] =	ssyncadd.s32 $0xFFFFF000  }
0x44d: {  	v2 =	vld [tilespmem:s2+$0x14000]  }
0x44e: {  	v3 =	vld [tilespmem:s2+$0x14010]  }
0x44f: {  	s6 =	simm.s32 $0x80;
	v4 =	vld [tilespmem:s2+$0x1C000]  }
.LBB2_44:
0x450: {  	p0 =	sne.s32 s6, $0x3F80;
	v5 =	vld [tilespmem:s2+$0x1C010];
	_ =	sdelay $0x2  }
.Ltmp22:
0x451: {  	(pc) =	sbr.rel @p0 .LBB2_44-.Ltmp22, $4  }
0x452: {  	s12 =	sshra.s32 s6, $0x2;
	v4 =	vmul.f32 v4, v2  }
0x453: {  	v2 =	vld [tilespmem:s12+$0x14000];
	v5 =	vmul.f32 v5, v3  }
0x454: {  	v3 =	vld [tilespmem:s12+$0x14010];
	[tilespmem:s2+$0x1C000] =	vst v4  }
0x455: {  	s6 =	sadd.s32 $0x80, s6;
	v4 =	vld [tilespmem:s12+$0x1C000];
	[tilespmem:s2+$0x1C010] =	vst v5;
	s2 =	smov.u32 s12  }
0x456: {  	v5 =	vld [tilespmem:s2+$0x1C010];
	_ =	sdelay $0x3  }
0x457: {  	v2 =	vmul.f32 v4, v2  }
0x458: {  	v3 =	vmul.f32 v5, v3  }
0x459: {  	[tilespmem:s2+$0x1C000] =	vst v2  }
0x45a: {  	s21 =	simm.s32 $0x0;
	s6 =	rddreg [dreg:$0x1d];
	[tilespmem:s2+$0x1C010] =	vst v3  }
0x45b: {  	[hbm4b:s6+s21] =	stream.linear.scatter [tilespmem:s30], [sflag:$0x7], $0x1000, $0x38;
	[tilespmem:$0x1E000] =	vst v63  }
0x45c: {  	_ =	swait.ge [sflag:s1], $0x1000  }
0x45d: {  	[sflag:s1] =	ssyncset.done $0x0  }
0x45e: {  	[sflag:s1] =	ssyncadd.s32 $0xFFFFF000  }
0x45f: {  	[tilespmem:s30], [sflag:$0x7] =	stream.linear.gather [spmem:s24], $0x1000, $0x38;
	[tilespmem:$0x1E000] =	vst v63  }
0x460: {  	_ =	swait.ge [sflag:s1], $0x1000  }
0x461: {  	[sflag:s1] =	ssyncset.done $0x0  }
0x462: {  	s22 =	rddreg [dreg:$0x14];
	[sflag:s1] =	ssyncadd.s32 $0xFFFFF000  }
0x463: {  	[tilespmem:s25], [sflag:$0x7] =	stream.linear.gather [hbm4b:s22+s21], $0x1000, $0x38;
	[tilespmem:$0x1E000] =	vst v63  }
0x464: {  	_ =	swait.ge [sflag:s1], $0x1000  }
0x465: {  	[sflag:s1] =	ssyncset.done $0x0  }
0x466: {  	s2 =	simm.s32 $0x0;
	[sflag:s1] =	ssyncadd.s32 $0xFFFFF000  }
0x467: {  	v2 =	vld [tilespmem:s2+$0x14000]  }
0x468: {  	v3 =	vld [tilespmem:s2+$0x14010]  }
0x469: {  	s6 =	simm.s32 $0x80;
	v4 =	vld [tilespmem:s2+$0x1C000]  }
.LBB2_46:
0x46a: {  	p0 =	sne.s32 s6, $0x3F80;
	v5 =	vld [tilespmem:s2+$0x1C010];
	_ =	sdelay $0x2  }
.Ltmp23:
0x46b: {  	(pc) =	sbr.rel @p0 .LBB2_46-.Ltmp23, $4  }
0x46c: {  	s12 =	sshra.s32 s6, $0x2;
	v4 =	vmul.f32 v4, v2  }
0x46d: {  	v2 =	vld [tilespmem:s12+$0x14000];
	v5 =	vmul.f32 v5, v3  }
0x46e: {  	v3 =	vld [tilespmem:s12+$0x14010];
	[tilespmem:s2+$0x1C000] =	vst v4  }
0x46f: {  	s6 =	sadd.s32 $0x80, s6;
	v4 =	vld [tilespmem:s12+$0x1C000];
	[tilespmem:s2+$0x1C010] =	vst v5;
	s2 =	smov.u32 s12  }
0x470: {  	v5 =	vld [tilespmem:s2+$0x1C010];
	_ =	sdelay $0x3  }
0x471: {  	v2 =	vmul.f32 v4, v2  }
0x472: {  	v3 =	vmul.f32 v5, v3  }
0x473: {  	[tilespmem:s2+$0x1C000] =	vst v2  }
0x474: {  	s21 =	rddreg [dreg:$0x1e];
	[tilespmem:s2+$0x1C010] =	vst v3  }
0x475: {  	[hbm4b:s21+s19] =	stream.linear.scatter [tilespmem:s30], [sflag:$0x7], $0x1000, $0x38;
	[tilespmem:$0x1E000] =	vst v63  }
0x476: {  	_ =	swait.ge [sflag:s1], $0x1000  }
0x477: {  	s6 =	sld [smem:$0x7F9]  }
0x478: {  	s22 =	sld [smem:$0x7FD];
	_ =	sdelay $0x1  }
0x479: {  	s6 =	sadd.s32 $0x1, s6  }
0x47a: {  	p0 =	sne.s32 s6, s22  }
.Ltmp24:
0x47b: {  	_ = 	snop;
	(pc) =	sbr.rel @p0 .LBB2_1-.Ltmp24, $3  }
0x47c: {  	_ =	sdelay $0x1  }
0x47d: {  	[sflag:s1] =	ssyncset.done $0x0  }
0x47e: {  	[sflag:s1] =	ssyncadd.s32 $0xFFFFF000  }
0x47f: {  	_ =	sfence.sel $0x180000  }
0x480: {  	[bflag:$0x0] =	sbarrier.arrive $0xFFFF  }
0x481: {  	_ =	strace $0x90000047  }
0x482: {  	s0 =	stileid.u32;
	[bflag:$0x2] =	sbarrier.arrive $0xFFFF  }
0x483: {  	p0 =	sne.s32 s0, $0x0;
	s0 =	rddreg [dreg:$0x4]  }
0x484: {  	s0 =	sadd.s32 @!p0 $0x100000, s0  }
0x485: {  	[sflag:s0] =	ssyncadd.tile.s32 @!p0 $0x1;
	_ =	shalt  }
.Lfunc_end2:
_tile_overlayer_lowered:
.L_overlay_start_2:
0x486: {  	(tag) =	ssettag $0x2  }
0x487: {  	s0 =	rddreg [dreg:$0x0];
	s2 =	stileid.u32  }
0x488: {  	s1 =	rddreg [dreg:$0x1];
	p0 =	sne.s32 s2, $0x0  }
0x489: {  	s3 =	rddreg [dreg:$0x2];
	[bflag:$0x3] =	sbarrier.arrive $0xFFFF;
	s2 =	simm.s32 @!p0 $0x1C07  }
0x48a: {  	[timem:s3], [sflag:s2] =	dma.local @!p0 [hbm:s0], s1  }
0x48b: {  	s0 =	simm.s32 @!p0 $0x7  }
0x48c: {  	_ =	swait.ge @!p0 [sflag:s0], s1  }
0x48d: {  	s1 =	ssub.s32 @!p0 $0x0, s1;
	[sflag:s0] =	ssyncset.done @!p0 $0x0  }
0x48e: {  	[sflag:s0] =	ssyncadd.s32 @!p0 s1  }
0x48f: {  	[bflag:$0x3] =	sbarrier.arrive $0xFFFF  }
0x490: {  	_ =	shalt  }

</sc_bundles>
